<compile_context>
chip_gen: v7x
topology: tpu7x:2x2x1
jax: 0.10.2.dev20260603
libtpu: 0.0.44.dev20260713+nightly
codegen_flags: <defaults>
</compile_context>

<pallas_src>
import functools

import jax
import jax.numpy as jnp
from jax import lax
from jax.experimental import pallas as pl
from jax.experimental.pallas import tpu as pltpu
from jax.experimental.pallas import tpu_sc as plsc

N = 10000
D = 128
DH = 64
NTILES = 16
ROWS_PER_TILE = 640
NPAD = NTILES * ROWS_PER_TILE
DUMMY = 10200
E = 320000
CH = 128
WIN = 16
NWIN = 10
NWIN_HBM = 9
NCH = WIN * NWIN
NCH_D = 79
_BN_SCALE = float(1.0 / (1.0 + 1e-5) ** 0.5)

_mesh = plsc.VectorSubcoreMesh(core_axis_name="c", subcore_axis_name="s")


def _sc_degree(didx):

    @functools.partial(
        pl.kernel,
        out_type=jax.ShapeDtypeStruct((2 * NPAD,), jnp.float32),
        mesh=_mesh,
        scratch_types=[
            pltpu.VMEM_SHARED((NPAD,), jnp.float32),
            pltpu.VMEM((NCH_D, CH), jnp.int32),
            pltpu.VMEM((CH,), jnp.float32),
            pltpu.VMEM((ROWS_PER_TILE,), jnp.float32),
        ],
    )
    def k(di_hbm, out_hbm, dacc, didx_v, ones_v, zbuf):
        c = lax.axis_index("c")
        s = lax.axis_index("s")
        r0 = s * ROWS_PER_TILE

        @pl.loop(0, ROWS_PER_TILE, step=16)
        def _(i):
            zbuf[pl.ds(i, 16)] = jnp.zeros((16,), jnp.float32)

        pltpu.sync_copy(zbuf, dacc.at[pl.ds(r0, ROWS_PER_TILE)])
        pltpu.sync_copy(di_hbm.at[c, s], didx_v)

        @pl.loop(0, CH, step=16)
        def _(i):
            ones_v[pl.ds(i, 16)] = jnp.full((16,), 1.0, jnp.float32)

        plsc.subcore_barrier()

        @pl.loop(0, NCH_D)
        def _(j):
            pltpu.sync_copy(ones_v, dacc.at[didx_v.at[j]], add=True)

        plsc.subcore_barrier()
        pltpu.sync_copy(dacc.at[pl.ds(r0, ROWS_PER_TILE)], zbuf)
        pltpu.sync_copy(zbuf, out_hbm.at[pl.ds(c * NPAD + r0, ROWS_PER_TILE)])

    return k(didx)


def _sc_scatter(p_half, src_t, dst_t, zeros_h):

    @functools.partial(
        pl.kernel,
        out_type=jax.ShapeDtypeStruct((2, NPAD, DH), jnp.float32),
        mesh=_mesh,
        compiler_params=pltpu.CompilerParams(use_tc_tiling_on_sc=False),
        scratch_types=[
            pltpu.VMEM_SHARED((NPAD, DH), jnp.float32),
            pltpu.VMEM_SHARED((NPAD, DH), jnp.float32),
            pltpu.VMEM((WIN, CH), jnp.int32),
            pltpu.VMEM((WIN, CH), jnp.int32),
            pltpu.VMEM((CH, DH), jnp.float32),
            pltpu.VMEM((CH, DH), jnp.float32),
            pltpu.VMEM((CH, DH), jnp.float32),
            pltpu.VMEM((CH, DH), jnp.float32),
            pltpu.SemaphoreType.DMA,
            pltpu.SemaphoreType.DMA,
            pltpu.SemaphoreType.DMA,
            pltpu.SemaphoreType.DMA,
        ],
    )
    def k(p_hbm, s_hbm, d_hbm, z_hbm, out_hbm, tbl, acc, sidx, didx,
          buf0, buf1, buf2, buf3, sem0, sem1, sem2, sem3):
        c = lax.axis_index("c")
        s = lax.axis_index("s")
        r0 = s * ROWS_PER_TILE
        pltpu.sync_copy(p_hbm.at[c, pl.ds(r0, ROWS_PER_TILE)],
                        tbl.at[pl.ds(r0, ROWS_PER_TILE)])
        pltpu.sync_copy(z_hbm.at[pl.ds(r0, ROWS_PER_TILE)],
                        acc.at[pl.ds(r0, ROWS_PER_TILE)])
        plsc.subcore_barrier()
        ptab = p_hbm.at[c]

        bufs = (buf0, buf1, buf2, buf3)
        sems = (sem0, sem1, sem2, sem3)

        def window(w, gsrc):
            pltpu.sync_copy(s_hbm.at[s, pl.ds(w * WIN, WIN)], sidx)
            pltpu.sync_copy(d_hbm.at[s, pl.ds(w * WIN, WIN)], didx)
            for b in range(4):
                pltpu.async_copy(gsrc.at[sidx.at[b]], bufs[b], sems[b])

            @pl.loop(0, WIN - 4, step=4)
            def _(j):
                for b in range(4):
                    pltpu.make_async_copy(gsrc.at[sidx.at[j + b]], bufs[b],
                                          sems[b]).wait()
                    pltpu.sync_copy(bufs[b], acc.at[didx.at[j + b]],
                                    add=True)
                    pltpu.async_copy(gsrc.at[sidx.at[j + b + 4]], bufs[b],
                                     sems[b])

            for b in range(4):
                pltpu.make_async_copy(gsrc.at[sidx.at[WIN - 4 + b]],
                                      bufs[b], sems[b]).wait()
                pltpu.sync_copy(bufs[b], acc.at[didx.at[WIN - 4 + b]],
                                add=True)

        @pl.loop(0, NWIN_HBM)
        def _(w):
            window(w, ptab)

        @pl.loop(NWIN_HBM, NWIN)
        def _(w):
            window(w, tbl)

        plsc.subcore_barrier()
        pltpu.sync_copy(acc.at[pl.ds(r0, ROWS_PER_TILE)],
                        out_hbm.at[c, pl.ds(r0, ROWS_PER_TILE)])

    return k(p_half, src_t, dst_t, zeros_h)


NBLK = 4
BR = NPAD // NBLK

_spec_h = pl.BlockSpec((2, BR, DH), lambda i: (0, i, 0))
_spec_r = pl.BlockSpec((BR, D), lambda i: (i, 0))
_spec_d = pl.BlockSpec((BR, 1), lambda i: (i, 0))
_spec_dg = pl.BlockSpec((2, BR, 1), lambda i: (0, i, 0))
_spec_w = pl.BlockSpec((D, D), lambda i: (0, 0))
_spec_v = pl.BlockSpec((1, D), lambda i: (0, 0))


def _tc_first(x_pad, W1, degp):
    def body(x_ref, w_ref, dg_ref, p_ref, dinv_ref):
        deg = dg_ref[0] + dg_ref[1] + 1.0
        dinv = lax.rsqrt(deg)
        h = jnp.dot(x_ref[...], w_ref[...],
                    preferred_element_type=jnp.float32,
                    precision=lax.Precision.DEFAULT)
        p = h * dinv
        p_ref[0] = p[:, :DH]
        p_ref[1] = p[:, DH:]
        dinv_ref[...] = dinv

    return pl.pallas_call(
        body,
        grid=(NBLK,),
        in_specs=[_spec_r, _spec_w, _spec_dg],
        out_specs=(_spec_h, _spec_d),
        out_shape=(jax.ShapeDtypeStruct((2, NPAD, DH), jnp.float32),
                   jax.ShapeDtypeStruct((NPAD, 1), jnp.float32)),
    )(x_pad, W1, degp)


def _tc_mid(s_in, p_in, dinv, W, b, g, be):
    def body(s_ref, p_ref, di_ref, w_ref, b_ref, g_ref, be_ref, o_ref):
        dinv = di_ref[...]
        t = jnp.concatenate([s_ref[0] + p_ref[0], s_ref[1] + p_ref[1]],
                            axis=1)
        z = t * dinv + b_ref[...]
        z = z * (g_ref[...] * _BN_SCALE) + be_ref[...]
        z = jnp.maximum(z, 0.0)
        h = jnp.dot(z, w_ref[...],
                    preferred_element_type=jnp.float32,
                    precision=lax.Precision.DEFAULT)
        p = h * dinv
        o_ref[0] = p[:, :DH]
        o_ref[1] = p[:, DH:]

    return pl.pallas_call(
        body,
        grid=(NBLK,),
        in_specs=[_spec_h, _spec_h, _spec_d, _spec_w, _spec_v, _spec_v,
                  _spec_v],
        out_specs=_spec_h,
        out_shape=jax.ShapeDtypeStruct((2, NPAD, DH), jnp.float32),
    )(s_in, p_in, dinv, W, b.reshape(1, D), g.reshape(1, D),
      be.reshape(1, D))


def _tc_final(s_in, p_in, dinv, b):
    def body(s_ref, p_ref, di_ref, b_ref, o_ref):
        z = jnp.concatenate([s_ref[0] + p_ref[0], s_ref[1] + p_ref[1]],
                            axis=1)
        z = z * di_ref[...] + b_ref[...]
        m = jnp.max(z, axis=1, keepdims=True)
        zs = z - m
        lse = jnp.log(jnp.sum(jnp.exp(zs), axis=1, keepdims=True))
        o_ref[...] = zs - lse

    return pl.pallas_call(
        body,
        grid=(NBLK,),
        in_specs=[_spec_h, _spec_h, _spec_d, _spec_v],
        out_specs=_spec_r,
        out_shape=jax.ShapeDtypeStruct((NPAD, D), jnp.float32),
    )(s_in, p_in, dinv, b.reshape(1, D))


def kernel(x, edge_index, W1, b1, g1, be1, W2, b2, g2, be2, W3, b3):
    src = edge_index[0]
    dst = edge_index[1]

    ept = E // NTILES
    pad_t = NCH * CH - ept
    src_t = jnp.pad(src.reshape(NTILES, ept), ((0, 0), (0, pad_t)),
                    constant_values=DUMMY).reshape(NTILES, NCH, CH)
    dst_t = jnp.pad(dst.reshape(NTILES, ept), ((0, 0), (0, pad_t)),
                    constant_values=DUMMY).reshape(NTILES, NCH, CH)

    pad_d = NCH_D * CH * NTILES - E // 2
    padd = jnp.full((2, pad_d), DUMMY, jnp.int32)
    didx = jnp.concatenate([dst.reshape(2, E // 2), padd], axis=1)
    didx = didx.reshape(2, NTILES, NCH_D, CH)

    zeros_h = jnp.zeros((NPAD, DH), jnp.float32)
    x_pad = jnp.pad(x, ((0, NPAD - N), (0, 0)))

    degp = _sc_degree(didx).reshape(2, NPAD, 1)
    p1, dinv = _tc_first(x_pad, W1, degp)
    s1 = _sc_scatter(p1, src_t, dst_t, zeros_h)
    p2 = _tc_mid(s1, p1, dinv, W2, b1, g1, be1)
    s2 = _sc_scatter(p2, src_t, dst_t, zeros_h)
    p3 = _tc_mid(s2, p2, dinv, W3, b2, g2, be2)
    s3 = _sc_scatter(p3, src_t, dst_t, zeros_h)
    out = _tc_final(s3, p3, dinv, b3)
    return out[:N]

# --- scband reference (transcript-rebuilt; emitter-appended) ---
"""Pipeline reference for scband-gcn-60129542144783 (READ-ONLY COPY).

The authoritative reference and input builder live on the scoring server;
editing this copy changes nothing except your own understanding.
"""

import jax, jax.numpy as jnp
import numpy as np

N_NODES = 10000
N_EDGES = 320000
D_IN = 128
D_HID = 128
D_OUT = 128
BN_EPS = 1e-5


def setup_inputs(seed: int = 0) -> dict:
    key = jax.random.key(seed)
    ks = jax.random.split(key, 16)
    x = jax.random.normal(ks[0], (N_NODES, D_IN), dtype=jnp.float32)
    edge_index = jax.random.randint(ks[1], (2, N_EDGES), 0, N_NODES, dtype=jnp.int32)
    W1 = jax.random.normal(ks[2], (D_IN, D_HID), dtype=jnp.float32) * 0.05
    b1 = jnp.zeros((D_HID,), dtype=jnp.float32)
    g1 = jnp.ones((D_HID,), dtype=jnp.float32)
    be1 = jnp.zeros((D_HID,), dtype=jnp.float32)
    W2 = jax.random.normal(ks[3], (D_HID, D_HID), dtype=jnp.float32) * 0.05
    b2 = jnp.zeros((D_HID,), dtype=jnp.float32)
    g2 = jnp.ones((D_HID,), dtype=jnp.float32)
    be2 = jnp.zeros((D_HID,), dtype=jnp.float32)
    W3 = jax.random.normal(ks[4], (D_HID, D_OUT), dtype=jnp.float32) * 0.05
    b3 = jnp.zeros((D_OUT,), dtype=jnp.float32)
    return {"x": x, "edge_index": edge_index,
            "W1": W1, "b1": b1, "g1": g1, "be1": be1,
            "W2": W2, "b2": b2, "g2": g2, "be2": be2,
            "W3": W3, "b3": b3}


def _gcn_conv(x, W, b, src, dst, norm, n_nodes):
    # GCNConv: D^{-1/2} (A + I) D^{-1/2} X W + b
    h = x @ W
    msg = h[src] * norm[:, None]
    out = jax.ops.segment_sum(msg, dst, num_segments=n_nodes)
    return out + b


def _bn_eval(h, gamma, beta):
    # BatchNorm1d in inference mode with running_mean=0, running_var=1
    return h / jnp.sqrt(1.0 + BN_EPS) * gamma + beta


def reference(x, edge_index, W1, b1, g1, be1, W2, b2, g2, be2, W3, b3):
    n_nodes = x.shape[0]
    src = edge_index[0]
    dst = edge_index[1]
    loop = jnp.arange(n_nodes, dtype=edge_index.dtype)
    src_f = jnp.concatenate([src, loop])
    dst_f = jnp.concatenate([dst, loop])
    deg = jax.ops.segment_sum(jnp.ones_like(dst_f, dtype=x.dtype), dst_f, num_segments=n_nodes)
    dinv = jax.lax.rsqrt(jnp.maximum(deg, 1.0))
    norm = dinv[src_f] * dinv[dst_f]

    h = _gcn_conv(x, W1, b1, src_f, dst_f, norm, n_nodes)
    h = _bn_eval(h, g1, be1)
    h = jax.nn.relu(h)
    # dropout: identity in eval mode
    h = _gcn_conv(h, W2, b2, src_f, dst_f, norm, n_nodes)
    h = _bn_eval(h, g2, be2)
    h = jax.nn.relu(h)
    h = _gcn_conv(h, W3, b3, src_f, dst_f, norm, n_nodes)
    return jax.nn.log_softmax(h, axis=-1)

if __name__ == "__main__":
    import jax
    _d = setup_inputs()
    print(jax.jit(kernel)(*tuple(_d.values())))

</pallas_src>

<mosaic_0001>
#map = affine_map<(d0, d1) -> (0, 0, 0)>
#map1 = affine_map<(d0, d1) -> (0, 0)>
module attributes {stable_mosaic.version = 14 : i64} {
  func.func @k(%arg0: i32, %arg1: i32, %arg2: memref<2x10240x64xf32, #tpu.memory_space<hbm>>, %arg3: memref<16x160x128xi32, #tpu.memory_space<hbm>>, %arg4: memref<16x160x128xi32, #tpu.memory_space<hbm>>, %arg5: memref<10240x64xf32, #tpu.memory_space<hbm>>, %arg6: memref<2x10240x64xf32, #tpu.memory_space<hbm>>, %arg7: memref<10240x64xf32, #tpu.memory_space<vmem_shared>>, %arg8: memref<10240x64xf32, #tpu.memory_space<vmem_shared>>, %arg9: memref<16x128xi32, #tpu.memory_space<vmem>>, %arg10: memref<16x128xi32, #tpu.memory_space<vmem>>, %arg11: memref<128x64xf32, #tpu.memory_space<vmem>>, %arg12: memref<128x64xf32, #tpu.memory_space<vmem>>, %arg13: memref<128x64xf32, #tpu.memory_space<vmem>>, %arg14: memref<128x64xf32, #tpu.memory_space<vmem>>, %arg15: memref<!tpu.dma_semaphore, #tpu.memory_space<semaphore_mem>>, %arg16: memref<!tpu.dma_semaphore, #tpu.memory_space<semaphore_mem>>, %arg17: memref<!tpu.dma_semaphore, #tpu.memory_space<semaphore_mem>>, %arg18: memref<!tpu.dma_semaphore, #tpu.memory_space<semaphore_mem>>) attributes {dimension_semantics = [#tpu.dimension_semantics<core_parallel>, #tpu.dimension_semantics<subcore_parallel>], iteration_bounds = array<i64: 2, 16>, scalar_prefetch = 0 : i64, scratch_operands = 12 : i64, tpu.core_type = #tpu.core_type<sc_vector_subcore>, window_params = [{transform_indices = #map}, {transform_indices = #map}, {transform_indices = #map}, {transform_indices = #map1}, {transform_indices = #map}]} {
    %mul3A = arith.constant 640 : i32
    %mul3A_0 = arith.muli %arg1, %mul3A : i32
    "tpu.region"() ({
      %run_scoped3A_77 = tpu.sem_alloc : memref<!tpu.dma_semaphore, #tpu.memory_space<semaphore_mem>>
      %dma_start3A_78 = arith.constant 0 : i32
      %dma_start3A_79 = tpu.memref_slice %arg7[%mul3A_0, %dma_start3A_78] : memref<10240x64xf32, #tpu.memory_space<vmem_shared>> -> memref<640x64xf32, #tpu.memory_space<vmem_shared>>
      %dma_start3A_80 = arith.constant 0 : i32
      %dma_start3A_81 = tpu.memref_slice %arg2[%arg0, %mul3A_0, %dma_start3A_80] : memref<2x10240x64xf32, #tpu.memory_space<hbm>> -> memref<1x640x64xf32, #tpu.memory_space<hbm>>
      %dma_start3A_82 = tpu.memref_squeeze %dma_start3A_81 : memref<1x640x64xf32, #tpu.memory_space<hbm>> -> memref<640x64xf32, #tpu.memory_space<hbm>>
      tpu.enqueue_dma source(%dma_start3A_82 : memref<640x64xf32, #tpu.memory_space<hbm>>) target(%dma_start3A_79 : memref<640x64xf32, #tpu.memory_space<vmem_shared>>) target_semaphore(%run_scoped3A_77 : memref<!tpu.dma_semaphore, #tpu.memory_space<semaphore_mem>>)
      %dma_wait3A_83 = arith.constant 0 : i32
      %dma_wait3A_84 = tpu.memref_slice %arg7[%mul3A_0, %dma_wait3A_83] : memref<10240x64xf32, #tpu.memory_space<vmem_shared>> -> memref<640x64xf32, #tpu.memory_space<vmem_shared>>
      %dma_wait3A_85 = arith.constant 0 : i32
      %dma_wait3A_86 = tpu.memref_slice %arg2[%arg0, %mul3A_0, %dma_wait3A_85] : memref<2x10240x64xf32, #tpu.memory_space<hbm>> -> memref<1x640x64xf32, #tpu.memory_space<hbm>>
      %dma_wait3A_87 = tpu.memref_squeeze %dma_wait3A_86 : memref<1x640x64xf32, #tpu.memory_space<hbm>> -> memref<640x64xf32, #tpu.memory_space<hbm>>
      tpu.wait_dma2 semaphore(%run_scoped3A_77 : memref<!tpu.dma_semaphore, #tpu.memory_space<semaphore_mem>>) src(%dma_wait3A_87 : memref<640x64xf32, #tpu.memory_space<hbm>>) dst(%dma_wait3A_84 : memref<640x64xf32, #tpu.memory_space<vmem_shared>>)
      tpu.yield
    }) : () -> ()
    "tpu.region"() ({
      %run_scoped3A_77 = tpu.sem_alloc : memref<!tpu.dma_semaphore, #tpu.memory_space<semaphore_mem>>
      %dma_start3A_78 = arith.constant 0 : i32
      %dma_start3A_79 = tpu.memref_slice %arg8[%mul3A_0, %dma_start3A_78] : memref<10240x64xf32, #tpu.memory_space<vmem_shared>> -> memref<640x64xf32, #tpu.memory_space<vmem_shared>>
      %dma_start3A_80 = arith.constant 0 : i32
      %dma_start3A_81 = tpu.memref_slice %arg5[%mul3A_0, %dma_start3A_80] : memref<10240x64xf32, #tpu.memory_space<hbm>> -> memref<640x64xf32, #tpu.memory_space<hbm>>
      tpu.enqueue_dma source(%dma_start3A_81 : memref<640x64xf32, #tpu.memory_space<hbm>>) target(%dma_start3A_79 : memref<640x64xf32, #tpu.memory_space<vmem_shared>>) target_semaphore(%run_scoped3A_77 : memref<!tpu.dma_semaphore, #tpu.memory_space<semaphore_mem>>)
      %dma_wait3A_82 = arith.constant 0 : i32
      %dma_wait3A_83 = tpu.memref_slice %arg8[%mul3A_0, %dma_wait3A_82] : memref<10240x64xf32, #tpu.memory_space<vmem_shared>> -> memref<640x64xf32, #tpu.memory_space<vmem_shared>>
      %dma_wait3A_84 = arith.constant 0 : i32
      %dma_wait3A_85 = tpu.memref_slice %arg5[%mul3A_0, %dma_wait3A_84] : memref<10240x64xf32, #tpu.memory_space<hbm>> -> memref<640x64xf32, #tpu.memory_space<hbm>>
      tpu.wait_dma2 semaphore(%run_scoped3A_77 : memref<!tpu.dma_semaphore, #tpu.memory_space<semaphore_mem>>) src(%dma_wait3A_85 : memref<640x64xf32, #tpu.memory_space<hbm>>) dst(%dma_wait3A_83 : memref<640x64xf32, #tpu.memory_space<vmem_shared>>)
      tpu.yield
    }) : () -> ()
    %barrier3A = arith.constant 0 : index
    tpu.barrier barrier_id(%barrier3A)
    %scan3A = arith.constant 0 : i32
    %scan3A_1 = arith.constant 9 : i32
    %scan3A_2 = arith.addi %scan3A, %scan3A_1 : i32
    %scan3A_3 = arith.constant 1 : i32
    scf.for %scan3A_77 = %scan3A to %scan3A_2 step %scan3A_3  : i32 {
      %mul3A_78 = arith.constant 1 : i32
      %mul3A_79 = arith.muli %scan3A_77, %mul3A_78 : i32
      %add3A_80 = arith.constant 0 : i32
      %add3A_81 = arith.addi %add3A_80, %mul3A_79 : i32
      %mul3A_82 = arith.constant 16 : i32
      %mul3A_83 = arith.muli %add3A_81, %mul3A_82 : i32
      "tpu.region"() ({
        %run_scoped3A_183 = tpu.sem_alloc : memref<!tpu.dma_semaphore, #tpu.memory_space<semaphore_mem>>
        %dma_start3A_184 = arith.constant 0 : i32
        %dma_start3A_185 = tpu.memref_slice %arg3[%arg1, %mul3A_83, %dma_start3A_184] : memref<16x160x128xi32, #tpu.memory_space<hbm>> -> memref<1x16x128xi32, #tpu.memory_space<hbm>>
        %dma_start3A_186 = tpu.memref_squeeze %dma_start3A_185 : memref<1x16x128xi32, #tpu.memory_space<hbm>> -> memref<16x128xi32, #tpu.memory_space<hbm>>
        %dma_start3A_187 = arith.constant 0 : i32
        %dma_start3A_188 = tpu.memref_slice %arg3[%arg1, %mul3A_83, %dma_start3A_187] : memref<16x160x128xi32, #tpu.memory_space<hbm>> -> memref<1x16x128xi32, #tpu.memory_space<hbm>>
        %dma_start3A_189 = tpu.memref_squeeze %dma_start3A_188 : memref<1x16x128xi32, #tpu.memory_space<hbm>> -> memref<16x128xi32, #tpu.memory_space<hbm>>
        tpu.enqueue_dma source(%dma_start3A_189 : memref<16x128xi32, #tpu.memory_space<hbm>>) target(%arg9 : memref<16x128xi32, #tpu.memory_space<vmem>>) target_semaphore(%run_scoped3A_183 : memref<!tpu.dma_semaphore, #tpu.memory_space<semaphore_mem>>)
        %dma_wait3A_190 = arith.constant 0 : i32
        %dma_wait3A_191 = tpu.memref_slice %arg3[%arg1, %mul3A_83, %dma_wait3A_190] : memref<16x160x128xi32, #tpu.memory_space<hbm>> -> memref<1x16x128xi32, #tpu.memory_space<hbm>>
        %dma_wait3A_192 = tpu.memref_squeeze %dma_wait3A_191 : memref<1x16x128xi32, #tpu.memory_space<hbm>> -> memref<16x128xi32, #tpu.memory_space<hbm>>
        %dma_wait3A_193 = arith.constant 0 : i32
        %dma_wait3A_194 = tpu.memref_slice %arg3[%arg1, %mul3A_83, %dma_wait3A_193] : memref<16x160x128xi32, #tpu.memory_space<hbm>> -> memref<1x16x128xi32, #tpu.memory_space<hbm>>
        %dma_wait3A_195 = tpu.memref_squeeze %dma_wait3A_194 : memref<1x16x128xi32, #tpu.memory_space<hbm>> -> memref<16x128xi32, #tpu.memory_space<hbm>>
        tpu.wait_dma2 semaphore(%run_scoped3A_183 : memref<!tpu.dma_semaphore, #tpu.memory_space<semaphore_mem>>) src(%dma_wait3A_195 : memref<16x128xi32, #tpu.memory_space<hbm>>) dst(%arg9 : memref<16x128xi32, #tpu.memory_space<vmem>>)
        tpu.yield
      }) : () -> ()
      %mul3A_84 = arith.constant 16 : i32
      %mul3A_85 = arith.muli %add3A_81, %mul3A_84 : i32
      "tpu.region"() ({
        %run_scoped3A_183 = tpu.sem_alloc : memref<!tpu.dma_semaphore, #tpu.memory_space<semaphore_mem>>
        %dma_start3A_184 = arith.constant 0 : i32
        %dma_start3A_185 = tpu.memref_slice %arg4[%arg1, %mul3A_85, %dma_start3A_184] : memref<16x160x128xi32, #tpu.memory_space<hbm>> -> memref<1x16x128xi32, #tpu.memory_space<hbm>>
        %dma_start3A_186 = tpu.memref_squeeze %dma_start3A_185 : memref<1x16x128xi32, #tpu.memory_space<hbm>> -> memref<16x128xi32, #tpu.memory_space<hbm>>
        %dma_start3A_187 = arith.constant 0 : i32
        %dma_start3A_188 = tpu.memref_slice %arg4[%arg1, %mul3A_85, %dma_start3A_187] : memref<16x160x128xi32, #tpu.memory_space<hbm>> -> memref<1x16x128xi32, #tpu.memory_space<hbm>>
        %dma_start3A_189 = tpu.memref_squeeze %dma_start3A_188 : memref<1x16x128xi32, #tpu.memory_space<hbm>> -> memref<16x128xi32, #tpu.memory_space<hbm>>
        tpu.enqueue_dma source(%dma_start3A_189 : memref<16x128xi32, #tpu.memory_space<hbm>>) target(%arg10 : memref<16x128xi32, #tpu.memory_space<vmem>>) target_semaphore(%run_scoped3A_183 : memref<!tpu.dma_semaphore, #tpu.memory_space<semaphore_mem>>)
        %dma_wait3A_190 = arith.constant 0 : i32
        %dma_wait3A_191 = tpu.memref_slice %arg4[%arg1, %mul3A_85, %dma_wait3A_190] : memref<16x160x128xi32, #tpu.memory_space<hbm>> -> memref<1x16x128xi32, #tpu.memory_space<hbm>>
        %dma_wait3A_192 = tpu.memref_squeeze %dma_wait3A_191 : memref<1x16x128xi32, #tpu.memory_space<hbm>> -> memref<16x128xi32, #tpu.memory_space<hbm>>
        %dma_wait3A_193 = arith.constant 0 : i32
        %dma_wait3A_194 = tpu.memref_slice %arg4[%arg1, %mul3A_85, %dma_wait3A_193] : memref<16x160x128xi32, #tpu.memory_space<hbm>> -> memref<1x16x128xi32, #tpu.memory_space<hbm>>
        %dma_wait3A_195 = tpu.memref_squeeze %dma_wait3A_194 : memref<1x16x128xi32, #tpu.memory_space<hbm>> -> memref<16x128xi32, #tpu.memory_space<hbm>>
        tpu.wait_dma2 semaphore(%run_scoped3A_183 : memref<!tpu.dma_semaphore, #tpu.memory_space<semaphore_mem>>) src(%dma_wait3A_195 : memref<16x128xi32, #tpu.memory_space<hbm>>) dst(%arg10 : memref<16x128xi32, #tpu.memory_space<vmem>>)
        tpu.yield
      }) : () -> ()
      %dma_start3A_86 = arith.constant 0 : i32
      %dma_start3A_87 = arith.constant 0 : i32
      %dma_start3A_88 = tpu.memref_slice %arg9[%dma_start3A_86, %dma_start3A_87] : memref<16x128xi32, #tpu.memory_space<vmem>> -> memref<1x128xi32, #tpu.memory_space<vmem>>
      %dma_start3A_89 = tpu.memref_squeeze %dma_start3A_88 : memref<1x128xi32, #tpu.memory_space<vmem>> -> memref<128xi32, #tpu.memory_space<vmem>>
      %dma_start3A_90 = arith.constant 0 : i32
      %dma_start3A_91 = arith.constant 0 : i32
      %dma_start3A_92 = tpu.memref_slice %arg2[%arg0, %dma_start3A_90, %dma_start3A_91] : memref<2x10240x64xf32, #tpu.memory_space<hbm>> -> memref<1x10240x64xf32, #tpu.memory_space<hbm>>
      %dma_start3A_93 = tpu.memref_squeeze %dma_start3A_92 : memref<1x10240x64xf32, #tpu.memory_space<hbm>> -> memref<10240x64xf32, #tpu.memory_space<hbm>>
      %dma_start3A_94 = arith.constant 0 : i32
      %dma_start3A_95 = arith.constant 0 : i32
      %dma_start3A_96 = tpu.memref_slice %dma_start3A_93[%dma_start3A_94, %dma_start3A_95] : memref<10240x64xf32, #tpu.memory_space<hbm>> -> memref<10240x64xf32, #tpu.memory_space<hbm>>
      tpu.enqueue_indirect_dma source(%dma_start3A_96 : memref<10240x64xf32, #tpu.memory_space<hbm>>) target(%arg11 : memref<128x64xf32, #tpu.memory_space<vmem>>) offsets(%dma_start3A_89 : memref<128xi32, #tpu.memory_space<vmem>>) semaphore(%arg15 : memref<!tpu.dma_semaphore, #tpu.memory_space<semaphore_mem>>)
      %dma_start3A_97 = arith.constant 1 : i32
      %dma_start3A_98 = arith.constant 0 : i32
      %dma_start3A_99 = tpu.memref_slice %arg9[%dma_start3A_97, %dma_start3A_98] : memref<16x128xi32, #tpu.memory_space<vmem>> -> memref<1x128xi32, #tpu.memory_space<vmem>>
      %dma_start3A_100 = tpu.memref_squeeze %dma_start3A_99 : memref<1x128xi32, #tpu.memory_space<vmem>> -> memref<128xi32, #tpu.memory_space<vmem>>
      %dma_start3A_101 = arith.constant 0 : i32
      %dma_start3A_102 = arith.constant 0 : i32
      %dma_start3A_103 = tpu.memref_slice %arg2[%arg0, %dma_start3A_101, %dma_start3A_102] : memref<2x10240x64xf32, #tpu.memory_space<hbm>> -> memref<1x10240x64xf32, #tpu.memory_space<hbm>>
      %dma_start3A_104 = tpu.memref_squeeze %dma_start3A_103 : memref<1x10240x64xf32, #tpu.memory_space<hbm>> -> memref<10240x64xf32, #tpu.memory_space<hbm>>
      %dma_start3A_105 = arith.constant 0 : i32
      %dma_start3A_106 = arith.constant 0 : i32
      %dma_start3A_107 = tpu.memref_slice %dma_start3A_104[%dma_start3A_105, %dma_start3A_106] : memref<10240x64xf32, #tpu.memory_space<hbm>> -> memref<10240x64xf32, #tpu.memory_space<hbm>>
      tpu.enqueue_indirect_dma source(%dma_start3A_107 : memref<10240x64xf32, #tpu.memory_space<hbm>>) target(%arg12 : memref<128x64xf32, #tpu.memory_space<vmem>>) offsets(%dma_start3A_100 : memref<128xi32, #tpu.memory_space<vmem>>) semaphore(%arg16 : memref<!tpu.dma_semaphore, #tpu.memory_space<semaphore_mem>>)
      %dma_start3A_108 = arith.constant 2 : i32
      %dma_start3A_109 = arith.constant 0 : i32
      %dma_start3A_110 = tpu.memref_slice %arg9[%dma_start3A_108, %dma_start3A_109] : memref<16x128xi32, #tpu.memory_space<vmem>> -> memref<1x128xi32, #tpu.memory_space<vmem>>
      %dma_start3A_111 = tpu.memref_squeeze %dma_start3A_110 : memref<1x128xi32, #tpu.memory_space<vmem>> -> memref<128xi32, #tpu.memory_space<vmem>>
      %dma_start3A_112 = arith.constant 0 : i32
      %dma_start3A_113 = arith.constant 0 : i32
      %dma_start3A_114 = tpu.memref_slice %arg2[%arg0, %dma_start3A_112, %dma_start3A_113] : memref<2x10240x64xf32, #tpu.memory_space<hbm>> -> memref<1x10240x64xf32, #tpu.memory_space<hbm>>
      %dma_start3A_115 = tpu.memref_squeeze %dma_start3A_114 : memref<1x10240x64xf32, #tpu.memory_space<hbm>> -> memref<10240x64xf32, #tpu.memory_space<hbm>>
      %dma_start3A_116 = arith.constant 0 : i32
      %dma_start3A_117 = arith.constant 0 : i32
      %dma_start3A_118 = tpu.memref_slice %dma_start3A_115[%dma_start3A_116, %dma_start3A_117] : memref<10240x64xf32, #tpu.memory_space<hbm>> -> memref<10240x64xf32, #tpu.memory_space<hbm>>
      tpu.enqueue_indirect_dma source(%dma_start3A_118 : memref<10240x64xf32, #tpu.memory_space<hbm>>) target(%arg13 : memref<128x64xf32, #tpu.memory_space<vmem>>) offsets(%dma_start3A_111 : memref<128xi32, #tpu.memory_space<vmem>>) semaphore(%arg17 : memref<!tpu.dma_semaphore, #tpu.memory_space<semaphore_mem>>)
      %dma_start3A_119 = arith.constant 3 : i32
      %dma_start3A_120 = arith.constant 0 : i32
      %dma_start3A_121 = tpu.memref_slice %arg9[%dma_start3A_119, %dma_start3A_120] : memref<16x128xi32, #tpu.memory_space<vmem>> -> memref<1x128xi32, #tpu.memory_space<vmem>>
      %dma_start3A_122 = tpu.memref_squeeze %dma_start3A_121 : memref<1x128xi32, #tpu.memory_space<vmem>> -> memref<128xi32, #tpu.memory_space<vmem>>
      %dma_start3A_123 = arith.constant 0 : i32
      %dma_start3A_124 = arith.constant 0 : i32
      %dma_start3A_125 = tpu.memref_slice %arg2[%arg0, %dma_start3A_123, %dma_start3A_124] : memref<2x10240x64xf32, #tpu.memory_space<hbm>> -> memref<1x10240x64xf32, #tpu.memory_space<hbm>>
      %dma_start3A_126 = tpu.memref_squeeze %dma_start3A_125 : memref<1x10240x64xf32, #tpu.memory_space<hbm>> -> memref<10240x64xf32, #tpu.memory_space<hbm>>
      %dma_start3A_127 = arith.constant 0 : i32
      %dma_start3A_128 = arith.constant 0 : i32
      %dma_start3A_129 = tpu.memref_slice %dma_start3A_126[%dma_start3A_127, %dma_start3A_128] : memref<10240x64xf32, #tpu.memory_space<hbm>> -> memref<10240x64xf32, #tpu.memory_space<hbm>>
      tpu.enqueue_indirect_dma source(%dma_start3A_129 : memref<10240x64xf32, #tpu.memory_space<hbm>>) target(%arg14 : memref<128x64xf32, #tpu.memory_space<vmem>>) offsets(%dma_start3A_122 : memref<128xi32, #tpu.memory_space<vmem>>) semaphore(%arg18 : memref<!tpu.dma_semaphore, #tpu.memory_space<semaphore_mem>>)
      %scan3A_130 = arith.constant 0 : i32
      %scan3A_131 = arith.constant 3 : i32
      %scan3A_132 = arith.addi %scan3A_130, %scan3A_131 : i32
      %scan3A_133 = arith.constant 1 : i32
      scf.for %scan3A_183 = %scan3A_130 to %scan3A_132 step %scan3A_133  : i32 {
        %mul3A_184 = arith.constant 4 : i32
        %mul3A_185 = arith.muli %scan3A_183, %mul3A_184 : i32
        %add3A_186 = arith.constant 0 : i32
        %add3A_187 = arith.addi %add3A_186, %mul3A_185 : i32
        %add3A_188 = arith.constant 0 : i32
        %add3A_189 = arith.addi %add3A_187, %add3A_188 : i32
        %dma_wait3A_190 = arith.constant 0 : i32
        %dma_wait3A_191 = tpu.memref_slice %arg9[%add3A_189, %dma_wait3A_190] : memref<16x128xi32, #tpu.memory_space<vmem>> -> memref<1x128xi32, #tpu.memory_space<vmem>>
        %dma_wait3A_192 = tpu.memref_squeeze %dma_wait3A_191 : memref<1x128xi32, #tpu.memory_space<vmem>> -> memref<128xi32, #tpu.memory_space<vmem>>
        %dma_wait3A_193 = arith.constant 0 : i32
        %dma_wait3A_194 = arith.constant 0 : i32
        %dma_wait3A_195 = tpu.memref_slice %arg2[%arg0, %dma_wait3A_193, %dma_wait3A_194] : memref<2x10240x64xf32, #tpu.memory_space<hbm>> -> memref<1x10240x64xf32, #tpu.memory_space<hbm>>
        %dma_wait3A_196 = tpu.memref_squeeze %dma_wait3A_195 : memref<1x10240x64xf32, #tpu.memory_space<hbm>> -> memref<10240x64xf32, #tpu.memory_space<hbm>>
        %dma_wait3A_197 = arith.constant 0 : i32
        %dma_wait3A_198 = arith.constant 0 : i32
        %dma_wait3A_199 = tpu.memref_slice %dma_wait3A_196[%dma_wait3A_197, %dma_wait3A_198] : memref<10240x64xf32, #tpu.memory_space<hbm>> -> memref<10240x64xf32, #tpu.memory_space<hbm>>
        tpu.wait_indirect_dma semaphore(%arg15 : memref<!tpu.dma_semaphore, #tpu.memory_space<semaphore_mem>>) src(%dma_wait3A_199 : memref<10240x64xf32, #tpu.memory_space<hbm>>) dst(%arg11 : memref<128x64xf32, #tpu.memory_space<vmem>>)
        %add3A_200 = arith.constant 0 : i32
        %add3A_201 = arith.addi %add3A_187, %add3A_200 : i32
        "tpu.region"() ({
          %run_scoped3A_300 = tpu.sem_alloc : memref<!tpu.dma_semaphore, #tpu.memory_space<semaphore_mem>>
          %dma_start3A_301 = arith.constant 0 : i32
          %dma_start3A_302 = tpu.memref_slice %arg10[%add3A_201, %dma_start3A_301] : memref<16x128xi32, #tpu.memory_space<vmem>> -> memref<1x128xi32, #tpu.memory_space<vmem>>
          %dma_start3A_303 = tpu.memref_squeeze %dma_start3A_302 : memref<1x128xi32, #tpu.memory_space<vmem>> -> memref<128xi32, #tpu.memory_space<vmem>>
          %dma_start3A_304 = arith.constant 0 : i32
          %dma_start3A_305 = arith.constant 0 : i32
          %dma_start3A_306 = tpu.memref_slice %arg8[%dma_start3A_304, %dma_start3A_305] : memref<10240x64xf32, #tpu.memory_space<vmem_shared>> -> memref<10240x64xf32, #tpu.memory_space<vmem_shared>>
          tpu.enqueue_indirect_dma source(%arg11 : memref<128x64xf32, #tpu.memory_space<vmem>>) target(%dma_start3A_306 : memref<10240x64xf32, #tpu.memory_space<vmem_shared>>) offsets(%dma_start3A_303 : memref<128xi32, #tpu.memory_space<vmem>>) semaphore(%run_scoped3A_300 : memref<!tpu.dma_semaphore, #tpu.memory_space<semaphore_mem>>) {add = true}
          %dma_wait3A_307 = arith.constant 0 : i32
          %dma_wait3A_308 = tpu.memref_slice %arg10[%add3A_201, %dma_wait3A_307] : memref<16x128xi32, #tpu.memory_space<vmem>> -> memref<1x128xi32, #tpu.memory_space<vmem>>
          %dma_wait3A_309 = tpu.memref_squeeze %dma_wait3A_308 : memref<1x128xi32, #tpu.memory_space<vmem>> -> memref<128xi32, #tpu.memory_space<vmem>>
          %dma_wait3A_310 = arith.constant 0 : i32
          %dma_wait3A_311 = arith.constant 0 : i32
          %dma_wait3A_312 = tpu.memref_slice %arg8[%dma_wait3A_310, %dma_wait3A_311] : memref<10240x64xf32, #tpu.memory_space<vmem_shared>> -> memref<10240x64xf32, #tpu.memory_space<vmem_shared>>
          tpu.wait_indirect_dma semaphore(%run_scoped3A_300 : memref<!tpu.dma_semaphore, #tpu.memory_space<semaphore_mem>>) src(%arg11 : memref<128x64xf32, #tpu.memory_space<vmem>>) dst(%dma_wait3A_312 : memref<10240x64xf32, #tpu.memory_space<vmem_shared>>)
          tpu.yield
        }) : () -> ()
        %add3A_202 = arith.constant 0 : i32
        %add3A_203 = arith.addi %add3A_187, %add3A_202 : i32
        %add3A_204 = arith.constant 4 : i32
        %add3A_205 = arith.addi %add3A_203, %add3A_204 : i32
        %dma_start3A_206 = arith.constant 0 : i32
        %dma_start3A_207 = tpu.memref_slice %arg9[%add3A_205, %dma_start3A_206] : memref<16x128xi32, #tpu.memory_space<vmem>> -> memref<1x128xi32, #tpu.memory_space<vmem>>
        %dma_start3A_208 = tpu.memref_squeeze %dma_start3A_207 : memref<1x128xi32, #tpu.memory_space<vmem>> -> memref<128xi32, #tpu.memory_space<vmem>>
        %dma_start3A_209 = arith.constant 0 : i32
        %dma_start3A_210 = arith.constant 0 : i32
        %dma_start3A_211 = tpu.memref_slice %arg2[%arg0, %dma_start3A_209, %dma_start3A_210] : memref<2x10240x64xf32, #tpu.memory_space<hbm>> -> memref<1x10240x64xf32, #tpu.memory_space<hbm>>
        %dma_start3A_212 = tpu.memref_squeeze %dma_start3A_211 : memref<1x10240x64xf32, #tpu.memory_space<hbm>> -> memref<10240x64xf32, #tpu.memory_space<hbm>>
        %dma_start3A_213 = arith.constant 0 : i32
        %dma_start3A_214 = arith.constant 0 : i32
        %dma_start3A_215 = tpu.memref_slice %dma_start3A_212[%dma_start3A_213, %dma_start3A_214] : memref<10240x64xf32, #tpu.memory_space<hbm>> -> memref<10240x64xf32, #tpu.memory_space<hbm>>
        tpu.enqueue_indirect_dma source(%dma_start3A_215 : memref<10240x64xf32, #tpu.memory_space<hbm>>) target(%arg11 : memref<128x64xf32, #tpu.memory_space<vmem>>) offsets(%dma_start3A_208 : memref<128xi32, #tpu.memory_space<vmem>>) semaphore(%arg15 : memref<!tpu.dma_semaphore, #tpu.memory_space<semaphore_mem>>)
        %add3A_216 = arith.constant 1 : i32
        %add3A_217 = arith.addi %add3A_187, %add3A_216 : i32
        %dma_wait3A_218 = arith.constant 0 : i32
        %dma_wait3A_219 = tpu.memref_slice %arg9[%add3A_217, %dma_wait3A_218] : memref<16x128xi32, #tpu.memory_space<vmem>> -> memref<1x128xi32, #tpu.memory_space<vmem>>
        %dma_wait3A_220 = tpu.memref_squeeze %dma_wait3A_219 : memref<1x128xi32, #tpu.memory_space<vmem>> -> memref<128xi32, #tpu.memory_space<vmem>>
        %dma_wait3A_221 = arith.constant 0 : i32
        %dma_wait3A_222 = arith.constant 0 : i32
        %dma_wait3A_223 = tpu.memref_slice %arg2[%arg0, %dma_wait3A_221, %dma_wait3A_222] : memref<2x10240x64xf32, #tpu.memory_space<hbm>> -> memref<1x10240x64xf32, #tpu.memory_space<hbm>>
        %dma_wait3A_224 = tpu.memref_squeeze %dma_wait3A_223 : memref<1x10240x64xf32, #tpu.memory_space<hbm>> -> memref<10240x64xf32, #tpu.memory_space<hbm>>
        %dma_wait3A_225 = arith.constant 0 : i32
        %dma_wait3A_226 = arith.constant 0 : i32
        %dma_wait3A_227 = tpu.memref_slice %dma_wait3A_224[%dma_wait3A_225, %dma_wait3A_226] : memref<10240x64xf32, #tpu.memory_space<hbm>> -> memref<10240x64xf32, #tpu.memory_space<hbm>>
        tpu.wait_indirect_dma semaphore(%arg16 : memref<!tpu.dma_semaphore, #tpu.memory_space<semaphore_mem>>) src(%dma_wait3A_227 : memref<10240x64xf32, #tpu.memory_space<hbm>>) dst(%arg12 : memref<128x64xf32, #tpu.memory_space<vmem>>)
        %add3A_228 = arith.constant 1 : i32
        %add3A_229 = arith.addi %add3A_187, %add3A_228 : i32
        "tpu.region"() ({
          %run_scoped3A_300 = tpu.sem_alloc : memref<!tpu.dma_semaphore, #tpu.memory_space<semaphore_mem>>
          %dma_start3A_301 = arith.constant 0 : i32
          %dma_start3A_302 = tpu.memref_slice %arg10[%add3A_229, %dma_start3A_301] : memref<16x128xi32, #tpu.memory_space<vmem>> -> memref<1x128xi32, #tpu.memory_space<vmem>>
          %dma_start3A_303 = tpu.memref_squeeze %dma_start3A_302 : memref<1x128xi32, #tpu.memory_space<vmem>> -> memref<128xi32, #tpu.memory_space<vmem>>
          %dma_start3A_304 = arith.constant 0 : i32
          %dma_start3A_305 = arith.constant 0 : i32
          %dma_start3A_306 = tpu.memref_slice %arg8[%dma_start3A_304, %dma_start3A_305] : memref<10240x64xf32, #tpu.memory_space<vmem_shared>> -> memref<10240x64xf32, #tpu.memory_space<vmem_shared>>
          tpu.enqueue_indirect_dma source(%arg12 : memref<128x64xf32, #tpu.memory_space<vmem>>) target(%dma_start3A_306 : memref<10240x64xf32, #tpu.memory_space<vmem_shared>>) offsets(%dma_start3A_303 : memref<128xi32, #tpu.memory_space<vmem>>) semaphore(%run_scoped3A_300 : memref<!tpu.dma_semaphore, #tpu.memory_space<semaphore_mem>>) {add = true}
          %dma_wait3A_307 = arith.constant 0 : i32
          %dma_wait3A_308 = tpu.memref_slice %arg10[%add3A_229, %dma_wait3A_307] : memref<16x128xi32, #tpu.memory_space<vmem>> -> memref<1x128xi32, #tpu.memory_space<vmem>>
          %dma_wait3A_309 = tpu.memref_squeeze %dma_wait3A_308 : memref<1x128xi32, #tpu.memory_space<vmem>> -> memref<128xi32, #tpu.memory_space<vmem>>
          %dma_wait3A_310 = arith.constant 0 : i32
          %dma_wait3A_311 = arith.constant 0 : i32
          %dma_wait3A_312 = tpu.memref_slice %arg8[%dma_wait3A_310, %dma_wait3A_311] : memref<10240x64xf32, #tpu.memory_space<vmem_shared>> -> memref<10240x64xf32, #tpu.memory_space<vmem_shared>>
          tpu.wait_indirect_dma semaphore(%run_scoped3A_300 : memref<!tpu.dma_semaphore, #tpu.memory_space<semaphore_mem>>) src(%arg12 : memref<128x64xf32, #tpu.memory_space<vmem>>) dst(%dma_wait3A_312 : memref<10240x64xf32, #tpu.memory_space<vmem_shared>>)
          tpu.yield
        }) : () -> ()
        %add3A_230 = arith.constant 1 : i32
        %add3A_231 = arith.addi %add3A_187, %add3A_230 : i32
        %add3A_232 = arith.constant 4 : i32
        %add3A_233 = arith.addi %add3A_231, %add3A_232 : i32
        %dma_start3A_234 = arith.constant 0 : i32
        %dma_start3A_235 = tpu.memref_slice %arg9[%add3A_233, %dma_start3A_234] : memref<16x128xi32, #tpu.memory_space<vmem>> -> memref<1x128xi32, #tpu.memory_space<vmem>>
        %dma_start3A_236 = tpu.memref_squeeze %dma_start3A_235 : memref<1x128xi32, #tpu.memory_space<vmem>> -> memref<128xi32, #tpu.memory_space<vmem>>
        %dma_start3A_237 = arith.constant 0 : i32
        %dma_start3A_238 = arith.constant 0 : i32
        %dma_start3A_239 = tpu.memref_slice %arg2[%arg0, %dma_start3A_237, %dma_start3A_238] : memref<2x10240x64xf32, #tpu.memory_space<hbm>> -> memref<1x10240x64xf32, #tpu.memory_space<hbm>>
        %dma_start3A_240 = tpu.memref_squeeze %dma_start3A_239 : memref<1x10240x64xf32, #tpu.memory_space<hbm>> -> memref<10240x64xf32, #tpu.memory_space<hbm>>
        %dma_start3A_241 = arith.constant 0 : i32
        %dma_start3A_242 = arith.constant 0 : i32
        %dma_start3A_243 = tpu.memref_slice %dma_start3A_240[%dma_start3A_241, %dma_start3A_242] : memref<10240x64xf32, #tpu.memory_space<hbm>> -> memref<10240x64xf32, #tpu.memory_space<hbm>>
        tpu.enqueue_indirect_dma source(%dma_start3A_243 : memref<10240x64xf32, #tpu.memory_space<hbm>>) target(%arg12 : memref<128x64xf32, #tpu.memory_space<vmem>>) offsets(%dma_start3A_236 : memref<128xi32, #tpu.memory_space<vmem>>) semaphore(%arg16 : memref<!tpu.dma_semaphore, #tpu.memory_space<semaphore_mem>>)
        %add3A_244 = arith.constant 2 : i32
        %add3A_245 = arith.addi %add3A_187, %add3A_244 : i32
        %dma_wait3A_246 = arith.constant 0 : i32
        %dma_wait3A_247 = tpu.memref_slice %arg9[%add3A_245, %dma_wait3A_246] : memref<16x128xi32, #tpu.memory_space<vmem>> -> memref<1x128xi32, #tpu.memory_space<vmem>>
        %dma_wait3A_248 = tpu.memref_squeeze %dma_wait3A_247 : memref<1x128xi32, #tpu.memory_space<vmem>> -> memref<128xi32, #tpu.memory_space<vmem>>
        %dma_wait3A_249 = arith.constant 0 : i32
        %dma_wait3A_250 = arith.constant 0 : i32
        %dma_wait3A_251 = tpu.memref_slice %arg2[%arg0, %dma_wait3A_249, %dma_wait3A_250] : memref<2x10240x64xf32, #tpu.memory_space<hbm>> -> memref<1x10240x64xf32, #tpu.memory_space<hbm>>
        %dma_wait3A_252 = tpu.memref_squeeze %dma_wait3A_251 : memref<1x10240x64xf32, #tpu.memory_space<hbm>> -> memref<10240x64xf32, #tpu.memory_space<hbm>>
        %dma_wait3A_253 = arith.constant 0 : i32
        %dma_wait3A_254 = arith.constant 0 : i32
        %dma_wait3A_255 = tpu.memref_slice %dma_wait3A_252[%dma_wait3A_253, %dma_wait3A_254] : memref<10240x64xf32, #tpu.memory_space<hbm>> -> memref<10240x64xf32, #tpu.memory_space<hbm>>
        tpu.wait_indirect_dma semaphore(%arg17 : memref<!tpu.dma_semaphore, #tpu.memory_space<semaphore_mem>>) src(%dma_wait3A_255 : memref<10240x64xf32, #tpu.memory_space<hbm>>) dst(%arg13 : memref<128x64xf32, #tpu.memory_space<vmem>>)
        %add3A_256 = arith.constant 2 : i32
        %add3A_257 = arith.addi %add3A_187, %add3A_256 : i32
        "tpu.region"() ({
          %run_scoped3A_300 = tpu.sem_alloc : memref<!tpu.dma_semaphore, #tpu.memory_space<semaphore_mem>>
          %dma_start3A_301 = arith.constant 0 : i32
          %dma_start3A_302 = tpu.memref_slice %arg10[%add3A_257, %dma_start3A_301] : memref<16x128xi32, #tpu.memory_space<vmem>> -> memref<1x128xi32, #tpu.memory_space<vmem>>
          %dma_start3A_303 = tpu.memref_squeeze %dma_start3A_302 : memref<1x128xi32, #tpu.memory_space<vmem>> -> memref<128xi32, #tpu.memory_space<vmem>>
          %dma_start3A_304 = arith.constant 0 : i32
          %dma_start3A_305 = arith.constant 0 : i32
          %dma_start3A_306 = tpu.memref_slice %arg8[%dma_start3A_304, %dma_start3A_305] : memref<10240x64xf32, #tpu.memory_space<vmem_shared>> -> memref<10240x64xf32, #tpu.memory_space<vmem_shared>>
          tpu.enqueue_indirect_dma source(%arg13 : memref<128x64xf32, #tpu.memory_space<vmem>>) target(%dma_start3A_306 : memref<10240x64xf32, #tpu.memory_space<vmem_shared>>) offsets(%dma_start3A_303 : memref<128xi32, #tpu.memory_space<vmem>>) semaphore(%run_scoped3A_300 : memref<!tpu.dma_semaphore, #tpu.memory_space<semaphore_mem>>) {add = true}
          %dma_wait3A_307 = arith.constant 0 : i32
          %dma_wait3A_308 = tpu.memref_slice %arg10[%add3A_257, %dma_wait3A_307] : memref<16x128xi32, #tpu.memory_space<vmem>> -> memref<1x128xi32, #tpu.memory_space<vmem>>
          %dma_wait3A_309 = tpu.memref_squeeze %dma_wait3A_308 : memref<1x128xi32, #tpu.memory_space<vmem>> -> memref<128xi32, #tpu.memory_space<vmem>>
          %dma_wait3A_310 = arith.constant 0 : i32
          %dma_wait3A_311 = arith.constant 0 : i32
          %dma_wait3A_312 = tpu.memref_slice %arg8[%dma_wait3A_310, %dma_wait3A_311] : memref<10240x64xf32, #tpu.memory_space<vmem_shared>> -> memref<10240x64xf32, #tpu.memory_space<vmem_shared>>
          tpu.wait_indirect_dma semaphore(%run_scoped3A_300 : memref<!tpu.dma_semaphore, #tpu.memory_space<semaphore_mem>>) src(%arg13 : memref<128x64xf32, #tpu.memory_space<vmem>>) dst(%dma_wait3A_312 : memref<10240x64xf32, #tpu.memory_space<vmem_shared>>)
          tpu.yield
        }) : () -> ()
        %add3A_258 = arith.constant 2 : i32
        %add3A_259 = arith.addi %add3A_187, %add3A_258 : i32
        %add3A_260 = arith.constant 4 : i32
        %add3A_261 = arith.addi %add3A_259, %add3A_260 : i32
        %dma_start3A_262 = arith.constant 0 : i32
        %dma_start3A_263 = tpu.memref_slice %arg9[%add3A_261, %dma_start3A_262] : memref<16x128xi32, #tpu.memory_space<vmem>> -> memref<1x128xi32, #tpu.memory_space<vmem>>
        %dma_start3A_264 = tpu.memref_squeeze %dma_start3A_263 : memref<1x128xi32, #tpu.memory_space<vmem>> -> memref<128xi32, #tpu.memory_space<vmem>>
        %dma_start3A_265 = arith.constant 0 : i32
        %dma_start3A_266 = arith.constant 0 : i32
        %dma_start3A_267 = tpu.memref_slice %arg2[%arg0, %dma_start3A_265, %dma_start3A_266] : memref<2x10240x64xf32, #tpu.memory_space<hbm>> -> memref<1x10240x64xf32, #tpu.memory_space<hbm>>
        %dma_start3A_268 = tpu.memref_squeeze %dma_start3A_267 : memref<1x10240x64xf32, #tpu.memory_space<hbm>> -> memref<10240x64xf32, #tpu.memory_space<hbm>>
        %dma_start3A_269 = arith.constant 0 : i32
        %dma_start3A_270 = arith.constant 0 : i32
        %dma_start3A_271 = tpu.memref_slice %dma_start3A_268[%dma_start3A_269, %dma_start3A_270] : memref<10240x64xf32, #tpu.memory_space<hbm>> -> memref<10240x64xf32, #tpu.memory_space<hbm>>
        tpu.enqueue_indirect_dma source(%dma_start3A_271 : memref<10240x64xf32, #tpu.memory_space<hbm>>) target(%arg13 : memref<128x64xf32, #tpu.memory_space<vmem>>) offsets(%dma_start3A_264 : memref<128xi32, #tpu.memory_space<vmem>>) semaphore(%arg17 : memref<!tpu.dma_semaphore, #tpu.memory_space<semaphore_mem>>)
        %add3A_272 = arith.constant 3 : i32
        %add3A_273 = arith.addi %add3A_187, %add3A_272 : i32
        %dma_wait3A_274 = arith.constant 0 : i32
        %dma_wait3A_275 = tpu.memref_slice %arg9[%add3A_273, %dma_wait3A_274] : memref<16x128xi32, #tpu.memory_space<vmem>> -> memref<1x128xi32, #tpu.memory_space<vmem>>
        %dma_wait3A_276 = tpu.memref_squeeze %dma_wait3A_275 : memref<1x128xi32, #tpu.memory_space<vmem>> -> memref<128xi32, #tpu.memory_space<vmem>>
        %dma_wait3A_277 = arith.constant 0 : i32
        %dma_wait3A_278 = arith.constant 0 : i32
        %dma_wait3A_279 = tpu.memref_slice %arg2[%arg0, %dma_wait3A_277, %dma_wait3A_278] : memref<2x10240x64xf32, #tpu.memory_space<hbm>> -> memref<1x10240x64xf32, #tpu.memory_space<hbm>>
        %dma_wait3A_280 = tpu.memref_squeeze %dma_wait3A_279 : memref<1x10240x64xf32, #tpu.memory_space<hbm>> -> memref<10240x64xf32, #tpu.memory_space<hbm>>
        %dma_wait3A_281 = arith.constant 0 : i32
        %dma_wait3A_282 = arith.constant 0 : i32
        %dma_wait3A_283 = tpu.memref_slice %dma_wait3A_280[%dma_wait3A_281, %dma_wait3A_282] : memref<10240x64xf32, #tpu.memory_space<hbm>> -> memref<10240x64xf32, #tpu.memory_space<hbm>>
        tpu.wait_indirect_dma semaphore(%arg18 : memref<!tpu.dma_semaphore, #tpu.memory_space<semaphore_mem>>) src(%dma_wait3A_283 : memref<10240x64xf32, #tpu.memory_space<hbm>>) dst(%arg14 : memref<128x64xf32, #tpu.memory_space<vmem>>)
        %add3A_284 = arith.constant 3 : i32
        %add3A_285 = arith.addi %add3A_187, %add3A_284 : i32
        "tpu.region"() ({
          %run_scoped3A_300 = tpu.sem_alloc : memref<!tpu.dma_semaphore, #tpu.memory_space<semaphore_mem>>
          %dma_start3A_301 = arith.constant 0 : i32
          %dma_start3A_302 = tpu.memref_slice %arg10[%add3A_285, %dma_start3A_301] : memref<16x128xi32, #tpu.memory_space<vmem>> -> memref<1x128xi32, #tpu.memory_space<vmem>>
          %dma_start3A_303 = tpu.memref_squeeze %dma_start3A_302 : memref<1x128xi32, #tpu.memory_space<vmem>> -> memref<128xi32, #tpu.memory_space<vmem>>
          %dma_start3A_304 = arith.constant 0 : i32
          %dma_start3A_305 = arith.constant 0 : i32
          %dma_start3A_306 = tpu.memref_slice %arg8[%dma_start3A_304, %dma_start3A_305] : memref<10240x64xf32, #tpu.memory_space<vmem_shared>> -> memref<10240x64xf32, #tpu.memory_space<vmem_shared>>
          tpu.enqueue_indirect_dma source(%arg14 : memref<128x64xf32, #tpu.memory_space<vmem>>) target(%dma_start3A_306 : memref<10240x64xf32, #tpu.memory_space<vmem_shared>>) offsets(%dma_start3A_303 : memref<128xi32, #tpu.memory_space<vmem>>) semaphore(%run_scoped3A_300 : memref<!tpu.dma_semaphore, #tpu.memory_space<semaphore_mem>>) {add = true}
          %dma_wait3A_307 = arith.constant 0 : i32
          %dma_wait3A_308 = tpu.memref_slice %arg10[%add3A_285, %dma_wait3A_307] : memref<16x128xi32, #tpu.memory_space<vmem>> -> memref<1x128xi32, #tpu.memory_space<vmem>>
          %dma_wait3A_309 = tpu.memref_squeeze %dma_wait3A_308 : memref<1x128xi32, #tpu.memory_space<vmem>> -> memref<128xi32, #tpu.memory_space<vmem>>
          %dma_wait3A_310 = arith.constant 0 : i32
          %dma_wait3A_311 = arith.constant 0 : i32
          %dma_wait3A_312 = tpu.memref_slice %arg8[%dma_wait3A_310, %dma_wait3A_311] : memref<10240x64xf32, #tpu.memory_space<vmem_shared>> -> memref<10240x64xf32, #tpu.memory_space<vmem_shared>>
          tpu.wait_indirect_dma semaphore(%run_scoped3A_300 : memref<!tpu.dma_semaphore, #tpu.memory_space<semaphore_mem>>) src(%arg14 : memref<128x64xf32, #tpu.memory_space<vmem>>) dst(%dma_wait3A_312 : memref<10240x64xf32, #tpu.memory_space<vmem_shared>>)
          tpu.yield
        }) : () -> ()
        %add3A_286 = arith.constant 3 : i32
        %add3A_287 = arith.addi %add3A_187, %add3A_286 : i32
        %add3A_288 = arith.constant 4 : i32
        %add3A_289 = arith.addi %add3A_287, %add3A_288 : i32
        %dma_start3A_290 = arith.constant 0 : i32
        %dma_start3A_291 = tpu.memref_slice %arg9[%add3A_289, %dma_start3A_290] : memref<16x128xi32, #tpu.memory_space<vmem>> -> memref<1x128xi32, #tpu.memory_space<vmem>>
        %dma_start3A_292 = tpu.memref_squeeze %dma_start3A_291 : memref<1x128xi32, #tpu.memory_space<vmem>> -> memref<128xi32, #tpu.memory_space<vmem>>
        %dma_start3A_293 = arith.constant 0 : i32
        %dma_start3A_294 = arith.constant 0 : i32
        %dma_start3A_295 = tpu.memref_slice %arg2[%arg0, %dma_start3A_293, %dma_start3A_294] : memref<2x10240x64xf32, #tpu.memory_space<hbm>> -> memref<1x10240x64xf32, #tpu.memory_space<hbm>>
        %dma_start3A_296 = tpu.memref_squeeze %dma_start3A_295 : memref<1x10240x64xf32, #tpu.memory_space<hbm>> -> memref<10240x64xf32, #tpu.memory_space<hbm>>
        %dma_start3A_297 = arith.constant 0 : i32
        %dma_start3A_298 = arith.constant 0 : i32
        %dma_start3A_299 = tpu.memref_slice %dma_start3A_296[%dma_start3A_297, %dma_start3A_298] : memref<10240x64xf32, #tpu.memory_space<hbm>> -> memref<10240x64xf32, #tpu.memory_space<hbm>>
        tpu.enqueue_indirect_dma source(%dma_start3A_299 : memref<10240x64xf32, #tpu.memory_space<hbm>>) target(%arg14 : memref<128x64xf32, #tpu.memory_space<vmem>>) offsets(%dma_start3A_292 : memref<128xi32, #tpu.memory_space<vmem>>) semaphore(%arg18 : memref<!tpu.dma_semaphore, #tpu.memory_space<semaphore_mem>>)
      }
      %scan3A_134 = arith.constant 3 : i32
      %dma_wait3A_135 = arith.constant 12 : i32
      %dma_wait3A_136 = arith.constant 0 : i32
      %dma_wait3A_137 = tpu.memref_slice %arg9[%dma_wait3A_135, %dma_wait3A_136] : memref<16x128xi32, #tpu.memory_space<vmem>> -> memref<1x128xi32, #tpu.memory_space<vmem>>
      %dma_wait3A_138 = tpu.memref_squeeze %dma_wait3A_137 : memref<1x128xi32, #tpu.memory_space<vmem>> -> memref<128xi32, #tpu.memory_space<vmem>>
      %dma_wait3A_139 = arith.constant 0 : i32
      %dma_wait3A_140 = arith.constant 0 : i32
      %dma_wait3A_141 = tpu.memref_slice %arg2[%arg0, %dma_wait3A_139, %dma_wait3A_140] : memref<2x10240x64xf32, #tpu.memory_space<hbm>> -> memref<1x10240x64xf32, #tpu.memory_space<hbm>>
      %dma_wait3A_142 = tpu.memref_squeeze %dma_wait3A_141 : memref<1x10240x64xf32, #tpu.memory_space<hbm>> -> memref<10240x64xf32, #tpu.memory_space<hbm>>
      %dma_wait3A_143 = arith.constant 0 : i32
      %dma_wait3A_144 = arith.constant 0 : i32
      %dma_wait3A_145 = tpu.memref_slice %dma_wait3A_142[%dma_wait3A_143, %dma_wait3A_144] : memref<10240x64xf32, #tpu.memory_space<hbm>> -> memref<10240x64xf32, #tpu.memory_space<hbm>>
      tpu.wait_indirect_dma semaphore(%arg15 : memref<!tpu.dma_semaphore, #tpu.memory_space<semaphore_mem>>) src(%dma_wait3A_145 : memref<10240x64xf32, #tpu.memory_space<hbm>>) dst(%arg11 : memref<128x64xf32, #tpu.memory_space<vmem>>)
      %run_scoped3A_146 = arith.constant 12 : i32
      "tpu.region"() ({
        %run_scoped3A_183 = tpu.sem_alloc : memref<!tpu.dma_semaphore, #tpu.memory_space<semaphore_mem>>
        %dma_start3A_184 = arith.constant 0 : i32
        %dma_start3A_185 = tpu.memref_slice %arg10[%run_scoped3A_146, %dma_start3A_184] : memref<16x128xi32, #tpu.memory_space<vmem>> -> memref<1x128xi32, #tpu.memory_space<vmem>>
        %dma_start3A_186 = tpu.memref_squeeze %dma_start3A_185 : memref<1x128xi32, #tpu.memory_space<vmem>> -> memref<128xi32, #tpu.memory_space<vmem>>
        %dma_start3A_187 = arith.constant 0 : i32
        %dma_start3A_188 = arith.constant 0 : i32
        %dma_start3A_189 = tpu.memref_slice %arg8[%dma_start3A_187, %dma_start3A_188] : memref<10240x64xf32, #tpu.memory_space<vmem_shared>> -> memref<10240x64xf32, #tpu.memory_space<vmem_shared>>
        tpu.enqueue_indirect_dma source(%arg11 : memref<128x64xf32, #tpu.memory_space<vmem>>) target(%dma_start3A_189 : memref<10240x64xf32, #tpu.memory_space<vmem_shared>>) offsets(%dma_start3A_186 : memref<128xi32, #tpu.memory_space<vmem>>) semaphore(%run_scoped3A_183 : memref<!tpu.dma_semaphore, #tpu.memory_space<semaphore_mem>>) {add = true}
        %dma_wait3A_190 = arith.constant 0 : i32
        %dma_wait3A_191 = tpu.memref_slice %arg10[%run_scoped3A_146, %dma_wait3A_190] : memref<16x128xi32, #tpu.memory_space<vmem>> -> memref<1x128xi32, #tpu.memory_space<vmem>>
        %dma_wait3A_192 = tpu.memref_squeeze %dma_wait3A_191 : memref<1x128xi32, #tpu.memory_space<vmem>> -> memref<128xi32, #tpu.memory_space<vmem>>
        %dma_wait3A_193 = arith.constant 0 : i32
        %dma_wait3A_194 = arith.constant 0 : i32
        %dma_wait3A_195 = tpu.memref_slice %arg8[%dma_wait3A_193, %dma_wait3A_194] : memref<10240x64xf32, #tpu.memory_space<vmem_shared>> -> memref<10240x64xf32, #tpu.memory_space<vmem_shared>>
        tpu.wait_indirect_dma semaphore(%run_scoped3A_183 : memref<!tpu.dma_semaphore, #tpu.memory_space<semaphore_mem>>) src(%arg11 : memref<128x64xf32, #tpu.memory_space<vmem>>) dst(%dma_wait3A_195 : memref<10240x64xf32, #tpu.memory_space<vmem_shared>>)
        tpu.yield
      }) : () -> ()
      %dma_wait3A_147 = arith.constant 13 : i32
      %dma_wait3A_148 = arith.constant 0 : i32
      %dma_wait3A_149 = tpu.memref_slice %arg9[%dma_wait3A_147, %dma_wait3A_148] : memref<16x128xi32, #tpu.memory_space<vmem>> -> memref<1x128xi32, #tpu.memory_space<vmem>>
      %dma_wait3A_150 = tpu.memref_squeeze %dma_wait3A_149 : memref<1x128xi32, #tpu.memory_space<vmem>> -> memref<128xi32, #tpu.memory_space<vmem>>
      %dma_wait3A_151 = arith.constant 0 : i32
      %dma_wait3A_152 = arith.constant 0 : i32
      %dma_wait3A_153 = tpu.memref_slice %arg2[%arg0, %dma_wait3A_151, %dma_wait3A_152] : memref<2x10240x64xf32, #tpu.memory_space<hbm>> -> memref<1x10240x64xf32, #tpu.memory_space<hbm>>
      %dma_wait3A_154 = tpu.memref_squeeze %dma_wait3A_153 : memref<1x10240x64xf32, #tpu.memory_space<hbm>> -> memref<10240x64xf32, #tpu.memory_space<hbm>>
      %dma_wait3A_155 = arith.constant 0 : i32
      %dma_wait3A_156 = arith.constant 0 : i32
      %dma_wait3A_157 = tpu.memref_slice %dma_wait3A_154[%dma_wait3A_155, %dma_wait3A_156] : memref<10240x64xf32, #tpu.memory_space<hbm>> -> memref<10240x64xf32, #tpu.memory_space<hbm>>
      tpu.wait_indirect_dma semaphore(%arg16 : memref<!tpu.dma_semaphore, #tpu.memory_space<semaphore_mem>>) src(%dma_wait3A_157 : memref<10240x64xf32, #tpu.memory_space<hbm>>) dst(%arg12 : memref<128x64xf32, #tpu.memory_space<vmem>>)
      %run_scoped3A_158 = arith.constant 13 : i32
      "tpu.region"() ({
        %run_scoped3A_183 = tpu.sem_alloc : memref<!tpu.dma_semaphore, #tpu.memory_space<semaphore_mem>>
        %dma_start3A_184 = arith.constant 0 : i32
        %dma_start3A_185 = tpu.memref_slice %arg10[%run_scoped3A_158, %dma_start3A_184] : memref<16x128xi32, #tpu.memory_space<vmem>> -> memref<1x128xi32, #tpu.memory_space<vmem>>
        %dma_start3A_186 = tpu.memref_squeeze %dma_start3A_185 : memref<1x128xi32, #tpu.memory_space<vmem>> -> memref<128xi32, #tpu.memory_space<vmem>>
        %dma_start3A_187 = arith.constant 0 : i32
        %dma_start3A_188 = arith.constant 0 : i32
        %dma_start3A_189 = tpu.memref_slice %arg8[%dma_start3A_187, %dma_start3A_188] : memref<10240x64xf32, #tpu.memory_space<vmem_shared>> -> memref<10240x64xf32, #tpu.memory_space<vmem_shared>>
        tpu.enqueue_indirect_dma source(%arg12 : memref<128x64xf32, #tpu.memory_space<vmem>>) target(%dma_start3A_189 : memref<10240x64xf32, #tpu.memory_space<vmem_shared>>) offsets(%dma_start3A_186 : memref<128xi32, #tpu.memory_space<vmem>>) semaphore(%run_scoped3A_183 : memref<!tpu.dma_semaphore, #tpu.memory_space<semaphore_mem>>) {add = true}
        %dma_wait3A_190 = arith.constant 0 : i32
        %dma_wait3A_191 = tpu.memref_slice %arg10[%run_scoped3A_158, %dma_wait3A_190] : memref<16x128xi32, #tpu.memory_space<vmem>> -> memref<1x128xi32, #tpu.memory_space<vmem>>
        %dma_wait3A_192 = tpu.memref_squeeze %dma_wait3A_191 : memref<1x128xi32, #tpu.memory_space<vmem>> -> memref<128xi32, #tpu.memory_space<vmem>>
        %dma_wait3A_193 = arith.constant 0 : i32
        %dma_wait3A_194 = arith.constant 0 : i32
        %dma_wait3A_195 = tpu.memref_slice %arg8[%dma_wait3A_193, %dma_wait3A_194] : memref<10240x64xf32, #tpu.memory_space<vmem_shared>> -> memref<10240x64xf32, #tpu.memory_space<vmem_shared>>
        tpu.wait_indirect_dma semaphore(%run_scoped3A_183 : memref<!tpu.dma_semaphore, #tpu.memory_space<semaphore_mem>>) src(%arg12 : memref<128x64xf32, #tpu.memory_space<vmem>>) dst(%dma_wait3A_195 : memref<10240x64xf32, #tpu.memory_space<vmem_shared>>)
        tpu.yield
      }) : () -> ()
      %dma_wait3A_159 = arith.constant 14 : i32
      %dma_wait3A_160 = arith.constant 0 : i32
      %dma_wait3A_161 = tpu.memref_slice %arg9[%dma_wait3A_159, %dma_wait3A_160] : memref<16x128xi32, #tpu.memory_space<vmem>> -> memref<1x128xi32, #tpu.memory_space<vmem>>
      %dma_wait3A_162 = tpu.memref_squeeze %dma_wait3A_161 : memref<1x128xi32, #tpu.memory_space<vmem>> -> memref<128xi32, #tpu.memory_space<vmem>>
      %dma_wait3A_163 = arith.constant 0 : i32
      %dma_wait3A_164 = arith.constant 0 : i32
      %dma_wait3A_165 = tpu.memref_slice %arg2[%arg0, %dma_wait3A_163, %dma_wait3A_164] : memref<2x10240x64xf32, #tpu.memory_space<hbm>> -> memref<1x10240x64xf32, #tpu.memory_space<hbm>>
      %dma_wait3A_166 = tpu.memref_squeeze %dma_wait3A_165 : memref<1x10240x64xf32, #tpu.memory_space<hbm>> -> memref<10240x64xf32, #tpu.memory_space<hbm>>
      %dma_wait3A_167 = arith.constant 0 : i32
      %dma_wait3A_168 = arith.constant 0 : i32
      %dma_wait3A_169 = tpu.memref_slice %dma_wait3A_166[%dma_wait3A_167, %dma_wait3A_168] : memref<10240x64xf32, #tpu.memory_space<hbm>> -> memref<10240x64xf32, #tpu.memory_space<hbm>>
      tpu.wait_indirect_dma semaphore(%arg17 : memref<!tpu.dma_semaphore, #tpu.memory_space<semaphore_mem>>) src(%dma_wait3A_169 : memref<10240x64xf32, #tpu.memory_space<hbm>>) dst(%arg13 : memref<128x64xf32, #tpu.memory_space<vmem>>)
      %run_scoped3A_170 = arith.constant 14 : i32
      "tpu.region"() ({
        %run_scoped3A_183 = tpu.sem_alloc : memref<!tpu.dma_semaphore, #tpu.memory_space<semaphore_mem>>
        %dma_start3A_184 = arith.constant 0 : i32
        %dma_start3A_185 = tpu.memref_slice %arg10[%run_scoped3A_170, %dma_start3A_184] : memref<16x128xi32, #tpu.memory_space<vmem>> -> memref<1x128xi32, #tpu.memory_space<vmem>>
        %dma_start3A_186 = tpu.memref_squeeze %dma_start3A_185 : memref<1x128xi32, #tpu.memory_space<vmem>> -> memref<128xi32, #tpu.memory_space<vmem>>
        %dma_start3A_187 = arith.constant 0 : i32
        %dma_start3A_188 = arith.constant 0 : i32
        %dma_start3A_189 = tpu.memref_slice %arg8[%dma_start3A_187, %dma_start3A_188] : memref<10240x64xf32, #tpu.memory_space<vmem_shared>> -> memref<10240x64xf32, #tpu.memory_space<vmem_shared>>
        tpu.enqueue_indirect_dma source(%arg13 : memref<128x64xf32, #tpu.memory_space<vmem>>) target(%dma_start3A_189 : memref<10240x64xf32, #tpu.memory_space<vmem_shared>>) offsets(%dma_start3A_186 : memref<128xi32, #tpu.memory_space<vmem>>) semaphore(%run_scoped3A_183 : memref<!tpu.dma_semaphore, #tpu.memory_space<semaphore_mem>>) {add = true}
        %dma_wait3A_190 = arith.constant 0 : i32
        %dma_wait3A_191 = tpu.memref_slice %arg10[%run_scoped3A_170, %dma_wait3A_190] : memref<16x128xi32, #tpu.memory_space<vmem>> -> memref<1x128xi32, #tpu.memory_space<vmem>>
        %dma_wait3A_192 = tpu.memref_squeeze %dma_wait3A_191 : memref<1x128xi32, #tpu.memory_space<vmem>> -> memref<128xi32, #tpu.memory_space<vmem>>
        %dma_wait3A_193 = arith.constant 0 : i32
        %dma_wait3A_194 = arith.constant 0 : i32
        %dma_wait3A_195 = tpu.memref_slice %arg8[%dma_wait3A_193, %dma_wait3A_194] : memref<10240x64xf32, #tpu.memory_space<vmem_shared>> -> memref<10240x64xf32, #tpu.memory_space<vmem_shared>>
        tpu.wait_indirect_dma semaphore(%run_scoped3A_183 : memref<!tpu.dma_semaphore, #tpu.memory_space<semaphore_mem>>) src(%arg13 : memref<128x64xf32, #tpu.memory_space<vmem>>) dst(%dma_wait3A_195 : memref<10240x64xf32, #tpu.memory_space<vmem_shared>>)
        tpu.yield
      }) : () -> ()
      %dma_wait3A_171 = arith.constant 15 : i32
      %dma_wait3A_172 = arith.constant 0 : i32
      %dma_wait3A_173 = tpu.memref_slice %arg9[%dma_wait3A_171, %dma_wait3A_172] : memref<16x128xi32, #tpu.memory_space<vmem>> -> memref<1x128xi32, #tpu.memory_space<vmem>>
      %dma_wait3A_174 = tpu.memref_squeeze %dma_wait3A_173 : memref<1x128xi32, #tpu.memory_space<vmem>> -> memref<128xi32, #tpu.memory_space<vmem>>
      %dma_wait3A_175 = arith.constant 0 : i32
      %dma_wait3A_176 = arith.constant 0 : i32
      %dma_wait3A_177 = tpu.memref_slice %arg2[%arg0, %dma_wait3A_175, %dma_wait3A_176] : memref<2x10240x64xf32, #tpu.memory_space<hbm>> -> memref<1x10240x64xf32, #tpu.memory_space<hbm>>
      %dma_wait3A_178 = tpu.memref_squeeze %dma_wait3A_177 : memref<1x10240x64xf32, #tpu.memory_space<hbm>> -> memref<10240x64xf32, #tpu.memory_space<hbm>>
      %dma_wait3A_179 = arith.constant 0 : i32
      %dma_wait3A_180 = arith.constant 0 : i32
      %dma_wait3A_181 = tpu.memref_slice %dma_wait3A_178[%dma_wait3A_179, %dma_wait3A_180] : memref<10240x64xf32, #tpu.memory_space<hbm>> -> memref<10240x64xf32, #tpu.memory_space<hbm>>
      tpu.wait_indirect_dma semaphore(%arg18 : memref<!tpu.dma_semaphore, #tpu.memory_space<semaphore_mem>>) src(%dma_wait3A_181 : memref<10240x64xf32, #tpu.memory_space<hbm>>) dst(%arg14 : memref<128x64xf32, #tpu.memory_space<vmem>>)
      %run_scoped3A_182 = arith.constant 15 : i32
      "tpu.region"() ({
        %run_scoped3A_183 = tpu.sem_alloc : memref<!tpu.dma_semaphore, #tpu.memory_space<semaphore_mem>>
        %dma_start3A_184 = arith.constant 0 : i32
        %dma_start3A_185 = tpu.memref_slice %arg10[%run_scoped3A_182, %dma_start3A_184] : memref<16x128xi32, #tpu.memory_space<vmem>> -> memref<1x128xi32, #tpu.memory_space<vmem>>
        %dma_start3A_186 = tpu.memref_squeeze %dma_start3A_185 : memref<1x128xi32, #tpu.memory_space<vmem>> -> memref<128xi32, #tpu.memory_space<vmem>>
        %dma_start3A_187 = arith.constant 0 : i32
        %dma_start3A_188 = arith.constant 0 : i32
        %dma_start3A_189 = tpu.memref_slice %arg8[%dma_start3A_187, %dma_start3A_188] : memref<10240x64xf32, #tpu.memory_space<vmem_shared>> -> memref<10240x64xf32, #tpu.memory_space<vmem_shared>>
        tpu.enqueue_indirect_dma source(%arg14 : memref<128x64xf32, #tpu.memory_space<vmem>>) target(%dma_start3A_189 : memref<10240x64xf32, #tpu.memory_space<vmem_shared>>) offsets(%dma_start3A_186 : memref<128xi32, #tpu.memory_space<vmem>>) semaphore(%run_scoped3A_183 : memref<!tpu.dma_semaphore, #tpu.memory_space<semaphore_mem>>) {add = true}
        %dma_wait3A_190 = arith.constant 0 : i32
        %dma_wait3A_191 = tpu.memref_slice %arg10[%run_scoped3A_182, %dma_wait3A_190] : memref<16x128xi32, #tpu.memory_space<vmem>> -> memref<1x128xi32, #tpu.memory_space<vmem>>
        %dma_wait3A_192 = tpu.memref_squeeze %dma_wait3A_191 : memref<1x128xi32, #tpu.memory_space<vmem>> -> memref<128xi32, #tpu.memory_space<vmem>>
        %dma_wait3A_193 = arith.constant 0 : i32
        %dma_wait3A_194 = arith.constant 0 : i32
        %dma_wait3A_195 = tpu.memref_slice %arg8[%dma_wait3A_193, %dma_wait3A_194] : memref<10240x64xf32, #tpu.memory_space<vmem_shared>> -> memref<10240x64xf32, #tpu.memory_space<vmem_shared>>
        tpu.wait_indirect_dma semaphore(%run_scoped3A_183 : memref<!tpu.dma_semaphore, #tpu.memory_space<semaphore_mem>>) src(%arg14 : memref<128x64xf32, #tpu.memory_space<vmem>>) dst(%dma_wait3A_195 : memref<10240x64xf32, #tpu.memory_space<vmem_shared>>)
        tpu.yield
      }) : () -> ()
    }
    %scan3A_4 = arith.constant 9 : i32
    %scan3A_5 = arith.constant 0 : i32
    %mul3A_6 = arith.constant 1 : i32
    %mul3A_7 = arith.muli %scan3A_5, %mul3A_6 : i32
    %add3A = arith.constant 9 : i32
    %add3A_8 = arith.addi %add3A, %mul3A_7 : i32
    %mul3A_9 = arith.constant 16 : i32
    %mul3A_10 = arith.muli %add3A_8, %mul3A_9 : i32
    "tpu.region"() ({
      %run_scoped3A_77 = tpu.sem_alloc : memref<!tpu.dma_semaphore, #tpu.memory_space<semaphore_mem>>
      %dma_start3A_78 = arith.constant 0 : i32
      %dma_start3A_79 = tpu.memref_slice %arg3[%arg1, %mul3A_10, %dma_start3A_78] : memref<16x160x128xi32, #tpu.memory_space<hbm>> -> memref<1x16x128xi32, #tpu.memory_space<hbm>>
      %dma_start3A_80 = tpu.memref_squeeze %dma_start3A_79 : memref<1x16x128xi32, #tpu.memory_space<hbm>> -> memref<16x128xi32, #tpu.memory_space<hbm>>
      %dma_start3A_81 = arith.constant 0 : i32
      %dma_start3A_82 = tpu.memref_slice %arg3[%arg1, %mul3A_10, %dma_start3A_81] : memref<16x160x128xi32, #tpu.memory_space<hbm>> -> memref<1x16x128xi32, #tpu.memory_space<hbm>>
      %dma_start3A_83 = tpu.memref_squeeze %dma_start3A_82 : memref<1x16x128xi32, #tpu.memory_space<hbm>> -> memref<16x128xi32, #tpu.memory_space<hbm>>
      tpu.enqueue_dma source(%dma_start3A_83 : memref<16x128xi32, #tpu.memory_space<hbm>>) target(%arg9 : memref<16x128xi32, #tpu.memory_space<vmem>>) target_semaphore(%run_scoped3A_77 : memref<!tpu.dma_semaphore, #tpu.memory_space<semaphore_mem>>)
      %dma_wait3A_84 = arith.constant 0 : i32
      %dma_wait3A_85 = tpu.memref_slice %arg3[%arg1, %mul3A_10, %dma_wait3A_84] : memref<16x160x128xi32, #tpu.memory_space<hbm>> -> memref<1x16x128xi32, #tpu.memory_space<hbm>>
      %dma_wait3A_86 = tpu.memref_squeeze %dma_wait3A_85 : memref<1x16x128xi32, #tpu.memory_space<hbm>> -> memref<16x128xi32, #tpu.memory_space<hbm>>
      %dma_wait3A_87 = arith.constant 0 : i32
      %dma_wait3A_88 = tpu.memref_slice %arg3[%arg1, %mul3A_10, %dma_wait3A_87] : memref<16x160x128xi32, #tpu.memory_space<hbm>> -> memref<1x16x128xi32, #tpu.memory_space<hbm>>
      %dma_wait3A_89 = tpu.memref_squeeze %dma_wait3A_88 : memref<1x16x128xi32, #tpu.memory_space<hbm>> -> memref<16x128xi32, #tpu.memory_space<hbm>>
      tpu.wait_dma2 semaphore(%run_scoped3A_77 : memref<!tpu.dma_semaphore, #tpu.memory_space<semaphore_mem>>) src(%dma_wait3A_89 : memref<16x128xi32, #tpu.memory_space<hbm>>) dst(%arg9 : memref<16x128xi32, #tpu.memory_space<vmem>>)
      tpu.yield
    }) : () -> ()
    %mul3A_11 = arith.constant 16 : i32
    %mul3A_12 = arith.muli %add3A_8, %mul3A_11 : i32
    "tpu.region"() ({
      %run_scoped3A_77 = tpu.sem_alloc : memref<!tpu.dma_semaphore, #tpu.memory_space<semaphore_mem>>
      %dma_start3A_78 = arith.constant 0 : i32
      %dma_start3A_79 = tpu.memref_slice %arg4[%arg1, %mul3A_12, %dma_start3A_78] : memref<16x160x128xi32, #tpu.memory_space<hbm>> -> memref<1x16x128xi32, #tpu.memory_space<hbm>>
      %dma_start3A_80 = tpu.memref_squeeze %dma_start3A_79 : memref<1x16x128xi32, #tpu.memory_space<hbm>> -> memref<16x128xi32, #tpu.memory_space<hbm>>
      %dma_start3A_81 = arith.constant 0 : i32
      %dma_start3A_82 = tpu.memref_slice %arg4[%arg1, %mul3A_12, %dma_start3A_81] : memref<16x160x128xi32, #tpu.memory_space<hbm>> -> memref<1x16x128xi32, #tpu.memory_space<hbm>>
      %dma_start3A_83 = tpu.memref_squeeze %dma_start3A_82 : memref<1x16x128xi32, #tpu.memory_space<hbm>> -> memref<16x128xi32, #tpu.memory_space<hbm>>
      tpu.enqueue_dma source(%dma_start3A_83 : memref<16x128xi32, #tpu.memory_space<hbm>>) target(%arg10 : memref<16x128xi32, #tpu.memory_space<vmem>>) target_semaphore(%run_scoped3A_77 : memref<!tpu.dma_semaphore, #tpu.memory_space<semaphore_mem>>)
      %dma_wait3A_84 = arith.constant 0 : i32
      %dma_wait3A_85 = tpu.memref_slice %arg4[%arg1, %mul3A_12, %dma_wait3A_84] : memref<16x160x128xi32, #tpu.memory_space<hbm>> -> memref<1x16x128xi32, #tpu.memory_space<hbm>>
      %dma_wait3A_86 = tpu.memref_squeeze %dma_wait3A_85 : memref<1x16x128xi32, #tpu.memory_space<hbm>> -> memref<16x128xi32, #tpu.memory_space<hbm>>
      %dma_wait3A_87 = arith.constant 0 : i32
      %dma_wait3A_88 = tpu.memref_slice %arg4[%arg1, %mul3A_12, %dma_wait3A_87] : memref<16x160x128xi32, #tpu.memory_space<hbm>> -> memref<1x16x128xi32, #tpu.memory_space<hbm>>
      %dma_wait3A_89 = tpu.memref_squeeze %dma_wait3A_88 : memref<1x16x128xi32, #tpu.memory_space<hbm>> -> memref<16x128xi32, #tpu.memory_space<hbm>>
      tpu.wait_dma2 semaphore(%run_scoped3A_77 : memref<!tpu.dma_semaphore, #tpu.memory_space<semaphore_mem>>) src(%dma_wait3A_89 : memref<16x128xi32, #tpu.memory_space<hbm>>) dst(%arg10 : memref<16x128xi32, #tpu.memory_space<vmem>>)
      tpu.yield
    }) : () -> ()
    %dma_start3A = arith.constant 0 : i32
    %dma_start3A_13 = arith.constant 0 : i32
    %dma_start3A_14 = tpu.memref_slice %arg9[%dma_start3A, %dma_start3A_13] : memref<16x128xi32, #tpu.memory_space<vmem>> -> memref<1x128xi32, #tpu.memory_space<vmem>>
    %dma_start3A_15 = tpu.memref_squeeze %dma_start3A_14 : memref<1x128xi32, #tpu.memory_space<vmem>> -> memref<128xi32, #tpu.memory_space<vmem>>
    %dma_start3A_16 = arith.constant 0 : i32
    %dma_start3A_17 = arith.constant 0 : i32
    %dma_start3A_18 = tpu.memref_slice %arg7[%dma_start3A_16, %dma_start3A_17] : memref<10240x64xf32, #tpu.memory_space<vmem_shared>> -> memref<10240x64xf32, #tpu.memory_space<vmem_shared>>
    tpu.enqueue_indirect_dma source(%dma_start3A_18 : memref<10240x64xf32, #tpu.memory_space<vmem_shared>>) target(%arg11 : memref<128x64xf32, #tpu.memory_space<vmem>>) offsets(%dma_start3A_15 : memref<128xi32, #tpu.memory_space<vmem>>) semaphore(%arg15 : memref<!tpu.dma_semaphore, #tpu.memory_space<semaphore_mem>>)
    %dma_start3A_19 = arith.constant 1 : i32
    %dma_start3A_20 = arith.constant 0 : i32
    %dma_start3A_21 = tpu.memref_slice %arg9[%dma_start3A_19, %dma_start3A_20] : memref<16x128xi32, #tpu.memory_space<vmem>> -> memref<1x128xi32, #tpu.memory_space<vmem>>
    %dma_start3A_22 = tpu.memref_squeeze %dma_start3A_21 : memref<1x128xi32, #tpu.memory_space<vmem>> -> memref<128xi32, #tpu.memory_space<vmem>>
    %dma_start3A_23 = arith.constant 0 : i32
    %dma_start3A_24 = arith.constant 0 : i32
    %dma_start3A_25 = tpu.memref_slice %arg7[%dma_start3A_23, %dma_start3A_24] : memref<10240x64xf32, #tpu.memory_space<vmem_shared>> -> memref<10240x64xf32, #tpu.memory_space<vmem_shared>>
    tpu.enqueue_indirect_dma source(%dma_start3A_25 : memref<10240x64xf32, #tpu.memory_space<vmem_shared>>) target(%arg12 : memref<128x64xf32, #tpu.memory_space<vmem>>) offsets(%dma_start3A_22 : memref<128xi32, #tpu.memory_space<vmem>>) semaphore(%arg16 : memref<!tpu.dma_semaphore, #tpu.memory_space<semaphore_mem>>)
    %dma_start3A_26 = arith.constant 2 : i32
    %dma_start3A_27 = arith.constant 0 : i32
    %dma_start3A_28 = tpu.memref_slice %arg9[%dma_start3A_26, %dma_start3A_27] : memref<16x128xi32, #tpu.memory_space<vmem>> -> memref<1x128xi32, #tpu.memory_space<vmem>>
    %dma_start3A_29 = tpu.memref_squeeze %dma_start3A_28 : memref<1x128xi32, #tpu.memory_space<vmem>> -> memref<128xi32, #tpu.memory_space<vmem>>
    %dma_start3A_30 = arith.constant 0 : i32
    %dma_start3A_31 = arith.constant 0 : i32
    %dma_start3A_32 = tpu.memref_slice %arg7[%dma_start3A_30, %dma_start3A_31] : memref<10240x64xf32, #tpu.memory_space<vmem_shared>> -> memref<10240x64xf32, #tpu.memory_space<vmem_shared>>
    tpu.enqueue_indirect_dma source(%dma_start3A_32 : memref<10240x64xf32, #tpu.memory_space<vmem_shared>>) target(%arg13 : memref<128x64xf32, #tpu.memory_space<vmem>>) offsets(%dma_start3A_29 : memref<128xi32, #tpu.memory_space<vmem>>) semaphore(%arg17 : memref<!tpu.dma_semaphore, #tpu.memory_space<semaphore_mem>>)
    %dma_start3A_33 = arith.constant 3 : i32
    %dma_start3A_34 = arith.constant 0 : i32
    %dma_start3A_35 = tpu.memref_slice %arg9[%dma_start3A_33, %dma_start3A_34] : memref<16x128xi32, #tpu.memory_space<vmem>> -> memref<1x128xi32, #tpu.memory_space<vmem>>
    %dma_start3A_36 = tpu.memref_squeeze %dma_start3A_35 : memref<1x128xi32, #tpu.memory_space<vmem>> -> memref<128xi32, #tpu.memory_space<vmem>>
    %dma_start3A_37 = arith.constant 0 : i32
    %dma_start3A_38 = arith.constant 0 : i32
    %dma_start3A_39 = tpu.memref_slice %arg7[%dma_start3A_37, %dma_start3A_38] : memref<10240x64xf32, #tpu.memory_space<vmem_shared>> -> memref<10240x64xf32, #tpu.memory_space<vmem_shared>>
    tpu.enqueue_indirect_dma source(%dma_start3A_39 : memref<10240x64xf32, #tpu.memory_space<vmem_shared>>) target(%arg14 : memref<128x64xf32, #tpu.memory_space<vmem>>) offsets(%dma_start3A_36 : memref<128xi32, #tpu.memory_space<vmem>>) semaphore(%arg18 : memref<!tpu.dma_semaphore, #tpu.memory_space<semaphore_mem>>)
    %scan3A_40 = arith.constant 0 : i32
    %scan3A_41 = arith.constant 3 : i32
    %scan3A_42 = arith.addi %scan3A_40, %scan3A_41 : i32
    %scan3A_43 = arith.constant 1 : i32
    scf.for %scan3A_77 = %scan3A_40 to %scan3A_42 step %scan3A_43  : i32 {
      %mul3A_78 = arith.constant 4 : i32
      %mul3A_79 = arith.muli %scan3A_77, %mul3A_78 : i32
      %add3A_80 = arith.constant 0 : i32
      %add3A_81 = arith.addi %add3A_80, %mul3A_79 : i32
      %add3A_82 = arith.constant 0 : i32
      %add3A_83 = arith.addi %add3A_81, %add3A_82 : i32
      %dma_wait3A_84 = arith.constant 0 : i32
      %dma_wait3A_85 = tpu.memref_slice %arg9[%add3A_83, %dma_wait3A_84] : memref<16x128xi32, #tpu.memory_space<vmem>> -> memref<1x128xi32, #tpu.memory_space<vmem>>
      %dma_wait3A_86 = tpu.memref_squeeze %dma_wait3A_85 : memref<1x128xi32, #tpu.memory_space<vmem>> -> memref<128xi32, #tpu.memory_space<vmem>>
      %dma_wait3A_87 = arith.constant 0 : i32
      %dma_wait3A_88 = arith.constant 0 : i32
      %dma_wait3A_89 = tpu.memref_slice %arg7[%dma_wait3A_87, %dma_wait3A_88] : memref<10240x64xf32, #tpu.memory_space<vmem_shared>> -> memref<10240x64xf32, #tpu.memory_space<vmem_shared>>
      tpu.wait_indirect_dma semaphore(%arg15 : memref<!tpu.dma_semaphore, #tpu.memory_space<semaphore_mem>>) src(%dma_wait3A_89 : memref<10240x64xf32, #tpu.memory_space<vmem_shared>>) dst(%arg11 : memref<128x64xf32, #tpu.memory_space<vmem>>)
      %add3A_90 = arith.constant 0 : i32
      %add3A_91 = arith.addi %add3A_81, %add3A_90 : i32
      "tpu.region"() ({
        %run_scoped3A_162 = tpu.sem_alloc : memref<!tpu.dma_semaphore, #tpu.memory_space<semaphore_mem>>
        %dma_start3A_163 = arith.constant 0 : i32
        %dma_start3A_164 = tpu.memref_slice %arg10[%add3A_91, %dma_start3A_163] : memref<16x128xi32, #tpu.memory_space<vmem>> -> memref<1x128xi32, #tpu.memory_space<vmem>>
        %dma_start3A_165 = tpu.memref_squeeze %dma_start3A_164 : memref<1x128xi32, #tpu.memory_space<vmem>> -> memref<128xi32, #tpu.memory_space<vmem>>
        %dma_start3A_166 = arith.constant 0 : i32
        %dma_start3A_167 = arith.constant 0 : i32
        %dma_start3A_168 = tpu.memref_slice %arg8[%dma_start3A_166, %dma_start3A_167] : memref<10240x64xf32, #tpu.memory_space<vmem_shared>> -> memref<10240x64xf32, #tpu.memory_space<vmem_shared>>
        tpu.enqueue_indirect_dma source(%arg11 : memref<128x64xf32, #tpu.memory_space<vmem>>) target(%dma_start3A_168 : memref<10240x64xf32, #tpu.memory_space<vmem_shared>>) offsets(%dma_start3A_165 : memref<128xi32, #tpu.memory_space<vmem>>) semaphore(%run_scoped3A_162 : memref<!tpu.dma_semaphore, #tpu.memory_space<semaphore_mem>>) {add = true}
        %dma_wait3A_169 = arith.constant 0 : i32
        %dma_wait3A_170 = tpu.memref_slice %arg10[%add3A_91, %dma_wait3A_169] : memref<16x128xi32, #tpu.memory_space<vmem>> -> memref<1x128xi32, #tpu.memory_space<vmem>>
        %dma_wait3A_171 = tpu.memref_squeeze %dma_wait3A_170 : memref<1x128xi32, #tpu.memory_space<vmem>> -> memref<128xi32, #tpu.memory_space<vmem>>
        %dma_wait3A_172 = arith.constant 0 : i32
        %dma_wait3A_173 = arith.constant 0 : i32
        %dma_wait3A_174 = tpu.memref_slice %arg8[%dma_wait3A_172, %dma_wait3A_173] : memref<10240x64xf32, #tpu.memory_space<vmem_shared>> -> memref<10240x64xf32, #tpu.memory_space<vmem_shared>>
        tpu.wait_indirect_dma semaphore(%run_scoped3A_162 : memref<!tpu.dma_semaphore, #tpu.memory_space<semaphore_mem>>) src(%arg11 : memref<128x64xf32, #tpu.memory_space<vmem>>) dst(%dma_wait3A_174 : memref<10240x64xf32, #tpu.memory_space<vmem_shared>>)
        tpu.yield
      }) : () -> ()
      %add3A_92 = arith.constant 0 : i32
      %add3A_93 = arith.addi %add3A_81, %add3A_92 : i32
      %add3A_94 = arith.constant 4 : i32
      %add3A_95 = arith.addi %add3A_93, %add3A_94 : i32
      %dma_start3A_96 = arith.constant 0 : i32
      %dma_start3A_97 = tpu.memref_slice %arg9[%add3A_95, %dma_start3A_96] : memref<16x128xi32, #tpu.memory_space<vmem>> -> memref<1x128xi32, #tpu.memory_space<vmem>>
      %dma_start3A_98 = tpu.memref_squeeze %dma_start3A_97 : memref<1x128xi32, #tpu.memory_space<vmem>> -> memref<128xi32, #tpu.memory_space<vmem>>
      %dma_start3A_99 = arith.constant 0 : i32
      %dma_start3A_100 = arith.constant 0 : i32
      %dma_start3A_101 = tpu.memref_slice %arg7[%dma_start3A_99, %dma_start3A_100] : memref<10240x64xf32, #tpu.memory_space<vmem_shared>> -> memref<10240x64xf32, #tpu.memory_space<vmem_shared>>
      tpu.enqueue_indirect_dma source(%dma_start3A_101 : memref<10240x64xf32, #tpu.memory_space<vmem_shared>>) target(%arg11 : memref<128x64xf32, #tpu.memory_space<vmem>>) offsets(%dma_start3A_98 : memref<128xi32, #tpu.memory_space<vmem>>) semaphore(%arg15 : memref<!tpu.dma_semaphore, #tpu.memory_space<semaphore_mem>>)
      %add3A_102 = arith.constant 1 : i32
      %add3A_103 = arith.addi %add3A_81, %add3A_102 : i32
      %dma_wait3A_104 = arith.constant 0 : i32
      %dma_wait3A_105 = tpu.memref_slice %arg9[%add3A_103, %dma_wait3A_104] : memref<16x128xi32, #tpu.memory_space<vmem>> -> memref<1x128xi32, #tpu.memory_space<vmem>>
      %dma_wait3A_106 = tpu.memref_squeeze %dma_wait3A_105 : memref<1x128xi32, #tpu.memory_space<vmem>> -> memref<128xi32, #tpu.memory_space<vmem>>
      %dma_wait3A_107 = arith.constant 0 : i32
      %dma_wait3A_108 = arith.constant 0 : i32
      %dma_wait3A_109 = tpu.memref_slice %arg7[%dma_wait3A_107, %dma_wait3A_108] : memref<10240x64xf32, #tpu.memory_space<vmem_shared>> -> memref<10240x64xf32, #tpu.memory_space<vmem_shared>>
      tpu.wait_indirect_dma semaphore(%arg16 : memref<!tpu.dma_semaphore, #tpu.memory_space<semaphore_mem>>) src(%dma_wait3A_109 : memref<10240x64xf32, #tpu.memory_space<vmem_shared>>) dst(%arg12 : memref<128x64xf32, #tpu.memory_space<vmem>>)
      %add3A_110 = arith.constant 1 : i32
      %add3A_111 = arith.addi %add3A_81, %add3A_110 : i32
      "tpu.region"() ({
        %run_scoped3A_162 = tpu.sem_alloc : memref<!tpu.dma_semaphore, #tpu.memory_space<semaphore_mem>>
        %dma_start3A_163 = arith.constant 0 : i32
        %dma_start3A_164 = tpu.memref_slice %arg10[%add3A_111, %dma_start3A_163] : memref<16x128xi32, #tpu.memory_space<vmem>> -> memref<1x128xi32, #tpu.memory_space<vmem>>
        %dma_start3A_165 = tpu.memref_squeeze %dma_start3A_164 : memref<1x128xi32, #tpu.memory_space<vmem>> -> memref<128xi32, #tpu.memory_space<vmem>>
        %dma_start3A_166 = arith.constant 0 : i32
        %dma_start3A_167 = arith.constant 0 : i32
        %dma_start3A_168 = tpu.memref_slice %arg8[%dma_start3A_166, %dma_start3A_167] : memref<10240x64xf32, #tpu.memory_space<vmem_shared>> -> memref<10240x64xf32, #tpu.memory_space<vmem_shared>>
        tpu.enqueue_indirect_dma source(%arg12 : memref<128x64xf32, #tpu.memory_space<vmem>>) target(%dma_start3A_168 : memref<10240x64xf32, #tpu.memory_space<vmem_shared>>) offsets(%dma_start3A_165 : memref<128xi32, #tpu.memory_space<vmem>>) semaphore(%run_scoped3A_162 : memref<!tpu.dma_semaphore, #tpu.memory_space<semaphore_mem>>) {add = true}
        %dma_wait3A_169 = arith.constant 0 : i32
        %dma_wait3A_170 = tpu.memref_slice %arg10[%add3A_111, %dma_wait3A_169] : memref<16x128xi32, #tpu.memory_space<vmem>> -> memref<1x128xi32, #tpu.memory_space<vmem>>
        %dma_wait3A_171 = tpu.memref_squeeze %dma_wait3A_170 : memref<1x128xi32, #tpu.memory_space<vmem>> -> memref<128xi32, #tpu.memory_space<vmem>>
        %dma_wait3A_172 = arith.constant 0 : i32
        %dma_wait3A_173 = arith.constant 0 : i32
        %dma_wait3A_174 = tpu.memref_slice %arg8[%dma_wait3A_172, %dma_wait3A_173] : memref<10240x64xf32, #tpu.memory_space<vmem_shared>> -> memref<10240x64xf32, #tpu.memory_space<vmem_shared>>
        tpu.wait_indirect_dma semaphore(%run_scoped3A_162 : memref<!tpu.dma_semaphore, #tpu.memory_space<semaphore_mem>>) src(%arg12 : memref<128x64xf32, #tpu.memory_space<vmem>>) dst(%dma_wait3A_174 : memref<10240x64xf32, #tpu.memory_space<vmem_shared>>)
        tpu.yield
      }) : () -> ()
      %add3A_112 = arith.constant 1 : i32
      %add3A_113 = arith.addi %add3A_81, %add3A_112 : i32
      %add3A_114 = arith.constant 4 : i32
      %add3A_115 = arith.addi %add3A_113, %add3A_114 : i32
      %dma_start3A_116 = arith.constant 0 : i32
      %dma_start3A_117 = tpu.memref_slice %arg9[%add3A_115, %dma_start3A_116] : memref<16x128xi32, #tpu.memory_space<vmem>> -> memref<1x128xi32, #tpu.memory_space<vmem>>
      %dma_start3A_118 = tpu.memref_squeeze %dma_start3A_117 : memref<1x128xi32, #tpu.memory_space<vmem>> -> memref<128xi32, #tpu.memory_space<vmem>>
      %dma_start3A_119 = arith.constant 0 : i32
      %dma_start3A_120 = arith.constant 0 : i32
      %dma_start3A_121 = tpu.memref_slice %arg7[%dma_start3A_119, %dma_start3A_120] : memref<10240x64xf32, #tpu.memory_space<vmem_shared>> -> memref<10240x64xf32, #tpu.memory_space<vmem_shared>>
      tpu.enqueue_indirect_dma source(%dma_start3A_121 : memref<10240x64xf32, #tpu.memory_space<vmem_shared>>) target(%arg12 : memref<128x64xf32, #tpu.memory_space<vmem>>) offsets(%dma_start3A_118 : memref<128xi32, #tpu.memory_space<vmem>>) semaphore(%arg16 : memref<!tpu.dma_semaphore, #tpu.memory_space<semaphore_mem>>)
      %add3A_122 = arith.constant 2 : i32
      %add3A_123 = arith.addi %add3A_81, %add3A_122 : i32
      %dma_wait3A_124 = arith.constant 0 : i32
      %dma_wait3A_125 = tpu.memref_slice %arg9[%add3A_123, %dma_wait3A_124] : memref<16x128xi32, #tpu.memory_space<vmem>> -> memref<1x128xi32, #tpu.memory_space<vmem>>
      %dma_wait3A_126 = tpu.memref_squeeze %dma_wait3A_125 : memref<1x128xi32, #tpu.memory_space<vmem>> -> memref<128xi32, #tpu.memory_space<vmem>>
      %dma_wait3A_127 = arith.constant 0 : i32
      %dma_wait3A_128 = arith.constant 0 : i32
      %dma_wait3A_129 = tpu.memref_slice %arg7[%dma_wait3A_127, %dma_wait3A_128] : memref<10240x64xf32, #tpu.memory_space<vmem_shared>> -> memref<10240x64xf32, #tpu.memory_space<vmem_shared>>
      tpu.wait_indirect_dma semaphore(%arg17 : memref<!tpu.dma_semaphore, #tpu.memory_space<semaphore_mem>>) src(%dma_wait3A_129 : memref<10240x64xf32, #tpu.memory_space<vmem_shared>>) dst(%arg13 : memref<128x64xf32, #tpu.memory_space<vmem>>)
      %add3A_130 = arith.constant 2 : i32
      %add3A_131 = arith.addi %add3A_81, %add3A_130 : i32
      "tpu.region"() ({
        %run_scoped3A_162 = tpu.sem_alloc : memref<!tpu.dma_semaphore, #tpu.memory_space<semaphore_mem>>
        %dma_start3A_163 = arith.constant 0 : i32
        %dma_start3A_164 = tpu.memref_slice %arg10[%add3A_131, %dma_start3A_163] : memref<16x128xi32, #tpu.memory_space<vmem>> -> memref<1x128xi32, #tpu.memory_space<vmem>>
        %dma_start3A_165 = tpu.memref_squeeze %dma_start3A_164 : memref<1x128xi32, #tpu.memory_space<vmem>> -> memref<128xi32, #tpu.memory_space<vmem>>
        %dma_start3A_166 = arith.constant 0 : i32
        %dma_start3A_167 = arith.constant 0 : i32
        %dma_start3A_168 = tpu.memref_slice %arg8[%dma_start3A_166, %dma_start3A_167] : memref<10240x64xf32, #tpu.memory_space<vmem_shared>> -> memref<10240x64xf32, #tpu.memory_space<vmem_shared>>
        tpu.enqueue_indirect_dma source(%arg13 : memref<128x64xf32, #tpu.memory_space<vmem>>) target(%dma_start3A_168 : memref<10240x64xf32, #tpu.memory_space<vmem_shared>>) offsets(%dma_start3A_165 : memref<128xi32, #tpu.memory_space<vmem>>) semaphore(%run_scoped3A_162 : memref<!tpu.dma_semaphore, #tpu.memory_space<semaphore_mem>>) {add = true}
        %dma_wait3A_169 = arith.constant 0 : i32
        %dma_wait3A_170 = tpu.memref_slice %arg10[%add3A_131, %dma_wait3A_169] : memref<16x128xi32, #tpu.memory_space<vmem>> -> memref<1x128xi32, #tpu.memory_space<vmem>>
        %dma_wait3A_171 = tpu.memref_squeeze %dma_wait3A_170 : memref<1x128xi32, #tpu.memory_space<vmem>> -> memref<128xi32, #tpu.memory_space<vmem>>
        %dma_wait3A_172 = arith.constant 0 : i32
        %dma_wait3A_173 = arith.constant 0 : i32
        %dma_wait3A_174 = tpu.memref_slice %arg8[%dma_wait3A_172, %dma_wait3A_173] : memref<10240x64xf32, #tpu.memory_space<vmem_shared>> -> memref<10240x64xf32, #tpu.memory_space<vmem_shared>>
        tpu.wait_indirect_dma semaphore(%run_scoped3A_162 : memref<!tpu.dma_semaphore, #tpu.memory_space<semaphore_mem>>) src(%arg13 : memref<128x64xf32, #tpu.memory_space<vmem>>) dst(%dma_wait3A_174 : memref<10240x64xf32, #tpu.memory_space<vmem_shared>>)
        tpu.yield
      }) : () -> ()
      %add3A_132 = arith.constant 2 : i32
      %add3A_133 = arith.addi %add3A_81, %add3A_132 : i32
      %add3A_134 = arith.constant 4 : i32
      %add3A_135 = arith.addi %add3A_133, %add3A_134 : i32
      %dma_start3A_136 = arith.constant 0 : i32
      %dma_start3A_137 = tpu.memref_slice %arg9[%add3A_135, %dma_start3A_136] : memref<16x128xi32, #tpu.memory_space<vmem>> -> memref<1x128xi32, #tpu.memory_space<vmem>>
      %dma_start3A_138 = tpu.memref_squeeze %dma_start3A_137 : memref<1x128xi32, #tpu.memory_space<vmem>> -> memref<128xi32, #tpu.memory_space<vmem>>
      %dma_start3A_139 = arith.constant 0 : i32
      %dma_start3A_140 = arith.constant 0 : i32
      %dma_start3A_141 = tpu.memref_slice %arg7[%dma_start3A_139, %dma_start3A_140] : memref<10240x64xf32, #tpu.memory_space<vmem_shared>> -> memref<10240x64xf32, #tpu.memory_space<vmem_shared>>
      tpu.enqueue_indirect_dma source(%dma_start3A_141 : memref<10240x64xf32, #tpu.memory_space<vmem_shared>>) target(%arg13 : memref<128x64xf32, #tpu.memory_space<vmem>>) offsets(%dma_start3A_138 : memref<128xi32, #tpu.memory_space<vmem>>) semaphore(%arg17 : memref<!tpu.dma_semaphore, #tpu.memory_space<semaphore_mem>>)
      %add3A_142 = arith.constant 3 : i32
      %add3A_143 = arith.addi %add3A_81, %add3A_142 : i32
      %dma_wait3A_144 = arith.constant 0 : i32
      %dma_wait3A_145 = tpu.memref_slice %arg9[%add3A_143, %dma_wait3A_144] : memref<16x128xi32, #tpu.memory_space<vmem>> -> memref<1x128xi32, #tpu.memory_space<vmem>>
      %dma_wait3A_146 = tpu.memref_squeeze %dma_wait3A_145 : memref<1x128xi32, #tpu.memory_space<vmem>> -> memref<128xi32, #tpu.memory_space<vmem>>
      %dma_wait3A_147 = arith.constant 0 : i32
      %dma_wait3A_148 = arith.constant 0 : i32
      %dma_wait3A_149 = tpu.memref_slice %arg7[%dma_wait3A_147, %dma_wait3A_148] : memref<10240x64xf32, #tpu.memory_space<vmem_shared>> -> memref<10240x64xf32, #tpu.memory_space<vmem_shared>>
      tpu.wait_indirect_dma semaphore(%arg18 : memref<!tpu.dma_semaphore, #tpu.memory_space<semaphore_mem>>) src(%dma_wait3A_149 : memref<10240x64xf32, #tpu.memory_space<vmem_shared>>) dst(%arg14 : memref<128x64xf32, #tpu.memory_space<vmem>>)
      %add3A_150 = arith.constant 3 : i32
      %add3A_151 = arith.addi %add3A_81, %add3A_150 : i32
      "tpu.region"() ({
        %run_scoped3A_162 = tpu.sem_alloc : memref<!tpu.dma_semaphore, #tpu.memory_space<semaphore_mem>>
        %dma_start3A_163 = arith.constant 0 : i32
        %dma_start3A_164 = tpu.memref_slice %arg10[%add3A_151, %dma_start3A_163] : memref<16x128xi32, #tpu.memory_space<vmem>> -> memref<1x128xi32, #tpu.memory_space<vmem>>
        %dma_start3A_165 = tpu.memref_squeeze %dma_start3A_164 : memref<1x128xi32, #tpu.memory_space<vmem>> -> memref<128xi32, #tpu.memory_space<vmem>>
        %dma_start3A_166 = arith.constant 0 : i32
        %dma_start3A_167 = arith.constant 0 : i32
        %dma_start3A_168 = tpu.memref_slice %arg8[%dma_start3A_166, %dma_start3A_167] : memref<10240x64xf32, #tpu.memory_space<vmem_shared>> -> memref<10240x64xf32, #tpu.memory_space<vmem_shared>>
        tpu.enqueue_indirect_dma source(%arg14 : memref<128x64xf32, #tpu.memory_space<vmem>>) target(%dma_start3A_168 : memref<10240x64xf32, #tpu.memory_space<vmem_shared>>) offsets(%dma_start3A_165 : memref<128xi32, #tpu.memory_space<vmem>>) semaphore(%run_scoped3A_162 : memref<!tpu.dma_semaphore, #tpu.memory_space<semaphore_mem>>) {add = true}
        %dma_wait3A_169 = arith.constant 0 : i32
        %dma_wait3A_170 = tpu.memref_slice %arg10[%add3A_151, %dma_wait3A_169] : memref<16x128xi32, #tpu.memory_space<vmem>> -> memref<1x128xi32, #tpu.memory_space<vmem>>
        %dma_wait3A_171 = tpu.memref_squeeze %dma_wait3A_170 : memref<1x128xi32, #tpu.memory_space<vmem>> -> memref<128xi32, #tpu.memory_space<vmem>>
        %dma_wait3A_172 = arith.constant 0 : i32
        %dma_wait3A_173 = arith.constant 0 : i32
        %dma_wait3A_174 = tpu.memref_slice %arg8[%dma_wait3A_172, %dma_wait3A_173] : memref<10240x64xf32, #tpu.memory_space<vmem_shared>> -> memref<10240x64xf32, #tpu.memory_space<vmem_shared>>
        tpu.wait_indirect_dma semaphore(%run_scoped3A_162 : memref<!tpu.dma_semaphore, #tpu.memory_space<semaphore_mem>>) src(%arg14 : memref<128x64xf32, #tpu.memory_space<vmem>>) dst(%dma_wait3A_174 : memref<10240x64xf32, #tpu.memory_space<vmem_shared>>)
        tpu.yield
      }) : () -> ()
      %add3A_152 = arith.constant 3 : i32
      %add3A_153 = arith.addi %add3A_81, %add3A_152 : i32
      %add3A_154 = arith.constant 4 : i32
      %add3A_155 = arith.addi %add3A_153, %add3A_154 : i32
      %dma_start3A_156 = arith.constant 0 : i32
      %dma_start3A_157 = tpu.memref_slice %arg9[%add3A_155, %dma_start3A_156] : memref<16x128xi32, #tpu.memory_space<vmem>> -> memref<1x128xi32, #tpu.memory_space<vmem>>
      %dma_start3A_158 = tpu.memref_squeeze %dma_start3A_157 : memref<1x128xi32, #tpu.memory_space<vmem>> -> memref<128xi32, #tpu.memory_space<vmem>>
      %dma_start3A_159 = arith.constant 0 : i32
      %dma_start3A_160 = arith.constant 0 : i32
      %dma_start3A_161 = tpu.memref_slice %arg7[%dma_start3A_159, %dma_start3A_160] : memref<10240x64xf32, #tpu.memory_space<vmem_shared>> -> memref<10240x64xf32, #tpu.memory_space<vmem_shared>>
      tpu.enqueue_indirect_dma source(%dma_start3A_161 : memref<10240x64xf32, #tpu.memory_space<vmem_shared>>) target(%arg14 : memref<128x64xf32, #tpu.memory_space<vmem>>) offsets(%dma_start3A_158 : memref<128xi32, #tpu.memory_space<vmem>>) semaphore(%arg18 : memref<!tpu.dma_semaphore, #tpu.memory_space<semaphore_mem>>)
    }
    %scan3A_44 = arith.constant 3 : i32
    %dma_wait3A = arith.constant 12 : i32
    %dma_wait3A_45 = arith.constant 0 : i32
    %dma_wait3A_46 = tpu.memref_slice %arg9[%dma_wait3A, %dma_wait3A_45] : memref<16x128xi32, #tpu.memory_space<vmem>> -> memref<1x128xi32, #tpu.memory_space<vmem>>
    %dma_wait3A_47 = tpu.memref_squeeze %dma_wait3A_46 : memref<1x128xi32, #tpu.memory_space<vmem>> -> memref<128xi32, #tpu.memory_space<vmem>>
    %dma_wait3A_48 = arith.constant 0 : i32
    %dma_wait3A_49 = arith.constant 0 : i32
    %dma_wait3A_50 = tpu.memref_slice %arg7[%dma_wait3A_48, %dma_wait3A_49] : memref<10240x64xf32, #tpu.memory_space<vmem_shared>> -> memref<10240x64xf32, #tpu.memory_space<vmem_shared>>
    tpu.wait_indirect_dma semaphore(%arg15 : memref<!tpu.dma_semaphore, #tpu.memory_space<semaphore_mem>>) src(%dma_wait3A_50 : memref<10240x64xf32, #tpu.memory_space<vmem_shared>>) dst(%arg11 : memref<128x64xf32, #tpu.memory_space<vmem>>)
    %run_scoped3A = arith.constant 12 : i32
    "tpu.region"() ({
      %run_scoped3A_77 = tpu.sem_alloc : memref<!tpu.dma_semaphore, #tpu.memory_space<semaphore_mem>>
      %dma_start3A_78 = arith.constant 0 : i32
      %dma_start3A_79 = tpu.memref_slice %arg10[%run_scoped3A, %dma_start3A_78] : memref<16x128xi32, #tpu.memory_space<vmem>> -> memref<1x128xi32, #tpu.memory_space<vmem>>
      %dma_start3A_80 = tpu.memref_squeeze %dma_start3A_79 : memref<1x128xi32, #tpu.memory_space<vmem>> -> memref<128xi32, #tpu.memory_space<vmem>>
      %dma_start3A_81 = arith.constant 0 : i32
      %dma_start3A_82 = arith.constant 0 : i32
      %dma_start3A_83 = tpu.memref_slice %arg8[%dma_start3A_81, %dma_start3A_82] : memref<10240x64xf32, #tpu.memory_space<vmem_shared>> -> memref<10240x64xf32, #tpu.memory_space<vmem_shared>>
      tpu.enqueue_indirect_dma source(%arg11 : memref<128x64xf32, #tpu.memory_space<vmem>>) target(%dma_start3A_83 : memref<10240x64xf32, #tpu.memory_space<vmem_shared>>) offsets(%dma_start3A_80 : memref<128xi32, #tpu.memory_space<vmem>>) semaphore(%run_scoped3A_77 : memref<!tpu.dma_semaphore, #tpu.memory_space<semaphore_mem>>) {add = true}
      %dma_wait3A_84 = arith.constant 0 : i32
      %dma_wait3A_85 = tpu.memref_slice %arg10[%run_scoped3A, %dma_wait3A_84] : memref<16x128xi32, #tpu.memory_space<vmem>> -> memref<1x128xi32, #tpu.memory_space<vmem>>
      %dma_wait3A_86 = tpu.memref_squeeze %dma_wait3A_85 : memref<1x128xi32, #tpu.memory_space<vmem>> -> memref<128xi32, #tpu.memory_space<vmem>>
      %dma_wait3A_87 = arith.constant 0 : i32
      %dma_wait3A_88 = arith.constant 0 : i32
      %dma_wait3A_89 = tpu.memref_slice %arg8[%dma_wait3A_87, %dma_wait3A_88] : memref<10240x64xf32, #tpu.memory_space<vmem_shared>> -> memref<10240x64xf32, #tpu.memory_space<vmem_shared>>
      tpu.wait_indirect_dma semaphore(%run_scoped3A_77 : memref<!tpu.dma_semaphore, #tpu.memory_space<semaphore_mem>>) src(%arg11 : memref<128x64xf32, #tpu.memory_space<vmem>>) dst(%dma_wait3A_89 : memref<10240x64xf32, #tpu.memory_space<vmem_shared>>)
      tpu.yield
    }) : () -> ()
    %dma_wait3A_51 = arith.constant 13 : i32
    %dma_wait3A_52 = arith.constant 0 : i32
    %dma_wait3A_53 = tpu.memref_slice %arg9[%dma_wait3A_51, %dma_wait3A_52] : memref<16x128xi32, #tpu.memory_space<vmem>> -> memref<1x128xi32, #tpu.memory_space<vmem>>
    %dma_wait3A_54 = tpu.memref_squeeze %dma_wait3A_53 : memref<1x128xi32, #tpu.memory_space<vmem>> -> memref<128xi32, #tpu.memory_space<vmem>>
    %dma_wait3A_55 = arith.constant 0 : i32
    %dma_wait3A_56 = arith.constant 0 : i32
    %dma_wait3A_57 = tpu.memref_slice %arg7[%dma_wait3A_55, %dma_wait3A_56] : memref<10240x64xf32, #tpu.memory_space<vmem_shared>> -> memref<10240x64xf32, #tpu.memory_space<vmem_shared>>
    tpu.wait_indirect_dma semaphore(%arg16 : memref<!tpu.dma_semaphore, #tpu.memory_space<semaphore_mem>>) src(%dma_wait3A_57 : memref<10240x64xf32, #tpu.memory_space<vmem_shared>>) dst(%arg12 : memref<128x64xf32, #tpu.memory_space<vmem>>)
    %run_scoped3A_58 = arith.constant 13 : i32
    "tpu.region"() ({
      %run_scoped3A_77 = tpu.sem_alloc : memref<!tpu.dma_semaphore, #tpu.memory_space<semaphore_mem>>
      %dma_start3A_78 = arith.constant 0 : i32
      %dma_start3A_79 = tpu.memref_slice %arg10[%run_scoped3A_58, %dma_start3A_78] : memref<16x128xi32, #tpu.memory_space<vmem>> -> memref<1x128xi32, #tpu.memory_space<vmem>>
      %dma_start3A_80 = tpu.memref_squeeze %dma_start3A_79 : memref<1x128xi32, #tpu.memory_space<vmem>> -> memref<128xi32, #tpu.memory_space<vmem>>
      %dma_start3A_81 = arith.constant 0 : i32
      %dma_start3A_82 = arith.constant 0 : i32
      %dma_start3A_83 = tpu.memref_slice %arg8[%dma_start3A_81, %dma_start3A_82] : memref<10240x64xf32, #tpu.memory_space<vmem_shared>> -> memref<10240x64xf32, #tpu.memory_space<vmem_shared>>
      tpu.enqueue_indirect_dma source(%arg12 : memref<128x64xf32, #tpu.memory_space<vmem>>) target(%dma_start3A_83 : memref<10240x64xf32, #tpu.memory_space<vmem_shared>>) offsets(%dma_start3A_80 : memref<128xi32, #tpu.memory_space<vmem>>) semaphore(%run_scoped3A_77 : memref<!tpu.dma_semaphore, #tpu.memory_space<semaphore_mem>>) {add = true}
      %dma_wait3A_84 = arith.constant 0 : i32
      %dma_wait3A_85 = tpu.memref_slice %arg10[%run_scoped3A_58, %dma_wait3A_84] : memref<16x128xi32, #tpu.memory_space<vmem>> -> memref<1x128xi32, #tpu.memory_space<vmem>>
      %dma_wait3A_86 = tpu.memref_squeeze %dma_wait3A_85 : memref<1x128xi32, #tpu.memory_space<vmem>> -> memref<128xi32, #tpu.memory_space<vmem>>
      %dma_wait3A_87 = arith.constant 0 : i32
      %dma_wait3A_88 = arith.constant 0 : i32
      %dma_wait3A_89 = tpu.memref_slice %arg8[%dma_wait3A_87, %dma_wait3A_88] : memref<10240x64xf32, #tpu.memory_space<vmem_shared>> -> memref<10240x64xf32, #tpu.memory_space<vmem_shared>>
      tpu.wait_indirect_dma semaphore(%run_scoped3A_77 : memref<!tpu.dma_semaphore, #tpu.memory_space<semaphore_mem>>) src(%arg12 : memref<128x64xf32, #tpu.memory_space<vmem>>) dst(%dma_wait3A_89 : memref<10240x64xf32, #tpu.memory_space<vmem_shared>>)
      tpu.yield
    }) : () -> ()
    %dma_wait3A_59 = arith.constant 14 : i32
    %dma_wait3A_60 = arith.constant 0 : i32
    %dma_wait3A_61 = tpu.memref_slice %arg9[%dma_wait3A_59, %dma_wait3A_60] : memref<16x128xi32, #tpu.memory_space<vmem>> -> memref<1x128xi32, #tpu.memory_space<vmem>>
    %dma_wait3A_62 = tpu.memref_squeeze %dma_wait3A_61 : memref<1x128xi32, #tpu.memory_space<vmem>> -> memref<128xi32, #tpu.memory_space<vmem>>
    %dma_wait3A_63 = arith.constant 0 : i32
    %dma_wait3A_64 = arith.constant 0 : i32
    %dma_wait3A_65 = tpu.memref_slice %arg7[%dma_wait3A_63, %dma_wait3A_64] : memref<10240x64xf32, #tpu.memory_space<vmem_shared>> -> memref<10240x64xf32, #tpu.memory_space<vmem_shared>>
    tpu.wait_indirect_dma semaphore(%arg17 : memref<!tpu.dma_semaphore, #tpu.memory_space<semaphore_mem>>) src(%dma_wait3A_65 : memref<10240x64xf32, #tpu.memory_space<vmem_shared>>) dst(%arg13 : memref<128x64xf32, #tpu.memory_space<vmem>>)
    %run_scoped3A_66 = arith.constant 14 : i32
    "tpu.region"() ({
      %run_scoped3A_77 = tpu.sem_alloc : memref<!tpu.dma_semaphore, #tpu.memory_space<semaphore_mem>>
      %dma_start3A_78 = arith.constant 0 : i32
      %dma_start3A_79 = tpu.memref_slice %arg10[%run_scoped3A_66, %dma_start3A_78] : memref<16x128xi32, #tpu.memory_space<vmem>> -> memref<1x128xi32, #tpu.memory_space<vmem>>
      %dma_start3A_80 = tpu.memref_squeeze %dma_start3A_79 : memref<1x128xi32, #tpu.memory_space<vmem>> -> memref<128xi32, #tpu.memory_space<vmem>>
      %dma_start3A_81 = arith.constant 0 : i32
      %dma_start3A_82 = arith.constant 0 : i32
      %dma_start3A_83 = tpu.memref_slice %arg8[%dma_start3A_81, %dma_start3A_82] : memref<10240x64xf32, #tpu.memory_space<vmem_shared>> -> memref<10240x64xf32, #tpu.memory_space<vmem_shared>>
      tpu.enqueue_indirect_dma source(%arg13 : memref<128x64xf32, #tpu.memory_space<vmem>>) target(%dma_start3A_83 : memref<10240x64xf32, #tpu.memory_space<vmem_shared>>) offsets(%dma_start3A_80 : memref<128xi32, #tpu.memory_space<vmem>>) semaphore(%run_scoped3A_77 : memref<!tpu.dma_semaphore, #tpu.memory_space<semaphore_mem>>) {add = true}
      %dma_wait3A_84 = arith.constant 0 : i32
      %dma_wait3A_85 = tpu.memref_slice %arg10[%run_scoped3A_66, %dma_wait3A_84] : memref<16x128xi32, #tpu.memory_space<vmem>> -> memref<1x128xi32, #tpu.memory_space<vmem>>
      %dma_wait3A_86 = tpu.memref_squeeze %dma_wait3A_85 : memref<1x128xi32, #tpu.memory_space<vmem>> -> memref<128xi32, #tpu.memory_space<vmem>>
      %dma_wait3A_87 = arith.constant 0 : i32
      %dma_wait3A_88 = arith.constant 0 : i32
      %dma_wait3A_89 = tpu.memref_slice %arg8[%dma_wait3A_87, %dma_wait3A_88] : memref<10240x64xf32, #tpu.memory_space<vmem_shared>> -> memref<10240x64xf32, #tpu.memory_space<vmem_shared>>
      tpu.wait_indirect_dma semaphore(%run_scoped3A_77 : memref<!tpu.dma_semaphore, #tpu.memory_space<semaphore_mem>>) src(%arg13 : memref<128x64xf32, #tpu.memory_space<vmem>>) dst(%dma_wait3A_89 : memref<10240x64xf32, #tpu.memory_space<vmem_shared>>)
      tpu.yield
    }) : () -> ()
    %dma_wait3A_67 = arith.constant 15 : i32
    %dma_wait3A_68 = arith.constant 0 : i32
    %dma_wait3A_69 = tpu.memref_slice %arg9[%dma_wait3A_67, %dma_wait3A_68] : memref<16x128xi32, #tpu.memory_space<vmem>> -> memref<1x128xi32, #tpu.memory_space<vmem>>
    %dma_wait3A_70 = tpu.memref_squeeze %dma_wait3A_69 : memref<1x128xi32, #tpu.memory_space<vmem>> -> memref<128xi32, #tpu.memory_space<vmem>>
    %dma_wait3A_71 = arith.constant 0 : i32
    %dma_wait3A_72 = arith.constant 0 : i32
    %dma_wait3A_73 = tpu.memref_slice %arg7[%dma_wait3A_71, %dma_wait3A_72] : memref<10240x64xf32, #tpu.memory_space<vmem_shared>> -> memref<10240x64xf32, #tpu.memory_space<vmem_shared>>
    tpu.wait_indirect_dma semaphore(%arg18 : memref<!tpu.dma_semaphore, #tpu.memory_space<semaphore_mem>>) src(%dma_wait3A_73 : memref<10240x64xf32, #tpu.memory_space<vmem_shared>>) dst(%arg14 : memref<128x64xf32, #tpu.memory_space<vmem>>)
    %run_scoped3A_74 = arith.constant 15 : i32
    "tpu.region"() ({
      %run_scoped3A_77 = tpu.sem_alloc : memref<!tpu.dma_semaphore, #tpu.memory_space<semaphore_mem>>
      %dma_start3A_78 = arith.constant 0 : i32
      %dma_start3A_79 = tpu.memref_slice %arg10[%run_scoped3A_74, %dma_start3A_78] : memref<16x128xi32, #tpu.memory_space<vmem>> -> memref<1x128xi32, #tpu.memory_space<vmem>>
      %dma_start3A_80 = tpu.memref_squeeze %dma_start3A_79 : memref<1x128xi32, #tpu.memory_space<vmem>> -> memref<128xi32, #tpu.memory_space<vmem>>
      %dma_start3A_81 = arith.constant 0 : i32
      %dma_start3A_82 = arith.constant 0 : i32
      %dma_start3A_83 = tpu.memref_slice %arg8[%dma_start3A_81, %dma_start3A_82] : memref<10240x64xf32, #tpu.memory_space<vmem_shared>> -> memref<10240x64xf32, #tpu.memory_space<vmem_shared>>
      tpu.enqueue_indirect_dma source(%arg14 : memref<128x64xf32, #tpu.memory_space<vmem>>) target(%dma_start3A_83 : memref<10240x64xf32, #tpu.memory_space<vmem_shared>>) offsets(%dma_start3A_80 : memref<128xi32, #tpu.memory_space<vmem>>) semaphore(%run_scoped3A_77 : memref<!tpu.dma_semaphore, #tpu.memory_space<semaphore_mem>>) {add = true}
      %dma_wait3A_84 = arith.constant 0 : i32
      %dma_wait3A_85 = tpu.memref_slice %arg10[%run_scoped3A_74, %dma_wait3A_84] : memref<16x128xi32, #tpu.memory_space<vmem>> -> memref<1x128xi32, #tpu.memory_space<vmem>>
      %dma_wait3A_86 = tpu.memref_squeeze %dma_wait3A_85 : memref<1x128xi32, #tpu.memory_space<vmem>> -> memref<128xi32, #tpu.memory_space<vmem>>
      %dma_wait3A_87 = arith.constant 0 : i32
      %dma_wait3A_88 = arith.constant 0 : i32
      %dma_wait3A_89 = tpu.memref_slice %arg8[%dma_wait3A_87, %dma_wait3A_88] : memref<10240x64xf32, #tpu.memory_space<vmem_shared>> -> memref<10240x64xf32, #tpu.memory_space<vmem_shared>>
      tpu.wait_indirect_dma semaphore(%run_scoped3A_77 : memref<!tpu.dma_semaphore, #tpu.memory_space<semaphore_mem>>) src(%arg14 : memref<128x64xf32, #tpu.memory_space<vmem>>) dst(%dma_wait3A_89 : memref<10240x64xf32, #tpu.memory_space<vmem_shared>>)
      tpu.yield
    }) : () -> ()
    %scan3A_75 = arith.constant 1 : i32
    %barrier3A_76 = arith.constant 0 : index
    tpu.barrier barrier_id(%barrier3A_76)
    "tpu.region"() ({
      %run_scoped3A_77 = tpu.sem_alloc : memref<!tpu.dma_semaphore, #tpu.memory_space<semaphore_mem>>
      %dma_start3A_78 = arith.constant 0 : i32
      %dma_start3A_79 = tpu.memref_slice %arg6[%arg0, %mul3A_0, %dma_start3A_78] : memref<2x10240x64xf32, #tpu.memory_space<hbm>> -> memref<1x640x64xf32, #tpu.memory_space<hbm>>
      %dma_start3A_80 = tpu.memref_squeeze %dma_start3A_79 : memref<1x640x64xf32, #tpu.memory_space<hbm>> -> memref<640x64xf32, #tpu.memory_space<hbm>>
      %dma_start3A_81 = arith.constant 0 : i32
      %dma_start3A_82 = tpu.memref_slice %arg8[%mul3A_0, %dma_start3A_81] : memref<10240x64xf32, #tpu.memory_space<vmem_shared>> -> memref<640x64xf32, #tpu.memory_space<vmem_shared>>
      tpu.enqueue_dma source(%dma_start3A_82 : memref<640x64xf32, #tpu.memory_space<vmem_shared>>) target(%dma_start3A_80 : memref<640x64xf32, #tpu.memory_space<hbm>>) target_semaphore(%run_scoped3A_77 : memref<!tpu.dma_semaphore, #tpu.memory_space<semaphore_mem>>)
      %dma_wait3A_83 = arith.constant 0 : i32
      %dma_wait3A_84 = tpu.memref_slice %arg6[%arg0, %mul3A_0, %dma_wait3A_83] : memref<2x10240x64xf32, #tpu.memory_space<hbm>> -> memref<1x640x64xf32, #tpu.memory_space<hbm>>
      %dma_wait3A_85 = tpu.memref_squeeze %dma_wait3A_84 : memref<1x640x64xf32, #tpu.memory_space<hbm>> -> memref<640x64xf32, #tpu.memory_space<hbm>>
      %dma_wait3A_86 = arith.constant 0 : i32
      %dma_wait3A_87 = tpu.memref_slice %arg8[%mul3A_0, %dma_wait3A_86] : memref<10240x64xf32, #tpu.memory_space<vmem_shared>> -> memref<640x64xf32, #tpu.memory_space<vmem_shared>>
      tpu.wait_dma2 semaphore(%run_scoped3A_77 : memref<!tpu.dma_semaphore, #tpu.memory_space<semaphore_mem>>) src(%dma_wait3A_87 : memref<640x64xf32, #tpu.memory_space<vmem_shared>>) dst(%dma_wait3A_85 : memref<640x64xf32, #tpu.memory_space<hbm>>)
      tpu.yield
    }) : () -> ()
    return
  }
}

#map = affine_map<(d0, d1) -> (0, 0, 0, 0)>
#map1 = affine_map<(d0, d1) -> (0)>
module attributes {stable_mosaic.version = 14 : i64} {
  func.func @k(%arg0: i32, %arg1: i32, %arg2: memref<2x16x79x128xi32, #tpu.memory_space<hbm>>, %arg3: memref<20480xf32, #tpu.memory_space<hbm>>, %arg4: memref<10240xf32, #tpu.memory_space<vmem_shared>>, %arg5: memref<79x128xi32, #tpu.memory_space<vmem>>, %arg6: memref<128xf32, #tpu.memory_space<vmem>>, %arg7: memref<640xf32, #tpu.memory_space<vmem>>) attributes {dimension_semantics = [#tpu.dimension_semantics<core_parallel>, #tpu.dimension_semantics<subcore_parallel>], iteration_bounds = array<i64: 2, 16>, scalar_prefetch = 0 : i64, scratch_operands = 4 : i64, tpu.core_type = #tpu.core_type<sc_vector_subcore>, window_params = [{transform_indices = #map}, {transform_indices = #map1}]} {
    %mul3A = arith.constant 640 : i32
    %mul3A_0 = arith.muli %arg1, %mul3A : i32
    %scan3A = arith.constant 0 : i32
    %scan3A_1 = arith.constant 40 : i32
    %scan3A_2 = arith.addi %scan3A, %scan3A_1 : i32
    %scan3A_3 = arith.constant 1 : i32
    scf.for %scan3A_18 = %scan3A to %scan3A_2 step %scan3A_3  : i32 {
      %mul3A_19 = arith.constant 16 : i32
      %mul3A_20 = arith.muli %scan3A_18, %mul3A_19 : i32
      %add3A_21 = arith.constant 0 : i32
      %add3A_22 = arith.addi %add3A_21, %mul3A_20 : i32
      %broadcast_in_dim3A = arith.constant 0.000000e+00 : f32
      %broadcast_in_dim3A_23 = vector.broadcast %broadcast_in_dim3A : f32 to vector<16xf32>
      %swap3A = arith.index_cast %add3A_22 : i32 to index
      %swap3A_24 = tpu.vector_load %arg7[%swap3A] {strides = array<i32>} : memref<640xf32, #tpu.memory_space<vmem>>, vector<16xf32>,
      %swap3A_25 = vector.shape_cast %swap3A_24 : vector<16xf32> to vector<16xf32>
      %swap3A_26 = vector.shape_cast %broadcast_in_dim3A_23 : vector<16xf32> to vector<16xf32>
      tpu.vector_store %arg7[%swap3A], %swap3A_26 {strides = array<i32>} : memref<640xf32, #tpu.memory_space<vmem>>, vector<16xf32>,
    }
    %scan3A_4 = arith.constant 40 : i32
    "tpu.region"() ({
      %run_scoped3A = tpu.sem_alloc : memref<!tpu.dma_semaphore, #tpu.memory_space<semaphore_mem>>
      %dma_start3A = tpu.memref_slice %arg4[%mul3A_0] : memref<10240xf32, #tpu.memory_space<vmem_shared>> -> memref<640xf32, #tpu.memory_space<vmem_shared>>
      %dma_start3A_18 = tpu.memref_slice %arg4[%mul3A_0] : memref<10240xf32, #tpu.memory_space<vmem_shared>> -> memref<640xf32, #tpu.memory_space<vmem_shared>>
      tpu.enqueue_dma source(%arg7 : memref<640xf32, #tpu.memory_space<vmem>>) target(%dma_start3A_18 : memref<640xf32, #tpu.memory_space<vmem_shared>>) target_semaphore(%run_scoped3A : memref<!tpu.dma_semaphore, #tpu.memory_space<semaphore_mem>>)
      %dma_wait3A = tpu.memref_slice %arg4[%mul3A_0] : memref<10240xf32, #tpu.memory_space<vmem_shared>> -> memref<640xf32, #tpu.memory_space<vmem_shared>>
      %dma_wait3A_19 = tpu.memref_slice %arg4[%mul3A_0] : memref<10240xf32, #tpu.memory_space<vmem_shared>> -> memref<640xf32, #tpu.memory_space<vmem_shared>>
      tpu.wait_dma2 semaphore(%run_scoped3A : memref<!tpu.dma_semaphore, #tpu.memory_space<semaphore_mem>>) src(%arg7 : memref<640xf32, #tpu.memory_space<vmem>>) dst(%dma_wait3A_19 : memref<640xf32, #tpu.memory_space<vmem_shared>>)
      tpu.yield
    }) : () -> ()
    "tpu.region"() ({
      %run_scoped3A = tpu.sem_alloc : memref<!tpu.dma_semaphore, #tpu.memory_space<semaphore_mem>>
      %dma_start3A = arith.constant 0 : i32
      %dma_start3A_18 = arith.constant 0 : i32
      %dma_start3A_19 = tpu.memref_slice %arg2[%arg0, %arg1, %dma_start3A, %dma_start3A_18] : memref<2x16x79x128xi32, #tpu.memory_space<hbm>> -> memref<1x1x79x128xi32, #tpu.memory_space<hbm>>
      %dma_start3A_20 = tpu.memref_squeeze %dma_start3A_19 : memref<1x1x79x128xi32, #tpu.memory_space<hbm>> -> memref<79x128xi32, #tpu.memory_space<hbm>>
      %dma_start3A_21 = arith.constant 0 : i32
      %dma_start3A_22 = arith.constant 0 : i32
      %dma_start3A_23 = tpu.memref_slice %arg2[%arg0, %arg1, %dma_start3A_21, %dma_start3A_22] : memref<2x16x79x128xi32, #tpu.memory_space<hbm>> -> memref<1x1x79x128xi32, #tpu.memory_space<hbm>>
      %dma_start3A_24 = tpu.memref_squeeze %dma_start3A_23 : memref<1x1x79x128xi32, #tpu.memory_space<hbm>> -> memref<79x128xi32, #tpu.memory_space<hbm>>
      tpu.enqueue_dma source(%dma_start3A_24 : memref<79x128xi32, #tpu.memory_space<hbm>>) target(%arg5 : memref<79x128xi32, #tpu.memory_space<vmem>>) target_semaphore(%run_scoped3A : memref<!tpu.dma_semaphore, #tpu.memory_space<semaphore_mem>>)
      %dma_wait3A = arith.constant 0 : i32
      %dma_wait3A_25 = arith.constant 0 : i32
      %dma_wait3A_26 = tpu.memref_slice %arg2[%arg0, %arg1, %dma_wait3A, %dma_wait3A_25] : memref<2x16x79x128xi32, #tpu.memory_space<hbm>> -> memref<1x1x79x128xi32, #tpu.memory_space<hbm>>
      %dma_wait3A_27 = tpu.memref_squeeze %dma_wait3A_26 : memref<1x1x79x128xi32, #tpu.memory_space<hbm>> -> memref<79x128xi32, #tpu.memory_space<hbm>>
      %dma_wait3A_28 = arith.constant 0 : i32
      %dma_wait3A_29 = arith.constant 0 : i32
      %dma_wait3A_30 = tpu.memref_slice %arg2[%arg0, %arg1, %dma_wait3A_28, %dma_wait3A_29] : memref<2x16x79x128xi32, #tpu.memory_space<hbm>> -> memref<1x1x79x128xi32, #tpu.memory_space<hbm>>
      %dma_wait3A_31 = tpu.memref_squeeze %dma_wait3A_30 : memref<1x1x79x128xi32, #tpu.memory_space<hbm>> -> memref<79x128xi32, #tpu.memory_space<hbm>>
      tpu.wait_dma2 semaphore(%run_scoped3A : memref<!tpu.dma_semaphore, #tpu.memory_space<semaphore_mem>>) src(%dma_wait3A_31 : memref<79x128xi32, #tpu.memory_space<hbm>>) dst(%arg5 : memref<79x128xi32, #tpu.memory_space<vmem>>)
      tpu.yield
    }) : () -> ()
    %scan3A_5 = arith.constant 0 : i32
    %scan3A_6 = arith.constant 8 : i32
    %scan3A_7 = arith.addi %scan3A_5, %scan3A_6 : i32
    %scan3A_8 = arith.constant 1 : i32
    scf.for %scan3A_18 = %scan3A_5 to %scan3A_7 step %scan3A_8  : i32 {
      %mul3A_19 = arith.constant 16 : i32
      %mul3A_20 = arith.muli %scan3A_18, %mul3A_19 : i32
      %add3A_21 = arith.constant 0 : i32
      %add3A_22 = arith.addi %add3A_21, %mul3A_20 : i32
      %broadcast_in_dim3A = arith.constant 1.000000e+00 : f32
      %broadcast_in_dim3A_23 = vector.broadcast %broadcast_in_dim3A : f32 to vector<16xf32>
      %swap3A = arith.index_cast %add3A_22 : i32 to index
      %swap3A_24 = tpu.vector_load %arg6[%swap3A] {strides = array<i32>} : memref<128xf32, #tpu.memory_space<vmem>>, vector<16xf32>,
      %swap3A_25 = vector.shape_cast %swap3A_24 : vector<16xf32> to vector<16xf32>
      %swap3A_26 = vector.shape_cast %broadcast_in_dim3A_23 : vector<16xf32> to vector<16xf32>
      tpu.vector_store %arg6[%swap3A], %swap3A_26 {strides = array<i32>} : memref<128xf32, #tpu.memory_space<vmem>>, vector<16xf32>,
    }
    %scan3A_9 = arith.constant 8 : i32
    %barrier3A = arith.constant 0 : index
    tpu.barrier barrier_id(%barrier3A)
    %scan3A_10 = arith.constant 0 : i32
    %scan3A_11 = arith.constant 79 : i32
    %scan3A_12 = arith.addi %scan3A_10, %scan3A_11 : i32
    %scan3A_13 = arith.constant 1 : i32
    scf.for %scan3A_18 = %scan3A_10 to %scan3A_12 step %scan3A_13  : i32 {
      %mul3A_19 = arith.constant 1 : i32
      %mul3A_20 = arith.muli %scan3A_18, %mul3A_19 : i32
      %add3A_21 = arith.constant 0 : i32
      %add3A_22 = arith.addi %add3A_21, %mul3A_20 : i32
      "tpu.region"() ({
        %run_scoped3A = tpu.sem_alloc : memref<!tpu.dma_semaphore, #tpu.memory_space<semaphore_mem>>
        %dma_start3A = arith.constant 0 : i32
        %dma_start3A_23 = tpu.memref_slice %arg5[%add3A_22, %dma_start3A] : memref<79x128xi32, #tpu.memory_space<vmem>> -> memref<1x128xi32, #tpu.memory_space<vmem>>
        %dma_start3A_24 = tpu.memref_squeeze %dma_start3A_23 : memref<1x128xi32, #tpu.memory_space<vmem>> -> memref<128xi32, #tpu.memory_space<vmem>>
        %dma_start3A_25 = arith.constant 0 : i32
        %dma_start3A_26 = tpu.memref_slice %arg4[%dma_start3A_25] : memref<10240xf32, #tpu.memory_space<vmem_shared>> -> memref<10240xf32, #tpu.memory_space<vmem_shared>>
        tpu.enqueue_indirect_dma source(%arg6 : memref<128xf32, #tpu.memory_space<vmem>>) target(%dma_start3A_26 : memref<10240xf32, #tpu.memory_space<vmem_shared>>) offsets(%dma_start3A_24 : memref<128xi32, #tpu.memory_space<vmem>>) semaphore(%run_scoped3A : memref<!tpu.dma_semaphore, #tpu.memory_space<semaphore_mem>>) {add = true}
        %dma_wait3A = arith.constant 0 : i32
        %dma_wait3A_27 = tpu.memref_slice %arg5[%add3A_22, %dma_wait3A] : memref<79x128xi32, #tpu.memory_space<vmem>> -> memref<1x128xi32, #tpu.memory_space<vmem>>
        %dma_wait3A_28 = tpu.memref_squeeze %dma_wait3A_27 : memref<1x128xi32, #tpu.memory_space<vmem>> -> memref<128xi32, #tpu.memory_space<vmem>>
        %dma_wait3A_29 = arith.constant 0 : i32
        %dma_wait3A_30 = tpu.memref_slice %arg4[%dma_wait3A_29] : memref<10240xf32, #tpu.memory_space<vmem_shared>> -> memref<10240xf32, #tpu.memory_space<vmem_shared>>
        tpu.wait_indirect_dma semaphore(%run_scoped3A : memref<!tpu.dma_semaphore, #tpu.memory_space<semaphore_mem>>) src(%arg6 : memref<128xf32, #tpu.memory_space<vmem>>) dst(%dma_wait3A_30 : memref<10240xf32, #tpu.memory_space<vmem_shared>>)
        tpu.yield
      }) : () -> ()
    }
    %scan3A_14 = arith.constant 79 : i32
    %barrier3A_15 = arith.constant 0 : index
    tpu.barrier barrier_id(%barrier3A_15)
    "tpu.region"() ({
      %run_scoped3A = tpu.sem_alloc : memref<!tpu.dma_semaphore, #tpu.memory_space<semaphore_mem>>
      %dma_start3A = tpu.memref_slice %arg4[%mul3A_0] : memref<10240xf32, #tpu.memory_space<vmem_shared>> -> memref<640xf32, #tpu.memory_space<vmem_shared>>
      %dma_start3A_18 = tpu.memref_slice %arg4[%mul3A_0] : memref<10240xf32, #tpu.memory_space<vmem_shared>> -> memref<640xf32, #tpu.memory_space<vmem_shared>>
      tpu.enqueue_dma source(%dma_start3A_18 : memref<640xf32, #tpu.memory_space<vmem_shared>>) target(%arg7 : memref<640xf32, #tpu.memory_space<vmem>>) target_semaphore(%run_scoped3A : memref<!tpu.dma_semaphore, #tpu.memory_space<semaphore_mem>>)
      %dma_wait3A = tpu.memref_slice %arg4[%mul3A_0] : memref<10240xf32, #tpu.memory_space<vmem_shared>> -> memref<640xf32, #tpu.memory_space<vmem_shared>>
      %dma_wait3A_19 = tpu.memref_slice %arg4[%mul3A_0] : memref<10240xf32, #tpu.memory_space<vmem_shared>> -> memref<640xf32, #tpu.memory_space<vmem_shared>>
      tpu.wait_dma2 semaphore(%run_scoped3A : memref<!tpu.dma_semaphore, #tpu.memory_space<semaphore_mem>>) src(%dma_wait3A_19 : memref<640xf32, #tpu.memory_space<vmem_shared>>) dst(%arg7 : memref<640xf32, #tpu.memory_space<vmem>>)
      tpu.yield
    }) : () -> ()
    %mul3A_16 = arith.constant 10240 : i32
    %mul3A_17 = arith.muli %arg0, %mul3A_16 : i32
    %add3A = arith.addi %mul3A_17, %mul3A_0 : i32
    "tpu.region"() ({
      %run_scoped3A = tpu.sem_alloc : memref<!tpu.dma_semaphore, #tpu.memory_space<semaphore_mem>>
      %dma_start3A = tpu.memref_slice %arg3[%add3A] : memref<20480xf32, #tpu.memory_space<hbm>> -> memref<640xf32, #tpu.memory_space<hbm>>
      %dma_start3A_18 = tpu.memref_slice %arg3[%add3A] : memref<20480xf32, #tpu.memory_space<hbm>> -> memref<640xf32, #tpu.memory_space<hbm>>
      tpu.enqueue_dma source(%arg7 : memref<640xf32, #tpu.memory_space<vmem>>) target(%dma_start3A_18 : memref<640xf32, #tpu.memory_space<hbm>>) target_semaphore(%run_scoped3A : memref<!tpu.dma_semaphore, #tpu.memory_space<semaphore_mem>>)
      %dma_wait3A = tpu.memref_slice %arg3[%add3A] : memref<20480xf32, #tpu.memory_space<hbm>> -> memref<640xf32, #tpu.memory_space<hbm>>
      %dma_wait3A_19 = tpu.memref_slice %arg3[%add3A] : memref<20480xf32, #tpu.memory_space<hbm>> -> memref<640xf32, #tpu.memory_space<hbm>>
      tpu.wait_dma2 semaphore(%run_scoped3A : memref<!tpu.dma_semaphore, #tpu.memory_space<semaphore_mem>>) src(%arg7 : memref<640xf32, #tpu.memory_space<vmem>>) dst(%dma_wait3A_19 : memref<640xf32, #tpu.memory_space<hbm>>)
      tpu.yield
    }) : () -> ()
    return
  }
}

#map = affine_map<(d0, d1) -> (0, 0, 0)>
#map1 = affine_map<(d0, d1) -> (0, 0)>
module attributes {stable_mosaic.version = 14 : i64} {
  func.func @k(%arg0: i32, %arg1: i32, %arg2: memref<2x10240x64xf32, #tpu.memory_space<hbm>>, %arg3: memref<16x160x128xi32, #tpu.memory_space<hbm>>, %arg4: memref<16x160x128xi32, #tpu.memory_space<hbm>>, %arg5: memref<10240x64xf32, #tpu.memory_space<hbm>>, %arg6: memref<2x10240x64xf32, #tpu.memory_space<hbm>>, %arg7: memref<10240x64xf32, #tpu.memory_space<vmem_shared>>, %arg8: memref<10240x64xf32, #tpu.memory_space<vmem_shared>>, %arg9: memref<16x128xi32, #tpu.memory_space<vmem>>, %arg10: memref<16x128xi32, #tpu.memory_space<vmem>>, %arg11: memref<128x64xf32, #tpu.memory_space<vmem>>, %arg12: memref<128x64xf32, #tpu.memory_space<vmem>>, %arg13: memref<128x64xf32, #tpu.memory_space<vmem>>, %arg14: memref<128x64xf32, #tpu.memory_space<vmem>>, %arg15: memref<!tpu.dma_semaphore, #tpu.memory_space<semaphore_mem>>, %arg16: memref<!tpu.dma_semaphore, #tpu.memory_space<semaphore_mem>>, %arg17: memref<!tpu.dma_semaphore, #tpu.memory_space<semaphore_mem>>, %arg18: memref<!tpu.dma_semaphore, #tpu.memory_space<semaphore_mem>>) attributes {dimension_semantics = [#tpu.dimension_semantics<core_parallel>, #tpu.dimension_semantics<subcore_parallel>], iteration_bounds = array<i64: 2, 16>, scalar_prefetch = 0 : i64, scratch_operands = 12 : i64, tpu.core_type = #tpu.core_type<sc_vector_subcore>, window_params = [{transform_indices = #map}, {transform_indices = #map}, {transform_indices = #map}, {transform_indices = #map1}, {transform_indices = #map}]} {
    %mul3A = arith.constant 640 : i32
    %mul3A_0 = arith.muli %arg1, %mul3A : i32
    "tpu.region"() ({
      %run_scoped3A_77 = tpu.sem_alloc : memref<!tpu.dma_semaphore, #tpu.memory_space<semaphore_mem>>
      %dma_start3A_78 = arith.constant 0 : i32
      %dma_start3A_79 = tpu.memref_slice %arg7[%mul3A_0, %dma_start3A_78] : memref<10240x64xf32, #tpu.memory_space<vmem_shared>> -> memref<640x64xf32, #tpu.memory_space<vmem_shared>>
      %dma_start3A_80 = arith.constant 0 : i32
      %dma_start3A_81 = tpu.memref_slice %arg2[%arg0, %mul3A_0, %dma_start3A_80] : memref<2x10240x64xf32, #tpu.memory_space<hbm>> -> memref<1x640x64xf32, #tpu.memory_space<hbm>>
      %dma_start3A_82 = tpu.memref_squeeze %dma_start3A_81 : memref<1x640x64xf32, #tpu.memory_space<hbm>> -> memref<640x64xf32, #tpu.memory_space<hbm>>
      tpu.enqueue_dma source(%dma_start3A_82 : memref<640x64xf32, #tpu.memory_space<hbm>>) target(%dma_start3A_79 : memref<640x64xf32, #tpu.memory_space<vmem_shared>>) target_semaphore(%run_scoped3A_77 : memref<!tpu.dma_semaphore, #tpu.memory_space<semaphore_mem>>)
      %dma_wait3A_83 = arith.constant 0 : i32
      %dma_wait3A_84 = tpu.memref_slice %arg7[%mul3A_0, %dma_wait3A_83] : memref<10240x64xf32, #tpu.memory_space<vmem_shared>> -> memref<640x64xf32, #tpu.memory_space<vmem_shared>>
      %dma_wait3A_85 = arith.constant 0 : i32
      %dma_wait3A_86 = tpu.memref_slice %arg2[%arg0, %mul3A_0, %dma_wait3A_85] : memref<2x10240x64xf32, #tpu.memory_space<hbm>> -> memref<1x640x64xf32, #tpu.memory_space<hbm>>
      %dma_wait3A_87 = tpu.memref_squeeze %dma_wait3A_86 : memref<1x640x64xf32, #tpu.memory_space<hbm>> -> memref<640x64xf32, #tpu.memory_space<hbm>>
      tpu.wait_dma2 semaphore(%run_scoped3A_77 : memref<!tpu.dma_semaphore, #tpu.memory_space<semaphore_mem>>) src(%dma_wait3A_87 : memref<640x64xf32, #tpu.memory_space<hbm>>) dst(%dma_wait3A_84 : memref<640x64xf32, #tpu.memory_space<vmem_shared>>)
      tpu.yield
    }) : () -> ()
    "tpu.region"() ({
      %run_scoped3A_77 = tpu.sem_alloc : memref<!tpu.dma_semaphore, #tpu.memory_space<semaphore_mem>>
      %dma_start3A_78 = arith.constant 0 : i32
      %dma_start3A_79 = tpu.memref_slice %arg8[%mul3A_0, %dma_start3A_78] : memref<10240x64xf32, #tpu.memory_space<vmem_shared>> -> memref<640x64xf32, #tpu.memory_space<vmem_shared>>
      %dma_start3A_80 = arith.constant 0 : i32
      %dma_start3A_81 = tpu.memref_slice %arg5[%mul3A_0, %dma_start3A_80] : memref<10240x64xf32, #tpu.memory_space<hbm>> -> memref<640x64xf32, #tpu.memory_space<hbm>>
      tpu.enqueue_dma source(%dma_start3A_81 : memref<640x64xf32, #tpu.memory_space<hbm>>) target(%dma_start3A_79 : memref<640x64xf32, #tpu.memory_space<vmem_shared>>) target_semaphore(%run_scoped3A_77 : memref<!tpu.dma_semaphore, #tpu.memory_space<semaphore_mem>>)
      %dma_wait3A_82 = arith.constant 0 : i32
      %dma_wait3A_83 = tpu.memref_slice %arg8[%mul3A_0, %dma_wait3A_82] : memref<10240x64xf32, #tpu.memory_space<vmem_shared>> -> memref<640x64xf32, #tpu.memory_space<vmem_shared>>
      %dma_wait3A_84 = arith.constant 0 : i32
      %dma_wait3A_85 = tpu.memref_slice %arg5[%mul3A_0, %dma_wait3A_84] : memref<10240x64xf32, #tpu.memory_space<hbm>> -> memref<640x64xf32, #tpu.memory_space<hbm>>
      tpu.wait_dma2 semaphore(%run_scoped3A_77 : memref<!tpu.dma_semaphore, #tpu.memory_space<semaphore_mem>>) src(%dma_wait3A_85 : memref<640x64xf32, #tpu.memory_space<hbm>>) dst(%dma_wait3A_83 : memref<640x64xf32, #tpu.memory_space<vmem_shared>>)
      tpu.yield
    }) : () -> ()
    %barrier3A = arith.constant 0 : index
    tpu.barrier barrier_id(%barrier3A)
    %scan3A = arith.constant 0 : i32
    %scan3A_1 = arith.constant 9 : i32
    %scan3A_2 = arith.addi %scan3A, %scan3A_1 : i32
    %scan3A_3 = arith.constant 1 : i32
    scf.for %scan3A_77 = %scan3A to %scan3A_2 step %scan3A_3  : i32 {
      %mul3A_78 = arith.constant 1 : i32
      %mul3A_79 = arith.muli %scan3A_77, %mul3A_78 : i32
      %add3A_80 = arith.constant 0 : i32
      %add3A_81 = arith.addi %add3A_80, %mul3A_79 : i32
      %mul3A_82 = arith.constant 16 : i32
      %mul3A_83 = arith.muli %add3A_81, %mul3A_82 : i32
      "tpu.region"() ({
        %run_scoped3A_183 = tpu.sem_alloc : memref<!tpu.dma_semaphore, #tpu.memory_space<semaphore_mem>>
        %dma_start3A_184 = arith.constant 0 : i32
        %dma_start3A_185 = tpu.memref_slice %arg3[%arg1, %mul3A_83, %dma_start3A_184] : memref<16x160x128xi32, #tpu.memory_space<hbm>> -> memref<1x16x128xi32, #tpu.memory_space<hbm>>
        %dma_start3A_186 = tpu.memref_squeeze %dma_start3A_185 : memref<1x16x128xi32, #tpu.memory_space<hbm>> -> memref<16x128xi32, #tpu.memory_space<hbm>>
        %dma_start3A_187 = arith.constant 0 : i32
        %dma_start3A_188 = tpu.memref_slice %arg3[%arg1, %mul3A_83, %dma_start3A_187] : memref<16x160x128xi32, #tpu.memory_space<hbm>> -> memref<1x16x128xi32, #tpu.memory_space<hbm>>
        %dma_start3A_189 = tpu.memref_squeeze %dma_start3A_188 : memref<1x16x128xi32, #tpu.memory_space<hbm>> -> memref<16x128xi32, #tpu.memory_space<hbm>>
        tpu.enqueue_dma source(%dma_start3A_189 : memref<16x128xi32, #tpu.memory_space<hbm>>) target(%arg9 : memref<16x128xi32, #tpu.memory_space<vmem>>) target_semaphore(%run_scoped3A_183 : memref<!tpu.dma_semaphore, #tpu.memory_space<semaphore_mem>>)
        %dma_wait3A_190 = arith.constant 0 : i32
        %dma_wait3A_191 = tpu.memref_slice %arg3[%arg1, %mul3A_83, %dma_wait3A_190] : memref<16x160x128xi32, #tpu.memory_space<hbm>> -> memref<1x16x128xi32, #tpu.memory_space<hbm>>
        %dma_wait3A_192 = tpu.memref_squeeze %dma_wait3A_191 : memref<1x16x128xi32, #tpu.memory_space<hbm>> -> memref<16x128xi32, #tpu.memory_space<hbm>>
        %dma_wait3A_193 = arith.constant 0 : i32
        %dma_wait3A_194 = tpu.memref_slice %arg3[%arg1, %mul3A_83, %dma_wait3A_193] : memref<16x160x128xi32, #tpu.memory_space<hbm>> -> memref<1x16x128xi32, #tpu.memory_space<hbm>>
        %dma_wait3A_195 = tpu.memref_squeeze %dma_wait3A_194 : memref<1x16x128xi32, #tpu.memory_space<hbm>> -> memref<16x128xi32, #tpu.memory_space<hbm>>
        tpu.wait_dma2 semaphore(%run_scoped3A_183 : memref<!tpu.dma_semaphore, #tpu.memory_space<semaphore_mem>>) src(%dma_wait3A_195 : memref<16x128xi32, #tpu.memory_space<hbm>>) dst(%arg9 : memref<16x128xi32, #tpu.memory_space<vmem>>)
        tpu.yield
      }) : () -> ()
      %mul3A_84 = arith.constant 16 : i32
      %mul3A_85 = arith.muli %add3A_81, %mul3A_84 : i32
      "tpu.region"() ({
        %run_scoped3A_183 = tpu.sem_alloc : memref<!tpu.dma_semaphore, #tpu.memory_space<semaphore_mem>>
        %dma_start3A_184 = arith.constant 0 : i32
        %dma_start3A_185 = tpu.memref_slice %arg4[%arg1, %mul3A_85, %dma_start3A_184] : memref<16x160x128xi32, #tpu.memory_space<hbm>> -> memref<1x16x128xi32, #tpu.memory_space<hbm>>
        %dma_start3A_186 = tpu.memref_squeeze %dma_start3A_185 : memref<1x16x128xi32, #tpu.memory_space<hbm>> -> memref<16x128xi32, #tpu.memory_space<hbm>>
        %dma_start3A_187 = arith.constant 0 : i32
        %dma_start3A_188 = tpu.memref_slice %arg4[%arg1, %mul3A_85, %dma_start3A_187] : memref<16x160x128xi32, #tpu.memory_space<hbm>> -> memref<1x16x128xi32, #tpu.memory_space<hbm>>
        %dma_start3A_189 = tpu.memref_squeeze %dma_start3A_188 : memref<1x16x128xi32, #tpu.memory_space<hbm>> -> memref<16x128xi32, #tpu.memory_space<hbm>>
        tpu.enqueue_dma source(%dma_start3A_189 : memref<16x128xi32, #tpu.memory_space<hbm>>) target(%arg10 : memref<16x128xi32, #tpu.memory_space<vmem>>) target_semaphore(%run_scoped3A_183 : memref<!tpu.dma_semaphore, #tpu.memory_space<semaphore_mem>>)
        %dma_wait3A_190 = arith.constant 0 : i32
        %dma_wait3A_191 = tpu.memref_slice %arg4[%arg1, %mul3A_85, %dma_wait3A_190] : memref<16x160x128xi32, #tpu.memory_space<hbm>> -> memref<1x16x128xi32, #tpu.memory_space<hbm>>
        %dma_wait3A_192 = tpu.memref_squeeze %dma_wait3A_191 : memref<1x16x128xi32, #tpu.memory_space<hbm>> -> memref<16x128xi32, #tpu.memory_space<hbm>>
        %dma_wait3A_193 = arith.constant 0 : i32
        %dma_wait3A_194 = tpu.memref_slice %arg4[%arg1, %mul3A_85, %dma_wait3A_193] : memref<16x160x128xi32, #tpu.memory_space<hbm>> -> memref<1x16x128xi32, #tpu.memory_space<hbm>>
        %dma_wait3A_195 = tpu.memref_squeeze %dma_wait3A_194 : memref<1x16x128xi32, #tpu.memory_space<hbm>> -> memref<16x128xi32, #tpu.memory_space<hbm>>
        tpu.wait_dma2 semaphore(%run_scoped3A_183 : memref<!tpu.dma_semaphore, #tpu.memory_space<semaphore_mem>>) src(%dma_wait3A_195 : memref<16x128xi32, #tpu.memory_space<hbm>>) dst(%arg10 : memref<16x128xi32, #tpu.memory_space<vmem>>)
        tpu.yield
      }) : () -> ()
      %dma_start3A_86 = arith.constant 0 : i32
      %dma_start3A_87 = arith.constant 0 : i32
      %dma_start3A_88 = tpu.memref_slice %arg9[%dma_start3A_86, %dma_start3A_87] : memref<16x128xi32, #tpu.memory_space<vmem>> -> memref<1x128xi32, #tpu.memory_space<vmem>>
      %dma_start3A_89 = tpu.memref_squeeze %dma_start3A_88 : memref<1x128xi32, #tpu.memory_space<vmem>> -> memref<128xi32, #tpu.memory_space<vmem>>
      %dma_start3A_90 = arith.constant 0 : i32
      %dma_start3A_91 = arith.constant 0 : i32
      %dma_start3A_92 = tpu.memref_slice %arg2[%arg0, %dma_start3A_90, %dma_start3A_91] : memref<2x10240x64xf32, #tpu.memory_space<hbm>> -> memref<1x10240x64xf32, #tpu.memory_space<hbm>>
      %dma_start3A_93 = tpu.memref_squeeze %dma_start3A_92 : memref<1x10240x64xf32, #tpu.memory_space<hbm>> -> memref<10240x64xf32, #tpu.memory_space<hbm>>
      %dma_start3A_94 = arith.constant 0 : i32
      %dma_start3A_95 = arith.constant 0 : i32
      %dma_start3A_96 = tpu.memref_slice %dma_start3A_93[%dma_start3A_94, %dma_start3A_95] : memref<10240x64xf32, #tpu.memory_space<hbm>> -> memref<10240x64xf32, #tpu.memory_space<hbm>>
      tpu.enqueue_indirect_dma source(%dma_start3A_96 : memref<10240x64xf32, #tpu.memory_space<hbm>>) target(%arg11 : memref<128x64xf32, #tpu.memory_space<vmem>>) offsets(%dma_start3A_89 : memref<128xi32, #tpu.memory_space<vmem>>) semaphore(%arg15 : memref<!tpu.dma_semaphore, #tpu.memory_space<semaphore_mem>>)
      %dma_start3A_97 = arith.constant 1 : i32
      %dma_start3A_98 = arith.constant 0 : i32
      %dma_start3A_99 = tpu.memref_slice %arg9[%dma_start3A_97, %dma_start3A_98] : memref<16x128xi32, #tpu.memory_space<vmem>> -> memref<1x128xi32, #tpu.memory_space<vmem>>
      %dma_start3A_100 = tpu.memref_squeeze %dma_start3A_99 : memref<1x128xi32, #tpu.memory_space<vmem>> -> memref<128xi32, #tpu.memory_space<vmem>>
      %dma_start3A_101 = arith.constant 0 : i32
      %dma_start3A_102 = arith.constant 0 : i32
      %dma_start3A_103 = tpu.memref_slice %arg2[%arg0, %dma_start3A_101, %dma_start3A_102] : memref<2x10240x64xf32, #tpu.memory_space<hbm>> -> memref<1x10240x64xf32, #tpu.memory_space<hbm>>
      %dma_start3A_104 = tpu.memref_squeeze %dma_start3A_103 : memref<1x10240x64xf32, #tpu.memory_space<hbm>> -> memref<10240x64xf32, #tpu.memory_space<hbm>>
      %dma_start3A_105 = arith.constant 0 : i32
      %dma_start3A_106 = arith.constant 0 : i32
      %dma_start3A_107 = tpu.memref_slice %dma_start3A_104[%dma_start3A_105, %dma_start3A_106] : memref<10240x64xf32, #tpu.memory_space<hbm>> -> memref<10240x64xf32, #tpu.memory_space<hbm>>
      tpu.enqueue_indirect_dma source(%dma_start3A_107 : memref<10240x64xf32, #tpu.memory_space<hbm>>) target(%arg12 : memref<128x64xf32, #tpu.memory_space<vmem>>) offsets(%dma_start3A_100 : memref<128xi32, #tpu.memory_space<vmem>>) semaphore(%arg16 : memref<!tpu.dma_semaphore, #tpu.memory_space<semaphore_mem>>)
      %dma_start3A_108 = arith.constant 2 : i32
      %dma_start3A_109 = arith.constant 0 : i32
      %dma_start3A_110 = tpu.memref_slice %arg9[%dma_start3A_108, %dma_start3A_109] : memref<16x128xi32, #tpu.memory_space<vmem>> -> memref<1x128xi32, #tpu.memory_space<vmem>>
      %dma_start3A_111 = tpu.memref_squeeze %dma_start3A_110 : memref<1x128xi32, #tpu.memory_space<vmem>> -> memref<128xi32, #tpu.memory_space<vmem>>
      %dma_start3A_112 = arith.constant 0 : i32
      %dma_start3A_113 = arith.constant 0 : i32
      %dma_start3A_114 = tpu.memref_slice %arg2[%arg0, %dma_start3A_112, %dma_start3A_113] : memref<2x10240x64xf32, #tpu.memory_space<hbm>> -> memref<1x10240x64xf32, #tpu.memory_space<hbm>>
      %dma_start3A_115 = tpu.memref_squeeze %dma_start3A_114 : memref<1x10240x64xf32, #tpu.memory_space<hbm>> -> memref<10240x64xf32, #tpu.memory_space<hbm>>
      %dma_start3A_116 = arith.constant 0 : i32
      %dma_start3A_117 = arith.constant 0 : i32
      %dma_start3A_118 = tpu.memref_slice %dma_start3A_115[%dma_start3A_116, %dma_start3A_117] : memref<10240x64xf32, #tpu.memory_space<hbm>> -> memref<10240x64xf32, #tpu.memory_space<hbm>>
      tpu.enqueue_indirect_dma source(%dma_start3A_118 : memref<10240x64xf32, #tpu.memory_space<hbm>>) target(%arg13 : memref<128x64xf32, #tpu.memory_space<vmem>>) offsets(%dma_start3A_111 : memref<128xi32, #tpu.memory_space<vmem>>) semaphore(%arg17 : memref<!tpu.dma_semaphore, #tpu.memory_space<semaphore_mem>>)
      %dma_start3A_119 = arith.constant 3 : i32
      %dma_start3A_120 = arith.constant 0 : i32
      %dma_start3A_121 = tpu.memref_slice %arg9[%dma_start3A_119, %dma_start3A_120] : memref<16x128xi32, #tpu.memory_space<vmem>> -> memref<1x128xi32, #tpu.memory_space<vmem>>
      %dma_start3A_122 = tpu.memref_squeeze %dma_start3A_121 : memref<1x128xi32, #tpu.memory_space<vmem>> -> memref<128xi32, #tpu.memory_space<vmem>>
      %dma_start3A_123 = arith.constant 0 : i32
      %dma_start3A_124 = arith.constant 0 : i32
      %dma_start3A_125 = tpu.memref_slice %arg2[%arg0, %dma_start3A_123, %dma_start3A_124] : memref<2x10240x64xf32, #tpu.memory_space<hbm>> -> memref<1x10240x64xf32, #tpu.memory_space<hbm>>
      %dma_start3A_126 = tpu.memref_squeeze %dma_start3A_125 : memref<1x10240x64xf32, #tpu.memory_space<hbm>> -> memref<10240x64xf32, #tpu.memory_space<hbm>>
      %dma_start3A_127 = arith.constant 0 : i32
      %dma_start3A_128 = arith.constant 0 : i32
      %dma_start3A_129 = tpu.memref_slice %dma_start3A_126[%dma_start3A_127, %dma_start3A_128] : memref<10240x64xf32, #tpu.memory_space<hbm>> -> memref<10240x64xf32, #tpu.memory_space<hbm>>
      tpu.enqueue_indirect_dma source(%dma_start3A_129 : memref<10240x64xf32, #tpu.memory_space<hbm>>) target(%arg14 : memref<128x64xf32, #tpu.memory_space<vmem>>) offsets(%dma_start3A_122 : memref<128xi32, #tpu.memory_space<vmem>>) semaphore(%arg18 : memref<!tpu.dma_semaphore, #tpu.memory_space<semaphore_mem>>)
      %scan3A_130 = arith.constant 0 : i32
      %scan3A_131 = arith.constant 3 : i32
      %scan3A_132 = arith.addi %scan3A_130, %scan3A_131 : i32
      %scan3A_133 = arith.constant 1 : i32
      scf.for %scan3A_183 = %scan3A_130 to %scan3A_132 step %scan3A_133  : i32 {
        %mul3A_184 = arith.constant 4 : i32
        %mul3A_185 = arith.muli %scan3A_183, %mul3A_184 : i32
        %add3A_186 = arith.constant 0 : i32
        %add3A_187 = arith.addi %add3A_186, %mul3A_185 : i32
        %add3A_188 = arith.constant 0 : i32
        %add3A_189 = arith.addi %add3A_187, %add3A_188 : i32
        %dma_wait3A_190 = arith.constant 0 : i32
        %dma_wait3A_191 = tpu.memref_slice %arg9[%add3A_189, %dma_wait3A_190] : memref<16x128xi32, #tpu.memory_space<vmem>> -> memref<1x128xi32, #tpu.memory_space<vmem>>
        %dma_wait3A_192 = tpu.memref_squeeze %dma_wait3A_191 : memref<1x128xi32, #tpu.memory_space<vmem>> -> memref<128xi32, #tpu.memory_space<vmem>>
        %dma_wait3A_193 = arith.constant 0 : i32
        %dma_wait3A_194 = arith.constant 0 : i32
        %dma_wait3A_195 = tpu.memref_slice %arg2[%arg0, %dma_wait3A_193, %dma_wait3A_194] : memref<2x10240x64xf32, #tpu.memory_space<hbm>> -> memref<1x10240x64xf32, #tpu.memory_space<hbm>>
        %dma_wait3A_196 = tpu.memref_squeeze %dma_wait3A_195 : memref<1x10240x64xf32, #tpu.memory_space<hbm>> -> memref<10240x64xf32, #tpu.memory_space<hbm>>
        %dma_wait3A_197 = arith.constant 0 : i32
        %dma_wait3A_198 = arith.constant 0 : i32
        %dma_wait3A_199 = tpu.memref_slice %dma_wait3A_196[%dma_wait3A_197, %dma_wait3A_198] : memref<10240x64xf32, #tpu.memory_space<hbm>> -> memref<10240x64xf32, #tpu.memory_space<hbm>>
        tpu.wait_indirect_dma semaphore(%arg15 : memref<!tpu.dma_semaphore, #tpu.memory_space<semaphore_mem>>) src(%dma_wait3A_199 : memref<10240x64xf32, #tpu.memory_space<hbm>>) dst(%arg11 : memref<128x64xf32, #tpu.memory_space<vmem>>)
        %add3A_200 = arith.constant 0 : i32
        %add3A_201 = arith.addi %add3A_187, %add3A_200 : i32
        "tpu.region"() ({
          %run_scoped3A_300 = tpu.sem_alloc : memref<!tpu.dma_semaphore, #tpu.memory_space<semaphore_mem>>
          %dma_start3A_301 = arith.constant 0 : i32
          %dma_start3A_302 = tpu.memref_slice %arg10[%add3A_201, %dma_start3A_301] : memref<16x128xi32, #tpu.memory_space<vmem>> -> memref<1x128xi32, #tpu.memory_space<vmem>>
          %dma_start3A_303 = tpu.memref_squeeze %dma_start3A_302 : memref<1x128xi32, #tpu.memory_space<vmem>> -> memref<128xi32, #tpu.memory_space<vmem>>
          %dma_start3A_304 = arith.constant 0 : i32
          %dma_start3A_305 = arith.constant 0 : i32
          %dma_start3A_306 = tpu.memref_slice %arg8[%dma_start3A_304, %dma_start3A_305] : memref<10240x64xf32, #tpu.memory_space<vmem_shared>> -> memref<10240x64xf32, #tpu.memory_space<vmem_shared>>
          tpu.enqueue_indirect_dma source(%arg11 : memref<128x64xf32, #tpu.memory_space<vmem>>) target(%dma_start3A_306 : memref<10240x64xf32, #tpu.memory_space<vmem_shared>>) offsets(%dma_start3A_303 : memref<128xi32, #tpu.memory_space<vmem>>) semaphore(%run_scoped3A_300 : memref<!tpu.dma_semaphore, #tpu.memory_space<semaphore_mem>>) {add = true}
          %dma_wait3A_307 = arith.constant 0 : i32
          %dma_wait3A_308 = tpu.memref_slice %arg10[%add3A_201, %dma_wait3A_307] : memref<16x128xi32, #tpu.memory_space<vmem>> -> memref<1x128xi32, #tpu.memory_space<vmem>>
          %dma_wait3A_309 = tpu.memref_squeeze %dma_wait3A_308 : memref<1x128xi32, #tpu.memory_space<vmem>> -> memref<128xi32, #tpu.memory_space<vmem>>
          %dma_wait3A_310 = arith.constant 0 : i32
          %dma_wait3A_311 = arith.constant 0 : i32
          %dma_wait3A_312 = tpu.memref_slice %arg8[%dma_wait3A_310, %dma_wait3A_311] : memref<10240x64xf32, #tpu.memory_space<vmem_shared>> -> memref<10240x64xf32, #tpu.memory_space<vmem_shared>>
          tpu.wait_indirect_dma semaphore(%run_scoped3A_300 : memref<!tpu.dma_semaphore, #tpu.memory_space<semaphore_mem>>) src(%arg11 : memref<128x64xf32, #tpu.memory_space<vmem>>) dst(%dma_wait3A_312 : memref<10240x64xf32, #tpu.memory_space<vmem_shared>>)
          tpu.yield
        }) : () -> ()
        %add3A_202 = arith.constant 0 : i32
        %add3A_203 = arith.addi %add3A_187, %add3A_202 : i32
        %add3A_204 = arith.constant 4 : i32
        %add3A_205 = arith.addi %add3A_203, %add3A_204 : i32
        %dma_start3A_206 = arith.constant 0 : i32
        %dma_start3A_207 = tpu.memref_slice %arg9[%add3A_205, %dma_start3A_206] : memref<16x128xi32, #tpu.memory_space<vmem>> -> memref<1x128xi32, #tpu.memory_space<vmem>>
        %dma_start3A_208 = tpu.memref_squeeze %dma_start3A_207 : memref<1x128xi32, #tpu.memory_space<vmem>> -> memref<128xi32, #tpu.memory_space<vmem>>
        %dma_start3A_209 = arith.constant 0 : i32
        %dma_start3A_210 = arith.constant 0 : i32
        %dma_start3A_211 = tpu.memref_slice %arg2[%arg0, %dma_start3A_209, %dma_start3A_210] : memref<2x10240x64xf32, #tpu.memory_space<hbm>> -> memref<1x10240x64xf32, #tpu.memory_space<hbm>>
        %dma_start3A_212 = tpu.memref_squeeze %dma_start3A_211 : memref<1x10240x64xf32, #tpu.memory_space<hbm>> -> memref<10240x64xf32, #tpu.memory_space<hbm>>
        %dma_start3A_213 = arith.constant 0 : i32
        %dma_start3A_214 = arith.constant 0 : i32
        %dma_start3A_215 = tpu.memref_slice %dma_start3A_212[%dma_start3A_213, %dma_start3A_214] : memref<10240x64xf32, #tpu.memory_space<hbm>> -> memref<10240x64xf32, #tpu.memory_space<hbm>>
        tpu.enqueue_indirect_dma source(%dma_start3A_215 : memref<10240x64xf32, #tpu.memory_space<hbm>>) target(%arg11 : memref<128x64xf32, #tpu.memory_space<vmem>>) offsets(%dma_start3A_208 : memref<128xi32, #tpu.memory_space<vmem>>) semaphore(%arg15 : memref<!tpu.dma_semaphore, #tpu.memory_space<semaphore_mem>>)
        %add3A_216 = arith.constant 1 : i32
        %add3A_217 = arith.addi %add3A_187, %add3A_216 : i32
        %dma_wait3A_218 = arith.constant 0 : i32
        %dma_wait3A_219 = tpu.memref_slice %arg9[%add3A_217, %dma_wait3A_218] : memref<16x128xi32, #tpu.memory_space<vmem>> -> memref<1x128xi32, #tpu.memory_space<vmem>>
        %dma_wait3A_220 = tpu.memref_squeeze %dma_wait3A_219 : memref<1x128xi32, #tpu.memory_space<vmem>> -> memref<128xi32, #tpu.memory_space<vmem>>
        %dma_wait3A_221 = arith.constant 0 : i32
        %dma_wait3A_222 = arith.constant 0 : i32
        %dma_wait3A_223 = tpu.memref_slice %arg2[%arg0, %dma_wait3A_221, %dma_wait3A_222] : memref<2x10240x64xf32, #tpu.memory_space<hbm>> -> memref<1x10240x64xf32, #tpu.memory_space<hbm>>
        %dma_wait3A_224 = tpu.memref_squeeze %dma_wait3A_223 : memref<1x10240x64xf32, #tpu.memory_space<hbm>> -> memref<10240x64xf32, #tpu.memory_space<hbm>>
        %dma_wait3A_225 = arith.constant 0 : i32
        %dma_wait3A_226 = arith.constant 0 : i32
        %dma_wait3A_227 = tpu.memref_slice %dma_wait3A_224[%dma_wait3A_225, %dma_wait3A_226] : memref<10240x64xf32, #tpu.memory_space<hbm>> -> memref<10240x64xf32, #tpu.memory_space<hbm>>
        tpu.wait_indirect_dma semaphore(%arg16 : memref<!tpu.dma_semaphore, #tpu.memory_space<semaphore_mem>>) src(%dma_wait3A_227 : memref<10240x64xf32, #tpu.memory_space<hbm>>) dst(%arg12 : memref<128x64xf32, #tpu.memory_space<vmem>>)
        %add3A_228 = arith.constant 1 : i32
        %add3A_229 = arith.addi %add3A_187, %add3A_228 : i32
        "tpu.region"() ({
          %run_scoped3A_300 = tpu.sem_alloc : memref<!tpu.dma_semaphore, #tpu.memory_space<semaphore_mem>>
          %dma_start3A_301 = arith.constant 0 : i32
          %dma_start3A_302 = tpu.memref_slice %arg10[%add3A_229, %dma_start3A_301] : memref<16x128xi32, #tpu.memory_space<vmem>> -> memref<1x128xi32, #tpu.memory_space<vmem>>
          %dma_start3A_303 = tpu.memref_squeeze %dma_start3A_302 : memref<1x128xi32, #tpu.memory_space<vmem>> -> memref<128xi32, #tpu.memory_space<vmem>>
          %dma_start3A_304 = arith.constant 0 : i32
          %dma_start3A_305 = arith.constant 0 : i32
          %dma_start3A_306 = tpu.memref_slice %arg8[%dma_start3A_304, %dma_start3A_305] : memref<10240x64xf32, #tpu.memory_space<vmem_shared>> -> memref<10240x64xf32, #tpu.memory_space<vmem_shared>>
          tpu.enqueue_indirect_dma source(%arg12 : memref<128x64xf32, #tpu.memory_space<vmem>>) target(%dma_start3A_306 : memref<10240x64xf32, #tpu.memory_space<vmem_shared>>) offsets(%dma_start3A_303 : memref<128xi32, #tpu.memory_space<vmem>>) semaphore(%run_scoped3A_300 : memref<!tpu.dma_semaphore, #tpu.memory_space<semaphore_mem>>) {add = true}
          %dma_wait3A_307 = arith.constant 0 : i32
          %dma_wait3A_308 = tpu.memref_slice %arg10[%add3A_229, %dma_wait3A_307] : memref<16x128xi32, #tpu.memory_space<vmem>> -> memref<1x128xi32, #tpu.memory_space<vmem>>
          %dma_wait3A_309 = tpu.memref_squeeze %dma_wait3A_308 : memref<1x128xi32, #tpu.memory_space<vmem>> -> memref<128xi32, #tpu.memory_space<vmem>>
          %dma_wait3A_310 = arith.constant 0 : i32
          %dma_wait3A_311 = arith.constant 0 : i32
          %dma_wait3A_312 = tpu.memref_slice %arg8[%dma_wait3A_310, %dma_wait3A_311] : memref<10240x64xf32, #tpu.memory_space<vmem_shared>> -> memref<10240x64xf32, #tpu.memory_space<vmem_shared>>
          tpu.wait_indirect_dma semaphore(%run_scoped3A_300 : memref<!tpu.dma_semaphore, #tpu.memory_space<semaphore_mem>>) src(%arg12 : memref<128x64xf32, #tpu.memory_space<vmem>>) dst(%dma_wait3A_312 : memref<10240x64xf32, #tpu.memory_space<vmem_shared>>)
          tpu.yield
        }) : () -> ()
        %add3A_230 = arith.constant 1 : i32
        %add3A_231 = arith.addi %add3A_187, %add3A_230 : i32
        %add3A_232 = arith.constant 4 : i32
        %add3A_233 = arith.addi %add3A_231, %add3A_232 : i32
        %dma_start3A_234 = arith.constant 0 : i32
        %dma_start3A_235 = tpu.memref_slice %arg9[%add3A_233, %dma_start3A_234] : memref<16x128xi32, #tpu.memory_space<vmem>> -> memref<1x128xi32, #tpu.memory_space<vmem>>
        %dma_start3A_236 = tpu.memref_squeeze %dma_start3A_235 : memref<1x128xi32, #tpu.memory_space<vmem>> -> memref<128xi32, #tpu.memory_space<vmem>>
        %dma_start3A_237 = arith.constant 0 : i32
        %dma_start3A_238 = arith.constant 0 : i32
        %dma_start3A_239 = tpu.memref_slice %arg2[%arg0, %dma_start3A_237, %dma_start3A_238] : memref<2x10240x64xf32, #tpu.memory_space<hbm>> -> memref<1x10240x64xf32, #tpu.memory_space<hbm>>
        %dma_start3A_240 = tpu.memref_squeeze %dma_start3A_239 : memref<1x10240x64xf32, #tpu.memory_space<hbm>> -> memref<10240x64xf32, #tpu.memory_space<hbm>>
        %dma_start3A_241 = arith.constant 0 : i32
        %dma_start3A_242 = arith.constant 0 : i32
        %dma_start3A_243 = tpu.memref_slice %dma_start3A_240[%dma_start3A_241, %dma_start3A_242] : memref<10240x64xf32, #tpu.memory_space<hbm>> -> memref<10240x64xf32, #tpu.memory_space<hbm>>
        tpu.enqueue_indirect_dma source(%dma_start3A_243 : memref<10240x64xf32, #tpu.memory_space<hbm>>) target(%arg12 : memref<128x64xf32, #tpu.memory_space<vmem>>) offsets(%dma_start3A_236 : memref<128xi32, #tpu.memory_space<vmem>>) semaphore(%arg16 : memref<!tpu.dma_semaphore, #tpu.memory_space<semaphore_mem>>)
        %add3A_244 = arith.constant 2 : i32
        %add3A_245 = arith.addi %add3A_187, %add3A_244 : i32
        %dma_wait3A_246 = arith.constant 0 : i32
        %dma_wait3A_247 = tpu.memref_slice %arg9[%add3A_245, %dma_wait3A_246] : memref<16x128xi32, #tpu.memory_space<vmem>> -> memref<1x128xi32, #tpu.memory_space<vmem>>
        %dma_wait3A_248 = tpu.memref_squeeze %dma_wait3A_247 : memref<1x128xi32, #tpu.memory_space<vmem>> -> memref<128xi32, #tpu.memory_space<vmem>>
        %dma_wait3A_249 = arith.constant 0 : i32
        %dma_wait3A_250 = arith.constant 0 : i32
        %dma_wait3A_251 = tpu.memref_slice %arg2[%arg0, %dma_wait3A_249, %dma_wait3A_250] : memref<2x10240x64xf32, #tpu.memory_space<hbm>> -> memref<1x10240x64xf32, #tpu.memory_space<hbm>>
        %dma_wait3A_252 = tpu.memref_squeeze %dma_wait3A_251 : memref<1x10240x64xf32, #tpu.memory_space<hbm>> -> memref<10240x64xf32, #tpu.memory_space<hbm>>
        %dma_wait3A_253 = arith.constant 0 : i32
        %dma_wait3A_254 = arith.constant 0 : i32
        %dma_wait3A_255 = tpu.memref_slice %dma_wait3A_252[%dma_wait3A_253, %dma_wait3A_254] : memref<10240x64xf32, #tpu.memory_space<hbm>> -> memref<10240x64xf32, #tpu.memory_space<hbm>>
        tpu.wait_indirect_dma semaphore(%arg17 : memref<!tpu.dma_semaphore, #tpu.memory_space<semaphore_mem>>) src(%dma_wait3A_255 : memref<10240x64xf32, #tpu.memory_space<hbm>>) dst(%arg13 : memref<128x64xf32, #tpu.memory_space<vmem>>)
        %add3A_256 = arith.constant 2 : i32
        %add3A_257 = arith.addi %add3A_187, %add3A_256 : i32
        "tpu.region"() ({
          %run_scoped3A_300 = tpu.sem_alloc : memref<!tpu.dma_semaphore, #tpu.memory_space<semaphore_mem>>
          %dma_start3A_301 = arith.constant 0 : i32
          %dma_start3A_302 = tpu.memref_slice %arg10[%add3A_257, %dma_start3A_301] : memref<16x128xi32, #tpu.memory_space<vmem>> -> memref<1x128xi32, #tpu.memory_space<vmem>>
          %dma_start3A_303 = tpu.memref_squeeze %dma_start3A_302 : memref<1x128xi32, #tpu.memory_space<vmem>> -> memref<128xi32, #tpu.memory_space<vmem>>
          %dma_start3A_304 = arith.constant 0 : i32
          %dma_start3A_305 = arith.constant 0 : i32
          %dma_start3A_306 = tpu.memref_slice %arg8[%dma_start3A_304, %dma_start3A_305] : memref<10240x64xf32, #tpu.memory_space<vmem_shared>> -> memref<10240x64xf32, #tpu.memory_space<vmem_shared>>
          tpu.enqueue_indirect_dma source(%arg13 : memref<128x64xf32, #tpu.memory_space<vmem>>) target(%dma_start3A_306 : memref<10240x64xf32, #tpu.memory_space<vmem_shared>>) offsets(%dma_start3A_303 : memref<128xi32, #tpu.memory_space<vmem>>) semaphore(%run_scoped3A_300 : memref<!tpu.dma_semaphore, #tpu.memory_space<semaphore_mem>>) {add = true}
          %dma_wait3A_307 = arith.constant 0 : i32
          %dma_wait3A_308 = tpu.memref_slice %arg10[%add3A_257, %dma_wait3A_307] : memref<16x128xi32, #tpu.memory_space<vmem>> -> memref<1x128xi32, #tpu.memory_space<vmem>>
          %dma_wait3A_309 = tpu.memref_squeeze %dma_wait3A_308 : memref<1x128xi32, #tpu.memory_space<vmem>> -> memref<128xi32, #tpu.memory_space<vmem>>
          %dma_wait3A_310 = arith.constant 0 : i32
          %dma_wait3A_311 = arith.constant 0 : i32
          %dma_wait3A_312 = tpu.memref_slice %arg8[%dma_wait3A_310, %dma_wait3A_311] : memref<10240x64xf32, #tpu.memory_space<vmem_shared>> -> memref<10240x64xf32, #tpu.memory_space<vmem_shared>>
          tpu.wait_indirect_dma semaphore(%run_scoped3A_300 : memref<!tpu.dma_semaphore, #tpu.memory_space<semaphore_mem>>) src(%arg13 : memref<128x64xf32, #tpu.memory_space<vmem>>) dst(%dma_wait3A_312 : memref<10240x64xf32, #tpu.memory_space<vmem_shared>>)
          tpu.yield
        }) : () -> ()
        %add3A_258 = arith.constant 2 : i32
        %add3A_259 = arith.addi %add3A_187, %add3A_258 : i32
        %add3A_260 = arith.constant 4 : i32
        %add3A_261 = arith.addi %add3A_259, %add3A_260 : i32
        %dma_start3A_262 = arith.constant 0 : i32
        %dma_start3A_263 = tpu.memref_slice %arg9[%add3A_261, %dma_start3A_262] : memref<16x128xi32, #tpu.memory_space<vmem>> -> memref<1x128xi32, #tpu.memory_space<vmem>>
        %dma_start3A_264 = tpu.memref_squeeze %dma_start3A_263 : memref<1x128xi32, #tpu.memory_space<vmem>> -> memref<128xi32, #tpu.memory_space<vmem>>
        %dma_start3A_265 = arith.constant 0 : i32
        %dma_start3A_266 = arith.constant 0 : i32
        %dma_start3A_267 = tpu.memref_slice %arg2[%arg0, %dma_start3A_265, %dma_start3A_266] : memref<2x10240x64xf32, #tpu.memory_space<hbm>> -> memref<1x10240x64xf32, #tpu.memory_space<hbm>>
        %dma_start3A_268 = tpu.memref_squeeze %dma_start3A_267 : memref<1x10240x64xf32, #tpu.memory_space<hbm>> -> memref<10240x64xf32, #tpu.memory_space<hbm>>
        %dma_start3A_269 = arith.constant 0 : i32
        %dma_start3A_270 = arith.constant 0 : i32
        %dma_start3A_271 = tpu.memref_slice %dma_start3A_268[%dma_start3A_269, %dma_start3A_270] : memref<10240x64xf32, #tpu.memory_space<hbm>> -> memref<10240x64xf32, #tpu.memory_space<hbm>>
        tpu.enqueue_indirect_dma source(%dma_start3A_271 : memref<10240x64xf32, #tpu.memory_space<hbm>>) target(%arg13 : memref<128x64xf32, #tpu.memory_space<vmem>>) offsets(%dma_start3A_264 : memref<128xi32, #tpu.memory_space<vmem>>) semaphore(%arg17 : memref<!tpu.dma_semaphore, #tpu.memory_space<semaphore_mem>>)
        %add3A_272 = arith.constant 3 : i32
        %add3A_273 = arith.addi %add3A_187, %add3A_272 : i32
        %dma_wait3A_274 = arith.constant 0 : i32
        %dma_wait3A_275 = tpu.memref_slice %arg9[%add3A_273, %dma_wait3A_274] : memref<16x128xi32, #tpu.memory_space<vmem>> -> memref<1x128xi32, #tpu.memory_space<vmem>>
        %dma_wait3A_276 = tpu.memref_squeeze %dma_wait3A_275 : memref<1x128xi32, #tpu.memory_space<vmem>> -> memref<128xi32, #tpu.memory_space<vmem>>
        %dma_wait3A_277 = arith.constant 0 : i32
        %dma_wait3A_278 = arith.constant 0 : i32
        %dma_wait3A_279 = tpu.memref_slice %arg2[%arg0, %dma_wait3A_277, %dma_wait3A_278] : memref<2x10240x64xf32, #tpu.memory_space<hbm>> -> memref<1x10240x64xf32, #tpu.memory_space<hbm>>
        %dma_wait3A_280 = tpu.memref_squeeze %dma_wait3A_279 : memref<1x10240x64xf32, #tpu.memory_space<hbm>> -> memref<10240x64xf32, #tpu.memory_space<hbm>>
        %dma_wait3A_281 = arith.constant 0 : i32
        %dma_wait3A_282 = arith.constant 0 : i32
        %dma_wait3A_283 = tpu.memref_slice %dma_wait3A_280[%dma_wait3A_281, %dma_wait3A_282] : memref<10240x64xf32, #tpu.memory_space<hbm>> -> memref<10240x64xf32, #tpu.memory_space<hbm>>
        tpu.wait_indirect_dma semaphore(%arg18 : memref<!tpu.dma_semaphore, #tpu.memory_space<semaphore_mem>>) src(%dma_wait3A_283 : memref<10240x64xf32, #tpu.memory_space<hbm>>) dst(%arg14 : memref<128x64xf32, #tpu.memory_space<vmem>>)
        %add3A_284 = arith.constant 3 : i32
        %add3A_285 = arith.addi %add3A_187, %add3A_284 : i32
        "tpu.region"() ({
          %run_scoped3A_300 = tpu.sem_alloc : memref<!tpu.dma_semaphore, #tpu.memory_space<semaphore_mem>>
          %dma_start3A_301 = arith.constant 0 : i32
          %dma_start3A_302 = tpu.memref_slice %arg10[%add3A_285, %dma_start3A_301] : memref<16x128xi32, #tpu.memory_space<vmem>> -> memref<1x128xi32, #tpu.memory_space<vmem>>
          %dma_start3A_303 = tpu.memref_squeeze %dma_start3A_302 : memref<1x128xi32, #tpu.memory_space<vmem>> -> memref<128xi32, #tpu.memory_space<vmem>>
          %dma_start3A_304 = arith.constant 0 : i32
          %dma_start3A_305 = arith.constant 0 : i32
          %dma_start3A_306 = tpu.memref_slice %arg8[%dma_start3A_304, %dma_start3A_305] : memref<10240x64xf32, #tpu.memory_space<vmem_shared>> -> memref<10240x64xf32, #tpu.memory_space<vmem_shared>>
          tpu.enqueue_indirect_dma source(%arg14 : memref<128x64xf32, #tpu.memory_space<vmem>>) target(%dma_start3A_306 : memref<10240x64xf32, #tpu.memory_space<vmem_shared>>) offsets(%dma_start3A_303 : memref<128xi32, #tpu.memory_space<vmem>>) semaphore(%run_scoped3A_300 : memref<!tpu.dma_semaphore, #tpu.memory_space<semaphore_mem>>) {add = true}
          %dma_wait3A_307 = arith.constant 0 : i32
          %dma_wait3A_308 = tpu.memref_slice %arg10[%add3A_285, %dma_wait3A_307] : memref<16x128xi32, #tpu.memory_space<vmem>> -> memref<1x128xi32, #tpu.memory_space<vmem>>
          %dma_wait3A_309 = tpu.memref_squeeze %dma_wait3A_308 : memref<1x128xi32, #tpu.memory_space<vmem>> -> memref<128xi32, #tpu.memory_space<vmem>>
          %dma_wait3A_310 = arith.constant 0 : i32
          %dma_wait3A_311 = arith.constant 0 : i32
          %dma_wait3A_312 = tpu.memref_slice %arg8[%dma_wait3A_310, %dma_wait3A_311] : memref<10240x64xf32, #tpu.memory_space<vmem_shared>> -> memref<10240x64xf32, #tpu.memory_space<vmem_shared>>
          tpu.wait_indirect_dma semaphore(%run_scoped3A_300 : memref<!tpu.dma_semaphore, #tpu.memory_space<semaphore_mem>>) src(%arg14 : memref<128x64xf32, #tpu.memory_space<vmem>>) dst(%dma_wait3A_312 : memref<10240x64xf32, #tpu.memory_space<vmem_shared>>)
          tpu.yield
        }) : () -> ()
        %add3A_286 = arith.constant 3 : i32
        %add3A_287 = arith.addi %add3A_187, %add3A_286 : i32
        %add3A_288 = arith.constant 4 : i32
        %add3A_289 = arith.addi %add3A_287, %add3A_288 : i32
        %dma_start3A_290 = arith.constant 0 : i32
        %dma_start3A_291 = tpu.memref_slice %arg9[%add3A_289, %dma_start3A_290] : memref<16x128xi32, #tpu.memory_space<vmem>> -> memref<1x128xi32, #tpu.memory_space<vmem>>
        %dma_start3A_292 = tpu.memref_squeeze %dma_start3A_291 : memref<1x128xi32, #tpu.memory_space<vmem>> -> memref<128xi32, #tpu.memory_space<vmem>>
        %dma_start3A_293 = arith.constant 0 : i32
        %dma_start3A_294 = arith.constant 0 : i32
        %dma_start3A_295 = tpu.memref_slice %arg2[%arg0, %dma_start3A_293, %dma_start3A_294] : memref<2x10240x64xf32, #tpu.memory_space<hbm>> -> memref<1x10240x64xf32, #tpu.memory_space<hbm>>
        %dma_start3A_296 = tpu.memref_squeeze %dma_start3A_295 : memref<1x10240x64xf32, #tpu.memory_space<hbm>> -> memref<10240x64xf32, #tpu.memory_space<hbm>>
        %dma_start3A_297 = arith.constant 0 : i32
        %dma_start3A_298 = arith.constant 0 : i32
        %dma_start3A_299 = tpu.memref_slice %dma_start3A_296[%dma_start3A_297, %dma_start3A_298] : memref<10240x64xf32, #tpu.memory_space<hbm>> -> memref<10240x64xf32, #tpu.memory_space<hbm>>
        tpu.enqueue_indirect_dma source(%dma_start3A_299 : memref<10240x64xf32, #tpu.memory_space<hbm>>) target(%arg14 : memref<128x64xf32, #tpu.memory_space<vmem>>) offsets(%dma_start3A_292 : memref<128xi32, #tpu.memory_space<vmem>>) semaphore(%arg18 : memref<!tpu.dma_semaphore, #tpu.memory_space<semaphore_mem>>)
      }
      %scan3A_134 = arith.constant 3 : i32
      %dma_wait3A_135 = arith.constant 12 : i32
      %dma_wait3A_136 = arith.constant 0 : i32
      %dma_wait3A_137 = tpu.memref_slice %arg9[%dma_wait3A_135, %dma_wait3A_136] : memref<16x128xi32, #tpu.memory_space<vmem>> -> memref<1x128xi32, #tpu.memory_space<vmem>>
      %dma_wait3A_138 = tpu.memref_squeeze %dma_wait3A_137 : memref<1x128xi32, #tpu.memory_space<vmem>> -> memref<128xi32, #tpu.memory_space<vmem>>
      %dma_wait3A_139 = arith.constant 0 : i32
      %dma_wait3A_140 = arith.constant 0 : i32
      %dma_wait3A_141 = tpu.memref_slice %arg2[%arg0, %dma_wait3A_139, %dma_wait3A_140] : memref<2x10240x64xf32, #tpu.memory_space<hbm>> -> memref<1x10240x64xf32, #tpu.memory_space<hbm>>
      %dma_wait3A_142 = tpu.memref_squeeze %dma_wait3A_141 : memref<1x10240x64xf32, #tpu.memory_space<hbm>> -> memref<10240x64xf32, #tpu.memory_space<hbm>>
      %dma_wait3A_143 = arith.constant 0 : i32
      %dma_wait3A_144 = arith.constant 0 : i32
      %dma_wait3A_145 = tpu.memref_slice %dma_wait3A_142[%dma_wait3A_143, %dma_wait3A_144] : memref<10240x64xf32, #tpu.memory_space<hbm>> -> memref<10240x64xf32, #tpu.memory_space<hbm>>
      tpu.wait_indirect_dma semaphore(%arg15 : memref<!tpu.dma_semaphore, #tpu.memory_space<semaphore_mem>>) src(%dma_wait3A_145 : memref<10240x64xf32, #tpu.memory_space<hbm>>) dst(%arg11 : memref<128x64xf32, #tpu.memory_space<vmem>>)
      %run_scoped3A_146 = arith.constant 12 : i32
      "tpu.region"() ({
        %run_scoped3A_183 = tpu.sem_alloc : memref<!tpu.dma_semaphore, #tpu.memory_space<semaphore_mem>>
        %dma_start3A_184 = arith.constant 0 : i32
        %dma_start3A_185 = tpu.memref_slice %arg10[%run_scoped3A_146, %dma_start3A_184] : memref<16x128xi32, #tpu.memory_space<vmem>> -> memref<1x128xi32, #tpu.memory_space<vmem>>
        %dma_start3A_186 = tpu.memref_squeeze %dma_start3A_185 : memref<1x128xi32, #tpu.memory_space<vmem>> -> memref<128xi32, #tpu.memory_space<vmem>>
        %dma_start3A_187 = arith.constant 0 : i32
        %dma_start3A_188 = arith.constant 0 : i32
        %dma_start3A_189 = tpu.memref_slice %arg8[%dma_start3A_187, %dma_start3A_188] : memref<10240x64xf32, #tpu.memory_space<vmem_shared>> -> memref<10240x64xf32, #tpu.memory_space<vmem_shared>>
        tpu.enqueue_indirect_dma source(%arg11 : memref<128x64xf32, #tpu.memory_space<vmem>>) target(%dma_start3A_189 : memref<10240x64xf32, #tpu.memory_space<vmem_shared>>) offsets(%dma_start3A_186 : memref<128xi32, #tpu.memory_space<vmem>>) semaphore(%run_scoped3A_183 : memref<!tpu.dma_semaphore, #tpu.memory_space<semaphore_mem>>) {add = true}
        %dma_wait3A_190 = arith.constant 0 : i32
        %dma_wait3A_191 = tpu.memref_slice %arg10[%run_scoped3A_146, %dma_wait3A_190] : memref<16x128xi32, #tpu.memory_space<vmem>> -> memref<1x128xi32, #tpu.memory_space<vmem>>
        %dma_wait3A_192 = tpu.memref_squeeze %dma_wait3A_191 : memref<1x128xi32, #tpu.memory_space<vmem>> -> memref<128xi32, #tpu.memory_space<vmem>>
        %dma_wait3A_193 = arith.constant 0 : i32
        %dma_wait3A_194 = arith.constant 0 : i32
        %dma_wait3A_195 = tpu.memref_slice %arg8[%dma_wait3A_193, %dma_wait3A_194] : memref<10240x64xf32, #tpu.memory_space<vmem_shared>> -> memref<10240x64xf32, #tpu.memory_space<vmem_shared>>
        tpu.wait_indirect_dma semaphore(%run_scoped3A_183 : memref<!tpu.dma_semaphore, #tpu.memory_space<semaphore_mem>>) src(%arg11 : memref<128x64xf32, #tpu.memory_space<vmem>>) dst(%dma_wait3A_195 : memref<10240x64xf32, #tpu.memory_space<vmem_shared>>)
        tpu.yield
      }) : () -> ()
      %dma_wait3A_147 = arith.constant 13 : i32
      %dma_wait3A_148 = arith.constant 0 : i32
      %dma_wait3A_149 = tpu.memref_slice %arg9[%dma_wait3A_147, %dma_wait3A_148] : memref<16x128xi32, #tpu.memory_space<vmem>> -> memref<1x128xi32, #tpu.memory_space<vmem>>
      %dma_wait3A_150 = tpu.memref_squeeze %dma_wait3A_149 : memref<1x128xi32, #tpu.memory_space<vmem>> -> memref<128xi32, #tpu.memory_space<vmem>>
      %dma_wait3A_151 = arith.constant 0 : i32
      %dma_wait3A_152 = arith.constant 0 : i32
      %dma_wait3A_153 = tpu.memref_slice %arg2[%arg0, %dma_wait3A_151, %dma_wait3A_152] : memref<2x10240x64xf32, #tpu.memory_space<hbm>> -> memref<1x10240x64xf32, #tpu.memory_space<hbm>>
      %dma_wait3A_154 = tpu.memref_squeeze %dma_wait3A_153 : memref<1x10240x64xf32, #tpu.memory_space<hbm>> -> memref<10240x64xf32, #tpu.memory_space<hbm>>
      %dma_wait3A_155 = arith.constant 0 : i32
      %dma_wait3A_156 = arith.constant 0 : i32
      %dma_wait3A_157 = tpu.memref_slice %dma_wait3A_154[%dma_wait3A_155, %dma_wait3A_156] : memref<10240x64xf32, #tpu.memory_space<hbm>> -> memref<10240x64xf32, #tpu.memory_space<hbm>>
      tpu.wait_indirect_dma semaphore(%arg16 : memref<!tpu.dma_semaphore, #tpu.memory_space<semaphore_mem>>) src(%dma_wait3A_157 : memref<10240x64xf32, #tpu.memory_space<hbm>>) dst(%arg12 : memref<128x64xf32, #tpu.memory_space<vmem>>)
      %run_scoped3A_158 = arith.constant 13 : i32
      "tpu.region"() ({
        %run_scoped3A_183 = tpu.sem_alloc : memref<!tpu.dma_semaphore, #tpu.memory_space<semaphore_mem>>
        %dma_start3A_184 = arith.constant 0 : i32
        %dma_start3A_185 = tpu.memref_slice %arg10[%run_scoped3A_158, %dma_start3A_184] : memref<16x128xi32, #tpu.memory_space<vmem>> -> memref<1x128xi32, #tpu.memory_space<vmem>>
        %dma_start3A_186 = tpu.memref_squeeze %dma_start3A_185 : memref<1x128xi32, #tpu.memory_space<vmem>> -> memref<128xi32, #tpu.memory_space<vmem>>
        %dma_start3A_187 = arith.constant 0 : i32
        %dma_start3A_188 = arith.constant 0 : i32
        %dma_start3A_189 = tpu.memref_slice %arg8[%dma_start3A_187, %dma_start3A_188] : memref<10240x64xf32, #tpu.memory_space<vmem_shared>> -> memref<10240x64xf32, #tpu.memory_space<vmem_shared>>
        tpu.enqueue_indirect_dma source(%arg12 : memref<128x64xf32, #tpu.memory_space<vmem>>) target(%dma_start3A_189 : memref<10240x64xf32, #tpu.memory_space<vmem_shared>>) offsets(%dma_start3A_186 : memref<128xi32, #tpu.memory_space<vmem>>) semaphore(%run_scoped3A_183 : memref<!tpu.dma_semaphore, #tpu.memory_space<semaphore_mem>>) {add = true}
        %dma_wait3A_190 = arith.constant 0 : i32
        %dma_wait3A_191 = tpu.memref_slice %arg10[%run_scoped3A_158, %dma_wait3A_190] : memref<16x128xi32, #tpu.memory_space<vmem>> -> memref<1x128xi32, #tpu.memory_space<vmem>>
        %dma_wait3A_192 = tpu.memref_squeeze %dma_wait3A_191 : memref<1x128xi32, #tpu.memory_space<vmem>> -> memref<128xi32, #tpu.memory_space<vmem>>
        %dma_wait3A_193 = arith.constant 0 : i32
        %dma_wait3A_194 = arith.constant 0 : i32
        %dma_wait3A_195 = tpu.memref_slice %arg8[%dma_wait3A_193, %dma_wait3A_194] : memref<10240x64xf32, #tpu.memory_space<vmem_shared>> -> memref<10240x64xf32, #tpu.memory_space<vmem_shared>>
        tpu.wait_indirect_dma semaphore(%run_scoped3A_183 : memref<!tpu.dma_semaphore, #tpu.memory_space<semaphore_mem>>) src(%arg12 : memref<128x64xf32, #tpu.memory_space<vmem>>) dst(%dma_wait3A_195 : memref<10240x64xf32, #tpu.memory_space<vmem_shared>>)
        tpu.yield
      }) : () -> ()
      %dma_wait3A_159 = arith.constant 14 : i32
      %dma_wait3A_160 = arith.constant 0 : i32
      %dma_wait3A_161 = tpu.memref_slice %arg9[%dma_wait3A_159, %dma_wait3A_160] : memref<16x128xi32, #tpu.memory_space<vmem>> -> memref<1x128xi32, #tpu.memory_space<vmem>>
      %dma_wait3A_162 = tpu.memref_squeeze %dma_wait3A_161 : memref<1x128xi32, #tpu.memory_space<vmem>> -> memref<128xi32, #tpu.memory_space<vmem>>
      %dma_wait3A_163 = arith.constant 0 : i32
      %dma_wait3A_164 = arith.constant 0 : i32
      %dma_wait3A_165 = tpu.memref_slice %arg2[%arg0, %dma_wait3A_163, %dma_wait3A_164] : memref<2x10240x64xf32, #tpu.memory_space<hbm>> -> memref<1x10240x64xf32, #tpu.memory_space<hbm>>
      %dma_wait3A_166 = tpu.memref_squeeze %dma_wait3A_165 : memref<1x10240x64xf32, #tpu.memory_space<hbm>> -> memref<10240x64xf32, #tpu.memory_space<hbm>>
      %dma_wait3A_167 = arith.constant 0 : i32
      %dma_wait3A_168 = arith.constant 0 : i32
      %dma_wait3A_169 = tpu.memref_slice %dma_wait3A_166[%dma_wait3A_167, %dma_wait3A_168] : memref<10240x64xf32, #tpu.memory_space<hbm>> -> memref<10240x64xf32, #tpu.memory_space<hbm>>
      tpu.wait_indirect_dma semaphore(%arg17 : memref<!tpu.dma_semaphore, #tpu.memory_space<semaphore_mem>>) src(%dma_wait3A_169 : memref<10240x64xf32, #tpu.memory_space<hbm>>) dst(%arg13 : memref<128x64xf32, #tpu.memory_space<vmem>>)
      %run_scoped3A_170 = arith.constant 14 : i32
      "tpu.region"() ({
        %run_scoped3A_183 = tpu.sem_alloc : memref<!tpu.dma_semaphore, #tpu.memory_space<semaphore_mem>>
        %dma_start3A_184 = arith.constant 0 : i32
        %dma_start3A_185 = tpu.memref_slice %arg10[%run_scoped3A_170, %dma_start3A_184] : memref<16x128xi32, #tpu.memory_space<vmem>> -> memref<1x128xi32, #tpu.memory_space<vmem>>
        %dma_start3A_186 = tpu.memref_squeeze %dma_start3A_185 : memref<1x128xi32, #tpu.memory_space<vmem>> -> memref<128xi32, #tpu.memory_space<vmem>>
        %dma_start3A_187 = arith.constant 0 : i32
        %dma_start3A_188 = arith.constant 0 : i32
        %dma_start3A_189 = tpu.memref_slice %arg8[%dma_start3A_187, %dma_start3A_188] : memref<10240x64xf32, #tpu.memory_space<vmem_shared>> -> memref<10240x64xf32, #tpu.memory_space<vmem_shared>>
        tpu.enqueue_indirect_dma source(%arg13 : memref<128x64xf32, #tpu.memory_space<vmem>>) target(%dma_start3A_189 : memref<10240x64xf32, #tpu.memory_space<vmem_shared>>) offsets(%dma_start3A_186 : memref<128xi32, #tpu.memory_space<vmem>>) semaphore(%run_scoped3A_183 : memref<!tpu.dma_semaphore, #tpu.memory_space<semaphore_mem>>) {add = true}
        %dma_wait3A_190 = arith.constant 0 : i32
        %dma_wait3A_191 = tpu.memref_slice %arg10[%run_scoped3A_170, %dma_wait3A_190] : memref<16x128xi32, #tpu.memory_space<vmem>> -> memref<1x128xi32, #tpu.memory_space<vmem>>
        %dma_wait3A_192 = tpu.memref_squeeze %dma_wait3A_191 : memref<1x128xi32, #tpu.memory_space<vmem>> -> memref<128xi32, #tpu.memory_space<vmem>>
        %dma_wait3A_193 = arith.constant 0 : i32
        %dma_wait3A_194 = arith.constant 0 : i32
        %dma_wait3A_195 = tpu.memref_slice %arg8[%dma_wait3A_193, %dma_wait3A_194] : memref<10240x64xf32, #tpu.memory_space<vmem_shared>> -> memref<10240x64xf32, #tpu.memory_space<vmem_shared>>
        tpu.wait_indirect_dma semaphore(%run_scoped3A_183 : memref<!tpu.dma_semaphore, #tpu.memory_space<semaphore_mem>>) src(%arg13 : memref<128x64xf32, #tpu.memory_space<vmem>>) dst(%dma_wait3A_195 : memref<10240x64xf32, #tpu.memory_space<vmem_shared>>)
        tpu.yield
      }) : () -> ()
      %dma_wait3A_171 = arith.constant 15 : i32
      %dma_wait3A_172 = arith.constant 0 : i32
      %dma_wait3A_173 = tpu.memref_slice %arg9[%dma_wait3A_171, %dma_wait3A_172] : memref<16x128xi32, #tpu.memory_space<vmem>> -> memref<1x128xi32, #tpu.memory_space<vmem>>
      %dma_wait3A_174 = tpu.memref_squeeze %dma_wait3A_173 : memref<1x128xi32, #tpu.memory_space<vmem>> -> memref<128xi32, #tpu.memory_space<vmem>>
      %dma_wait3A_175 = arith.constant 0 : i32
      %dma_wait3A_176 = arith.constant 0 : i32
      %dma_wait3A_177 = tpu.memref_slice %arg2[%arg0, %dma_wait3A_175, %dma_wait3A_176] : memref<2x10240x64xf32, #tpu.memory_space<hbm>> -> memref<1x10240x64xf32, #tpu.memory_space<hbm>>
      %dma_wait3A_178 = tpu.memref_squeeze %dma_wait3A_177 : memref<1x10240x64xf32, #tpu.memory_space<hbm>> -> memref<10240x64xf32, #tpu.memory_space<hbm>>
      %dma_wait3A_179 = arith.constant 0 : i32
      %dma_wait3A_180 = arith.constant 0 : i32
      %dma_wait3A_181 = tpu.memref_slice %dma_wait3A_178[%dma_wait3A_179, %dma_wait3A_180] : memref<10240x64xf32, #tpu.memory_space<hbm>> -> memref<10240x64xf32, #tpu.memory_space<hbm>>
      tpu.wait_indirect_dma semaphore(%arg18 : memref<!tpu.dma_semaphore, #tpu.memory_space<semaphore_mem>>) src(%dma_wait3A_181 : memref<10240x64xf32, #tpu.memory_space<hbm>>) dst(%arg14 : memref<128x64xf32, #tpu.memory_space<vmem>>)
      %run_scoped3A_182 = arith.constant 15 : i32
      "tpu.region"() ({
        %run_scoped3A_183 = tpu.sem_alloc : memref<!tpu.dma_semaphore, #tpu.memory_space<semaphore_mem>>
        %dma_start3A_184 = arith.constant 0 : i32
        %dma_start3A_185 = tpu.memref_slice %arg10[%run_scoped3A_182, %dma_start3A_184] : memref<16x128xi32, #tpu.memory_space<vmem>> -> memref<1x128xi32, #tpu.memory_space<vmem>>
        %dma_start3A_186 = tpu.memref_squeeze %dma_start3A_185 : memref<1x128xi32, #tpu.memory_space<vmem>> -> memref<128xi32, #tpu.memory_space<vmem>>
        %dma_start3A_187 = arith.constant 0 : i32
        %dma_start3A_188 = arith.constant 0 : i32
        %dma_start3A_189 = tpu.memref_slice %arg8[%dma_start3A_187, %dma_start3A_188] : memref<10240x64xf32, #tpu.memory_space<vmem_shared>> -> memref<10240x64xf32, #tpu.memory_space<vmem_shared>>
        tpu.enqueue_indirect_dma source(%arg14 : memref<128x64xf32, #tpu.memory_space<vmem>>) target(%dma_start3A_189 : memref<10240x64xf32, #tpu.memory_space<vmem_shared>>) offsets(%dma_start3A_186 : memref<128xi32, #tpu.memory_space<vmem>>) semaphore(%run_scoped3A_183 : memref<!tpu.dma_semaphore, #tpu.memory_space<semaphore_mem>>) {add = true}
        %dma_wait3A_190 = arith.constant 0 : i32
        %dma_wait3A_191 = tpu.memref_slice %arg10[%run_scoped3A_182, %dma_wait3A_190] : memref<16x128xi32, #tpu.memory_space<vmem>> -> memref<1x128xi32, #tpu.memory_space<vmem>>
        %dma_wait3A_192 = tpu.memref_squeeze %dma_wait3A_191 : memref<1x128xi32, #tpu.memory_space<vmem>> -> memref<128xi32, #tpu.memory_space<vmem>>
        %dma_wait3A_193 = arith.constant 0 : i32
        %dma_wait3A_194 = arith.constant 0 : i32
        %dma_wait3A_195 = tpu.memref_slice %arg8[%dma_wait3A_193, %dma_wait3A_194] : memref<10240x64xf32, #tpu.memory_space<vmem_shared>> -> memref<10240x64xf32, #tpu.memory_space<vmem_shared>>
        tpu.wait_indirect_dma semaphore(%run_scoped3A_183 : memref<!tpu.dma_semaphore, #tpu.memory_space<semaphore_mem>>) src(%arg14 : memref<128x64xf32, #tpu.memory_space<vmem>>) dst(%dma_wait3A_195 : memref<10240x64xf32, #tpu.memory_space<vmem_shared>>)
        tpu.yield
      }) : () -> ()
    }
    %scan3A_4 = arith.constant 9 : i32
    %scan3A_5 = arith.constant 0 : i32
    %mul3A_6 = arith.constant 1 : i32
    %mul3A_7 = arith.muli %scan3A_5, %mul3A_6 : i32
    %add3A = arith.constant 9 : i32
    %add3A_8 = arith.addi %add3A, %mul3A_7 : i32
    %mul3A_9 = arith.constant 16 : i32
    %mul3A_10 = arith.muli %add3A_8, %mul3A_9 : i32
    "tpu.region"() ({
      %run_scoped3A_77 = tpu.sem_alloc : memref<!tpu.dma_semaphore, #tpu.memory_space<semaphore_mem>>
      %dma_start3A_78 = arith.constant 0 : i32
      %dma_start3A_79 = tpu.memref_slice %arg3[%arg1, %mul3A_10, %dma_start3A_78] : memref<16x160x128xi32, #tpu.memory_space<hbm>> -> memref<1x16x128xi32, #tpu.memory_space<hbm>>
      %dma_start3A_80 = tpu.memref_squeeze %dma_start3A_79 : memref<1x16x128xi32, #tpu.memory_space<hbm>> -> memref<16x128xi32, #tpu.memory_space<hbm>>
      %dma_start3A_81 = arith.constant 0 : i32
      %dma_start3A_82 = tpu.memref_slice %arg3[%arg1, %mul3A_10, %dma_start3A_81] : memref<16x160x128xi32, #tpu.memory_space<hbm>> -> memref<1x16x128xi32, #tpu.memory_space<hbm>>
      %dma_start3A_83 = tpu.memref_squeeze %dma_start3A_82 : memref<1x16x128xi32, #tpu.memory_space<hbm>> -> memref<16x128xi32, #tpu.memory_space<hbm>>
      tpu.enqueue_dma source(%dma_start3A_83 : memref<16x128xi32, #tpu.memory_space<hbm>>) target(%arg9 : memref<16x128xi32, #tpu.memory_space<vmem>>) target_semaphore(%run_scoped3A_77 : memref<!tpu.dma_semaphore, #tpu.memory_space<semaphore_mem>>)
      %dma_wait3A_84 = arith.constant 0 : i32
      %dma_wait3A_85 = tpu.memref_slice %arg3[%arg1, %mul3A_10, %dma_wait3A_84] : memref<16x160x128xi32, #tpu.memory_space<hbm>> -> memref<1x16x128xi32, #tpu.memory_space<hbm>>
      %dma_wait3A_86 = tpu.memref_squeeze %dma_wait3A_85 : memref<1x16x128xi32, #tpu.memory_space<hbm>> -> memref<16x128xi32, #tpu.memory_space<hbm>>
      %dma_wait3A_87 = arith.constant 0 : i32
      %dma_wait3A_88 = tpu.memref_slice %arg3[%arg1, %mul3A_10, %dma_wait3A_87] : memref<16x160x128xi32, #tpu.memory_space<hbm>> -> memref<1x16x128xi32, #tpu.memory_space<hbm>>
      %dma_wait3A_89 = tpu.memref_squeeze %dma_wait3A_88 : memref<1x16x128xi32, #tpu.memory_space<hbm>> -> memref<16x128xi32, #tpu.memory_space<hbm>>
      tpu.wait_dma2 semaphore(%run_scoped3A_77 : memref<!tpu.dma_semaphore, #tpu.memory_space<semaphore_mem>>) src(%dma_wait3A_89 : memref<16x128xi32, #tpu.memory_space<hbm>>) dst(%arg9 : memref<16x128xi32, #tpu.memory_space<vmem>>)
      tpu.yield
    }) : () -> ()
    %mul3A_11 = arith.constant 16 : i32
    %mul3A_12 = arith.muli %add3A_8, %mul3A_11 : i32
    "tpu.region"() ({
      %run_scoped3A_77 = tpu.sem_alloc : memref<!tpu.dma_semaphore, #tpu.memory_space<semaphore_mem>>
      %dma_start3A_78 = arith.constant 0 : i32
      %dma_start3A_79 = tpu.memref_slice %arg4[%arg1, %mul3A_12, %dma_start3A_78] : memref<16x160x128xi32, #tpu.memory_space<hbm>> -> memref<1x16x128xi32, #tpu.memory_space<hbm>>
      %dma_start3A_80 = tpu.memref_squeeze %dma_start3A_79 : memref<1x16x128xi32, #tpu.memory_space<hbm>> -> memref<16x128xi32, #tpu.memory_space<hbm>>
      %dma_start3A_81 = arith.constant 0 : i32
      %dma_start3A_82 = tpu.memref_slice %arg4[%arg1, %mul3A_12, %dma_start3A_81] : memref<16x160x128xi32, #tpu.memory_space<hbm>> -> memref<1x16x128xi32, #tpu.memory_space<hbm>>
      %dma_start3A_83 = tpu.memref_squeeze %dma_start3A_82 : memref<1x16x128xi32, #tpu.memory_space<hbm>> -> memref<16x128xi32, #tpu.memory_space<hbm>>
      tpu.enqueue_dma source(%dma_start3A_83 : memref<16x128xi32, #tpu.memory_space<hbm>>) target(%arg10 : memref<16x128xi32, #tpu.memory_space<vmem>>) target_semaphore(%run_scoped3A_77 : memref<!tpu.dma_semaphore, #tpu.memory_space<semaphore_mem>>)
      %dma_wait3A_84 = arith.constant 0 : i32
      %dma_wait3A_85 = tpu.memref_slice %arg4[%arg1, %mul3A_12, %dma_wait3A_84] : memref<16x160x128xi32, #tpu.memory_space<hbm>> -> memref<1x16x128xi32, #tpu.memory_space<hbm>>
      %dma_wait3A_86 = tpu.memref_squeeze %dma_wait3A_85 : memref<1x16x128xi32, #tpu.memory_space<hbm>> -> memref<16x128xi32, #tpu.memory_space<hbm>>
      %dma_wait3A_87 = arith.constant 0 : i32
      %dma_wait3A_88 = tpu.memref_slice %arg4[%arg1, %mul3A_12, %dma_wait3A_87] : memref<16x160x128xi32, #tpu.memory_space<hbm>> -> memref<1x16x128xi32, #tpu.memory_space<hbm>>
      %dma_wait3A_89 = tpu.memref_squeeze %dma_wait3A_88 : memref<1x16x128xi32, #tpu.memory_space<hbm>> -> memref<16x128xi32, #tpu.memory_space<hbm>>
      tpu.wait_dma2 semaphore(%run_scoped3A_77 : memref<!tpu.dma_semaphore, #tpu.memory_space<semaphore_mem>>) src(%dma_wait3A_89 : memref<16x128xi32, #tpu.memory_space<hbm>>) dst(%arg10 : memref<16x128xi32, #tpu.memory_space<vmem>>)
      tpu.yield
    }) : () -> ()
    %dma_start3A = arith.constant 0 : i32
    %dma_start3A_13 = arith.constant 0 : i32
    %dma_start3A_14 = tpu.memref_slice %arg9[%dma_start3A, %dma_start3A_13] : memref<16x128xi32, #tpu.memory_space<vmem>> -> memref<1x128xi32, #tpu.memory_space<vmem>>
    %dma_start3A_15 = tpu.memref_squeeze %dma_start3A_14 : memref<1x128xi32, #tpu.memory_space<vmem>> -> memref<128xi32, #tpu.memory_space<vmem>>
    %dma_start3A_16 = arith.constant 0 : i32
    %dma_start3A_17 = arith.constant 0 : i32
    %dma_start3A_18 = tpu.memref_slice %arg7[%dma_start3A_16, %dma_start3A_17] : memref<10240x64xf32, #tpu.memory_space<vmem_shared>> -> memref<10240x64xf32, #tpu.memory_space<vmem_shared>>
    tpu.enqueue_indirect_dma source(%dma_start3A_18 : memref<10240x64xf32, #tpu.memory_space<vmem_shared>>) target(%arg11 : memref<128x64xf32, #tpu.memory_space<vmem>>) offsets(%dma_start3A_15 : memref<128xi32, #tpu.memory_space<vmem>>) semaphore(%arg15 : memref<!tpu.dma_semaphore, #tpu.memory_space<semaphore_mem>>)
    %dma_start3A_19 = arith.constant 1 : i32
    %dma_start3A_20 = arith.constant 0 : i32
    %dma_start3A_21 = tpu.memref_slice %arg9[%dma_start3A_19, %dma_start3A_20] : memref<16x128xi32, #tpu.memory_space<vmem>> -> memref<1x128xi32, #tpu.memory_space<vmem>>
    %dma_start3A_22 = tpu.memref_squeeze %dma_start3A_21 : memref<1x128xi32, #tpu.memory_space<vmem>> -> memref<128xi32, #tpu.memory_space<vmem>>
    %dma_start3A_23 = arith.constant 0 : i32
    %dma_start3A_24 = arith.constant 0 : i32
    %dma_start3A_25 = tpu.memref_slice %arg7[%dma_start3A_23, %dma_start3A_24] : memref<10240x64xf32, #tpu.memory_space<vmem_shared>> -> memref<10240x64xf32, #tpu.memory_space<vmem_shared>>
    tpu.enqueue_indirect_dma source(%dma_start3A_25 : memref<10240x64xf32, #tpu.memory_space<vmem_shared>>) target(%arg12 : memref<128x64xf32, #tpu.memory_space<vmem>>) offsets(%dma_start3A_22 : memref<128xi32, #tpu.memory_space<vmem>>) semaphore(%arg16 : memref<!tpu.dma_semaphore, #tpu.memory_space<semaphore_mem>>)
    %dma_start3A_26 = arith.constant 2 : i32
    %dma_start3A_27 = arith.constant 0 : i32
    %dma_start3A_28 = tpu.memref_slice %arg9[%dma_start3A_26, %dma_start3A_27] : memref<16x128xi32, #tpu.memory_space<vmem>> -> memref<1x128xi32, #tpu.memory_space<vmem>>
    %dma_start3A_29 = tpu.memref_squeeze %dma_start3A_28 : memref<1x128xi32, #tpu.memory_space<vmem>> -> memref<128xi32, #tpu.memory_space<vmem>>
    %dma_start3A_30 = arith.constant 0 : i32
    %dma_start3A_31 = arith.constant 0 : i32
    %dma_start3A_32 = tpu.memref_slice %arg7[%dma_start3A_30, %dma_start3A_31] : memref<10240x64xf32, #tpu.memory_space<vmem_shared>> -> memref<10240x64xf32, #tpu.memory_space<vmem_shared>>
    tpu.enqueue_indirect_dma source(%dma_start3A_32 : memref<10240x64xf32, #tpu.memory_space<vmem_shared>>) target(%arg13 : memref<128x64xf32, #tpu.memory_space<vmem>>) offsets(%dma_start3A_29 : memref<128xi32, #tpu.memory_space<vmem>>) semaphore(%arg17 : memref<!tpu.dma_semaphore, #tpu.memory_space<semaphore_mem>>)
    %dma_start3A_33 = arith.constant 3 : i32
    %dma_start3A_34 = arith.constant 0 : i32
    %dma_start3A_35 = tpu.memref_slice %arg9[%dma_start3A_33, %dma_start3A_34] : memref<16x128xi32, #tpu.memory_space<vmem>> -> memref<1x128xi32, #tpu.memory_space<vmem>>
    %dma_start3A_36 = tpu.memref_squeeze %dma_start3A_35 : memref<1x128xi32, #tpu.memory_space<vmem>> -> memref<128xi32, #tpu.memory_space<vmem>>
    %dma_start3A_37 = arith.constant 0 : i32
    %dma_start3A_38 = arith.constant 0 : i32
    %dma_start3A_39 = tpu.memref_slice %arg7[%dma_start3A_37, %dma_start3A_38] : memref<10240x64xf32, #tpu.memory_space<vmem_shared>> -> memref<10240x64xf32, #tpu.memory_space<vmem_shared>>
    tpu.enqueue_indirect_dma source(%dma_start3A_39 : memref<10240x64xf32, #tpu.memory_space<vmem_shared>>) target(%arg14 : memref<128x64xf32, #tpu.memory_space<vmem>>) offsets(%dma_start3A_36 : memref<128xi32, #tpu.memory_space<vmem>>) semaphore(%arg18 : memref<!tpu.dma_semaphore, #tpu.memory_space<semaphore_mem>>)
    %scan3A_40 = arith.constant 0 : i32
    %scan3A_41 = arith.constant 3 : i32
    %scan3A_42 = arith.addi %scan3A_40, %scan3A_41 : i32
    %scan3A_43 = arith.constant 1 : i32
    scf.for %scan3A_77 = %scan3A_40 to %scan3A_42 step %scan3A_43  : i32 {
      %mul3A_78 = arith.constant 4 : i32
      %mul3A_79 = arith.muli %scan3A_77, %mul3A_78 : i32
      %add3A_80 = arith.constant 0 : i32
      %add3A_81 = arith.addi %add3A_80, %mul3A_79 : i32
      %add3A_82 = arith.constant 0 : i32
      %add3A_83 = arith.addi %add3A_81, %add3A_82 : i32
      %dma_wait3A_84 = arith.constant 0 : i32
      %dma_wait3A_85 = tpu.memref_slice %arg9[%add3A_83, %dma_wait3A_84] : memref<16x128xi32, #tpu.memory_space<vmem>> -> memref<1x128xi32, #tpu.memory_space<vmem>>
      %dma_wait3A_86 = tpu.memref_squeeze %dma_wait3A_85 : memref<1x128xi32, #tpu.memory_space<vmem>> -> memref<128xi32, #tpu.memory_space<vmem>>
      %dma_wait3A_87 = arith.constant 0 : i32
      %dma_wait3A_88 = arith.constant 0 : i32
      %dma_wait3A_89 = tpu.memref_slice %arg7[%dma_wait3A_87, %dma_wait3A_88] : memref<10240x64xf32, #tpu.memory_space<vmem_shared>> -> memref<10240x64xf32, #tpu.memory_space<vmem_shared>>
      tpu.wait_indirect_dma semaphore(%arg15 : memref<!tpu.dma_semaphore, #tpu.memory_space<semaphore_mem>>) src(%dma_wait3A_89 : memref<10240x64xf32, #tpu.memory_space<vmem_shared>>) dst(%arg11 : memref<128x64xf32, #tpu.memory_space<vmem>>)
      %add3A_90 = arith.constant 0 : i32
      %add3A_91 = arith.addi %add3A_81, %add3A_90 : i32
      "tpu.region"() ({
        %run_scoped3A_162 = tpu.sem_alloc : memref<!tpu.dma_semaphore, #tpu.memory_space<semaphore_mem>>
        %dma_start3A_163 = arith.constant 0 : i32
        %dma_start3A_164 = tpu.memref_slice %arg10[%add3A_91, %dma_start3A_163] : memref<16x128xi32, #tpu.memory_space<vmem>> -> memref<1x128xi32, #tpu.memory_space<vmem>>
        %dma_start3A_165 = tpu.memref_squeeze %dma_start3A_164 : memref<1x128xi32, #tpu.memory_space<vmem>> -> memref<128xi32, #tpu.memory_space<vmem>>
        %dma_start3A_166 = arith.constant 0 : i32
        %dma_start3A_167 = arith.constant 0 : i32
        %dma_start3A_168 = tpu.memref_slice %arg8[%dma_start3A_166, %dma_start3A_167] : memref<10240x64xf32, #tpu.memory_space<vmem_shared>> -> memref<10240x64xf32, #tpu.memory_space<vmem_shared>>
        tpu.enqueue_indirect_dma source(%arg11 : memref<128x64xf32, #tpu.memory_space<vmem>>) target(%dma_start3A_168 : memref<10240x64xf32, #tpu.memory_space<vmem_shared>>) offsets(%dma_start3A_165 : memref<128xi32, #tpu.memory_space<vmem>>) semaphore(%run_scoped3A_162 : memref<!tpu.dma_semaphore, #tpu.memory_space<semaphore_mem>>) {add = true}
        %dma_wait3A_169 = arith.constant 0 : i32
        %dma_wait3A_170 = tpu.memref_slice %arg10[%add3A_91, %dma_wait3A_169] : memref<16x128xi32, #tpu.memory_space<vmem>> -> memref<1x128xi32, #tpu.memory_space<vmem>>
        %dma_wait3A_171 = tpu.memref_squeeze %dma_wait3A_170 : memref<1x128xi32, #tpu.memory_space<vmem>> -> memref<128xi32, #tpu.memory_space<vmem>>
        %dma_wait3A_172 = arith.constant 0 : i32
        %dma_wait3A_173 = arith.constant 0 : i32
        %dma_wait3A_174 = tpu.memref_slice %arg8[%dma_wait3A_172, %dma_wait3A_173] : memref<10240x64xf32, #tpu.memory_space<vmem_shared>> -> memref<10240x64xf32, #tpu.memory_space<vmem_shared>>
        tpu.wait_indirect_dma semaphore(%run_scoped3A_162 : memref<!tpu.dma_semaphore, #tpu.memory_space<semaphore_mem>>) src(%arg11 : memref<128x64xf32, #tpu.memory_space<vmem>>) dst(%dma_wait3A_174 : memref<10240x64xf32, #tpu.memory_space<vmem_shared>>)
        tpu.yield
      }) : () -> ()
      %add3A_92 = arith.constant 0 : i32
      %add3A_93 = arith.addi %add3A_81, %add3A_92 : i32
      %add3A_94 = arith.constant 4 : i32
      %add3A_95 = arith.addi %add3A_93, %add3A_94 : i32
      %dma_start3A_96 = arith.constant 0 : i32
      %dma_start3A_97 = tpu.memref_slice %arg9[%add3A_95, %dma_start3A_96] : memref<16x128xi32, #tpu.memory_space<vmem>> -> memref<1x128xi32, #tpu.memory_space<vmem>>
      %dma_start3A_98 = tpu.memref_squeeze %dma_start3A_97 : memref<1x128xi32, #tpu.memory_space<vmem>> -> memref<128xi32, #tpu.memory_space<vmem>>
      %dma_start3A_99 = arith.constant 0 : i32
      %dma_start3A_100 = arith.constant 0 : i32
      %dma_start3A_101 = tpu.memref_slice %arg7[%dma_start3A_99, %dma_start3A_100] : memref<10240x64xf32, #tpu.memory_space<vmem_shared>> -> memref<10240x64xf32, #tpu.memory_space<vmem_shared>>
      tpu.enqueue_indirect_dma source(%dma_start3A_101 : memref<10240x64xf32, #tpu.memory_space<vmem_shared>>) target(%arg11 : memref<128x64xf32, #tpu.memory_space<vmem>>) offsets(%dma_start3A_98 : memref<128xi32, #tpu.memory_space<vmem>>) semaphore(%arg15 : memref<!tpu.dma_semaphore, #tpu.memory_space<semaphore_mem>>)
      %add3A_102 = arith.constant 1 : i32
      %add3A_103 = arith.addi %add3A_81, %add3A_102 : i32
      %dma_wait3A_104 = arith.constant 0 : i32
      %dma_wait3A_105 = tpu.memref_slice %arg9[%add3A_103, %dma_wait3A_104] : memref<16x128xi32, #tpu.memory_space<vmem>> -> memref<1x128xi32, #tpu.memory_space<vmem>>
      %dma_wait3A_106 = tpu.memref_squeeze %dma_wait3A_105 : memref<1x128xi32, #tpu.memory_space<vmem>> -> memref<128xi32, #tpu.memory_space<vmem>>
      %dma_wait3A_107 = arith.constant 0 : i32
      %dma_wait3A_108 = arith.constant 0 : i32
      %dma_wait3A_109 = tpu.memref_slice %arg7[%dma_wait3A_107, %dma_wait3A_108] : memref<10240x64xf32, #tpu.memory_space<vmem_shared>> -> memref<10240x64xf32, #tpu.memory_space<vmem_shared>>
      tpu.wait_indirect_dma semaphore(%arg16 : memref<!tpu.dma_semaphore, #tpu.memory_space<semaphore_mem>>) src(%dma_wait3A_109 : memref<10240x64xf32, #tpu.memory_space<vmem_shared>>) dst(%arg12 : memref<128x64xf32, #tpu.memory_space<vmem>>)
      %add3A_110 = arith.constant 1 : i32
      %add3A_111 = arith.addi %add3A_81, %add3A_110 : i32
      "tpu.region"() ({
        %run_scoped3A_162 = tpu.sem_alloc : memref<!tpu.dma_semaphore, #tpu.memory_space<semaphore_mem>>
        %dma_start3A_163 = arith.constant 0 : i32
        %dma_start3A_164 = tpu.memref_slice %arg10[%add3A_111, %dma_start3A_163] : memref<16x128xi32, #tpu.memory_space<vmem>> -> memref<1x128xi32, #tpu.memory_space<vmem>>
        %dma_start3A_165 = tpu.memref_squeeze %dma_start3A_164 : memref<1x128xi32, #tpu.memory_space<vmem>> -> memref<128xi32, #tpu.memory_space<vmem>>
        %dma_start3A_166 = arith.constant 0 : i32
        %dma_start3A_167 = arith.constant 0 : i32
        %dma_start3A_168 = tpu.memref_slice %arg8[%dma_start3A_166, %dma_start3A_167] : memref<10240x64xf32, #tpu.memory_space<vmem_shared>> -> memref<10240x64xf32, #tpu.memory_space<vmem_shared>>
        tpu.enqueue_indirect_dma source(%arg12 : memref<128x64xf32, #tpu.memory_space<vmem>>) target(%dma_start3A_168 : memref<10240x64xf32, #tpu.memory_space<vmem_shared>>) offsets(%dma_start3A_165 : memref<128xi32, #tpu.memory_space<vmem>>) semaphore(%run_scoped3A_162 : memref<!tpu.dma_semaphore, #tpu.memory_space<semaphore_mem>>) {add = true}
        %dma_wait3A_169 = arith.constant 0 : i32
        %dma_wait3A_170 = tpu.memref_slice %arg10[%add3A_111, %dma_wait3A_169] : memref<16x128xi32, #tpu.memory_space<vmem>> -> memref<1x128xi32, #tpu.memory_space<vmem>>
        %dma_wait3A_171 = tpu.memref_squeeze %dma_wait3A_170 : memref<1x128xi32, #tpu.memory_space<vmem>> -> memref<128xi32, #tpu.memory_space<vmem>>
        %dma_wait3A_172 = arith.constant 0 : i32
        %dma_wait3A_173 = arith.constant 0 : i32
        %dma_wait3A_174 = tpu.memref_slice %arg8[%dma_wait3A_172, %dma_wait3A_173] : memref<10240x64xf32, #tpu.memory_space<vmem_shared>> -> memref<10240x64xf32, #tpu.memory_space<vmem_shared>>
        tpu.wait_indirect_dma semaphore(%run_scoped3A_162 : memref<!tpu.dma_semaphore, #tpu.memory_space<semaphore_mem>>) src(%arg12 : memref<128x64xf32, #tpu.memory_space<vmem>>) dst(%dma_wait3A_174 : memref<10240x64xf32, #tpu.memory_space<vmem_shared>>)
        tpu.yield
      }) : () -> ()
      %add3A_112 = arith.constant 1 : i32
      %add3A_113 = arith.addi %add3A_81, %add3A_112 : i32
      %add3A_114 = arith.constant 4 : i32
      %add3A_115 = arith.addi %add3A_113, %add3A_114 : i32
      %dma_start3A_116 = arith.constant 0 : i32
      %dma_start3A_117 = tpu.memref_slice %arg9[%add3A_115, %dma_start3A_116] : memref<16x128xi32, #tpu.memory_space<vmem>> -> memref<1x128xi32, #tpu.memory_space<vmem>>
      %dma_start3A_118 = tpu.memref_squeeze %dma_start3A_117 : memref<1x128xi32, #tpu.memory_space<vmem>> -> memref<128xi32, #tpu.memory_space<vmem>>
      %dma_start3A_119 = arith.constant 0 : i32
      %dma_start3A_120 = arith.constant 0 : i32
      %dma_start3A_121 = tpu.memref_slice %arg7[%dma_start3A_119, %dma_start3A_120] : memref<10240x64xf32, #tpu.memory_space<vmem_shared>> -> memref<10240x64xf32, #tpu.memory_space<vmem_shared>>
      tpu.enqueue_indirect_dma source(%dma_start3A_121 : memref<10240x64xf32, #tpu.memory_space<vmem_shared>>) target(%arg12 : memref<128x64xf32, #tpu.memory_space<vmem>>) offsets(%dma_start3A_118 : memref<128xi32, #tpu.memory_space<vmem>>) semaphore(%arg16 : memref<!tpu.dma_semaphore, #tpu.memory_space<semaphore_mem>>)
      %add3A_122 = arith.constant 2 : i32
      %add3A_123 = arith.addi %add3A_81, %add3A_122 : i32
      %dma_wait3A_124 = arith.constant 0 : i32
      %dma_wait3A_125 = tpu.memref_slice %arg9[%add3A_123, %dma_wait3A_124] : memref<16x128xi32, #tpu.memory_space<vmem>> -> memref<1x128xi32, #tpu.memory_space<vmem>>
      %dma_wait3A_126 = tpu.memref_squeeze %dma_wait3A_125 : memref<1x128xi32, #tpu.memory_space<vmem>> -> memref<128xi32, #tpu.memory_space<vmem>>
      %dma_wait3A_127 = arith.constant 0 : i32
      %dma_wait3A_128 = arith.constant 0 : i32
      %dma_wait3A_129 = tpu.memref_slice %arg7[%dma_wait3A_127, %dma_wait3A_128] : memref<10240x64xf32, #tpu.memory_space<vmem_shared>> -> memref<10240x64xf32, #tpu.memory_space<vmem_shared>>
      tpu.wait_indirect_dma semaphore(%arg17 : memref<!tpu.dma_semaphore, #tpu.memory_space<semaphore_mem>>) src(%dma_wait3A_129 : memref<10240x64xf32, #tpu.memory_space<vmem_shared>>) dst(%arg13 : memref<128x64xf32, #tpu.memory_space<vmem>>)
      %add3A_130 = arith.constant 2 : i32
      %add3A_131 = arith.addi %add3A_81, %add3A_130 : i32
      "tpu.region"() ({
        %run_scoped3A_162 = tpu.sem_alloc : memref<!tpu.dma_semaphore, #tpu.memory_space<semaphore_mem>>
        %dma_start3A_163 = arith.constant 0 : i32
        %dma_start3A_164 = tpu.memref_slice %arg10[%add3A_131, %dma_start3A_163] : memref<16x128xi32, #tpu.memory_space<vmem>> -> memref<1x128xi32, #tpu.memory_space<vmem>>
        %dma_start3A_165 = tpu.memref_squeeze %dma_start3A_164 : memref<1x128xi32, #tpu.memory_space<vmem>> -> memref<128xi32, #tpu.memory_space<vmem>>
        %dma_start3A_166 = arith.constant 0 : i32
        %dma_start3A_167 = arith.constant 0 : i32
        %dma_start3A_168 = tpu.memref_slice %arg8[%dma_start3A_166, %dma_start3A_167] : memref<10240x64xf32, #tpu.memory_space<vmem_shared>> -> memref<10240x64xf32, #tpu.memory_space<vmem_shared>>
        tpu.enqueue_indirect_dma source(%arg13 : memref<128x64xf32, #tpu.memory_space<vmem>>) target(%dma_start3A_168 : memref<10240x64xf32, #tpu.memory_space<vmem_shared>>) offsets(%dma_start3A_165 : memref<128xi32, #tpu.memory_space<vmem>>) semaphore(%run_scoped3A_162 : memref<!tpu.dma_semaphore, #tpu.memory_space<semaphore_mem>>) {add = true}
        %dma_wait3A_169 = arith.constant 0 : i32
        %dma_wait3A_170 = tpu.memref_slice %arg10[%add3A_131, %dma_wait3A_169] : memref<16x128xi32, #tpu.memory_space<vmem>> -> memref<1x128xi32, #tpu.memory_space<vmem>>
        %dma_wait3A_171 = tpu.memref_squeeze %dma_wait3A_170 : memref<1x128xi32, #tpu.memory_space<vmem>> -> memref<128xi32, #tpu.memory_space<vmem>>
        %dma_wait3A_172 = arith.constant 0 : i32
        %dma_wait3A_173 = arith.constant 0 : i32
        %dma_wait3A_174 = tpu.memref_slice %arg8[%dma_wait3A_172, %dma_wait3A_173] : memref<10240x64xf32, #tpu.memory_space<vmem_shared>> -> memref<10240x64xf32, #tpu.memory_space<vmem_shared>>
        tpu.wait_indirect_dma semaphore(%run_scoped3A_162 : memref<!tpu.dma_semaphore, #tpu.memory_space<semaphore_mem>>) src(%arg13 : memref<128x64xf32, #tpu.memory_space<vmem>>) dst(%dma_wait3A_174 : memref<10240x64xf32, #tpu.memory_space<vmem_shared>>)
        tpu.yield
      }) : () -> ()
      %add3A_132 = arith.constant 2 : i32
      %add3A_133 = arith.addi %add3A_81, %add3A_132 : i32
      %add3A_134 = arith.constant 4 : i32
      %add3A_135 = arith.addi %add3A_133, %add3A_134 : i32
      %dma_start3A_136 = arith.constant 0 : i32
      %dma_start3A_137 = tpu.memref_slice %arg9[%add3A_135, %dma_start3A_136] : memref<16x128xi32, #tpu.memory_space<vmem>> -> memref<1x128xi32, #tpu.memory_space<vmem>>
      %dma_start3A_138 = tpu.memref_squeeze %dma_start3A_137 : memref<1x128xi32, #tpu.memory_space<vmem>> -> memref<128xi32, #tpu.memory_space<vmem>>
      %dma_start3A_139 = arith.constant 0 : i32
      %dma_start3A_140 = arith.constant 0 : i32
      %dma_start3A_141 = tpu.memref_slice %arg7[%dma_start3A_139, %dma_start3A_140] : memref<10240x64xf32, #tpu.memory_space<vmem_shared>> -> memref<10240x64xf32, #tpu.memory_space<vmem_shared>>
      tpu.enqueue_indirect_dma source(%dma_start3A_141 : memref<10240x64xf32, #tpu.memory_space<vmem_shared>>) target(%arg13 : memref<128x64xf32, #tpu.memory_space<vmem>>) offsets(%dma_start3A_138 : memref<128xi32, #tpu.memory_space<vmem>>) semaphore(%arg17 : memref<!tpu.dma_semaphore, #tpu.memory_space<semaphore_mem>>)
      %add3A_142 = arith.constant 3 : i32
      %add3A_143 = arith.addi %add3A_81, %add3A_142 : i32
      %dma_wait3A_144 = arith.constant 0 : i32
      %dma_wait3A_145 = tpu.memref_slice %arg9[%add3A_143, %dma_wait3A_144] : memref<16x128xi32, #tpu.memory_space<vmem>> -> memref<1x128xi32, #tpu.memory_space<vmem>>
      %dma_wait3A_146 = tpu.memref_squeeze %dma_wait3A_145 : memref<1x128xi32, #tpu.memory_space<vmem>> -> memref<128xi32, #tpu.memory_space<vmem>>
      %dma_wait3A_147 = arith.constant 0 : i32
      %dma_wait3A_148 = arith.constant 0 : i32
      %dma_wait3A_149 = tpu.memref_slice %arg7[%dma_wait3A_147, %dma_wait3A_148] : memref<10240x64xf32, #tpu.memory_space<vmem_shared>> -> memref<10240x64xf32, #tpu.memory_space<vmem_shared>>
      tpu.wait_indirect_dma semaphore(%arg18 : memref<!tpu.dma_semaphore, #tpu.memory_space<semaphore_mem>>) src(%dma_wait3A_149 : memref<10240x64xf32, #tpu.memory_space<vmem_shared>>) dst(%arg14 : memref<128x64xf32, #tpu.memory_space<vmem>>)
      %add3A_150 = arith.constant 3 : i32
      %add3A_151 = arith.addi %add3A_81, %add3A_150 : i32
      "tpu.region"() ({
        %run_scoped3A_162 = tpu.sem_alloc : memref<!tpu.dma_semaphore, #tpu.memory_space<semaphore_mem>>
        %dma_start3A_163 = arith.constant 0 : i32
        %dma_start3A_164 = tpu.memref_slice %arg10[%add3A_151, %dma_start3A_163] : memref<16x128xi32, #tpu.memory_space<vmem>> -> memref<1x128xi32, #tpu.memory_space<vmem>>
        %dma_start3A_165 = tpu.memref_squeeze %dma_start3A_164 : memref<1x128xi32, #tpu.memory_space<vmem>> -> memref<128xi32, #tpu.memory_space<vmem>>
        %dma_start3A_166 = arith.constant 0 : i32
        %dma_start3A_167 = arith.constant 0 : i32
        %dma_start3A_168 = tpu.memref_slice %arg8[%dma_start3A_166, %dma_start3A_167] : memref<10240x64xf32, #tpu.memory_space<vmem_shared>> -> memref<10240x64xf32, #tpu.memory_space<vmem_shared>>
        tpu.enqueue_indirect_dma source(%arg14 : memref<128x64xf32, #tpu.memory_space<vmem>>) target(%dma_start3A_168 : memref<10240x64xf32, #tpu.memory_space<vmem_shared>>) offsets(%dma_start3A_165 : memref<128xi32, #tpu.memory_space<vmem>>) semaphore(%run_scoped3A_162 : memref<!tpu.dma_semaphore, #tpu.memory_space<semaphore_mem>>) {add = true}
        %dma_wait3A_169 = arith.constant 0 : i32
        %dma_wait3A_170 = tpu.memref_slice %arg10[%add3A_151, %dma_wait3A_169] : memref<16x128xi32, #tpu.memory_space<vmem>> -> memref<1x128xi32, #tpu.memory_space<vmem>>
        %dma_wait3A_171 = tpu.memref_squeeze %dma_wait3A_170 : memref<1x128xi32, #tpu.memory_space<vmem>> -> memref<128xi32, #tpu.memory_space<vmem>>
        %dma_wait3A_172 = arith.constant 0 : i32
        %dma_wait3A_173 = arith.constant 0 : i32
        %dma_wait3A_174 = tpu.memref_slice %arg8[%dma_wait3A_172, %dma_wait3A_173] : memref<10240x64xf32, #tpu.memory_space<vmem_shared>> -> memref<10240x64xf32, #tpu.memory_space<vmem_shared>>
        tpu.wait_indirect_dma semaphore(%run_scoped3A_162 : memref<!tpu.dma_semaphore, #tpu.memory_space<semaphore_mem>>) src(%arg14 : memref<128x64xf32, #tpu.memory_space<vmem>>) dst(%dma_wait3A_174 : memref<10240x64xf32, #tpu.memory_space<vmem_shared>>)
        tpu.yield
      }) : () -> ()
      %add3A_152 = arith.constant 3 : i32
      %add3A_153 = arith.addi %add3A_81, %add3A_152 : i32
      %add3A_154 = arith.constant 4 : i32
      %add3A_155 = arith.addi %add3A_153, %add3A_154 : i32
      %dma_start3A_156 = arith.constant 0 : i32
      %dma_start3A_157 = tpu.memref_slice %arg9[%add3A_155, %dma_start3A_156] : memref<16x128xi32, #tpu.memory_space<vmem>> -> memref<1x128xi32, #tpu.memory_space<vmem>>
      %dma_start3A_158 = tpu.memref_squeeze %dma_start3A_157 : memref<1x128xi32, #tpu.memory_space<vmem>> -> memref<128xi32, #tpu.memory_space<vmem>>
      %dma_start3A_159 = arith.constant 0 : i32
      %dma_start3A_160 = arith.constant 0 : i32
      %dma_start3A_161 = tpu.memref_slice %arg7[%dma_start3A_159, %dma_start3A_160] : memref<10240x64xf32, #tpu.memory_space<vmem_shared>> -> memref<10240x64xf32, #tpu.memory_space<vmem_shared>>
      tpu.enqueue_indirect_dma source(%dma_start3A_161 : memref<10240x64xf32, #tpu.memory_space<vmem_shared>>) target(%arg14 : memref<128x64xf32, #tpu.memory_space<vmem>>) offsets(%dma_start3A_158 : memref<128xi32, #tpu.memory_space<vmem>>) semaphore(%arg18 : memref<!tpu.dma_semaphore, #tpu.memory_space<semaphore_mem>>)
    }
    %scan3A_44 = arith.constant 3 : i32
    %dma_wait3A = arith.constant 12 : i32
    %dma_wait3A_45 = arith.constant 0 : i32
    %dma_wait3A_46 = tpu.memref_slice %arg9[%dma_wait3A, %dma_wait3A_45] : memref<16x128xi32, #tpu.memory_space<vmem>> -> memref<1x128xi32, #tpu.memory_space<vmem>>
    %dma_wait3A_47 = tpu.memref_squeeze %dma_wait3A_46 : memref<1x128xi32, #tpu.memory_space<vmem>> -> memref<128xi32, #tpu.memory_space<vmem>>
    %dma_wait3A_48 = arith.constant 0 : i32
    %dma_wait3A_49 = arith.constant 0 : i32
    %dma_wait3A_50 = tpu.memref_slice %arg7[%dma_wait3A_48, %dma_wait3A_49] : memref<10240x64xf32, #tpu.memory_space<vmem_shared>> -> memref<10240x64xf32, #tpu.memory_space<vmem_shared>>
    tpu.wait_indirect_dma semaphore(%arg15 : memref<!tpu.dma_semaphore, #tpu.memory_space<semaphore_mem>>) src(%dma_wait3A_50 : memref<10240x64xf32, #tpu.memory_space<vmem_shared>>) dst(%arg11 : memref<128x64xf32, #tpu.memory_space<vmem>>)
    %run_scoped3A = arith.constant 12 : i32
    "tpu.region"() ({
      %run_scoped3A_77 = tpu.sem_alloc : memref<!tpu.dma_semaphore, #tpu.memory_space<semaphore_mem>>
      %dma_start3A_78 = arith.constant 0 : i32
      %dma_start3A_79 = tpu.memref_slice %arg10[%run_scoped3A, %dma_start3A_78] : memref<16x128xi32, #tpu.memory_space<vmem>> -> memref<1x128xi32, #tpu.memory_space<vmem>>
      %dma_start3A_80 = tpu.memref_squeeze %dma_start3A_79 : memref<1x128xi32, #tpu.memory_space<vmem>> -> memref<128xi32, #tpu.memory_space<vmem>>
      %dma_start3A_81 = arith.constant 0 : i32
      %dma_start3A_82 = arith.constant 0 : i32
      %dma_start3A_83 = tpu.memref_slice %arg8[%dma_start3A_81, %dma_start3A_82] : memref<10240x64xf32, #tpu.memory_space<vmem_shared>> -> memref<10240x64xf32, #tpu.memory_space<vmem_shared>>
      tpu.enqueue_indirect_dma source(%arg11 : memref<128x64xf32, #tpu.memory_space<vmem>>) target(%dma_start3A_83 : memref<10240x64xf32, #tpu.memory_space<vmem_shared>>) offsets(%dma_start3A_80 : memref<128xi32, #tpu.memory_space<vmem>>) semaphore(%run_scoped3A_77 : memref<!tpu.dma_semaphore, #tpu.memory_space<semaphore_mem>>) {add = true}
      %dma_wait3A_84 = arith.constant 0 : i32
      %dma_wait3A_85 = tpu.memref_slice %arg10[%run_scoped3A, %dma_wait3A_84] : memref<16x128xi32, #tpu.memory_space<vmem>> -> memref<1x128xi32, #tpu.memory_space<vmem>>
      %dma_wait3A_86 = tpu.memref_squeeze %dma_wait3A_85 : memref<1x128xi32, #tpu.memory_space<vmem>> -> memref<128xi32, #tpu.memory_space<vmem>>
      %dma_wait3A_87 = arith.constant 0 : i32
      %dma_wait3A_88 = arith.constant 0 : i32
      %dma_wait3A_89 = tpu.memref_slice %arg8[%dma_wait3A_87, %dma_wait3A_88] : memref<10240x64xf32, #tpu.memory_space<vmem_shared>> -> memref<10240x64xf32, #tpu.memory_space<vmem_shared>>
      tpu.wait_indirect_dma semaphore(%run_scoped3A_77 : memref<!tpu.dma_semaphore, #tpu.memory_space<semaphore_mem>>) src(%arg11 : memref<128x64xf32, #tpu.memory_space<vmem>>) dst(%dma_wait3A_89 : memref<10240x64xf32, #tpu.memory_space<vmem_shared>>)
      tpu.yield
    }) : () -> ()
    %dma_wait3A_51 = arith.constant 13 : i32
    %dma_wait3A_52 = arith.constant 0 : i32
    %dma_wait3A_53 = tpu.memref_slice %arg9[%dma_wait3A_51, %dma_wait3A_52] : memref<16x128xi32, #tpu.memory_space<vmem>> -> memref<1x128xi32, #tpu.memory_space<vmem>>
    %dma_wait3A_54 = tpu.memref_squeeze %dma_wait3A_53 : memref<1x128xi32, #tpu.memory_space<vmem>> -> memref<128xi32, #tpu.memory_space<vmem>>
    %dma_wait3A_55 = arith.constant 0 : i32
    %dma_wait3A_56 = arith.constant 0 : i32
    %dma_wait3A_57 = tpu.memref_slice %arg7[%dma_wait3A_55, %dma_wait3A_56] : memref<10240x64xf32, #tpu.memory_space<vmem_shared>> -> memref<10240x64xf32, #tpu.memory_space<vmem_shared>>
    tpu.wait_indirect_dma semaphore(%arg16 : memref<!tpu.dma_semaphore, #tpu.memory_space<semaphore_mem>>) src(%dma_wait3A_57 : memref<10240x64xf32, #tpu.memory_space<vmem_shared>>) dst(%arg12 : memref<128x64xf32, #tpu.memory_space<vmem>>)
    %run_scoped3A_58 = arith.constant 13 : i32
    "tpu.region"() ({
      %run_scoped3A_77 = tpu.sem_alloc : memref<!tpu.dma_semaphore, #tpu.memory_space<semaphore_mem>>
      %dma_start3A_78 = arith.constant 0 : i32
      %dma_start3A_79 = tpu.memref_slice %arg10[%run_scoped3A_58, %dma_start3A_78] : memref<16x128xi32, #tpu.memory_space<vmem>> -> memref<1x128xi32, #tpu.memory_space<vmem>>
      %dma_start3A_80 = tpu.memref_squeeze %dma_start3A_79 : memref<1x128xi32, #tpu.memory_space<vmem>> -> memref<128xi32, #tpu.memory_space<vmem>>
      %dma_start3A_81 = arith.constant 0 : i32
      %dma_start3A_82 = arith.constant 0 : i32
      %dma_start3A_83 = tpu.memref_slice %arg8[%dma_start3A_81, %dma_start3A_82] : memref<10240x64xf32, #tpu.memory_space<vmem_shared>> -> memref<10240x64xf32, #tpu.memory_space<vmem_shared>>
      tpu.enqueue_indirect_dma source(%arg12 : memref<128x64xf32, #tpu.memory_space<vmem>>) target(%dma_start3A_83 : memref<10240x64xf32, #tpu.memory_space<vmem_shared>>) offsets(%dma_start3A_80 : memref<128xi32, #tpu.memory_space<vmem>>) semaphore(%run_scoped3A_77 : memref<!tpu.dma_semaphore, #tpu.memory_space<semaphore_mem>>) {add = true}
      %dma_wait3A_84 = arith.constant 0 : i32
      %dma_wait3A_85 = tpu.memref_slice %arg10[%run_scoped3A_58, %dma_wait3A_84] : memref<16x128xi32, #tpu.memory_space<vmem>> -> memref<1x128xi32, #tpu.memory_space<vmem>>
      %dma_wait3A_86 = tpu.memref_squeeze %dma_wait3A_85 : memref<1x128xi32, #tpu.memory_space<vmem>> -> memref<128xi32, #tpu.memory_space<vmem>>
      %dma_wait3A_87 = arith.constant 0 : i32
      %dma_wait3A_88 = arith.constant 0 : i32
      %dma_wait3A_89 = tpu.memref_slice %arg8[%dma_wait3A_87, %dma_wait3A_88] : memref<10240x64xf32, #tpu.memory_space<vmem_shared>> -> memref<10240x64xf32, #tpu.memory_space<vmem_shared>>
      tpu.wait_indirect_dma semaphore(%run_scoped3A_77 : memref<!tpu.dma_semaphore, #tpu.memory_space<semaphore_mem>>) src(%arg12 : memref<128x64xf32, #tpu.memory_space<vmem>>) dst(%dma_wait3A_89 : memref<10240x64xf32, #tpu.memory_space<vmem_shared>>)
      tpu.yield
    }) : () -> ()
    %dma_wait3A_59 = arith.constant 14 : i32
    %dma_wait3A_60 = arith.constant 0 : i32
    %dma_wait3A_61 = tpu.memref_slice %arg9[%dma_wait3A_59, %dma_wait3A_60] : memref<16x128xi32, #tpu.memory_space<vmem>> -> memref<1x128xi32, #tpu.memory_space<vmem>>
    %dma_wait3A_62 = tpu.memref_squeeze %dma_wait3A_61 : memref<1x128xi32, #tpu.memory_space<vmem>> -> memref<128xi32, #tpu.memory_space<vmem>>
    %dma_wait3A_63 = arith.constant 0 : i32
    %dma_wait3A_64 = arith.constant 0 : i32
    %dma_wait3A_65 = tpu.memref_slice %arg7[%dma_wait3A_63, %dma_wait3A_64] : memref<10240x64xf32, #tpu.memory_space<vmem_shared>> -> memref<10240x64xf32, #tpu.memory_space<vmem_shared>>
    tpu.wait_indirect_dma semaphore(%arg17 : memref<!tpu.dma_semaphore, #tpu.memory_space<semaphore_mem>>) src(%dma_wait3A_65 : memref<10240x64xf32, #tpu.memory_space<vmem_shared>>) dst(%arg13 : memref<128x64xf32, #tpu.memory_space<vmem>>)
    %run_scoped3A_66 = arith.constant 14 : i32
    "tpu.region"() ({
      %run_scoped3A_77 = tpu.sem_alloc : memref<!tpu.dma_semaphore, #tpu.memory_space<semaphore_mem>>
      %dma_start3A_78 = arith.constant 0 : i32
      %dma_start3A_79 = tpu.memref_slice %arg10[%run_scoped3A_66, %dma_start3A_78] : memref<16x128xi32, #tpu.memory_space<vmem>> -> memref<1x128xi32, #tpu.memory_space<vmem>>
      %dma_start3A_80 = tpu.memref_squeeze %dma_start3A_79 : memref<1x128xi32, #tpu.memory_space<vmem>> -> memref<128xi32, #tpu.memory_space<vmem>>
      %dma_start3A_81 = arith.constant 0 : i32
      %dma_start3A_82 = arith.constant 0 : i32
      %dma_start3A_83 = tpu.memref_slice %arg8[%dma_start3A_81, %dma_start3A_82] : memref<10240x64xf32, #tpu.memory_space<vmem_shared>> -> memref<10240x64xf32, #tpu.memory_space<vmem_shared>>
      tpu.enqueue_indirect_dma source(%arg13 : memref<128x64xf32, #tpu.memory_space<vmem>>) target(%dma_start3A_83 : memref<10240x64xf32, #tpu.memory_space<vmem_shared>>) offsets(%dma_start3A_80 : memref<128xi32, #tpu.memory_space<vmem>>) semaphore(%run_scoped3A_77 : memref<!tpu.dma_semaphore, #tpu.memory_space<semaphore_mem>>) {add = true}
      %dma_wait3A_84 = arith.constant 0 : i32
      %dma_wait3A_85 = tpu.memref_slice %arg10[%run_scoped3A_66, %dma_wait3A_84] : memref<16x128xi32, #tpu.memory_space<vmem>> -> memref<1x128xi32, #tpu.memory_space<vmem>>
      %dma_wait3A_86 = tpu.memref_squeeze %dma_wait3A_85 : memref<1x128xi32, #tpu.memory_space<vmem>> -> memref<128xi32, #tpu.memory_space<vmem>>
      %dma_wait3A_87 = arith.constant 0 : i32
      %dma_wait3A_88 = arith.constant 0 : i32
      %dma_wait3A_89 = tpu.memref_slice %arg8[%dma_wait3A_87, %dma_wait3A_88] : memref<10240x64xf32, #tpu.memory_space<vmem_shared>> -> memref<10240x64xf32, #tpu.memory_space<vmem_shared>>
      tpu.wait_indirect_dma semaphore(%run_scoped3A_77 : memref<!tpu.dma_semaphore, #tpu.memory_space<semaphore_mem>>) src(%arg13 : memref<128x64xf32, #tpu.memory_space<vmem>>) dst(%dma_wait3A_89 : memref<10240x64xf32, #tpu.memory_space<vmem_shared>>)
      tpu.yield
    }) : () -> ()
    %dma_wait3A_67 = arith.constant 15 : i32
    %dma_wait3A_68 = arith.constant 0 : i32
    %dma_wait3A_69 = tpu.memref_slice %arg9[%dma_wait3A_67, %dma_wait3A_68] : memref<16x128xi32, #tpu.memory_space<vmem>> -> memref<1x128xi32, #tpu.memory_space<vmem>>
    %dma_wait3A_70 = tpu.memref_squeeze %dma_wait3A_69 : memref<1x128xi32, #tpu.memory_space<vmem>> -> memref<128xi32, #tpu.memory_space<vmem>>
    %dma_wait3A_71 = arith.constant 0 : i32
    %dma_wait3A_72 = arith.constant 0 : i32
    %dma_wait3A_73 = tpu.memref_slice %arg7[%dma_wait3A_71, %dma_wait3A_72] : memref<10240x64xf32, #tpu.memory_space<vmem_shared>> -> memref<10240x64xf32, #tpu.memory_space<vmem_shared>>
    tpu.wait_indirect_dma semaphore(%arg18 : memref<!tpu.dma_semaphore, #tpu.memory_space<semaphore_mem>>) src(%dma_wait3A_73 : memref<10240x64xf32, #tpu.memory_space<vmem_shared>>) dst(%arg14 : memref<128x64xf32, #tpu.memory_space<vmem>>)
    %run_scoped3A_74 = arith.constant 15 : i32
    "tpu.region"() ({
      %run_scoped3A_77 = tpu.sem_alloc : memref<!tpu.dma_semaphore, #tpu.memory_space<semaphore_mem>>
      %dma_start3A_78 = arith.constant 0 : i32
      %dma_start3A_79 = tpu.memref_slice %arg10[%run_scoped3A_74, %dma_start3A_78] : memref<16x128xi32, #tpu.memory_space<vmem>> -> memref<1x128xi32, #tpu.memory_space<vmem>>
      %dma_start3A_80 = tpu.memref_squeeze %dma_start3A_79 : memref<1x128xi32, #tpu.memory_space<vmem>> -> memref<128xi32, #tpu.memory_space<vmem>>
      %dma_start3A_81 = arith.constant 0 : i32
      %dma_start3A_82 = arith.constant 0 : i32
      %dma_start3A_83 = tpu.memref_slice %arg8[%dma_start3A_81, %dma_start3A_82] : memref<10240x64xf32, #tpu.memory_space<vmem_shared>> -> memref<10240x64xf32, #tpu.memory_space<vmem_shared>>
      tpu.enqueue_indirect_dma source(%arg14 : memref<128x64xf32, #tpu.memory_space<vmem>>) target(%dma_start3A_83 : memref<10240x64xf32, #tpu.memory_space<vmem_shared>>) offsets(%dma_start3A_80 : memref<128xi32, #tpu.memory_space<vmem>>) semaphore(%run_scoped3A_77 : memref<!tpu.dma_semaphore, #tpu.memory_space<semaphore_mem>>) {add = true}
      %dma_wait3A_84 = arith.constant 0 : i32
      %dma_wait3A_85 = tpu.memref_slice %arg10[%run_scoped3A_74, %dma_wait3A_84] : memref<16x128xi32, #tpu.memory_space<vmem>> -> memref<1x128xi32, #tpu.memory_space<vmem>>
      %dma_wait3A_86 = tpu.memref_squeeze %dma_wait3A_85 : memref<1x128xi32, #tpu.memory_space<vmem>> -> memref<128xi32, #tpu.memory_space<vmem>>
      %dma_wait3A_87 = arith.constant 0 : i32
      %dma_wait3A_88 = arith.constant 0 : i32
      %dma_wait3A_89 = tpu.memref_slice %arg8[%dma_wait3A_87, %dma_wait3A_88] : memref<10240x64xf32, #tpu.memory_space<vmem_shared>> -> memref<10240x64xf32, #tpu.memory_space<vmem_shared>>
      tpu.wait_indirect_dma semaphore(%run_scoped3A_77 : memref<!tpu.dma_semaphore, #tpu.memory_space<semaphore_mem>>) src(%arg14 : memref<128x64xf32, #tpu.memory_space<vmem>>) dst(%dma_wait3A_89 : memref<10240x64xf32, #tpu.memory_space<vmem_shared>>)
      tpu.yield
    }) : () -> ()
    %scan3A_75 = arith.constant 1 : i32
    %barrier3A_76 = arith.constant 0 : index
    tpu.barrier barrier_id(%barrier3A_76)
    "tpu.region"() ({
      %run_scoped3A_77 = tpu.sem_alloc : memref<!tpu.dma_semaphore, #tpu.memory_space<semaphore_mem>>
      %dma_start3A_78 = arith.constant 0 : i32
      %dma_start3A_79 = tpu.memref_slice %arg6[%arg0, %mul3A_0, %dma_start3A_78] : memref<2x10240x64xf32, #tpu.memory_space<hbm>> -> memref<1x640x64xf32, #tpu.memory_space<hbm>>
      %dma_start3A_80 = tpu.memref_squeeze %dma_start3A_79 : memref<1x640x64xf32, #tpu.memory_space<hbm>> -> memref<640x64xf32, #tpu.memory_space<hbm>>
      %dma_start3A_81 = arith.constant 0 : i32
      %dma_start3A_82 = tpu.memref_slice %arg8[%mul3A_0, %dma_start3A_81] : memref<10240x64xf32, #tpu.memory_space<vmem_shared>> -> memref<640x64xf32, #tpu.memory_space<vmem_shared>>
      tpu.enqueue_dma source(%dma_start3A_82 : memref<640x64xf32, #tpu.memory_space<vmem_shared>>) target(%dma_start3A_80 : memref<640x64xf32, #tpu.memory_space<hbm>>) target_semaphore(%run_scoped3A_77 : memref<!tpu.dma_semaphore, #tpu.memory_space<semaphore_mem>>)
      %dma_wait3A_83 = arith.constant 0 : i32
      %dma_wait3A_84 = tpu.memref_slice %arg6[%arg0, %mul3A_0, %dma_wait3A_83] : memref<2x10240x64xf32, #tpu.memory_space<hbm>> -> memref<1x640x64xf32, #tpu.memory_space<hbm>>
      %dma_wait3A_85 = tpu.memref_squeeze %dma_wait3A_84 : memref<1x640x64xf32, #tpu.memory_space<hbm>> -> memref<640x64xf32, #tpu.memory_space<hbm>>
      %dma_wait3A_86 = arith.constant 0 : i32
      %dma_wait3A_87 = tpu.memref_slice %arg8[%mul3A_0, %dma_wait3A_86] : memref<10240x64xf32, #tpu.memory_space<vmem_shared>> -> memref<640x64xf32, #tpu.memory_space<vmem_shared>>
      tpu.wait_dma2 semaphore(%run_scoped3A_77 : memref<!tpu.dma_semaphore, #tpu.memory_space<semaphore_mem>>) src(%dma_wait3A_87 : memref<640x64xf32, #tpu.memory_space<vmem_shared>>) dst(%dma_wait3A_85 : memref<640x64xf32, #tpu.memory_space<hbm>>)
      tpu.yield
    }) : () -> ()
    return
  }
}

#map = affine_map<(d0, d1) -> (0, 0, 0)>
#map1 = affine_map<(d0, d1) -> (0, 0)>
module attributes {stable_mosaic.version = 14 : i64} {
  func.func @k(%arg0: i32, %arg1: i32, %arg2: memref<2x10240x64xf32, #tpu.memory_space<hbm>>, %arg3: memref<16x160x128xi32, #tpu.memory_space<hbm>>, %arg4: memref<16x160x128xi32, #tpu.memory_space<hbm>>, %arg5: memref<10240x64xf32, #tpu.memory_space<hbm>>, %arg6: memref<2x10240x64xf32, #tpu.memory_space<hbm>>, %arg7: memref<10240x64xf32, #tpu.memory_space<vmem_shared>>, %arg8: memref<10240x64xf32, #tpu.memory_space<vmem_shared>>, %arg9: memref<16x128xi32, #tpu.memory_space<vmem>>, %arg10: memref<16x128xi32, #tpu.memory_space<vmem>>, %arg11: memref<128x64xf32, #tpu.memory_space<vmem>>, %arg12: memref<128x64xf32, #tpu.memory_space<vmem>>, %arg13: memref<128x64xf32, #tpu.memory_space<vmem>>, %arg14: memref<128x64xf32, #tpu.memory_space<vmem>>, %arg15: memref<!tpu.dma_semaphore, #tpu.memory_space<semaphore_mem>>, %arg16: memref<!tpu.dma_semaphore, #tpu.memory_space<semaphore_mem>>, %arg17: memref<!tpu.dma_semaphore, #tpu.memory_space<semaphore_mem>>, %arg18: memref<!tpu.dma_semaphore, #tpu.memory_space<semaphore_mem>>) attributes {dimension_semantics = [#tpu.dimension_semantics<core_parallel>, #tpu.dimension_semantics<subcore_parallel>], iteration_bounds = array<i64: 2, 16>, scalar_prefetch = 0 : i64, scratch_operands = 12 : i64, tpu.core_type = #tpu.core_type<sc_vector_subcore>, window_params = [{transform_indices = #map}, {transform_indices = #map}, {transform_indices = #map}, {transform_indices = #map1}, {transform_indices = #map}]} {
    %mul3A = arith.constant 640 : i32
    %mul3A_0 = arith.muli %arg1, %mul3A : i32
    "tpu.region"() ({
      %run_scoped3A_77 = tpu.sem_alloc : memref<!tpu.dma_semaphore, #tpu.memory_space<semaphore_mem>>
      %dma_start3A_78 = arith.constant 0 : i32
      %dma_start3A_79 = tpu.memref_slice %arg7[%mul3A_0, %dma_start3A_78] : memref<10240x64xf32, #tpu.memory_space<vmem_shared>> -> memref<640x64xf32, #tpu.memory_space<vmem_shared>>
      %dma_start3A_80 = arith.constant 0 : i32
      %dma_start3A_81 = tpu.memref_slice %arg2[%arg0, %mul3A_0, %dma_start3A_80] : memref<2x10240x64xf32, #tpu.memory_space<hbm>> -> memref<1x640x64xf32, #tpu.memory_space<hbm>>
      %dma_start3A_82 = tpu.memref_squeeze %dma_start3A_81 : memref<1x640x64xf32, #tpu.memory_space<hbm>> -> memref<640x64xf32, #tpu.memory_space<hbm>>
      tpu.enqueue_dma source(%dma_start3A_82 : memref<640x64xf32, #tpu.memory_space<hbm>>) target(%dma_start3A_79 : memref<640x64xf32, #tpu.memory_space<vmem_shared>>) target_semaphore(%run_scoped3A_77 : memref<!tpu.dma_semaphore, #tpu.memory_space<semaphore_mem>>)
      %dma_wait3A_83 = arith.constant 0 : i32
      %dma_wait3A_84 = tpu.memref_slice %arg7[%mul3A_0, %dma_wait3A_83] : memref<10240x64xf32, #tpu.memory_space<vmem_shared>> -> memref<640x64xf32, #tpu.memory_space<vmem_shared>>
      %dma_wait3A_85 = arith.constant 0 : i32
      %dma_wait3A_86 = tpu.memref_slice %arg2[%arg0, %mul3A_0, %dma_wait3A_85] : memref<2x10240x64xf32, #tpu.memory_space<hbm>> -> memref<1x640x64xf32, #tpu.memory_space<hbm>>
      %dma_wait3A_87 = tpu.memref_squeeze %dma_wait3A_86 : memref<1x640x64xf32, #tpu.memory_space<hbm>> -> memref<640x64xf32, #tpu.memory_space<hbm>>
      tpu.wait_dma2 semaphore(%run_scoped3A_77 : memref<!tpu.dma_semaphore, #tpu.memory_space<semaphore_mem>>) src(%dma_wait3A_87 : memref<640x64xf32, #tpu.memory_space<hbm>>) dst(%dma_wait3A_84 : memref<640x64xf32, #tpu.memory_space<vmem_shared>>)
      tpu.yield
    }) : () -> ()
    "tpu.region"() ({
      %run_scoped3A_77 = tpu.sem_alloc : memref<!tpu.dma_semaphore, #tpu.memory_space<semaphore_mem>>
      %dma_start3A_78 = arith.constant 0 : i32
      %dma_start3A_79 = tpu.memref_slice %arg8[%mul3A_0, %dma_start3A_78] : memref<10240x64xf32, #tpu.memory_space<vmem_shared>> -> memref<640x64xf32, #tpu.memory_space<vmem_shared>>
      %dma_start3A_80 = arith.constant 0 : i32
      %dma_start3A_81 = tpu.memref_slice %arg5[%mul3A_0, %dma_start3A_80] : memref<10240x64xf32, #tpu.memory_space<hbm>> -> memref<640x64xf32, #tpu.memory_space<hbm>>
      tpu.enqueue_dma source(%dma_start3A_81 : memref<640x64xf32, #tpu.memory_space<hbm>>) target(%dma_start3A_79 : memref<640x64xf32, #tpu.memory_space<vmem_shared>>) target_semaphore(%run_scoped3A_77 : memref<!tpu.dma_semaphore, #tpu.memory_space<semaphore_mem>>)
      %dma_wait3A_82 = arith.constant 0 : i32
      %dma_wait3A_83 = tpu.memref_slice %arg8[%mul3A_0, %dma_wait3A_82] : memref<10240x64xf32, #tpu.memory_space<vmem_shared>> -> memref<640x64xf32, #tpu.memory_space<vmem_shared>>
      %dma_wait3A_84 = arith.constant 0 : i32
      %dma_wait3A_85 = tpu.memref_slice %arg5[%mul3A_0, %dma_wait3A_84] : memref<10240x64xf32, #tpu.memory_space<hbm>> -> memref<640x64xf32, #tpu.memory_space<hbm>>
      tpu.wait_dma2 semaphore(%run_scoped3A_77 : memref<!tpu.dma_semaphore, #tpu.memory_space<semaphore_mem>>) src(%dma_wait3A_85 : memref<640x64xf32, #tpu.memory_space<hbm>>) dst(%dma_wait3A_83 : memref<640x64xf32, #tpu.memory_space<vmem_shared>>)
      tpu.yield
    }) : () -> ()
    %barrier3A = arith.constant 0 : index
    tpu.barrier barrier_id(%barrier3A)
    %scan3A = arith.constant 0 : i32
    %scan3A_1 = arith.constant 9 : i32
    %scan3A_2 = arith.addi %scan3A, %scan3A_1 : i32
    %scan3A_3 = arith.constant 1 : i32
    scf.for %scan3A_77 = %scan3A to %scan3A_2 step %scan3A_3  : i32 {
      %mul3A_78 = arith.constant 1 : i32
      %mul3A_79 = arith.muli %scan3A_77, %mul3A_78 : i32
      %add3A_80 = arith.constant 0 : i32
      %add3A_81 = arith.addi %add3A_80, %mul3A_79 : i32
      %mul3A_82 = arith.constant 16 : i32
      %mul3A_83 = arith.muli %add3A_81, %mul3A_82 : i32
      "tpu.region"() ({
        %run_scoped3A_183 = tpu.sem_alloc : memref<!tpu.dma_semaphore, #tpu.memory_space<semaphore_mem>>
        %dma_start3A_184 = arith.constant 0 : i32
        %dma_start3A_185 = tpu.memref_slice %arg3[%arg1, %mul3A_83, %dma_start3A_184] : memref<16x160x128xi32, #tpu.memory_space<hbm>> -> memref<1x16x128xi32, #tpu.memory_space<hbm>>
        %dma_start3A_186 = tpu.memref_squeeze %dma_start3A_185 : memref<1x16x128xi32, #tpu.memory_space<hbm>> -> memref<16x128xi32, #tpu.memory_space<hbm>>
        %dma_start3A_187 = arith.constant 0 : i32
        %dma_start3A_188 = tpu.memref_slice %arg3[%arg1, %mul3A_83, %dma_start3A_187] : memref<16x160x128xi32, #tpu.memory_space<hbm>> -> memref<1x16x128xi32, #tpu.memory_space<hbm>>
        %dma_start3A_189 = tpu.memref_squeeze %dma_start3A_188 : memref<1x16x128xi32, #tpu.memory_space<hbm>> -> memref<16x128xi32, #tpu.memory_space<hbm>>
        tpu.enqueue_dma source(%dma_start3A_189 : memref<16x128xi32, #tpu.memory_space<hbm>>) target(%arg9 : memref<16x128xi32, #tpu.memory_space<vmem>>) target_semaphore(%run_scoped3A_183 : memref<!tpu.dma_semaphore, #tpu.memory_space<semaphore_mem>>)
        %dma_wait3A_190 = arith.constant 0 : i32
        %dma_wait3A_191 = tpu.memref_slice %arg3[%arg1, %mul3A_83, %dma_wait3A_190] : memref<16x160x128xi32, #tpu.memory_space<hbm>> -> memref<1x16x128xi32, #tpu.memory_space<hbm>>
        %dma_wait3A_192 = tpu.memref_squeeze %dma_wait3A_191 : memref<1x16x128xi32, #tpu.memory_space<hbm>> -> memref<16x128xi32, #tpu.memory_space<hbm>>
        %dma_wait3A_193 = arith.constant 0 : i32
        %dma_wait3A_194 = tpu.memref_slice %arg3[%arg1, %mul3A_83, %dma_wait3A_193] : memref<16x160x128xi32, #tpu.memory_space<hbm>> -> memref<1x16x128xi32, #tpu.memory_space<hbm>>
        %dma_wait3A_195 = tpu.memref_squeeze %dma_wait3A_194 : memref<1x16x128xi32, #tpu.memory_space<hbm>> -> memref<16x128xi32, #tpu.memory_space<hbm>>
        tpu.wait_dma2 semaphore(%run_scoped3A_183 : memref<!tpu.dma_semaphore, #tpu.memory_space<semaphore_mem>>) src(%dma_wait3A_195 : memref<16x128xi32, #tpu.memory_space<hbm>>) dst(%arg9 : memref<16x128xi32, #tpu.memory_space<vmem>>)
        tpu.yield
      }) : () -> ()
      %mul3A_84 = arith.constant 16 : i32
      %mul3A_85 = arith.muli %add3A_81, %mul3A_84 : i32
      "tpu.region"() ({
        %run_scoped3A_183 = tpu.sem_alloc : memref<!tpu.dma_semaphore, #tpu.memory_space<semaphore_mem>>
        %dma_start3A_184 = arith.constant 0 : i32
        %dma_start3A_185 = tpu.memref_slice %arg4[%arg1, %mul3A_85, %dma_start3A_184] : memref<16x160x128xi32, #tpu.memory_space<hbm>> -> memref<1x16x128xi32, #tpu.memory_space<hbm>>
        %dma_start3A_186 = tpu.memref_squeeze %dma_start3A_185 : memref<1x16x128xi32, #tpu.memory_space<hbm>> -> memref<16x128xi32, #tpu.memory_space<hbm>>
        %dma_start3A_187 = arith.constant 0 : i32
        %dma_start3A_188 = tpu.memref_slice %arg4[%arg1, %mul3A_85, %dma_start3A_187] : memref<16x160x128xi32, #tpu.memory_space<hbm>> -> memref<1x16x128xi32, #tpu.memory_space<hbm>>
        %dma_start3A_189 = tpu.memref_squeeze %dma_start3A_188 : memref<1x16x128xi32, #tpu.memory_space<hbm>> -> memref<16x128xi32, #tpu.memory_space<hbm>>
        tpu.enqueue_dma source(%dma_start3A_189 : memref<16x128xi32, #tpu.memory_space<hbm>>) target(%arg10 : memref<16x128xi32, #tpu.memory_space<vmem>>) target_semaphore(%run_scoped3A_183 : memref<!tpu.dma_semaphore, #tpu.memory_space<semaphore_mem>>)
        %dma_wait3A_190 = arith.constant 0 : i32
        %dma_wait3A_191 = tpu.memref_slice %arg4[%arg1, %mul3A_85, %dma_wait3A_190] : memref<16x160x128xi32, #tpu.memory_space<hbm>> -> memref<1x16x128xi32, #tpu.memory_space<hbm>>
        %dma_wait3A_192 = tpu.memref_squeeze %dma_wait3A_191 : memref<1x16x128xi32, #tpu.memory_space<hbm>> -> memref<16x128xi32, #tpu.memory_space<hbm>>
        %dma_wait3A_193 = arith.constant 0 : i32
        %dma_wait3A_194 = tpu.memref_slice %arg4[%arg1, %mul3A_85, %dma_wait3A_193] : memref<16x160x128xi32, #tpu.memory_space<hbm>> -> memref<1x16x128xi32, #tpu.memory_space<hbm>>
        %dma_wait3A_195 = tpu.memref_squeeze %dma_wait3A_194 : memref<1x16x128xi32, #tpu.memory_space<hbm>> -> memref<16x128xi32, #tpu.memory_space<hbm>>
        tpu.wait_dma2 semaphore(%run_scoped3A_183 : memref<!tpu.dma_semaphore, #tpu.memory_space<semaphore_mem>>) src(%dma_wait3A_195 : memref<16x128xi32, #tpu.memory_space<hbm>>) dst(%arg10 : memref<16x128xi32, #tpu.memory_space<vmem>>)
        tpu.yield
      }) : () -> ()
      %dma_start3A_86 = arith.constant 0 : i32
      %dma_start3A_87 = arith.constant 0 : i32
      %dma_start3A_88 = tpu.memref_slice %arg9[%dma_start3A_86, %dma_start3A_87] : memref<16x128xi32, #tpu.memory_space<vmem>> -> memref<1x128xi32, #tpu.memory_space<vmem>>
      %dma_start3A_89 = tpu.memref_squeeze %dma_start3A_88 : memref<1x128xi32, #tpu.memory_space<vmem>> -> memref<128xi32, #tpu.memory_space<vmem>>
      %dma_start3A_90 = arith.constant 0 : i32
      %dma_start3A_91 = arith.constant 0 : i32
      %dma_start3A_92 = tpu.memref_slice %arg2[%arg0, %dma_start3A_90, %dma_start3A_91] : memref<2x10240x64xf32, #tpu.memory_space<hbm>> -> memref<1x10240x64xf32, #tpu.memory_space<hbm>>
      %dma_start3A_93 = tpu.memref_squeeze %dma_start3A_92 : memref<1x10240x64xf32, #tpu.memory_space<hbm>> -> memref<10240x64xf32, #tpu.memory_space<hbm>>
      %dma_start3A_94 = arith.constant 0 : i32
      %dma_start3A_95 = arith.constant 0 : i32
      %dma_start3A_96 = tpu.memref_slice %dma_start3A_93[%dma_start3A_94, %dma_start3A_95] : memref<10240x64xf32, #tpu.memory_space<hbm>> -> memref<10240x64xf32, #tpu.memory_space<hbm>>
      tpu.enqueue_indirect_dma source(%dma_start3A_96 : memref<10240x64xf32, #tpu.memory_space<hbm>>) target(%arg11 : memref<128x64xf32, #tpu.memory_space<vmem>>) offsets(%dma_start3A_89 : memref<128xi32, #tpu.memory_space<vmem>>) semaphore(%arg15 : memref<!tpu.dma_semaphore, #tpu.memory_space<semaphore_mem>>)
      %dma_start3A_97 = arith.constant 1 : i32
      %dma_start3A_98 = arith.constant 0 : i32
      %dma_start3A_99 = tpu.memref_slice %arg9[%dma_start3A_97, %dma_start3A_98] : memref<16x128xi32, #tpu.memory_space<vmem>> -> memref<1x128xi32, #tpu.memory_space<vmem>>
      %dma_start3A_100 = tpu.memref_squeeze %dma_start3A_99 : memref<1x128xi32, #tpu.memory_space<vmem>> -> memref<128xi32, #tpu.memory_space<vmem>>
      %dma_start3A_101 = arith.constant 0 : i32
      %dma_start3A_102 = arith.constant 0 : i32
      %dma_start3A_103 = tpu.memref_slice %arg2[%arg0, %dma_start3A_101, %dma_start3A_102] : memref<2x10240x64xf32, #tpu.memory_space<hbm>> -> memref<1x10240x64xf32, #tpu.memory_space<hbm>>
      %dma_start3A_104 = tpu.memref_squeeze %dma_start3A_103 : memref<1x10240x64xf32, #tpu.memory_space<hbm>> -> memref<10240x64xf32, #tpu.memory_space<hbm>>
      %dma_start3A_105 = arith.constant 0 : i32
      %dma_start3A_106 = arith.constant 0 : i32
      %dma_start3A_107 = tpu.memref_slice %dma_start3A_104[%dma_start3A_105, %dma_start3A_106] : memref<10240x64xf32, #tpu.memory_space<hbm>> -> memref<10240x64xf32, #tpu.memory_space<hbm>>
      tpu.enqueue_indirect_dma source(%dma_start3A_107 : memref<10240x64xf32, #tpu.memory_space<hbm>>) target(%arg12 : memref<128x64xf32, #tpu.memory_space<vmem>>) offsets(%dma_start3A_100 : memref<128xi32, #tpu.memory_space<vmem>>) semaphore(%arg16 : memref<!tpu.dma_semaphore, #tpu.memory_space<semaphore_mem>>)
      %dma_start3A_108 = arith.constant 2 : i32
      %dma_start3A_109 = arith.constant 0 : i32
      %dma_start3A_110 = tpu.memref_slice %arg9[%dma_start3A_108, %dma_start3A_109] : memref<16x128xi32, #tpu.memory_space<vmem>> -> memref<1x128xi32, #tpu.memory_space<vmem>>
      %dma_start3A_111 = tpu.memref_squeeze %dma_start3A_110 : memref<1x128xi32, #tpu.memory_space<vmem>> -> memref<128xi32, #tpu.memory_space<vmem>>
      %dma_start3A_112 = arith.constant 0 : i32
      %dma_start3A_113 = arith.constant 0 : i32
      %dma_start3A_114 = tpu.memref_slice %arg2[%arg0, %dma_start3A_112, %dma_start3A_113] : memref<2x10240x64xf32, #tpu.memory_space<hbm>> -> memref<1x10240x64xf32, #tpu.memory_space<hbm>>
      %dma_start3A_115 = tpu.memref_squeeze %dma_start3A_114 : memref<1x10240x64xf32, #tpu.memory_space<hbm>> -> memref<10240x64xf32, #tpu.memory_space<hbm>>
      %dma_start3A_116 = arith.constant 0 : i32
      %dma_start3A_117 = arith.constant 0 : i32
      %dma_start3A_118 = tpu.memref_slice %dma_start3A_115[%dma_start3A_116, %dma_start3A_117] : memref<10240x64xf32, #tpu.memory_space<hbm>> -> memref<10240x64xf32, #tpu.memory_space<hbm>>
      tpu.enqueue_indirect_dma source(%dma_start3A_118 : memref<10240x64xf32, #tpu.memory_space<hbm>>) target(%arg13 : memref<128x64xf32, #tpu.memory_space<vmem>>) offsets(%dma_start3A_111 : memref<128xi32, #tpu.memory_space<vmem>>) semaphore(%arg17 : memref<!tpu.dma_semaphore, #tpu.memory_space<semaphore_mem>>)
      %dma_start3A_119 = arith.constant 3 : i32
      %dma_start3A_120 = arith.constant 0 : i32
      %dma_start3A_121 = tpu.memref_slice %arg9[%dma_start3A_119, %dma_start3A_120] : memref<16x128xi32, #tpu.memory_space<vmem>> -> memref<1x128xi32, #tpu.memory_space<vmem>>
      %dma_start3A_122 = tpu.memref_squeeze %dma_start3A_121 : memref<1x128xi32, #tpu.memory_space<vmem>> -> memref<128xi32, #tpu.memory_space<vmem>>
      %dma_start3A_123 = arith.constant 0 : i32
      %dma_start3A_124 = arith.constant 0 : i32
      %dma_start3A_125 = tpu.memref_slice %arg2[%arg0, %dma_start3A_123, %dma_start3A_124] : memref<2x10240x64xf32, #tpu.memory_space<hbm>> -> memref<1x10240x64xf32, #tpu.memory_space<hbm>>
      %dma_start3A_126 = tpu.memref_squeeze %dma_start3A_125 : memref<1x10240x64xf32, #tpu.memory_space<hbm>> -> memref<10240x64xf32, #tpu.memory_space<hbm>>
      %dma_start3A_127 = arith.constant 0 : i32
      %dma_start3A_128 = arith.constant 0 : i32
      %dma_start3A_129 = tpu.memref_slice %dma_start3A_126[%dma_start3A_127, %dma_start3A_128] : memref<10240x64xf32, #tpu.memory_space<hbm>> -> memref<10240x64xf32, #tpu.memory_space<hbm>>
      tpu.enqueue_indirect_dma source(%dma_start3A_129 : memref<10240x64xf32, #tpu.memory_space<hbm>>) target(%arg14 : memref<128x64xf32, #tpu.memory_space<vmem>>) offsets(%dma_start3A_122 : memref<128xi32, #tpu.memory_space<vmem>>) semaphore(%arg18 : memref<!tpu.dma_semaphore, #tpu.memory_space<semaphore_mem>>)
      %scan3A_130 = arith.constant 0 : i32
      %scan3A_131 = arith.constant 3 : i32
      %scan3A_132 = arith.addi %scan3A_130, %scan3A_131 : i32
      %scan3A_133 = arith.constant 1 : i32
      scf.for %scan3A_183 = %scan3A_130 to %scan3A_132 step %scan3A_133  : i32 {
        %mul3A_184 = arith.constant 4 : i32
        %mul3A_185 = arith.muli %scan3A_183, %mul3A_184 : i32
        %add3A_186 = arith.constant 0 : i32
        %add3A_187 = arith.addi %add3A_186, %mul3A_185 : i32
        %add3A_188 = arith.constant 0 : i32
        %add3A_189 = arith.addi %add3A_187, %add3A_188 : i32
        %dma_wait3A_190 = arith.constant 0 : i32
        %dma_wait3A_191 = tpu.memref_slice %arg9[%add3A_189, %dma_wait3A_190] : memref<16x128xi32, #tpu.memory_space<vmem>> -> memref<1x128xi32, #tpu.memory_space<vmem>>
        %dma_wait3A_192 = tpu.memref_squeeze %dma_wait3A_191 : memref<1x128xi32, #tpu.memory_space<vmem>> -> memref<128xi32, #tpu.memory_space<vmem>>
        %dma_wait3A_193 = arith.constant 0 : i32
        %dma_wait3A_194 = arith.constant 0 : i32
        %dma_wait3A_195 = tpu.memref_slice %arg2[%arg0, %dma_wait3A_193, %dma_wait3A_194] : memref<2x10240x64xf32, #tpu.memory_space<hbm>> -> memref<1x10240x64xf32, #tpu.memory_space<hbm>>
        %dma_wait3A_196 = tpu.memref_squeeze %dma_wait3A_195 : memref<1x10240x64xf32, #tpu.memory_space<hbm>> -> memref<10240x64xf32, #tpu.memory_space<hbm>>
        %dma_wait3A_197 = arith.constant 0 : i32
        %dma_wait3A_198 = arith.constant 0 : i32
        %dma_wait3A_199 = tpu.memref_slice %dma_wait3A_196[%dma_wait3A_197, %dma_wait3A_198] : memref<10240x64xf32, #tpu.memory_space<hbm>> -> memref<10240x64xf32, #tpu.memory_space<hbm>>
        tpu.wait_indirect_dma semaphore(%arg15 : memref<!tpu.dma_semaphore, #tpu.memory_space<semaphore_mem>>) src(%dma_wait3A_199 : memref<10240x64xf32, #tpu.memory_space<hbm>>) dst(%arg11 : memref<128x64xf32, #tpu.memory_space<vmem>>)
        %add3A_200 = arith.constant 0 : i32
        %add3A_201 = arith.addi %add3A_187, %add3A_200 : i32
        "tpu.region"() ({
          %run_scoped3A_300 = tpu.sem_alloc : memref<!tpu.dma_semaphore, #tpu.memory_space<semaphore_mem>>
          %dma_start3A_301 = arith.constant 0 : i32
          %dma_start3A_302 = tpu.memref_slice %arg10[%add3A_201, %dma_start3A_301] : memref<16x128xi32, #tpu.memory_space<vmem>> -> memref<1x128xi32, #tpu.memory_space<vmem>>
          %dma_start3A_303 = tpu.memref_squeeze %dma_start3A_302 : memref<1x128xi32, #tpu.memory_space<vmem>> -> memref<128xi32, #tpu.memory_space<vmem>>
          %dma_start3A_304 = arith.constant 0 : i32
          %dma_start3A_305 = arith.constant 0 : i32
          %dma_start3A_306 = tpu.memref_slice %arg8[%dma_start3A_304, %dma_start3A_305] : memref<10240x64xf32, #tpu.memory_space<vmem_shared>> -> memref<10240x64xf32, #tpu.memory_space<vmem_shared>>
          tpu.enqueue_indirect_dma source(%arg11 : memref<128x64xf32, #tpu.memory_space<vmem>>) target(%dma_start3A_306 : memref<10240x64xf32, #tpu.memory_space<vmem_shared>>) offsets(%dma_start3A_303 : memref<128xi32, #tpu.memory_space<vmem>>) semaphore(%run_scoped3A_300 : memref<!tpu.dma_semaphore, #tpu.memory_space<semaphore_mem>>) {add = true}
          %dma_wait3A_307 = arith.constant 0 : i32
          %dma_wait3A_308 = tpu.memref_slice %arg10[%add3A_201, %dma_wait3A_307] : memref<16x128xi32, #tpu.memory_space<vmem>> -> memref<1x128xi32, #tpu.memory_space<vmem>>
          %dma_wait3A_309 = tpu.memref_squeeze %dma_wait3A_308 : memref<1x128xi32, #tpu.memory_space<vmem>> -> memref<128xi32, #tpu.memory_space<vmem>>
          %dma_wait3A_310 = arith.constant 0 : i32
          %dma_wait3A_311 = arith.constant 0 : i32
          %dma_wait3A_312 = tpu.memref_slice %arg8[%dma_wait3A_310, %dma_wait3A_311] : memref<10240x64xf32, #tpu.memory_space<vmem_shared>> -> memref<10240x64xf32, #tpu.memory_space<vmem_shared>>
          tpu.wait_indirect_dma semaphore(%run_scoped3A_300 : memref<!tpu.dma_semaphore, #tpu.memory_space<semaphore_mem>>) src(%arg11 : memref<128x64xf32, #tpu.memory_space<vmem>>) dst(%dma_wait3A_312 : memref<10240x64xf32, #tpu.memory_space<vmem_shared>>)
          tpu.yield
        }) : () -> ()
        %add3A_202 = arith.constant 0 : i32
        %add3A_203 = arith.addi %add3A_187, %add3A_202 : i32
        %add3A_204 = arith.constant 4 : i32
        %add3A_205 = arith.addi %add3A_203, %add3A_204 : i32
        %dma_start3A_206 = arith.constant 0 : i32
        %dma_start3A_207 = tpu.memref_slice %arg9[%add3A_205, %dma_start3A_206] : memref<16x128xi32, #tpu.memory_space<vmem>> -> memref<1x128xi32, #tpu.memory_space<vmem>>
        %dma_start3A_208 = tpu.memref_squeeze %dma_start3A_207 : memref<1x128xi32, #tpu.memory_space<vmem>> -> memref<128xi32, #tpu.memory_space<vmem>>
        %dma_start3A_209 = arith.constant 0 : i32
        %dma_start3A_210 = arith.constant 0 : i32
        %dma_start3A_211 = tpu.memref_slice %arg2[%arg0, %dma_start3A_209, %dma_start3A_210] : memref<2x10240x64xf32, #tpu.memory_space<hbm>> -> memref<1x10240x64xf32, #tpu.memory_space<hbm>>
        %dma_start3A_212 = tpu.memref_squeeze %dma_start3A_211 : memref<1x10240x64xf32, #tpu.memory_space<hbm>> -> memref<10240x64xf32, #tpu.memory_space<hbm>>
        %dma_start3A_213 = arith.constant 0 : i32
        %dma_start3A_214 = arith.constant 0 : i32
        %dma_start3A_215 = tpu.memref_slice %dma_start3A_212[%dma_start3A_213, %dma_start3A_214] : memref<10240x64xf32, #tpu.memory_space<hbm>> -> memref<10240x64xf32, #tpu.memory_space<hbm>>
        tpu.enqueue_indirect_dma source(%dma_start3A_215 : memref<10240x64xf32, #tpu.memory_space<hbm>>) target(%arg11 : memref<128x64xf32, #tpu.memory_space<vmem>>) offsets(%dma_start3A_208 : memref<128xi32, #tpu.memory_space<vmem>>) semaphore(%arg15 : memref<!tpu.dma_semaphore, #tpu.memory_space<semaphore_mem>>)
        %add3A_216 = arith.constant 1 : i32
        %add3A_217 = arith.addi %add3A_187, %add3A_216 : i32
        %dma_wait3A_218 = arith.constant 0 : i32
        %dma_wait3A_219 = tpu.memref_slice %arg9[%add3A_217, %dma_wait3A_218] : memref<16x128xi32, #tpu.memory_space<vmem>> -> memref<1x128xi32, #tpu.memory_space<vmem>>
        %dma_wait3A_220 = tpu.memref_squeeze %dma_wait3A_219 : memref<1x128xi32, #tpu.memory_space<vmem>> -> memref<128xi32, #tpu.memory_space<vmem>>
        %dma_wait3A_221 = arith.constant 0 : i32
        %dma_wait3A_222 = arith.constant 0 : i32
        %dma_wait3A_223 = tpu.memref_slice %arg2[%arg0, %dma_wait3A_221, %dma_wait3A_222] : memref<2x10240x64xf32, #tpu.memory_space<hbm>> -> memref<1x10240x64xf32, #tpu.memory_space<hbm>>
        %dma_wait3A_224 = tpu.memref_squeeze %dma_wait3A_223 : memref<1x10240x64xf32, #tpu.memory_space<hbm>> -> memref<10240x64xf32, #tpu.memory_space<hbm>>
        %dma_wait3A_225 = arith.constant 0 : i32
        %dma_wait3A_226 = arith.constant 0 : i32
        %dma_wait3A_227 = tpu.memref_slice %dma_wait3A_224[%dma_wait3A_225, %dma_wait3A_226] : memref<10240x64xf32, #tpu.memory_space<hbm>> -> memref<10240x64xf32, #tpu.memory_space<hbm>>
        tpu.wait_indirect_dma semaphore(%arg16 : memref<!tpu.dma_semaphore, #tpu.memory_space<semaphore_mem>>) src(%dma_wait3A_227 : memref<10240x64xf32, #tpu.memory_space<hbm>>) dst(%arg12 : memref<128x64xf32, #tpu.memory_space<vmem>>)
        %add3A_228 = arith.constant 1 : i32
        %add3A_229 = arith.addi %add3A_187, %add3A_228 : i32
        "tpu.region"() ({
          %run_scoped3A_300 = tpu.sem_alloc : memref<!tpu.dma_semaphore, #tpu.memory_space<semaphore_mem>>
          %dma_start3A_301 = arith.constant 0 : i32
          %dma_start3A_302 = tpu.memref_slice %arg10[%add3A_229, %dma_start3A_301] : memref<16x128xi32, #tpu.memory_space<vmem>> -> memref<1x128xi32, #tpu.memory_space<vmem>>
          %dma_start3A_303 = tpu.memref_squeeze %dma_start3A_302 : memref<1x128xi32, #tpu.memory_space<vmem>> -> memref<128xi32, #tpu.memory_space<vmem>>
          %dma_start3A_304 = arith.constant 0 : i32
          %dma_start3A_305 = arith.constant 0 : i32
          %dma_start3A_306 = tpu.memref_slice %arg8[%dma_start3A_304, %dma_start3A_305] : memref<10240x64xf32, #tpu.memory_space<vmem_shared>> -> memref<10240x64xf32, #tpu.memory_space<vmem_shared>>
          tpu.enqueue_indirect_dma source(%arg12 : memref<128x64xf32, #tpu.memory_space<vmem>>) target(%dma_start3A_306 : memref<10240x64xf32, #tpu.memory_space<vmem_shared>>) offsets(%dma_start3A_303 : memref<128xi32, #tpu.memory_space<vmem>>) semaphore(%run_scoped3A_300 : memref<!tpu.dma_semaphore, #tpu.memory_space<semaphore_mem>>) {add = true}
          %dma_wait3A_307 = arith.constant 0 : i32
          %dma_wait3A_308 = tpu.memref_slice %arg10[%add3A_229, %dma_wait3A_307] : memref<16x128xi32, #tpu.memory_space<vmem>> -> memref<1x128xi32, #tpu.memory_space<vmem>>
          %dma_wait3A_309 = tpu.memref_squeeze %dma_wait3A_308 : memref<1x128xi32, #tpu.memory_space<vmem>> -> memref<128xi32, #tpu.memory_space<vmem>>
          %dma_wait3A_310 = arith.constant 0 : i32
          %dma_wait3A_311 = arith.constant 0 : i32
          %dma_wait3A_312 = tpu.memref_slice %arg8[%dma_wait3A_310, %dma_wait3A_311] : memref<10240x64xf32, #tpu.memory_space<vmem_shared>> -> memref<10240x64xf32, #tpu.memory_space<vmem_shared>>
          tpu.wait_indirect_dma semaphore(%run_scoped3A_300 : memref<!tpu.dma_semaphore, #tpu.memory_space<semaphore_mem>>) src(%arg12 : memref<128x64xf32, #tpu.memory_space<vmem>>) dst(%dma_wait3A_312 : memref<10240x64xf32, #tpu.memory_space<vmem_shared>>)
          tpu.yield
        }) : () -> ()
        %add3A_230 = arith.constant 1 : i32
        %add3A_231 = arith.addi %add3A_187, %add3A_230 : i32
        %add3A_232 = arith.constant 4 : i32
        %add3A_233 = arith.addi %add3A_231, %add3A_232 : i32
        %dma_start3A_234 = arith.constant 0 : i32
        %dma_start3A_235 = tpu.memref_slice %arg9[%add3A_233, %dma_start3A_234] : memref<16x128xi32, #tpu.memory_space<vmem>> -> memref<1x128xi32, #tpu.memory_space<vmem>>
        %dma_start3A_236 = tpu.memref_squeeze %dma_start3A_235 : memref<1x128xi32, #tpu.memory_space<vmem>> -> memref<128xi32, #tpu.memory_space<vmem>>
        %dma_start3A_237 = arith.constant 0 : i32
        %dma_start3A_238 = arith.constant 0 : i32
        %dma_start3A_239 = tpu.memref_slice %arg2[%arg0, %dma_start3A_237, %dma_start3A_238] : memref<2x10240x64xf32, #tpu.memory_space<hbm>> -> memref<1x10240x64xf32, #tpu.memory_space<hbm>>
        %dma_start3A_240 = tpu.memref_squeeze %dma_start3A_239 : memref<1x10240x64xf32, #tpu.memory_space<hbm>> -> memref<10240x64xf32, #tpu.memory_space<hbm>>
        %dma_start3A_241 = arith.constant 0 : i32
        %dma_start3A_242 = arith.constant 0 : i32
        %dma_start3A_243 = tpu.memref_slice %dma_start3A_240[%dma_start3A_241, %dma_start3A_242] : memref<10240x64xf32, #tpu.memory_space<hbm>> -> memref<10240x64xf32, #tpu.memory_space<hbm>>
        tpu.enqueue_indirect_dma source(%dma_start3A_243 : memref<10240x64xf32, #tpu.memory_space<hbm>>) target(%arg12 : memref<128x64xf32, #tpu.memory_space<vmem>>) offsets(%dma_start3A_236 : memref<128xi32, #tpu.memory_space<vmem>>) semaphore(%arg16 : memref<!tpu.dma_semaphore, #tpu.memory_space<semaphore_mem>>)
        %add3A_244 = arith.constant 2 : i32
        %add3A_245 = arith.addi %add3A_187, %add3A_244 : i32
        %dma_wait3A_246 = arith.constant 0 : i32
        %dma_wait3A_247 = tpu.memref_slice %arg9[%add3A_245, %dma_wait3A_246] : memref<16x128xi32, #tpu.memory_space<vmem>> -> memref<1x128xi32, #tpu.memory_space<vmem>>
        %dma_wait3A_248 = tpu.memref_squeeze %dma_wait3A_247 : memref<1x128xi32, #tpu.memory_space<vmem>> -> memref<128xi32, #tpu.memory_space<vmem>>
        %dma_wait3A_249 = arith.constant 0 : i32
        %dma_wait3A_250 = arith.constant 0 : i32
        %dma_wait3A_251 = tpu.memref_slice %arg2[%arg0, %dma_wait3A_249, %dma_wait3A_250] : memref<2x10240x64xf32, #tpu.memory_space<hbm>> -> memref<1x10240x64xf32, #tpu.memory_space<hbm>>
        %dma_wait3A_252 = tpu.memref_squeeze %dma_wait3A_251 : memref<1x10240x64xf32, #tpu.memory_space<hbm>> -> memref<10240x64xf32, #tpu.memory_space<hbm>>
        %dma_wait3A_253 = arith.constant 0 : i32
        %dma_wait3A_254 = arith.constant 0 : i32
        %dma_wait3A_255 = tpu.memref_slice %dma_wait3A_252[%dma_wait3A_253, %dma_wait3A_254] : memref<10240x64xf32, #tpu.memory_space<hbm>> -> memref<10240x64xf32, #tpu.memory_space<hbm>>
        tpu.wait_indirect_dma semaphore(%arg17 : memref<!tpu.dma_semaphore, #tpu.memory_space<semaphore_mem>>) src(%dma_wait3A_255 : memref<10240x64xf32, #tpu.memory_space<hbm>>) dst(%arg13 : memref<128x64xf32, #tpu.memory_space<vmem>>)
        %add3A_256 = arith.constant 2 : i32
        %add3A_257 = arith.addi %add3A_187, %add3A_256 : i32
        "tpu.region"() ({
          %run_scoped3A_300 = tpu.sem_alloc : memref<!tpu.dma_semaphore, #tpu.memory_space<semaphore_mem>>
          %dma_start3A_301 = arith.constant 0 : i32
          %dma_start3A_302 = tpu.memref_slice %arg10[%add3A_257, %dma_start3A_301] : memref<16x128xi32, #tpu.memory_space<vmem>> -> memref<1x128xi32, #tpu.memory_space<vmem>>
          %dma_start3A_303 = tpu.memref_squeeze %dma_start3A_302 : memref<1x128xi32, #tpu.memory_space<vmem>> -> memref<128xi32, #tpu.memory_space<vmem>>
          %dma_start3A_304 = arith.constant 0 : i32
          %dma_start3A_305 = arith.constant 0 : i32
          %dma_start3A_306 = tpu.memref_slice %arg8[%dma_start3A_304, %dma_start3A_305] : memref<10240x64xf32, #tpu.memory_space<vmem_shared>> -> memref<10240x64xf32, #tpu.memory_space<vmem_shared>>
          tpu.enqueue_indirect_dma source(%arg13 : memref<128x64xf32, #tpu.memory_space<vmem>>) target(%dma_start3A_306 : memref<10240x64xf32, #tpu.memory_space<vmem_shared>>) offsets(%dma_start3A_303 : memref<128xi32, #tpu.memory_space<vmem>>) semaphore(%run_scoped3A_300 : memref<!tpu.dma_semaphore, #tpu.memory_space<semaphore_mem>>) {add = true}
          %dma_wait3A_307 = arith.constant 0 : i32
          %dma_wait3A_308 = tpu.memref_slice %arg10[%add3A_257, %dma_wait3A_307] : memref<16x128xi32, #tpu.memory_space<vmem>> -> memref<1x128xi32, #tpu.memory_space<vmem>>
          %dma_wait3A_309 = tpu.memref_squeeze %dma_wait3A_308 : memref<1x128xi32, #tpu.memory_space<vmem>> -> memref<128xi32, #tpu.memory_space<vmem>>
          %dma_wait3A_310 = arith.constant 0 : i32
          %dma_wait3A_311 = arith.constant 0 : i32
          %dma_wait3A_312 = tpu.memref_slice %arg8[%dma_wait3A_310, %dma_wait3A_311] : memref<10240x64xf32, #tpu.memory_space<vmem_shared>> -> memref<10240x64xf32, #tpu.memory_space<vmem_shared>>
          tpu.wait_indirect_dma semaphore(%run_scoped3A_300 : memref<!tpu.dma_semaphore, #tpu.memory_space<semaphore_mem>>) src(%arg13 : memref<128x64xf32, #tpu.memory_space<vmem>>) dst(%dma_wait3A_312 : memref<10240x64xf32, #tpu.memory_space<vmem_shared>>)
          tpu.yield
        }) : () -> ()
        %add3A_258 = arith.constant 2 : i32
        %add3A_259 = arith.addi %add3A_187, %add3A_258 : i32
        %add3A_260 = arith.constant 4 : i32
        %add3A_261 = arith.addi %add3A_259, %add3A_260 : i32
        %dma_start3A_262 = arith.constant 0 : i32
        %dma_start3A_263 = tpu.memref_slice %arg9[%add3A_261, %dma_start3A_262] : memref<16x128xi32, #tpu.memory_space<vmem>> -> memref<1x128xi32, #tpu.memory_space<vmem>>
        %dma_start3A_264 = tpu.memref_squeeze %dma_start3A_263 : memref<1x128xi32, #tpu.memory_space<vmem>> -> memref<128xi32, #tpu.memory_space<vmem>>
        %dma_start3A_265 = arith.constant 0 : i32
        %dma_start3A_266 = arith.constant 0 : i32
        %dma_start3A_267 = tpu.memref_slice %arg2[%arg0, %dma_start3A_265, %dma_start3A_266] : memref<2x10240x64xf32, #tpu.memory_space<hbm>> -> memref<1x10240x64xf32, #tpu.memory_space<hbm>>
        %dma_start3A_268 = tpu.memref_squeeze %dma_start3A_267 : memref<1x10240x64xf32, #tpu.memory_space<hbm>> -> memref<10240x64xf32, #tpu.memory_space<hbm>>
        %dma_start3A_269 = arith.constant 0 : i32
        %dma_start3A_270 = arith.constant 0 : i32
        %dma_start3A_271 = tpu.memref_slice %dma_start3A_268[%dma_start3A_269, %dma_start3A_270] : memref<10240x64xf32, #tpu.memory_space<hbm>> -> memref<10240x64xf32, #tpu.memory_space<hbm>>
        tpu.enqueue_indirect_dma source(%dma_start3A_271 : memref<10240x64xf32, #tpu.memory_space<hbm>>) target(%arg13 : memref<128x64xf32, #tpu.memory_space<vmem>>) offsets(%dma_start3A_264 : memref<128xi32, #tpu.memory_space<vmem>>) semaphore(%arg17 : memref<!tpu.dma_semaphore, #tpu.memory_space<semaphore_mem>>)
        %add3A_272 = arith.constant 3 : i32
        %add3A_273 = arith.addi %add3A_187, %add3A_272 : i32
        %dma_wait3A_274 = arith.constant 0 : i32
        %dma_wait3A_275 = tpu.memref_slice %arg9[%add3A_273, %dma_wait3A_274] : memref<16x128xi32, #tpu.memory_space<vmem>> -> memref<1x128xi32, #tpu.memory_space<vmem>>
        %dma_wait3A_276 = tpu.memref_squeeze %dma_wait3A_275 : memref<1x128xi32, #tpu.memory_space<vmem>> -> memref<128xi32, #tpu.memory_space<vmem>>
        %dma_wait3A_277 = arith.constant 0 : i32
        %dma_wait3A_278 = arith.constant 0 : i32
        %dma_wait3A_279 = tpu.memref_slice %arg2[%arg0, %dma_wait3A_277, %dma_wait3A_278] : memref<2x10240x64xf32, #tpu.memory_space<hbm>> -> memref<1x10240x64xf32, #tpu.memory_space<hbm>>
        %dma_wait3A_280 = tpu.memref_squeeze %dma_wait3A_279 : memref<1x10240x64xf32, #tpu.memory_space<hbm>> -> memref<10240x64xf32, #tpu.memory_space<hbm>>
        %dma_wait3A_281 = arith.constant 0 : i32
        %dma_wait3A_282 = arith.constant 0 : i32
        %dma_wait3A_283 = tpu.memref_slice %dma_wait3A_280[%dma_wait3A_281, %dma_wait3A_282] : memref<10240x64xf32, #tpu.memory_space<hbm>> -> memref<10240x64xf32, #tpu.memory_space<hbm>>
        tpu.wait_indirect_dma semaphore(%arg18 : memref<!tpu.dma_semaphore, #tpu.memory_space<semaphore_mem>>) src(%dma_wait3A_283 : memref<10240x64xf32, #tpu.memory_space<hbm>>) dst(%arg14 : memref<128x64xf32, #tpu.memory_space<vmem>>)
        %add3A_284 = arith.constant 3 : i32
        %add3A_285 = arith.addi %add3A_187, %add3A_284 : i32
        "tpu.region"() ({
          %run_scoped3A_300 = tpu.sem_alloc : memref<!tpu.dma_semaphore, #tpu.memory_space<semaphore_mem>>
          %dma_start3A_301 = arith.constant 0 : i32
          %dma_start3A_302 = tpu.memref_slice %arg10[%add3A_285, %dma_start3A_301] : memref<16x128xi32, #tpu.memory_space<vmem>> -> memref<1x128xi32, #tpu.memory_space<vmem>>
          %dma_start3A_303 = tpu.memref_squeeze %dma_start3A_302 : memref<1x128xi32, #tpu.memory_space<vmem>> -> memref<128xi32, #tpu.memory_space<vmem>>
          %dma_start3A_304 = arith.constant 0 : i32
          %dma_start3A_305 = arith.constant 0 : i32
          %dma_start3A_306 = tpu.memref_slice %arg8[%dma_start3A_304, %dma_start3A_305] : memref<10240x64xf32, #tpu.memory_space<vmem_shared>> -> memref<10240x64xf32, #tpu.memory_space<vmem_shared>>
          tpu.enqueue_indirect_dma source(%arg14 : memref<128x64xf32, #tpu.memory_space<vmem>>) target(%dma_start3A_306 : memref<10240x64xf32, #tpu.memory_space<vmem_shared>>) offsets(%dma_start3A_303 : memref<128xi32, #tpu.memory_space<vmem>>) semaphore(%run_scoped3A_300 : memref<!tpu.dma_semaphore, #tpu.memory_space<semaphore_mem>>) {add = true}
          %dma_wait3A_307 = arith.constant 0 : i32
          %dma_wait3A_308 = tpu.memref_slice %arg10[%add3A_285, %dma_wait3A_307] : memref<16x128xi32, #tpu.memory_space<vmem>> -> memref<1x128xi32, #tpu.memory_space<vmem>>
          %dma_wait3A_309 = tpu.memref_squeeze %dma_wait3A_308 : memref<1x128xi32, #tpu.memory_space<vmem>> -> memref<128xi32, #tpu.memory_space<vmem>>
          %dma_wait3A_310 = arith.constant 0 : i32
          %dma_wait3A_311 = arith.constant 0 : i32
          %dma_wait3A_312 = tpu.memref_slice %arg8[%dma_wait3A_310, %dma_wait3A_311] : memref<10240x64xf32, #tpu.memory_space<vmem_shared>> -> memref<10240x64xf32, #tpu.memory_space<vmem_shared>>
          tpu.wait_indirect_dma semaphore(%run_scoped3A_300 : memref<!tpu.dma_semaphore, #tpu.memory_space<semaphore_mem>>) src(%arg14 : memref<128x64xf32, #tpu.memory_space<vmem>>) dst(%dma_wait3A_312 : memref<10240x64xf32, #tpu.memory_space<vmem_shared>>)
          tpu.yield
        }) : () -> ()
        %add3A_286 = arith.constant 3 : i32
        %add3A_287 = arith.addi %add3A_187, %add3A_286 : i32
        %add3A_288 = arith.constant 4 : i32
        %add3A_289 = arith.addi %add3A_287, %add3A_288 : i32
        %dma_start3A_290 = arith.constant 0 : i32
        %dma_start3A_291 = tpu.memref_slice %arg9[%add3A_289, %dma_start3A_290] : memref<16x128xi32, #tpu.memory_space<vmem>> -> memref<1x128xi32, #tpu.memory_space<vmem>>
        %dma_start3A_292 = tpu.memref_squeeze %dma_start3A_291 : memref<1x128xi32, #tpu.memory_space<vmem>> -> memref<128xi32, #tpu.memory_space<vmem>>
        %dma_start3A_293 = arith.constant 0 : i32
        %dma_start3A_294 = arith.constant 0 : i32
        %dma_start3A_295 = tpu.memref_slice %arg2[%arg0, %dma_start3A_293, %dma_start3A_294] : memref<2x10240x64xf32, #tpu.memory_space<hbm>> -> memref<1x10240x64xf32, #tpu.memory_space<hbm>>
        %dma_start3A_296 = tpu.memref_squeeze %dma_start3A_295 : memref<1x10240x64xf32, #tpu.memory_space<hbm>> -> memref<10240x64xf32, #tpu.memory_space<hbm>>
        %dma_start3A_297 = arith.constant 0 : i32
        %dma_start3A_298 = arith.constant 0 : i32
        %dma_start3A_299 = tpu.memref_slice %dma_start3A_296[%dma_start3A_297, %dma_start3A_298] : memref<10240x64xf32, #tpu.memory_space<hbm>> -> memref<10240x64xf32, #tpu.memory_space<hbm>>
        tpu.enqueue_indirect_dma source(%dma_start3A_299 : memref<10240x64xf32, #tpu.memory_space<hbm>>) target(%arg14 : memref<128x64xf32, #tpu.memory_space<vmem>>) offsets(%dma_start3A_292 : memref<128xi32, #tpu.memory_space<vmem>>) semaphore(%arg18 : memref<!tpu.dma_semaphore, #tpu.memory_space<semaphore_mem>>)
      }
      %scan3A_134 = arith.constant 3 : i32
      %dma_wait3A_135 = arith.constant 12 : i32
      %dma_wait3A_136 = arith.constant 0 : i32
      %dma_wait3A_137 = tpu.memref_slice %arg9[%dma_wait3A_135, %dma_wait3A_136] : memref<16x128xi32, #tpu.memory_space<vmem>> -> memref<1x128xi32, #tpu.memory_space<vmem>>
      %dma_wait3A_138 = tpu.memref_squeeze %dma_wait3A_137 : memref<1x128xi32, #tpu.memory_space<vmem>> -> memref<128xi32, #tpu.memory_space<vmem>>
      %dma_wait3A_139 = arith.constant 0 : i32
      %dma_wait3A_140 = arith.constant 0 : i32
      %dma_wait3A_141 = tpu.memref_slice %arg2[%arg0, %dma_wait3A_139, %dma_wait3A_140] : memref<2x10240x64xf32, #tpu.memory_space<hbm>> -> memref<1x10240x64xf32, #tpu.memory_space<hbm>>
      %dma_wait3A_142 = tpu.memref_squeeze %dma_wait3A_141 : memref<1x10240x64xf32, #tpu.memory_space<hbm>> -> memref<10240x64xf32, #tpu.memory_space<hbm>>
      %dma_wait3A_143 = arith.constant 0 : i32
      %dma_wait3A_144 = arith.constant 0 : i32
      %dma_wait3A_145 = tpu.memref_slice %dma_wait3A_142[%dma_wait3A_143, %dma_wait3A_144] : memref<10240x64xf32, #tpu.memory_space<hbm>> -> memref<10240x64xf32, #tpu.memory_space<hbm>>
      tpu.wait_indirect_dma semaphore(%arg15 : memref<!tpu.dma_semaphore, #tpu.memory_space<semaphore_mem>>) src(%dma_wait3A_145 : memref<10240x64xf32, #tpu.memory_space<hbm>>) dst(%arg11 : memref<128x64xf32, #tpu.memory_space<vmem>>)
      %run_scoped3A_146 = arith.constant 12 : i32
      "tpu.region"() ({
        %run_scoped3A_183 = tpu.sem_alloc : memref<!tpu.dma_semaphore, #tpu.memory_space<semaphore_mem>>
        %dma_start3A_184 = arith.constant 0 : i32
        %dma_start3A_185 = tpu.memref_slice %arg10[%run_scoped3A_146, %dma_start3A_184] : memref<16x128xi32, #tpu.memory_space<vmem>> -> memref<1x128xi32, #tpu.memory_space<vmem>>
        %dma_start3A_186 = tpu.memref_squeeze %dma_start3A_185 : memref<1x128xi32, #tpu.memory_space<vmem>> -> memref<128xi32, #tpu.memory_space<vmem>>
        %dma_start3A_187 = arith.constant 0 : i32
        %dma_start3A_188 = arith.constant 0 : i32
        %dma_start3A_189 = tpu.memref_slice %arg8[%dma_start3A_187, %dma_start3A_188] : memref<10240x64xf32, #tpu.memory_space<vmem_shared>> -> memref<10240x64xf32, #tpu.memory_space<vmem_shared>>
        tpu.enqueue_indirect_dma source(%arg11 : memref<128x64xf32, #tpu.memory_space<vmem>>) target(%dma_start3A_189 : memref<10240x64xf32, #tpu.memory_space<vmem_shared>>) offsets(%dma_start3A_186 : memref<128xi32, #tpu.memory_space<vmem>>) semaphore(%run_scoped3A_183 : memref<!tpu.dma_semaphore, #tpu.memory_space<semaphore_mem>>) {add = true}
        %dma_wait3A_190 = arith.constant 0 : i32
        %dma_wait3A_191 = tpu.memref_slice %arg10[%run_scoped3A_146, %dma_wait3A_190] : memref<16x128xi32, #tpu.memory_space<vmem>> -> memref<1x128xi32, #tpu.memory_space<vmem>>
        %dma_wait3A_192 = tpu.memref_squeeze %dma_wait3A_191 : memref<1x128xi32, #tpu.memory_space<vmem>> -> memref<128xi32, #tpu.memory_space<vmem>>
        %dma_wait3A_193 = arith.constant 0 : i32
        %dma_wait3A_194 = arith.constant 0 : i32
        %dma_wait3A_195 = tpu.memref_slice %arg8[%dma_wait3A_193, %dma_wait3A_194] : memref<10240x64xf32, #tpu.memory_space<vmem_shared>> -> memref<10240x64xf32, #tpu.memory_space<vmem_shared>>
        tpu.wait_indirect_dma semaphore(%run_scoped3A_183 : memref<!tpu.dma_semaphore, #tpu.memory_space<semaphore_mem>>) src(%arg11 : memref<128x64xf32, #tpu.memory_space<vmem>>) dst(%dma_wait3A_195 : memref<10240x64xf32, #tpu.memory_space<vmem_shared>>)
        tpu.yield
      }) : () -> ()
      %dma_wait3A_147 = arith.constant 13 : i32
      %dma_wait3A_148 = arith.constant 0 : i32
      %dma_wait3A_149 = tpu.memref_slice %arg9[%dma_wait3A_147, %dma_wait3A_148] : memref<16x128xi32, #tpu.memory_space<vmem>> -> memref<1x128xi32, #tpu.memory_space<vmem>>
      %dma_wait3A_150 = tpu.memref_squeeze %dma_wait3A_149 : memref<1x128xi32, #tpu.memory_space<vmem>> -> memref<128xi32, #tpu.memory_space<vmem>>
      %dma_wait3A_151 = arith.constant 0 : i32
      %dma_wait3A_152 = arith.constant 0 : i32
      %dma_wait3A_153 = tpu.memref_slice %arg2[%arg0, %dma_wait3A_151, %dma_wait3A_152] : memref<2x10240x64xf32, #tpu.memory_space<hbm>> -> memref<1x10240x64xf32, #tpu.memory_space<hbm>>
      %dma_wait3A_154 = tpu.memref_squeeze %dma_wait3A_153 : memref<1x10240x64xf32, #tpu.memory_space<hbm>> -> memref<10240x64xf32, #tpu.memory_space<hbm>>
      %dma_wait3A_155 = arith.constant 0 : i32
      %dma_wait3A_156 = arith.constant 0 : i32
      %dma_wait3A_157 = tpu.memref_slice %dma_wait3A_154[%dma_wait3A_155, %dma_wait3A_156] : memref<10240x64xf32, #tpu.memory_space<hbm>> -> memref<10240x64xf32, #tpu.memory_space<hbm>>
      tpu.wait_indirect_dma semaphore(%arg16 : memref<!tpu.dma_semaphore, #tpu.memory_space<semaphore_mem>>) src(%dma_wait3A_157 : memref<10240x64xf32, #tpu.memory_space<hbm>>) dst(%arg12 : memref<128x64xf32, #tpu.memory_space<vmem>>)
      %run_scoped3A_158 = arith.constant 13 : i32
      "tpu.region"() ({
        %run_scoped3A_183 = tpu.sem_alloc : memref<!tpu.dma_semaphore, #tpu.memory_space<semaphore_mem>>
        %dma_start3A_184 = arith.constant 0 : i32
        %dma_start3A_185 = tpu.memref_slice %arg10[%run_scoped3A_158, %dma_start3A_184] : memref<16x128xi32, #tpu.memory_space<vmem>> -> memref<1x128xi32, #tpu.memory_space<vmem>>
        %dma_start3A_186 = tpu.memref_squeeze %dma_start3A_185 : memref<1x128xi32, #tpu.memory_space<vmem>> -> memref<128xi32, #tpu.memory_space<vmem>>
        %dma_start3A_187 = arith.constant 0 : i32
        %dma_start3A_188 = arith.constant 0 : i32
        %dma_start3A_189 = tpu.memref_slice %arg8[%dma_start3A_187, %dma_start3A_188] : memref<10240x64xf32, #tpu.memory_space<vmem_shared>> -> memref<10240x64xf32, #tpu.memory_space<vmem_shared>>
        tpu.enqueue_indirect_dma source(%arg12 : memref<128x64xf32, #tpu.memory_space<vmem>>) target(%dma_start3A_189 : memref<10240x64xf32, #tpu.memory_space<vmem_shared>>) offsets(%dma_start3A_186 : memref<128xi32, #tpu.memory_space<vmem>>) semaphore(%run_scoped3A_183 : memref<!tpu.dma_semaphore, #tpu.memory_space<semaphore_mem>>) {add = true}
        %dma_wait3A_190 = arith.constant 0 : i32
        %dma_wait3A_191 = tpu.memref_slice %arg10[%run_scoped3A_158, %dma_wait3A_190] : memref<16x128xi32, #tpu.memory_space<vmem>> -> memref<1x128xi32, #tpu.memory_space<vmem>>
        %dma_wait3A_192 = tpu.memref_squeeze %dma_wait3A_191 : memref<1x128xi32, #tpu.memory_space<vmem>> -> memref<128xi32, #tpu.memory_space<vmem>>
        %dma_wait3A_193 = arith.constant 0 : i32
        %dma_wait3A_194 = arith.constant 0 : i32
        %dma_wait3A_195 = tpu.memref_slice %arg8[%dma_wait3A_193, %dma_wait3A_194] : memref<10240x64xf32, #tpu.memory_space<vmem_shared>> -> memref<10240x64xf32, #tpu.memory_space<vmem_shared>>
        tpu.wait_indirect_dma semaphore(%run_scoped3A_183 : memref<!tpu.dma_semaphore, #tpu.memory_space<semaphore_mem>>) src(%arg12 : memref<128x64xf32, #tpu.memory_space<vmem>>) dst(%dma_wait3A_195 : memref<10240x64xf32, #tpu.memory_space<vmem_shared>>)
        tpu.yield
      }) : () -> ()
      %dma_wait3A_159 = arith.constant 14 : i32
      %dma_wait3A_160 = arith.constant 0 : i32
      %dma_wait3A_161 = tpu.memref_slice %arg9[%dma_wait3A_159, %dma_wait3A_160] : memref<16x128xi32, #tpu.memory_space<vmem>> -> memref<1x128xi32, #tpu.memory_space<vmem>>
      %dma_wait3A_162 = tpu.memref_squeeze %dma_wait3A_161 : memref<1x128xi32, #tpu.memory_space<vmem>> -> memref<128xi32, #tpu.memory_space<vmem>>
      %dma_wait3A_163 = arith.constant 0 : i32
      %dma_wait3A_164 = arith.constant 0 : i32
      %dma_wait3A_165 = tpu.memref_slice %arg2[%arg0, %dma_wait3A_163, %dma_wait3A_164] : memref<2x10240x64xf32, #tpu.memory_space<hbm>> -> memref<1x10240x64xf32, #tpu.memory_space<hbm>>
      %dma_wait3A_166 = tpu.memref_squeeze %dma_wait3A_165 : memref<1x10240x64xf32, #tpu.memory_space<hbm>> -> memref<10240x64xf32, #tpu.memory_space<hbm>>
      %dma_wait3A_167 = arith.constant 0 : i32
      %dma_wait3A_168 = arith.constant 0 : i32
      %dma_wait3A_169 = tpu.memref_slice %dma_wait3A_166[%dma_wait3A_167, %dma_wait3A_168] : memref<10240x64xf32, #tpu.memory_space<hbm>> -> memref<10240x64xf32, #tpu.memory_space<hbm>>
      tpu.wait_indirect_dma semaphore(%arg17 : memref<!tpu.dma_semaphore, #tpu.memory_space<semaphore_mem>>) src(%dma_wait3A_169 : memref<10240x64xf32, #tpu.memory_space<hbm>>) dst(%arg13 : memref<128x64xf32, #tpu.memory_space<vmem>>)
      %run_scoped3A_170 = arith.constant 14 : i32
      "tpu.region"() ({
        %run_scoped3A_183 = tpu.sem_alloc : memref<!tpu.dma_semaphore, #tpu.memory_space<semaphore_mem>>
        %dma_start3A_184 = arith.constant 0 : i32
        %dma_start3A_185 = tpu.memref_slice %arg10[%run_scoped3A_170, %dma_start3A_184] : memref<16x128xi32, #tpu.memory_space<vmem>> -> memref<1x128xi32, #tpu.memory_space<vmem>>
        %dma_start3A_186 = tpu.memref_squeeze %dma_start3A_185 : memref<1x128xi32, #tpu.memory_space<vmem>> -> memref<128xi32, #tpu.memory_space<vmem>>
        %dma_start3A_187 = arith.constant 0 : i32
        %dma_start3A_188 = arith.constant 0 : i32
        %dma_start3A_189 = tpu.memref_slice %arg8[%dma_start3A_187, %dma_start3A_188] : memref<10240x64xf32, #tpu.memory_space<vmem_shared>> -> memref<10240x64xf32, #tpu.memory_space<vmem_shared>>
        tpu.enqueue_indirect_dma source(%arg13 : memref<128x64xf32, #tpu.memory_space<vmem>>) target(%dma_start3A_189 : memref<10240x64xf32, #tpu.memory_space<vmem_shared>>) offsets(%dma_start3A_186 : memref<128xi32, #tpu.memory_space<vmem>>) semaphore(%run_scoped3A_183 : memref<!tpu.dma_semaphore, #tpu.memory_space<semaphore_mem>>) {add = true}
        %dma_wait3A_190 = arith.constant 0 : i32
        %dma_wait3A_191 = tpu.memref_slice %arg10[%run_scoped3A_170, %dma_wait3A_190] : memref<16x128xi32, #tpu.memory_space<vmem>> -> memref<1x128xi32, #tpu.memory_space<vmem>>
        %dma_wait3A_192 = tpu.memref_squeeze %dma_wait3A_191 : memref<1x128xi32, #tpu.memory_space<vmem>> -> memref<128xi32, #tpu.memory_space<vmem>>
        %dma_wait3A_193 = arith.constant 0 : i32
        %dma_wait3A_194 = arith.constant 0 : i32
        %dma_wait3A_195 = tpu.memref_slice %arg8[%dma_wait3A_193, %dma_wait3A_194] : memref<10240x64xf32, #tpu.memory_space<vmem_shared>> -> memref<10240x64xf32, #tpu.memory_space<vmem_shared>>
        tpu.wait_indirect_dma semaphore(%run_scoped3A_183 : memref<!tpu.dma_semaphore, #tpu.memory_space<semaphore_mem>>) src(%arg13 : memref<128x64xf32, #tpu.memory_space<vmem>>) dst(%dma_wait3A_195 : memref<10240x64xf32, #tpu.memory_space<vmem_shared>>)
        tpu.yield
      }) : () -> ()
      %dma_wait3A_171 = arith.constant 15 : i32
      %dma_wait3A_172 = arith.constant 0 : i32
      %dma_wait3A_173 = tpu.memref_slice %arg9[%dma_wait3A_171, %dma_wait3A_172] : memref<16x128xi32, #tpu.memory_space<vmem>> -> memref<1x128xi32, #tpu.memory_space<vmem>>
      %dma_wait3A_174 = tpu.memref_squeeze %dma_wait3A_173 : memref<1x128xi32, #tpu.memory_space<vmem>> -> memref<128xi32, #tpu.memory_space<vmem>>
      %dma_wait3A_175 = arith.constant 0 : i32
      %dma_wait3A_176 = arith.constant 0 : i32
      %dma_wait3A_177 = tpu.memref_slice %arg2[%arg0, %dma_wait3A_175, %dma_wait3A_176] : memref<2x10240x64xf32, #tpu.memory_space<hbm>> -> memref<1x10240x64xf32, #tpu.memory_space<hbm>>
      %dma_wait3A_178 = tpu.memref_squeeze %dma_wait3A_177 : memref<1x10240x64xf32, #tpu.memory_space<hbm>> -> memref<10240x64xf32, #tpu.memory_space<hbm>>
      %dma_wait3A_179 = arith.constant 0 : i32
      %dma_wait3A_180 = arith.constant 0 : i32
      %dma_wait3A_181 = tpu.memref_slice %dma_wait3A_178[%dma_wait3A_179, %dma_wait3A_180] : memref<10240x64xf32, #tpu.memory_space<hbm>> -> memref<10240x64xf32, #tpu.memory_space<hbm>>
      tpu.wait_indirect_dma semaphore(%arg18 : memref<!tpu.dma_semaphore, #tpu.memory_space<semaphore_mem>>) src(%dma_wait3A_181 : memref<10240x64xf32, #tpu.memory_space<hbm>>) dst(%arg14 : memref<128x64xf32, #tpu.memory_space<vmem>>)
      %run_scoped3A_182 = arith.constant 15 : i32
      "tpu.region"() ({
        %run_scoped3A_183 = tpu.sem_alloc : memref<!tpu.dma_semaphore, #tpu.memory_space<semaphore_mem>>
        %dma_start3A_184 = arith.constant 0 : i32
        %dma_start3A_185 = tpu.memref_slice %arg10[%run_scoped3A_182, %dma_start3A_184] : memref<16x128xi32, #tpu.memory_space<vmem>> -> memref<1x128xi32, #tpu.memory_space<vmem>>
        %dma_start3A_186 = tpu.memref_squeeze %dma_start3A_185 : memref<1x128xi32, #tpu.memory_space<vmem>> -> memref<128xi32, #tpu.memory_space<vmem>>
        %dma_start3A_187 = arith.constant 0 : i32
        %dma_start3A_188 = arith.constant 0 : i32
        %dma_start3A_189 = tpu.memref_slice %arg8[%dma_start3A_187, %dma_start3A_188] : memref<10240x64xf32, #tpu.memory_space<vmem_shared>> -> memref<10240x64xf32, #tpu.memory_space<vmem_shared>>
        tpu.enqueue_indirect_dma source(%arg14 : memref<128x64xf32, #tpu.memory_space<vmem>>) target(%dma_start3A_189 : memref<10240x64xf32, #tpu.memory_space<vmem_shared>>) offsets(%dma_start3A_186 : memref<128xi32, #tpu.memory_space<vmem>>) semaphore(%run_scoped3A_183 : memref<!tpu.dma_semaphore, #tpu.memory_space<semaphore_mem>>) {add = true}
        %dma_wait3A_190 = arith.constant 0 : i32
        %dma_wait3A_191 = tpu.memref_slice %arg10[%run_scoped3A_182, %dma_wait3A_190] : memref<16x128xi32, #tpu.memory_space<vmem>> -> memref<1x128xi32, #tpu.memory_space<vmem>>
        %dma_wait3A_192 = tpu.memref_squeeze %dma_wait3A_191 : memref<1x128xi32, #tpu.memory_space<vmem>> -> memref<128xi32, #tpu.memory_space<vmem>>
        %dma_wait3A_193 = arith.constant 0 : i32
        %dma_wait3A_194 = arith.constant 0 : i32
        %dma_wait3A_195 = tpu.memref_slice %arg8[%dma_wait3A_193, %dma_wait3A_194] : memref<10240x64xf32, #tpu.memory_space<vmem_shared>> -> memref<10240x64xf32, #tpu.memory_space<vmem_shared>>
        tpu.wait_indirect_dma semaphore(%run_scoped3A_183 : memref<!tpu.dma_semaphore, #tpu.memory_space<semaphore_mem>>) src(%arg14 : memref<128x64xf32, #tpu.memory_space<vmem>>) dst(%dma_wait3A_195 : memref<10240x64xf32, #tpu.memory_space<vmem_shared>>)
        tpu.yield
      }) : () -> ()
    }
    %scan3A_4 = arith.constant 9 : i32
    %scan3A_5 = arith.constant 0 : i32
    %mul3A_6 = arith.constant 1 : i32
    %mul3A_7 = arith.muli %scan3A_5, %mul3A_6 : i32
    %add3A = arith.constant 9 : i32
    %add3A_8 = arith.addi %add3A, %mul3A_7 : i32
    %mul3A_9 = arith.constant 16 : i32
    %mul3A_10 = arith.muli %add3A_8, %mul3A_9 : i32
    "tpu.region"() ({
      %run_scoped3A_77 = tpu.sem_alloc : memref<!tpu.dma_semaphore, #tpu.memory_space<semaphore_mem>>
      %dma_start3A_78 = arith.constant 0 : i32
      %dma_start3A_79 = tpu.memref_slice %arg3[%arg1, %mul3A_10, %dma_start3A_78] : memref<16x160x128xi32, #tpu.memory_space<hbm>> -> memref<1x16x128xi32, #tpu.memory_space<hbm>>
      %dma_start3A_80 = tpu.memref_squeeze %dma_start3A_79 : memref<1x16x128xi32, #tpu.memory_space<hbm>> -> memref<16x128xi32, #tpu.memory_space<hbm>>
      %dma_start3A_81 = arith.constant 0 : i32
      %dma_start3A_82 = tpu.memref_slice %arg3[%arg1, %mul3A_10, %dma_start3A_81] : memref<16x160x128xi32, #tpu.memory_space<hbm>> -> memref<1x16x128xi32, #tpu.memory_space<hbm>>
      %dma_start3A_83 = tpu.memref_squeeze %dma_start3A_82 : memref<1x16x128xi32, #tpu.memory_space<hbm>> -> memref<16x128xi32, #tpu.memory_space<hbm>>
      tpu.enqueue_dma source(%dma_start3A_83 : memref<16x128xi32, #tpu.memory_space<hbm>>) target(%arg9 : memref<16x128xi32, #tpu.memory_space<vmem>>) target_semaphore(%run_scoped3A_77 : memref<!tpu.dma_semaphore, #tpu.memory_space<semaphore_mem>>)
      %dma_wait3A_84 = arith.constant 0 : i32
      %dma_wait3A_85 = tpu.memref_slice %arg3[%arg1, %mul3A_10, %dma_wait3A_84] : memref<16x160x128xi32, #tpu.memory_space<hbm>> -> memref<1x16x128xi32, #tpu.memory_space<hbm>>
      %dma_wait3A_86 = tpu.memref_squeeze %dma_wait3A_85 : memref<1x16x128xi32, #tpu.memory_space<hbm>> -> memref<16x128xi32, #tpu.memory_space<hbm>>
      %dma_wait3A_87 = arith.constant 0 : i32
      %dma_wait3A_88 = tpu.memref_slice %arg3[%arg1, %mul3A_10, %dma_wait3A_87] : memref<16x160x128xi32, #tpu.memory_space<hbm>> -> memref<1x16x128xi32, #tpu.memory_space<hbm>>
      %dma_wait3A_89 = tpu.memref_squeeze %dma_wait3A_88 : memref<1x16x128xi32, #tpu.memory_space<hbm>> -> memref<16x128xi32, #tpu.memory_space<hbm>>
      tpu.wait_dma2 semaphore(%run_scoped3A_77 : memref<!tpu.dma_semaphore, #tpu.memory_space<semaphore_mem>>) src(%dma_wait3A_89 : memref<16x128xi32, #tpu.memory_space<hbm>>) dst(%arg9 : memref<16x128xi32, #tpu.memory_space<vmem>>)
      tpu.yield
    }) : () -> ()
    %mul3A_11 = arith.constant 16 : i32
    %mul3A_12 = arith.muli %add3A_8, %mul3A_11 : i32
    "tpu.region"() ({
      %run_scoped3A_77 = tpu.sem_alloc : memref<!tpu.dma_semaphore, #tpu.memory_space<semaphore_mem>>
      %dma_start3A_78 = arith.constant 0 : i32
      %dma_start3A_79 = tpu.memref_slice %arg4[%arg1, %mul3A_12, %dma_start3A_78] : memref<16x160x128xi32, #tpu.memory_space<hbm>> -> memref<1x16x128xi32, #tpu.memory_space<hbm>>
      %dma_start3A_80 = tpu.memref_squeeze %dma_start3A_79 : memref<1x16x128xi32, #tpu.memory_space<hbm>> -> memref<16x128xi32, #tpu.memory_space<hbm>>
      %dma_start3A_81 = arith.constant 0 : i32
      %dma_start3A_82 = tpu.memref_slice %arg4[%arg1, %mul3A_12, %dma_start3A_81] : memref<16x160x128xi32, #tpu.memory_space<hbm>> -> memref<1x16x128xi32, #tpu.memory_space<hbm>>
      %dma_start3A_83 = tpu.memref_squeeze %dma_start3A_82 : memref<1x16x128xi32, #tpu.memory_space<hbm>> -> memref<16x128xi32, #tpu.memory_space<hbm>>
      tpu.enqueue_dma source(%dma_start3A_83 : memref<16x128xi32, #tpu.memory_space<hbm>>) target(%arg10 : memref<16x128xi32, #tpu.memory_space<vmem>>) target_semaphore(%run_scoped3A_77 : memref<!tpu.dma_semaphore, #tpu.memory_space<semaphore_mem>>)
      %dma_wait3A_84 = arith.constant 0 : i32
      %dma_wait3A_85 = tpu.memref_slice %arg4[%arg1, %mul3A_12, %dma_wait3A_84] : memref<16x160x128xi32, #tpu.memory_space<hbm>> -> memref<1x16x128xi32, #tpu.memory_space<hbm>>
      %dma_wait3A_86 = tpu.memref_squeeze %dma_wait3A_85 : memref<1x16x128xi32, #tpu.memory_space<hbm>> -> memref<16x128xi32, #tpu.memory_space<hbm>>
      %dma_wait3A_87 = arith.constant 0 : i32
      %dma_wait3A_88 = tpu.memref_slice %arg4[%arg1, %mul3A_12, %dma_wait3A_87] : memref<16x160x128xi32, #tpu.memory_space<hbm>> -> memref<1x16x128xi32, #tpu.memory_space<hbm>>
      %dma_wait3A_89 = tpu.memref_squeeze %dma_wait3A_88 : memref<1x16x128xi32, #tpu.memory_space<hbm>> -> memref<16x128xi32, #tpu.memory_space<hbm>>
      tpu.wait_dma2 semaphore(%run_scoped3A_77 : memref<!tpu.dma_semaphore, #tpu.memory_space<semaphore_mem>>) src(%dma_wait3A_89 : memref<16x128xi32, #tpu.memory_space<hbm>>) dst(%arg10 : memref<16x128xi32, #tpu.memory_space<vmem>>)
      tpu.yield
    }) : () -> ()
    %dma_start3A = arith.constant 0 : i32
    %dma_start3A_13 = arith.constant 0 : i32
    %dma_start3A_14 = tpu.memref_slice %arg9[%dma_start3A, %dma_start3A_13] : memref<16x128xi32, #tpu.memory_space<vmem>> -> memref<1x128xi32, #tpu.memory_space<vmem>>
    %dma_start3A_15 = tpu.memref_squeeze %dma_start3A_14 : memref<1x128xi32, #tpu.memory_space<vmem>> -> memref<128xi32, #tpu.memory_space<vmem>>
    %dma_start3A_16 = arith.constant 0 : i32
    %dma_start3A_17 = arith.constant 0 : i32
    %dma_start3A_18 = tpu.memref_slice %arg7[%dma_start3A_16, %dma_start3A_17] : memref<10240x64xf32, #tpu.memory_space<vmem_shared>> -> memref<10240x64xf32, #tpu.memory_space<vmem_shared>>
    tpu.enqueue_indirect_dma source(%dma_start3A_18 : memref<10240x64xf32, #tpu.memory_space<vmem_shared>>) target(%arg11 : memref<128x64xf32, #tpu.memory_space<vmem>>) offsets(%dma_start3A_15 : memref<128xi32, #tpu.memory_space<vmem>>) semaphore(%arg15 : memref<!tpu.dma_semaphore, #tpu.memory_space<semaphore_mem>>)
    %dma_start3A_19 = arith.constant 1 : i32
    %dma_start3A_20 = arith.constant 0 : i32
    %dma_start3A_21 = tpu.memref_slice %arg9[%dma_start3A_19, %dma_start3A_20] : memref<16x128xi32, #tpu.memory_space<vmem>> -> memref<1x128xi32, #tpu.memory_space<vmem>>
    %dma_start3A_22 = tpu.memref_squeeze %dma_start3A_21 : memref<1x128xi32, #tpu.memory_space<vmem>> -> memref<128xi32, #tpu.memory_space<vmem>>
    %dma_start3A_23 = arith.constant 0 : i32
    %dma_start3A_24 = arith.constant 0 : i32
    %dma_start3A_25 = tpu.memref_slice %arg7[%dma_start3A_23, %dma_start3A_24] : memref<10240x64xf32, #tpu.memory_space<vmem_shared>> -> memref<10240x64xf32, #tpu.memory_space<vmem_shared>>
    tpu.enqueue_indirect_dma source(%dma_start3A_25 : memref<10240x64xf32, #tpu.memory_space<vmem_shared>>) target(%arg12 : memref<128x64xf32, #tpu.memory_space<vmem>>) offsets(%dma_start3A_22 : memref<128xi32, #tpu.memory_space<vmem>>) semaphore(%arg16 : memref<!tpu.dma_semaphore, #tpu.memory_space<semaphore_mem>>)
    %dma_start3A_26 = arith.constant 2 : i32
    %dma_start3A_27 = arith.constant 0 : i32
    %dma_start3A_28 = tpu.memref_slice %arg9[%dma_start3A_26, %dma_start3A_27] : memref<16x128xi32, #tpu.memory_space<vmem>> -> memref<1x128xi32, #tpu.memory_space<vmem>>
    %dma_start3A_29 = tpu.memref_squeeze %dma_start3A_28 : memref<1x128xi32, #tpu.memory_space<vmem>> -> memref<128xi32, #tpu.memory_space<vmem>>
    %dma_start3A_30 = arith.constant 0 : i32
    %dma_start3A_31 = arith.constant 0 : i32
    %dma_start3A_32 = tpu.memref_slice %arg7[%dma_start3A_30, %dma_start3A_31] : memref<10240x64xf32, #tpu.memory_space<vmem_shared>> -> memref<10240x64xf32, #tpu.memory_space<vmem_shared>>
    tpu.enqueue_indirect_dma source(%dma_start3A_32 : memref<10240x64xf32, #tpu.memory_space<vmem_shared>>) target(%arg13 : memref<128x64xf32, #tpu.memory_space<vmem>>) offsets(%dma_start3A_29 : memref<128xi32, #tpu.memory_space<vmem>>) semaphore(%arg17 : memref<!tpu.dma_semaphore, #tpu.memory_space<semaphore_mem>>)
    %dma_start3A_33 = arith.constant 3 : i32
    %dma_start3A_34 = arith.constant 0 : i32
    %dma_start3A_35 = tpu.memref_slice %arg9[%dma_start3A_33, %dma_start3A_34] : memref<16x128xi32, #tpu.memory_space<vmem>> -> memref<1x128xi32, #tpu.memory_space<vmem>>
    %dma_start3A_36 = tpu.memref_squeeze %dma_start3A_35 : memref<1x128xi32, #tpu.memory_space<vmem>> -> memref<128xi32, #tpu.memory_space<vmem>>
    %dma_start3A_37 = arith.constant 0 : i32
    %dma_start3A_38 = arith.constant 0 : i32
    %dma_start3A_39 = tpu.memref_slice %arg7[%dma_start3A_37, %dma_start3A_38] : memref<10240x64xf32, #tpu.memory_space<vmem_shared>> -> memref<10240x64xf32, #tpu.memory_space<vmem_shared>>
    tpu.enqueue_indirect_dma source(%dma_start3A_39 : memref<10240x64xf32, #tpu.memory_space<vmem_shared>>) target(%arg14 : memref<128x64xf32, #tpu.memory_space<vmem>>) offsets(%dma_start3A_36 : memref<128xi32, #tpu.memory_space<vmem>>) semaphore(%arg18 : memref<!tpu.dma_semaphore, #tpu.memory_space<semaphore_mem>>)
    %scan3A_40 = arith.constant 0 : i32
    %scan3A_41 = arith.constant 3 : i32
    %scan3A_42 = arith.addi %scan3A_40, %scan3A_41 : i32
    %scan3A_43 = arith.constant 1 : i32
    scf.for %scan3A_77 = %scan3A_40 to %scan3A_42 step %scan3A_43  : i32 {
      %mul3A_78 = arith.constant 4 : i32
      %mul3A_79 = arith.muli %scan3A_77, %mul3A_78 : i32
      %add3A_80 = arith.constant 0 : i32
      %add3A_81 = arith.addi %add3A_80, %mul3A_79 : i32
      %add3A_82 = arith.constant 0 : i32
      %add3A_83 = arith.addi %add3A_81, %add3A_82 : i32
      %dma_wait3A_84 = arith.constant 0 : i32
      %dma_wait3A_85 = tpu.memref_slice %arg9[%add3A_83, %dma_wait3A_84] : memref<16x128xi32, #tpu.memory_space<vmem>> -> memref<1x128xi32, #tpu.memory_space<vmem>>
      %dma_wait3A_86 = tpu.memref_squeeze %dma_wait3A_85 : memref<1x128xi32, #tpu.memory_space<vmem>> -> memref<128xi32, #tpu.memory_space<vmem>>
      %dma_wait3A_87 = arith.constant 0 : i32
      %dma_wait3A_88 = arith.constant 0 : i32
      %dma_wait3A_89 = tpu.memref_slice %arg7[%dma_wait3A_87, %dma_wait3A_88] : memref<10240x64xf32, #tpu.memory_space<vmem_shared>> -> memref<10240x64xf32, #tpu.memory_space<vmem_shared>>
      tpu.wait_indirect_dma semaphore(%arg15 : memref<!tpu.dma_semaphore, #tpu.memory_space<semaphore_mem>>) src(%dma_wait3A_89 : memref<10240x64xf32, #tpu.memory_space<vmem_shared>>) dst(%arg11 : memref<128x64xf32, #tpu.memory_space<vmem>>)
      %add3A_90 = arith.constant 0 : i32
      %add3A_91 = arith.addi %add3A_81, %add3A_90 : i32
      "tpu.region"() ({
        %run_scoped3A_162 = tpu.sem_alloc : memref<!tpu.dma_semaphore, #tpu.memory_space<semaphore_mem>>
        %dma_start3A_163 = arith.constant 0 : i32
        %dma_start3A_164 = tpu.memref_slice %arg10[%add3A_91, %dma_start3A_163] : memref<16x128xi32, #tpu.memory_space<vmem>> -> memref<1x128xi32, #tpu.memory_space<vmem>>
        %dma_start3A_165 = tpu.memref_squeeze %dma_start3A_164 : memref<1x128xi32, #tpu.memory_space<vmem>> -> memref<128xi32, #tpu.memory_space<vmem>>
        %dma_start3A_166 = arith.constant 0 : i32
        %dma_start3A_167 = arith.constant 0 : i32
        %dma_start3A_168 = tpu.memref_slice %arg8[%dma_start3A_166, %dma_start3A_167] : memref<10240x64xf32, #tpu.memory_space<vmem_shared>> -> memref<10240x64xf32, #tpu.memory_space<vmem_shared>>
        tpu.enqueue_indirect_dma source(%arg11 : memref<128x64xf32, #tpu.memory_space<vmem>>) target(%dma_start3A_168 : memref<10240x64xf32, #tpu.memory_space<vmem_shared>>) offsets(%dma_start3A_165 : memref<128xi32, #tpu.memory_space<vmem>>) semaphore(%run_scoped3A_162 : memref<!tpu.dma_semaphore, #tpu.memory_space<semaphore_mem>>) {add = true}
        %dma_wait3A_169 = arith.constant 0 : i32
        %dma_wait3A_170 = tpu.memref_slice %arg10[%add3A_91, %dma_wait3A_169] : memref<16x128xi32, #tpu.memory_space<vmem>> -> memref<1x128xi32, #tpu.memory_space<vmem>>
        %dma_wait3A_171 = tpu.memref_squeeze %dma_wait3A_170 : memref<1x128xi32, #tpu.memory_space<vmem>> -> memref<128xi32, #tpu.memory_space<vmem>>
        %dma_wait3A_172 = arith.constant 0 : i32
        %dma_wait3A_173 = arith.constant 0 : i32
        %dma_wait3A_174 = tpu.memref_slice %arg8[%dma_wait3A_172, %dma_wait3A_173] : memref<10240x64xf32, #tpu.memory_space<vmem_shared>> -> memref<10240x64xf32, #tpu.memory_space<vmem_shared>>
        tpu.wait_indirect_dma semaphore(%run_scoped3A_162 : memref<!tpu.dma_semaphore, #tpu.memory_space<semaphore_mem>>) src(%arg11 : memref<128x64xf32, #tpu.memory_space<vmem>>) dst(%dma_wait3A_174 : memref<10240x64xf32, #tpu.memory_space<vmem_shared>>)
        tpu.yield
      }) : () -> ()
      %add3A_92 = arith.constant 0 : i32
      %add3A_93 = arith.addi %add3A_81, %add3A_92 : i32
      %add3A_94 = arith.constant 4 : i32
      %add3A_95 = arith.addi %add3A_93, %add3A_94 : i32
      %dma_start3A_96 = arith.constant 0 : i32
      %dma_start3A_97 = tpu.memref_slice %arg9[%add3A_95, %dma_start3A_96] : memref<16x128xi32, #tpu.memory_space<vmem>> -> memref<1x128xi32, #tpu.memory_space<vmem>>
      %dma_start3A_98 = tpu.memref_squeeze %dma_start3A_97 : memref<1x128xi32, #tpu.memory_space<vmem>> -> memref<128xi32, #tpu.memory_space<vmem>>
      %dma_start3A_99 = arith.constant 0 : i32
      %dma_start3A_100 = arith.constant 0 : i32
      %dma_start3A_101 = tpu.memref_slice %arg7[%dma_start3A_99, %dma_start3A_100] : memref<10240x64xf32, #tpu.memory_space<vmem_shared>> -> memref<10240x64xf32, #tpu.memory_space<vmem_shared>>
      tpu.enqueue_indirect_dma source(%dma_start3A_101 : memref<10240x64xf32, #tpu.memory_space<vmem_shared>>) target(%arg11 : memref<128x64xf32, #tpu.memory_space<vmem>>) offsets(%dma_start3A_98 : memref<128xi32, #tpu.memory_space<vmem>>) semaphore(%arg15 : memref<!tpu.dma_semaphore, #tpu.memory_space<semaphore_mem>>)
      %add3A_102 = arith.constant 1 : i32
      %add3A_103 = arith.addi %add3A_81, %add3A_102 : i32
      %dma_wait3A_104 = arith.constant 0 : i32
      %dma_wait3A_105 = tpu.memref_slice %arg9[%add3A_103, %dma_wait3A_104] : memref<16x128xi32, #tpu.memory_space<vmem>> -> memref<1x128xi32, #tpu.memory_space<vmem>>
      %dma_wait3A_106 = tpu.memref_squeeze %dma_wait3A_105 : memref<1x128xi32, #tpu.memory_space<vmem>> -> memref<128xi32, #tpu.memory_space<vmem>>
      %dma_wait3A_107 = arith.constant 0 : i32
      %dma_wait3A_108 = arith.constant 0 : i32
      %dma_wait3A_109 = tpu.memref_slice %arg7[%dma_wait3A_107, %dma_wait3A_108] : memref<10240x64xf32, #tpu.memory_space<vmem_shared>> -> memref<10240x64xf32, #tpu.memory_space<vmem_shared>>
      tpu.wait_indirect_dma semaphore(%arg16 : memref<!tpu.dma_semaphore, #tpu.memory_space<semaphore_mem>>) src(%dma_wait3A_109 : memref<10240x64xf32, #tpu.memory_space<vmem_shared>>) dst(%arg12 : memref<128x64xf32, #tpu.memory_space<vmem>>)
      %add3A_110 = arith.constant 1 : i32
      %add3A_111 = arith.addi %add3A_81, %add3A_110 : i32
      "tpu.region"() ({
        %run_scoped3A_162 = tpu.sem_alloc : memref<!tpu.dma_semaphore, #tpu.memory_space<semaphore_mem>>
        %dma_start3A_163 = arith.constant 0 : i32
        %dma_start3A_164 = tpu.memref_slice %arg10[%add3A_111, %dma_start3A_163] : memref<16x128xi32, #tpu.memory_space<vmem>> -> memref<1x128xi32, #tpu.memory_space<vmem>>
        %dma_start3A_165 = tpu.memref_squeeze %dma_start3A_164 : memref<1x128xi32, #tpu.memory_space<vmem>> -> memref<128xi32, #tpu.memory_space<vmem>>
        %dma_start3A_166 = arith.constant 0 : i32
        %dma_start3A_167 = arith.constant 0 : i32
        %dma_start3A_168 = tpu.memref_slice %arg8[%dma_start3A_166, %dma_start3A_167] : memref<10240x64xf32, #tpu.memory_space<vmem_shared>> -> memref<10240x64xf32, #tpu.memory_space<vmem_shared>>
        tpu.enqueue_indirect_dma source(%arg12 : memref<128x64xf32, #tpu.memory_space<vmem>>) target(%dma_start3A_168 : memref<10240x64xf32, #tpu.memory_space<vmem_shared>>) offsets(%dma_start3A_165 : memref<128xi32, #tpu.memory_space<vmem>>) semaphore(%run_scoped3A_162 : memref<!tpu.dma_semaphore, #tpu.memory_space<semaphore_mem>>) {add = true}
        %dma_wait3A_169 = arith.constant 0 : i32
        %dma_wait3A_170 = tpu.memref_slice %arg10[%add3A_111, %dma_wait3A_169] : memref<16x128xi32, #tpu.memory_space<vmem>> -> memref<1x128xi32, #tpu.memory_space<vmem>>
        %dma_wait3A_171 = tpu.memref_squeeze %dma_wait3A_170 : memref<1x128xi32, #tpu.memory_space<vmem>> -> memref<128xi32, #tpu.memory_space<vmem>>
        %dma_wait3A_172 = arith.constant 0 : i32
        %dma_wait3A_173 = arith.constant 0 : i32
        %dma_wait3A_174 = tpu.memref_slice %arg8[%dma_wait3A_172, %dma_wait3A_173] : memref<10240x64xf32, #tpu.memory_space<vmem_shared>> -> memref<10240x64xf32, #tpu.memory_space<vmem_shared>>
        tpu.wait_indirect_dma semaphore(%run_scoped3A_162 : memref<!tpu.dma_semaphore, #tpu.memory_space<semaphore_mem>>) src(%arg12 : memref<128x64xf32, #tpu.memory_space<vmem>>) dst(%dma_wait3A_174 : memref<10240x64xf32, #tpu.memory_space<vmem_shared>>)
        tpu.yield
      }) : () -> ()
      %add3A_112 = arith.constant 1 : i32
      %add3A_113 = arith.addi %add3A_81, %add3A_112 : i32
      %add3A_114 = arith.constant 4 : i32
      %add3A_115 = arith.addi %add3A_113, %add3A_114 : i32
      %dma_start3A_116 = arith.constant 0 : i32
      %dma_start3A_117 = tpu.memref_slice %arg9[%add3A_115, %dma_start3A_116] : memref<16x128xi32, #tpu.memory_space<vmem>> -> memref<1x128xi32, #tpu.memory_space<vmem>>
      %dma_start3A_118 = tpu.memref_squeeze %dma_start3A_117 : memref<1x128xi32, #tpu.memory_space<vmem>> -> memref<128xi32, #tpu.memory_space<vmem>>
      %dma_start3A_119 = arith.constant 0 : i32
      %dma_start3A_120 = arith.constant 0 : i32
      %dma_start3A_121 = tpu.memref_slice %arg7[%dma_start3A_119, %dma_start3A_120] : memref<10240x64xf32, #tpu.memory_space<vmem_shared>> -> memref<10240x64xf32, #tpu.memory_space<vmem_shared>>
      tpu.enqueue_indirect_dma source(%dma_start3A_121 : memref<10240x64xf32, #tpu.memory_space<vmem_shared>>) target(%arg12 : memref<128x64xf32, #tpu.memory_space<vmem>>) offsets(%dma_start3A_118 : memref<128xi32, #tpu.memory_space<vmem>>) semaphore(%arg16 : memref<!tpu.dma_semaphore, #tpu.memory_space<semaphore_mem>>)
      %add3A_122 = arith.constant 2 : i32
      %add3A_123 = arith.addi %add3A_81, %add3A_122 : i32
      %dma_wait3A_124 = arith.constant 0 : i32
      %dma_wait3A_125 = tpu.memref_slice %arg9[%add3A_123, %dma_wait3A_124] : memref<16x128xi32, #tpu.memory_space<vmem>> -> memref<1x128xi32, #tpu.memory_space<vmem>>
      %dma_wait3A_126 = tpu.memref_squeeze %dma_wait3A_125 : memref<1x128xi32, #tpu.memory_space<vmem>> -> memref<128xi32, #tpu.memory_space<vmem>>
      %dma_wait3A_127 = arith.constant 0 : i32
      %dma_wait3A_128 = arith.constant 0 : i32
      %dma_wait3A_129 = tpu.memref_slice %arg7[%dma_wait3A_127, %dma_wait3A_128] : memref<10240x64xf32, #tpu.memory_space<vmem_shared>> -> memref<10240x64xf32, #tpu.memory_space<vmem_shared>>
      tpu.wait_indirect_dma semaphore(%arg17 : memref<!tpu.dma_semaphore, #tpu.memory_space<semaphore_mem>>) src(%dma_wait3A_129 : memref<10240x64xf32, #tpu.memory_space<vmem_shared>>) dst(%arg13 : memref<128x64xf32, #tpu.memory_space<vmem>>)
      %add3A_130 = arith.constant 2 : i32
      %add3A_131 = arith.addi %add3A_81, %add3A_130 : i32
      "tpu.region"() ({
        %run_scoped3A_162 = tpu.sem_alloc : memref<!tpu.dma_semaphore, #tpu.memory_space<semaphore_mem>>
        %dma_start3A_163 = arith.constant 0 : i32
        %dma_start3A_164 = tpu.memref_slice %arg10[%add3A_131, %dma_start3A_163] : memref<16x128xi32, #tpu.memory_space<vmem>> -> memref<1x128xi32, #tpu.memory_space<vmem>>
        %dma_start3A_165 = tpu.memref_squeeze %dma_start3A_164 : memref<1x128xi32, #tpu.memory_space<vmem>> -> memref<128xi32, #tpu.memory_space<vmem>>
        %dma_start3A_166 = arith.constant 0 : i32
        %dma_start3A_167 = arith.constant 0 : i32
        %dma_start3A_168 = tpu.memref_slice %arg8[%dma_start3A_166, %dma_start3A_167] : memref<10240x64xf32, #tpu.memory_space<vmem_shared>> -> memref<10240x64xf32, #tpu.memory_space<vmem_shared>>
        tpu.enqueue_indirect_dma source(%arg13 : memref<128x64xf32, #tpu.memory_space<vmem>>) target(%dma_start3A_168 : memref<10240x64xf32, #tpu.memory_space<vmem_shared>>) offsets(%dma_start3A_165 : memref<128xi32, #tpu.memory_space<vmem>>) semaphore(%run_scoped3A_162 : memref<!tpu.dma_semaphore, #tpu.memory_space<semaphore_mem>>) {add = true}
        %dma_wait3A_169 = arith.constant 0 : i32
        %dma_wait3A_170 = tpu.memref_slice %arg10[%add3A_131, %dma_wait3A_169] : memref<16x128xi32, #tpu.memory_space<vmem>> -> memref<1x128xi32, #tpu.memory_space<vmem>>
        %dma_wait3A_171 = tpu.memref_squeeze %dma_wait3A_170 : memref<1x128xi32, #tpu.memory_space<vmem>> -> memref<128xi32, #tpu.memory_space<vmem>>
        %dma_wait3A_172 = arith.constant 0 : i32
        %dma_wait3A_173 = arith.constant 0 : i32
        %dma_wait3A_174 = tpu.memref_slice %arg8[%dma_wait3A_172, %dma_wait3A_173] : memref<10240x64xf32, #tpu.memory_space<vmem_shared>> -> memref<10240x64xf32, #tpu.memory_space<vmem_shared>>
        tpu.wait_indirect_dma semaphore(%run_scoped3A_162 : memref<!tpu.dma_semaphore, #tpu.memory_space<semaphore_mem>>) src(%arg13 : memref<128x64xf32, #tpu.memory_space<vmem>>) dst(%dma_wait3A_174 : memref<10240x64xf32, #tpu.memory_space<vmem_shared>>)
        tpu.yield
      }) : () -> ()
      %add3A_132 = arith.constant 2 : i32
      %add3A_133 = arith.addi %add3A_81, %add3A_132 : i32
      %add3A_134 = arith.constant 4 : i32
      %add3A_135 = arith.addi %add3A_133, %add3A_134 : i32
      %dma_start3A_136 = arith.constant 0 : i32
      %dma_start3A_137 = tpu.memref_slice %arg9[%add3A_135, %dma_start3A_136] : memref<16x128xi32, #tpu.memory_space<vmem>> -> memref<1x128xi32, #tpu.memory_space<vmem>>
      %dma_start3A_138 = tpu.memref_squeeze %dma_start3A_137 : memref<1x128xi32, #tpu.memory_space<vmem>> -> memref<128xi32, #tpu.memory_space<vmem>>
      %dma_start3A_139 = arith.constant 0 : i32
      %dma_start3A_140 = arith.constant 0 : i32
      %dma_start3A_141 = tpu.memref_slice %arg7[%dma_start3A_139, %dma_start3A_140] : memref<10240x64xf32, #tpu.memory_space<vmem_shared>> -> memref<10240x64xf32, #tpu.memory_space<vmem_shared>>
      tpu.enqueue_indirect_dma source(%dma_start3A_141 : memref<10240x64xf32, #tpu.memory_space<vmem_shared>>) target(%arg13 : memref<128x64xf32, #tpu.memory_space<vmem>>) offsets(%dma_start3A_138 : memref<128xi32, #tpu.memory_space<vmem>>) semaphore(%arg17 : memref<!tpu.dma_semaphore, #tpu.memory_space<semaphore_mem>>)
      %add3A_142 = arith.constant 3 : i32
      %add3A_143 = arith.addi %add3A_81, %add3A_142 : i32
      %dma_wait3A_144 = arith.constant 0 : i32
      %dma_wait3A_145 = tpu.memref_slice %arg9[%add3A_143, %dma_wait3A_144] : memref<16x128xi32, #tpu.memory_space<vmem>> -> memref<1x128xi32, #tpu.memory_space<vmem>>
      %dma_wait3A_146 = tpu.memref_squeeze %dma_wait3A_145 : memref<1x128xi32, #tpu.memory_space<vmem>> -> memref<128xi32, #tpu.memory_space<vmem>>
      %dma_wait3A_147 = arith.constant 0 : i32
      %dma_wait3A_148 = arith.constant 0 : i32
      %dma_wait3A_149 = tpu.memref_slice %arg7[%dma_wait3A_147, %dma_wait3A_148] : memref<10240x64xf32, #tpu.memory_space<vmem_shared>> -> memref<10240x64xf32, #tpu.memory_space<vmem_shared>>
      tpu.wait_indirect_dma semaphore(%arg18 : memref<!tpu.dma_semaphore, #tpu.memory_space<semaphore_mem>>) src(%dma_wait3A_149 : memref<10240x64xf32, #tpu.memory_space<vmem_shared>>) dst(%arg14 : memref<128x64xf32, #tpu.memory_space<vmem>>)
      %add3A_150 = arith.constant 3 : i32
      %add3A_151 = arith.addi %add3A_81, %add3A_150 : i32
      "tpu.region"() ({
        %run_scoped3A_162 = tpu.sem_alloc : memref<!tpu.dma_semaphore, #tpu.memory_space<semaphore_mem>>
        %dma_start3A_163 = arith.constant 0 : i32
        %dma_start3A_164 = tpu.memref_slice %arg10[%add3A_151, %dma_start3A_163] : memref<16x128xi32, #tpu.memory_space<vmem>> -> memref<1x128xi32, #tpu.memory_space<vmem>>
        %dma_start3A_165 = tpu.memref_squeeze %dma_start3A_164 : memref<1x128xi32, #tpu.memory_space<vmem>> -> memref<128xi32, #tpu.memory_space<vmem>>
        %dma_start3A_166 = arith.constant 0 : i32
        %dma_start3A_167 = arith.constant 0 : i32
        %dma_start3A_168 = tpu.memref_slice %arg8[%dma_start3A_166, %dma_start3A_167] : memref<10240x64xf32, #tpu.memory_space<vmem_shared>> -> memref<10240x64xf32, #tpu.memory_space<vmem_shared>>
        tpu.enqueue_indirect_dma source(%arg14 : memref<128x64xf32, #tpu.memory_space<vmem>>) target(%dma_start3A_168 : memref<10240x64xf32, #tpu.memory_space<vmem_shared>>) offsets(%dma_start3A_165 : memref<128xi32, #tpu.memory_space<vmem>>) semaphore(%run_scoped3A_162 : memref<!tpu.dma_semaphore, #tpu.memory_space<semaphore_mem>>) {add = true}
        %dma_wait3A_169 = arith.constant 0 : i32
        %dma_wait3A_170 = tpu.memref_slice %arg10[%add3A_151, %dma_wait3A_169] : memref<16x128xi32, #tpu.memory_space<vmem>> -> memref<1x128xi32, #tpu.memory_space<vmem>>
        %dma_wait3A_171 = tpu.memref_squeeze %dma_wait3A_170 : memref<1x128xi32, #tpu.memory_space<vmem>> -> memref<128xi32, #tpu.memory_space<vmem>>
        %dma_wait3A_172 = arith.constant 0 : i32
        %dma_wait3A_173 = arith.constant 0 : i32
        %dma_wait3A_174 = tpu.memref_slice %arg8[%dma_wait3A_172, %dma_wait3A_173] : memref<10240x64xf32, #tpu.memory_space<vmem_shared>> -> memref<10240x64xf32, #tpu.memory_space<vmem_shared>>
        tpu.wait_indirect_dma semaphore(%run_scoped3A_162 : memref<!tpu.dma_semaphore, #tpu.memory_space<semaphore_mem>>) src(%arg14 : memref<128x64xf32, #tpu.memory_space<vmem>>) dst(%dma_wait3A_174 : memref<10240x64xf32, #tpu.memory_space<vmem_shared>>)
        tpu.yield
      }) : () -> ()
      %add3A_152 = arith.constant 3 : i32
      %add3A_153 = arith.addi %add3A_81, %add3A_152 : i32
      %add3A_154 = arith.constant 4 : i32
      %add3A_155 = arith.addi %add3A_153, %add3A_154 : i32
      %dma_start3A_156 = arith.constant 0 : i32
      %dma_start3A_157 = tpu.memref_slice %arg9[%add3A_155, %dma_start3A_156] : memref<16x128xi32, #tpu.memory_space<vmem>> -> memref<1x128xi32, #tpu.memory_space<vmem>>
      %dma_start3A_158 = tpu.memref_squeeze %dma_start3A_157 : memref<1x128xi32, #tpu.memory_space<vmem>> -> memref<128xi32, #tpu.memory_space<vmem>>
      %dma_start3A_159 = arith.constant 0 : i32
      %dma_start3A_160 = arith.constant 0 : i32
      %dma_start3A_161 = tpu.memref_slice %arg7[%dma_start3A_159, %dma_start3A_160] : memref<10240x64xf32, #tpu.memory_space<vmem_shared>> -> memref<10240x64xf32, #tpu.memory_space<vmem_shared>>
      tpu.enqueue_indirect_dma source(%dma_start3A_161 : memref<10240x64xf32, #tpu.memory_space<vmem_shared>>) target(%arg14 : memref<128x64xf32, #tpu.memory_space<vmem>>) offsets(%dma_start3A_158 : memref<128xi32, #tpu.memory_space<vmem>>) semaphore(%arg18 : memref<!tpu.dma_semaphore, #tpu.memory_space<semaphore_mem>>)
    }
    %scan3A_44 = arith.constant 3 : i32
    %dma_wait3A = arith.constant 12 : i32
    %dma_wait3A_45 = arith.constant 0 : i32
    %dma_wait3A_46 = tpu.memref_slice %arg9[%dma_wait3A, %dma_wait3A_45] : memref<16x128xi32, #tpu.memory_space<vmem>> -> memref<1x128xi32, #tpu.memory_space<vmem>>
    %dma_wait3A_47 = tpu.memref_squeeze %dma_wait3A_46 : memref<1x128xi32, #tpu.memory_space<vmem>> -> memref<128xi32, #tpu.memory_space<vmem>>
    %dma_wait3A_48 = arith.constant 0 : i32
    %dma_wait3A_49 = arith.constant 0 : i32
    %dma_wait3A_50 = tpu.memref_slice %arg7[%dma_wait3A_48, %dma_wait3A_49] : memref<10240x64xf32, #tpu.memory_space<vmem_shared>> -> memref<10240x64xf32, #tpu.memory_space<vmem_shared>>
    tpu.wait_indirect_dma semaphore(%arg15 : memref<!tpu.dma_semaphore, #tpu.memory_space<semaphore_mem>>) src(%dma_wait3A_50 : memref<10240x64xf32, #tpu.memory_space<vmem_shared>>) dst(%arg11 : memref<128x64xf32, #tpu.memory_space<vmem>>)
    %run_scoped3A = arith.constant 12 : i32
    "tpu.region"() ({
      %run_scoped3A_77 = tpu.sem_alloc : memref<!tpu.dma_semaphore, #tpu.memory_space<semaphore_mem>>
      %dma_start3A_78 = arith.constant 0 : i32
      %dma_start3A_79 = tpu.memref_slice %arg10[%run_scoped3A, %dma_start3A_78] : memref<16x128xi32, #tpu.memory_space<vmem>> -> memref<1x128xi32, #tpu.memory_space<vmem>>
      %dma_start3A_80 = tpu.memref_squeeze %dma_start3A_79 : memref<1x128xi32, #tpu.memory_space<vmem>> -> memref<128xi32, #tpu.memory_space<vmem>>
      %dma_start3A_81 = arith.constant 0 : i32
      %dma_start3A_82 = arith.constant 0 : i32
      %dma_start3A_83 = tpu.memref_slice %arg8[%dma_start3A_81, %dma_start3A_82] : memref<10240x64xf32, #tpu.memory_space<vmem_shared>> -> memref<10240x64xf32, #tpu.memory_space<vmem_shared>>
      tpu.enqueue_indirect_dma source(%arg11 : memref<128x64xf32, #tpu.memory_space<vmem>>) target(%dma_start3A_83 : memref<10240x64xf32, #tpu.memory_space<vmem_shared>>) offsets(%dma_start3A_80 : memref<128xi32, #tpu.memory_space<vmem>>) semaphore(%run_scoped3A_77 : memref<!tpu.dma_semaphore, #tpu.memory_space<semaphore_mem>>) {add = true}
      %dma_wait3A_84 = arith.constant 0 : i32
      %dma_wait3A_85 = tpu.memref_slice %arg10[%run_scoped3A, %dma_wait3A_84] : memref<16x128xi32, #tpu.memory_space<vmem>> -> memref<1x128xi32, #tpu.memory_space<vmem>>
      %dma_wait3A_86 = tpu.memref_squeeze %dma_wait3A_85 : memref<1x128xi32, #tpu.memory_space<vmem>> -> memref<128xi32, #tpu.memory_space<vmem>>
      %dma_wait3A_87 = arith.constant 0 : i32
      %dma_wait3A_88 = arith.constant 0 : i32
      %dma_wait3A_89 = tpu.memref_slice %arg8[%dma_wait3A_87, %dma_wait3A_88] : memref<10240x64xf32, #tpu.memory_space<vmem_shared>> -> memref<10240x64xf32, #tpu.memory_space<vmem_shared>>
      tpu.wait_indirect_dma semaphore(%run_scoped3A_77 : memref<!tpu.dma_semaphore, #tpu.memory_space<semaphore_mem>>) src(%arg11 : memref<128x64xf32, #tpu.memory_space<vmem>>) dst(%dma_wait3A_89 : memref<10240x64xf32, #tpu.memory_space<vmem_shared>>)
      tpu.yield
    }) : () -> ()
    %dma_wait3A_51 = arith.constant 13 : i32
    %dma_wait3A_52 = arith.constant 0 : i32
    %dma_wait3A_53 = tpu.memref_slice %arg9[%dma_wait3A_51, %dma_wait3A_52] : memref<16x128xi32, #tpu.memory_space<vmem>> -> memref<1x128xi32, #tpu.memory_space<vmem>>
    %dma_wait3A_54 = tpu.memref_squeeze %dma_wait3A_53 : memref<1x128xi32, #tpu.memory_space<vmem>> -> memref<128xi32, #tpu.memory_space<vmem>>
    %dma_wait3A_55 = arith.constant 0 : i32
    %dma_wait3A_56 = arith.constant 0 : i32
    %dma_wait3A_57 = tpu.memref_slice %arg7[%dma_wait3A_55, %dma_wait3A_56] : memref<10240x64xf32, #tpu.memory_space<vmem_shared>> -> memref<10240x64xf32, #tpu.memory_space<vmem_shared>>
    tpu.wait_indirect_dma semaphore(%arg16 : memref<!tpu.dma_semaphore, #tpu.memory_space<semaphore_mem>>) src(%dma_wait3A_57 : memref<10240x64xf32, #tpu.memory_space<vmem_shared>>) dst(%arg12 : memref<128x64xf32, #tpu.memory_space<vmem>>)
    %run_scoped3A_58 = arith.constant 13 : i32
    "tpu.region"() ({
      %run_scoped3A_77 = tpu.sem_alloc : memref<!tpu.dma_semaphore, #tpu.memory_space<semaphore_mem>>
      %dma_start3A_78 = arith.constant 0 : i32
      %dma_start3A_79 = tpu.memref_slice %arg10[%run_scoped3A_58, %dma_start3A_78] : memref<16x128xi32, #tpu.memory_space<vmem>> -> memref<1x128xi32, #tpu.memory_space<vmem>>
      %dma_start3A_80 = tpu.memref_squeeze %dma_start3A_79 : memref<1x128xi32, #tpu.memory_space<vmem>> -> memref<128xi32, #tpu.memory_space<vmem>>
      %dma_start3A_81 = arith.constant 0 : i32
      %dma_start3A_82 = arith.constant 0 : i32
      %dma_start3A_83 = tpu.memref_slice %arg8[%dma_start3A_81, %dma_start3A_82] : memref<10240x64xf32, #tpu.memory_space<vmem_shared>> -> memref<10240x64xf32, #tpu.memory_space<vmem_shared>>
      tpu.enqueue_indirect_dma source(%arg12 : memref<128x64xf32, #tpu.memory_space<vmem>>) target(%dma_start3A_83 : memref<10240x64xf32, #tpu.memory_space<vmem_shared>>) offsets(%dma_start3A_80 : memref<128xi32, #tpu.memory_space<vmem>>) semaphore(%run_scoped3A_77 : memref<!tpu.dma_semaphore, #tpu.memory_space<semaphore_mem>>) {add = true}
      %dma_wait3A_84 = arith.constant 0 : i32
      %dma_wait3A_85 = tpu.memref_slice %arg10[%run_scoped3A_58, %dma_wait3A_84] : memref<16x128xi32, #tpu.memory_space<vmem>> -> memref<1x128xi32, #tpu.memory_space<vmem>>
      %dma_wait3A_86 = tpu.memref_squeeze %dma_wait3A_85 : memref<1x128xi32, #tpu.memory_space<vmem>> -> memref<128xi32, #tpu.memory_space<vmem>>
      %dma_wait3A_87 = arith.constant 0 : i32
      %dma_wait3A_88 = arith.constant 0 : i32
      %dma_wait3A_89 = tpu.memref_slice %arg8[%dma_wait3A_87, %dma_wait3A_88] : memref<10240x64xf32, #tpu.memory_space<vmem_shared>> -> memref<10240x64xf32, #tpu.memory_space<vmem_shared>>
      tpu.wait_indirect_dma semaphore(%run_scoped3A_77 : memref<!tpu.dma_semaphore, #tpu.memory_space<semaphore_mem>>) src(%arg12 : memref<128x64xf32, #tpu.memory_space<vmem>>) dst(%dma_wait3A_89 : memref<10240x64xf32, #tpu.memory_space<vmem_shared>>)
      tpu.yield
    }) : () -> ()
    %dma_wait3A_59 = arith.constant 14 : i32
    %dma_wait3A_60 = arith.constant 0 : i32
    %dma_wait3A_61 = tpu.memref_slice %arg9[%dma_wait3A_59, %dma_wait3A_60] : memref<16x128xi32, #tpu.memory_space<vmem>> -> memref<1x128xi32, #tpu.memory_space<vmem>>
    %dma_wait3A_62 = tpu.memref_squeeze %dma_wait3A_61 : memref<1x128xi32, #tpu.memory_space<vmem>> -> memref<128xi32, #tpu.memory_space<vmem>>
    %dma_wait3A_63 = arith.constant 0 : i32
    %dma_wait3A_64 = arith.constant 0 : i32
    %dma_wait3A_65 = tpu.memref_slice %arg7[%dma_wait3A_63, %dma_wait3A_64] : memref<10240x64xf32, #tpu.memory_space<vmem_shared>> -> memref<10240x64xf32, #tpu.memory_space<vmem_shared>>
    tpu.wait_indirect_dma semaphore(%arg17 : memref<!tpu.dma_semaphore, #tpu.memory_space<semaphore_mem>>) src(%dma_wait3A_65 : memref<10240x64xf32, #tpu.memory_space<vmem_shared>>) dst(%arg13 : memref<128x64xf32, #tpu.memory_space<vmem>>)
    %run_scoped3A_66 = arith.constant 14 : i32
    "tpu.region"() ({
      %run_scoped3A_77 = tpu.sem_alloc : memref<!tpu.dma_semaphore, #tpu.memory_space<semaphore_mem>>
      %dma_start3A_78 = arith.constant 0 : i32
      %dma_start3A_79 = tpu.memref_slice %arg10[%run_scoped3A_66, %dma_start3A_78] : memref<16x128xi32, #tpu.memory_space<vmem>> -> memref<1x128xi32, #tpu.memory_space<vmem>>
      %dma_start3A_80 = tpu.memref_squeeze %dma_start3A_79 : memref<1x128xi32, #tpu.memory_space<vmem>> -> memref<128xi32, #tpu.memory_space<vmem>>
      %dma_start3A_81 = arith.constant 0 : i32
      %dma_start3A_82 = arith.constant 0 : i32
      %dma_start3A_83 = tpu.memref_slice %arg8[%dma_start3A_81, %dma_start3A_82] : memref<10240x64xf32, #tpu.memory_space<vmem_shared>> -> memref<10240x64xf32, #tpu.memory_space<vmem_shared>>
      tpu.enqueue_indirect_dma source(%arg13 : memref<128x64xf32, #tpu.memory_space<vmem>>) target(%dma_start3A_83 : memref<10240x64xf32, #tpu.memory_space<vmem_shared>>) offsets(%dma_start3A_80 : memref<128xi32, #tpu.memory_space<vmem>>) semaphore(%run_scoped3A_77 : memref<!tpu.dma_semaphore, #tpu.memory_space<semaphore_mem>>) {add = true}
      %dma_wait3A_84 = arith.constant 0 : i32
      %dma_wait3A_85 = tpu.memref_slice %arg10[%run_scoped3A_66, %dma_wait3A_84] : memref<16x128xi32, #tpu.memory_space<vmem>> -> memref<1x128xi32, #tpu.memory_space<vmem>>
      %dma_wait3A_86 = tpu.memref_squeeze %dma_wait3A_85 : memref<1x128xi32, #tpu.memory_space<vmem>> -> memref<128xi32, #tpu.memory_space<vmem>>
      %dma_wait3A_87 = arith.constant 0 : i32
      %dma_wait3A_88 = arith.constant 0 : i32
      %dma_wait3A_89 = tpu.memref_slice %arg8[%dma_wait3A_87, %dma_wait3A_88] : memref<10240x64xf32, #tpu.memory_space<vmem_shared>> -> memref<10240x64xf32, #tpu.memory_space<vmem_shared>>
      tpu.wait_indirect_dma semaphore(%run_scoped3A_77 : memref<!tpu.dma_semaphore, #tpu.memory_space<semaphore_mem>>) src(%arg13 : memref<128x64xf32, #tpu.memory_space<vmem>>) dst(%dma_wait3A_89 : memref<10240x64xf32, #tpu.memory_space<vmem_shared>>)
      tpu.yield
    }) : () -> ()
    %dma_wait3A_67 = arith.constant 15 : i32
    %dma_wait3A_68 = arith.constant 0 : i32
    %dma_wait3A_69 = tpu.memref_slice %arg9[%dma_wait3A_67, %dma_wait3A_68] : memref<16x128xi32, #tpu.memory_space<vmem>> -> memref<1x128xi32, #tpu.memory_space<vmem>>
    %dma_wait3A_70 = tpu.memref_squeeze %dma_wait3A_69 : memref<1x128xi32, #tpu.memory_space<vmem>> -> memref<128xi32, #tpu.memory_space<vmem>>
    %dma_wait3A_71 = arith.constant 0 : i32
    %dma_wait3A_72 = arith.constant 0 : i32
    %dma_wait3A_73 = tpu.memref_slice %arg7[%dma_wait3A_71, %dma_wait3A_72] : memref<10240x64xf32, #tpu.memory_space<vmem_shared>> -> memref<10240x64xf32, #tpu.memory_space<vmem_shared>>
    tpu.wait_indirect_dma semaphore(%arg18 : memref<!tpu.dma_semaphore, #tpu.memory_space<semaphore_mem>>) src(%dma_wait3A_73 : memref<10240x64xf32, #tpu.memory_space<vmem_shared>>) dst(%arg14 : memref<128x64xf32, #tpu.memory_space<vmem>>)
    %run_scoped3A_74 = arith.constant 15 : i32
    "tpu.region"() ({
      %run_scoped3A_77 = tpu.sem_alloc : memref<!tpu.dma_semaphore, #tpu.memory_space<semaphore_mem>>
      %dma_start3A_78 = arith.constant 0 : i32
      %dma_start3A_79 = tpu.memref_slice %arg10[%run_scoped3A_74, %dma_start3A_78] : memref<16x128xi32, #tpu.memory_space<vmem>> -> memref<1x128xi32, #tpu.memory_space<vmem>>
      %dma_start3A_80 = tpu.memref_squeeze %dma_start3A_79 : memref<1x128xi32, #tpu.memory_space<vmem>> -> memref<128xi32, #tpu.memory_space<vmem>>
      %dma_start3A_81 = arith.constant 0 : i32
      %dma_start3A_82 = arith.constant 0 : i32
      %dma_start3A_83 = tpu.memref_slice %arg8[%dma_start3A_81, %dma_start3A_82] : memref<10240x64xf32, #tpu.memory_space<vmem_shared>> -> memref<10240x64xf32, #tpu.memory_space<vmem_shared>>
      tpu.enqueue_indirect_dma source(%arg14 : memref<128x64xf32, #tpu.memory_space<vmem>>) target(%dma_start3A_83 : memref<10240x64xf32, #tpu.memory_space<vmem_shared>>) offsets(%dma_start3A_80 : memref<128xi32, #tpu.memory_space<vmem>>) semaphore(%run_scoped3A_77 : memref<!tpu.dma_semaphore, #tpu.memory_space<semaphore_mem>>) {add = true}
      %dma_wait3A_84 = arith.constant 0 : i32
      %dma_wait3A_85 = tpu.memref_slice %arg10[%run_scoped3A_74, %dma_wait3A_84] : memref<16x128xi32, #tpu.memory_space<vmem>> -> memref<1x128xi32, #tpu.memory_space<vmem>>
      %dma_wait3A_86 = tpu.memref_squeeze %dma_wait3A_85 : memref<1x128xi32, #tpu.memory_space<vmem>> -> memref<128xi32, #tpu.memory_space<vmem>>
      %dma_wait3A_87 = arith.constant 0 : i32
      %dma_wait3A_88 = arith.constant 0 : i32
      %dma_wait3A_89 = tpu.memref_slice %arg8[%dma_wait3A_87, %dma_wait3A_88] : memref<10240x64xf32, #tpu.memory_space<vmem_shared>> -> memref<10240x64xf32, #tpu.memory_space<vmem_shared>>
      tpu.wait_indirect_dma semaphore(%run_scoped3A_77 : memref<!tpu.dma_semaphore, #tpu.memory_space<semaphore_mem>>) src(%arg14 : memref<128x64xf32, #tpu.memory_space<vmem>>) dst(%dma_wait3A_89 : memref<10240x64xf32, #tpu.memory_space<vmem_shared>>)
      tpu.yield
    }) : () -> ()
    %scan3A_75 = arith.constant 1 : i32
    %barrier3A_76 = arith.constant 0 : index
    tpu.barrier barrier_id(%barrier3A_76)
    "tpu.region"() ({
      %run_scoped3A_77 = tpu.sem_alloc : memref<!tpu.dma_semaphore, #tpu.memory_space<semaphore_mem>>
      %dma_start3A_78 = arith.constant 0 : i32
      %dma_start3A_79 = tpu.memref_slice %arg6[%arg0, %mul3A_0, %dma_start3A_78] : memref<2x10240x64xf32, #tpu.memory_space<hbm>> -> memref<1x640x64xf32, #tpu.memory_space<hbm>>
      %dma_start3A_80 = tpu.memref_squeeze %dma_start3A_79 : memref<1x640x64xf32, #tpu.memory_space<hbm>> -> memref<640x64xf32, #tpu.memory_space<hbm>>
      %dma_start3A_81 = arith.constant 0 : i32
      %dma_start3A_82 = tpu.memref_slice %arg8[%mul3A_0, %dma_start3A_81] : memref<10240x64xf32, #tpu.memory_space<vmem_shared>> -> memref<640x64xf32, #tpu.memory_space<vmem_shared>>
      tpu.enqueue_dma source(%dma_start3A_82 : memref<640x64xf32, #tpu.memory_space<vmem_shared>>) target(%dma_start3A_80 : memref<640x64xf32, #tpu.memory_space<hbm>>) target_semaphore(%run_scoped3A_77 : memref<!tpu.dma_semaphore, #tpu.memory_space<semaphore_mem>>)
      %dma_wait3A_83 = arith.constant 0 : i32
      %dma_wait3A_84 = tpu.memref_slice %arg6[%arg0, %mul3A_0, %dma_wait3A_83] : memref<2x10240x64xf32, #tpu.memory_space<hbm>> -> memref<1x640x64xf32, #tpu.memory_space<hbm>>
      %dma_wait3A_85 = tpu.memref_squeeze %dma_wait3A_84 : memref<1x640x64xf32, #tpu.memory_space<hbm>> -> memref<640x64xf32, #tpu.memory_space<hbm>>
      %dma_wait3A_86 = arith.constant 0 : i32
      %dma_wait3A_87 = tpu.memref_slice %arg8[%mul3A_0, %dma_wait3A_86] : memref<10240x64xf32, #tpu.memory_space<vmem_shared>> -> memref<640x64xf32, #tpu.memory_space<vmem_shared>>
      tpu.wait_dma2 semaphore(%run_scoped3A_77 : memref<!tpu.dma_semaphore, #tpu.memory_space<semaphore_mem>>) src(%dma_wait3A_87 : memref<640x64xf32, #tpu.memory_space<vmem_shared>>) dst(%dma_wait3A_85 : memref<640x64xf32, #tpu.memory_space<hbm>>)
      tpu.yield
    }) : () -> ()
    return
  }
}

module attributes {stable_mosaic.version = 14 : i64} {
  func.func @body(%arg0: i32, %arg1: memref<2560x128xf32, #tpu.memory_space<vmem>>, %arg2: memref<128x128xf32, #tpu.memory_space<vmem>>, %arg3: memref<2x2560x1xf32, #tpu.memory_space<vmem>>, %arg4: memref<2x2560x64xf32, #tpu.memory_space<vmem>>, %arg5: memref<2560x1xf32, #tpu.memory_space<vmem>>) attributes {dimension_semantics = [#tpu.dimension_semantics<arbitrary>], iteration_bounds = array<i64: 4>, scalar_prefetch = 0 : i64, scratch_operands = 0 : i64, tpu.core_type = #tpu.core_type<tc>, window_params = [{transform_indices = @transform_0, window_bounds = array<i64: 2560, 128>}, {pipeline_mode = #tpu.pipeline_mode<synchronous>, transform_indices = @transform_1, window_bounds = array<i64: 128, 128>}, {transform_indices = @transform_2, window_bounds = array<i64: 2, 2560, 1>}, {transform_indices = @transform_3, window_bounds = array<i64: 2, 2560, 64>}, {transform_indices = @transform_4, window_bounds = array<i64: 2560, 1>}]} {
    %get3A = arith.constant 0 : index
    %get3A_0 = arith.constant 0 : index
    %get3A_1 = arith.constant 0 : index
    %get3A_2 = vector.load %arg3[%get3A, %get3A_0, %get3A_1] : memref<2x2560x1xf32, #tpu.memory_space<vmem>>, vector<1x2560x1xf32>
    %get3A_3 = vector.shape_cast %get3A_2 : vector<1x2560x1xf32> to vector<2560x1xf32>
    %get3A_4 = arith.constant 1 : index
    %get3A_5 = arith.constant 0 : index
    %get3A_6 = arith.constant 0 : index
    %get3A_7 = vector.load %arg3[%get3A_4, %get3A_5, %get3A_6] : memref<2x2560x1xf32, #tpu.memory_space<vmem>>, vector<1x2560x1xf32>
    %get3A_8 = vector.shape_cast %get3A_7 : vector<1x2560x1xf32> to vector<2560x1xf32>
    %add3A = arith.addf %get3A_3, %get3A_8 : vector<2560x1xf32>
    %add3A_9 = arith.constant 1.000000e+00 : f32
    %add3A_10 = vector.broadcast %add3A_9 : f32 to vector<2560x1xf32>
    %add3A_11 = arith.addf %add3A, %add3A_10 : vector<2560x1xf32>
    %rsqrt3A = math.rsqrt %add3A_11 : vector<2560x1xf32>
    %get3A_12 = arith.constant 0 : index
    %get3A_13 = arith.constant 0 : index
    %get3A_14 = vector.load %arg1[%get3A_12, %get3A_13] : memref<2560x128xf32, #tpu.memory_space<vmem>>, vector<2560x128xf32>
    %get3A_15 = arith.constant 0 : index
    %get3A_16 = arith.constant 0 : index
    %get3A_17 = vector.load %arg2[%get3A_15, %get3A_16] : memref<128x128xf32, #tpu.memory_space<vmem>>, vector<128x128xf32>
    %dot_general3A = arith.constant dense<0.000000e+00> : vector<2560x128xf32>
    %dot_general3A_18 = tpu.matmul %get3A_14, %get3A_17, %dot_general3A {dimension_numbers = #tpu.dot_dimension_numbers<[1], [0], [0], [1], [0, 0, 1, 1], [], []>, transpose_lhs_hint = false} : vector<2560x128xf32>, vector<128x128xf32>, vector<2560x128xf32> -> vector<2560x128xf32>
    %mul3A = vector.broadcast %rsqrt3A : vector<2560x1xf32> to vector<2560x128xf32>
    %mul3A_19 = arith.mulf %dot_general3A_18, %mul3A : vector<2560x128xf32>
    %slice3A = vector.extract_strided_slice %mul3A_19 {offsets = [0, 0], sizes = [2560, 64], strides = [1, 1]} : vector<2560x128xf32> to vector<2560x64xf32>
    %swap3A = arith.constant 0 : index
    %swap3A_20 = arith.constant 0 : index
    %swap3A_21 = arith.constant 0 : index
    %swap3A_22 = vector.load %arg4[%swap3A, %swap3A_20, %swap3A_21] : memref<2x2560x64xf32, #tpu.memory_space<vmem>>, vector<1x2560x64xf32>
    %swap3A_23 = vector.shape_cast %swap3A_22 : vector<1x2560x64xf32> to vector<2560x64xf32>
    %swap3A_24 = vector.shape_cast %slice3A : vector<2560x64xf32> to vector<1x2560x64xf32>
    tpu.vector_store %arg4[%swap3A, %swap3A_20, %swap3A_21], %swap3A_24 {strides = array<i32>} : memref<2x2560x64xf32, #tpu.memory_space<vmem>>, vector<1x2560x64xf32>,
    %slice3A_25 = vector.extract_strided_slice %mul3A_19 {offsets = [0, 64], sizes = [2560, 64], strides = [1, 1]} : vector<2560x128xf32> to vector<2560x64xf32>
    %swap3A_26 = arith.constant 1 : index
    %swap3A_27 = arith.constant 0 : index
    %swap3A_28 = arith.constant 0 : index
    %swap3A_29 = vector.load %arg4[%swap3A_26, %swap3A_27, %swap3A_28] : memref<2x2560x64xf32, #tpu.memory_space<vmem>>, vector<1x2560x64xf32>
    %swap3A_30 = vector.shape_cast %swap3A_29 : vector<1x2560x64xf32> to vector<2560x64xf32>
    %swap3A_31 = vector.shape_cast %slice3A_25 : vector<2560x64xf32> to vector<1x2560x64xf32>
    tpu.vector_store %arg4[%swap3A_26, %swap3A_27, %swap3A_28], %swap3A_31 {strides = array<i32>} : memref<2x2560x64xf32, #tpu.memory_space<vmem>>, vector<1x2560x64xf32>,
    %swap3A_32 = arith.constant 0 : index
    %swap3A_33 = arith.constant 0 : index
    %swap3A_34 = vector.load %arg5[%swap3A_32, %swap3A_33] : memref<2560x1xf32, #tpu.memory_space<vmem>>, vector<2560x1xf32>
    tpu.vector_store %arg5[%swap3A_32, %swap3A_33], %rsqrt3A {strides = array<i32>} : memref<2560x1xf32, #tpu.memory_space<vmem>>, vector<2560x1xf32>,
    return
  }
  func.func @transform_0(%arg0: i32) -> (i32, i32) {
    %c0_i32 = arith.constant 0 : i32
    %c0_i32_0 = arith.constant 0 : i32
    return %arg0, %c0_i32 : i32, i32
  }
  func.func @transform_1(%arg0: i32) -> (i32, i32) {
    %c0_i32 = arith.constant 0 : i32
    %c0_i32_0 = arith.constant 0 : i32
    %c0_i32_1 = arith.constant 0 : i32
    return %c0_i32, %c0_i32_0 : i32, i32
  }
  func.func @transform_2(%arg0: i32) -> (i32, i32, i32) {
    %c0_i32 = arith.constant 0 : i32
    %c0_i32_0 = arith.constant 0 : i32
    %c0_i32_1 = arith.constant 0 : i32
    return %c0_i32, %arg0, %c0_i32_0 : i32, i32, i32
  }
  func.func @transform_3(%arg0: i32) -> (i32, i32, i32) {
    %c0_i32 = arith.constant 0 : i32
    %c0_i32_0 = arith.constant 0 : i32
    %c0_i32_1 = arith.constant 0 : i32
    return %c0_i32, %arg0, %c0_i32_0 : i32, i32, i32
  }
  func.func @transform_4(%arg0: i32) -> (i32, i32) {
    %c0_i32 = arith.constant 0 : i32
    %c0_i32_0 = arith.constant 0 : i32
    return %arg0, %c0_i32 : i32, i32
  }
}

module attributes {stable_mosaic.version = 14 : i64} {
  func.func @body(%arg0: i32, %arg1: memref<2x2560x64xf32, #tpu.memory_space<vmem>>, %arg2: memref<2x2560x64xf32, #tpu.memory_space<vmem>>, %arg3: memref<2560x1xf32, #tpu.memory_space<vmem>>, %arg4: memref<128x128xf32, #tpu.memory_space<vmem>>, %arg5: memref<1x128xf32, #tpu.memory_space<vmem>>, %arg6: memref<1x128xf32, #tpu.memory_space<vmem>>, %arg7: memref<1x128xf32, #tpu.memory_space<vmem>>, %arg8: memref<2x2560x64xf32, #tpu.memory_space<vmem>>) attributes {dimension_semantics = [#tpu.dimension_semantics<arbitrary>], iteration_bounds = array<i64: 4>, scalar_prefetch = 0 : i64, scratch_operands = 0 : i64, tpu.core_type = #tpu.core_type<tc>, window_params = [{transform_indices = @transform_0, window_bounds = array<i64: 2, 2560, 64>}, {transform_indices = @transform_1, window_bounds = array<i64: 2, 2560, 64>}, {transform_indices = @transform_2, window_bounds = array<i64: 2560, 1>}, {pipeline_mode = #tpu.pipeline_mode<synchronous>, transform_indices = @transform_3, window_bounds = array<i64: 128, 128>}, {pipeline_mode = #tpu.pipeline_mode<synchronous>, transform_indices = @transform_4, window_bounds = array<i64: 1, 128>}, {pipeline_mode = #tpu.pipeline_mode<synchronous>, transform_indices = @transform_5, window_bounds = array<i64: 1, 128>}, {pipeline_mode = #tpu.pipeline_mode<synchronous>, transform_indices = @transform_6, window_bounds = array<i64: 1, 128>}, {transform_indices = @transform_7, window_bounds = array<i64: 2, 2560, 64>}]} {
    %get3A = arith.constant 0 : index
    %get3A_0 = arith.constant 0 : index
    %get3A_1 = vector.load %arg3[%get3A, %get3A_0] : memref<2560x1xf32, #tpu.memory_space<vmem>>, vector<2560x1xf32>
    %get3A_2 = arith.constant 0 : index
    %get3A_3 = arith.constant 0 : index
    %get3A_4 = arith.constant 0 : index
    %get3A_5 = vector.load %arg1[%get3A_2, %get3A_3, %get3A_4] : memref<2x2560x64xf32, #tpu.memory_space<vmem>>, vector<1x2560x64xf32>
    %get3A_6 = vector.shape_cast %get3A_5 : vector<1x2560x64xf32> to vector<2560x64xf32>
    %get3A_7 = arith.constant 0 : index
    %get3A_8 = arith.constant 0 : index
    %get3A_9 = arith.constant 0 : index
    %get3A_10 = vector.load %arg2[%get3A_7, %get3A_8, %get3A_9] : memref<2x2560x64xf32, #tpu.memory_space<vmem>>, vector<1x2560x64xf32>
    %get3A_11 = vector.shape_cast %get3A_10 : vector<1x2560x64xf32> to vector<2560x64xf32>
    %add3A = arith.addf %get3A_6, %get3A_11 : vector<2560x64xf32>
    %get3A_12 = arith.constant 1 : index
    %get3A_13 = arith.constant 0 : index
    %get3A_14 = arith.constant 0 : index
    %get3A_15 = vector.load %arg1[%get3A_12, %get3A_13, %get3A_14] : memref<2x2560x64xf32, #tpu.memory_space<vmem>>, vector<1x2560x64xf32>
    %get3A_16 = vector.shape_cast %get3A_15 : vector<1x2560x64xf32> to vector<2560x64xf32>
    %get3A_17 = arith.constant 1 : index
    %get3A_18 = arith.constant 0 : index
    %get3A_19 = arith.constant 0 : index
    %get3A_20 = vector.load %arg2[%get3A_17, %get3A_18, %get3A_19] : memref<2x2560x64xf32, #tpu.memory_space<vmem>>, vector<1x2560x64xf32>
    %get3A_21 = vector.shape_cast %get3A_20 : vector<1x2560x64xf32> to vector<2560x64xf32>
    %add3A_22 = arith.addf %get3A_16, %get3A_21 : vector<2560x64xf32>
    %concatenate3A = tpu.concatenate %add3A, %add3A_22 in 1 : vector<2560x64xf32>, vector<2560x64xf32> -> vector<2560x128xf32>
    %mul3A = vector.broadcast %get3A_1 : vector<2560x1xf32> to vector<2560x128xf32>
    %mul3A_23 = arith.mulf %concatenate3A, %mul3A : vector<2560x128xf32>
    %get3A_24 = arith.constant 0 : index
    %get3A_25 = arith.constant 0 : index
    %get3A_26 = vector.load %arg5[%get3A_24, %get3A_25] : memref<1x128xf32, #tpu.memory_space<vmem>>, vector<1x128xf32>
    %add3A_27 = vector.broadcast %get3A_26 : vector<1x128xf32> to vector<2560x128xf32>
    %add3A_28 = arith.addf %mul3A_23, %add3A_27 : vector<2560x128xf32>
    %get3A_29 = arith.constant 0 : index
    %get3A_30 = arith.constant 0 : index
    %get3A_31 = vector.load %arg6[%get3A_29, %get3A_30] : memref<1x128xf32, #tpu.memory_space<vmem>>, vector<1x128xf32>
    %mul3A_32 = arith.constant 0.999994993 : f32
    %mul3A_33 = vector.broadcast %mul3A_32 : f32 to vector<1x128xf32>
    %mul3A_34 = arith.mulf %get3A_31, %mul3A_33 : vector<1x128xf32>
    %mul3A_35 = vector.broadcast %mul3A_34 : vector<1x128xf32> to vector<2560x128xf32>
    %mul3A_36 = arith.mulf %add3A_28, %mul3A_35 : vector<2560x128xf32>
    %get3A_37 = arith.constant 0 : index
    %get3A_38 = arith.constant 0 : index
    %get3A_39 = vector.load %arg7[%get3A_37, %get3A_38] : memref<1x128xf32, #tpu.memory_space<vmem>>, vector<1x128xf32>
    %add3A_40 = vector.broadcast %get3A_39 : vector<1x128xf32> to vector<2560x128xf32>
    %add3A_41 = arith.addf %mul3A_36, %add3A_40 : vector<2560x128xf32>
    %max3A = arith.constant 0.000000e+00 : f32
    %max3A_42 = vector.broadcast %max3A : f32 to vector<2560x128xf32>
    %max3A_43 = arith.maximumf %add3A_41, %max3A_42 : vector<2560x128xf32>
    %get3A_44 = arith.constant 0 : index
    %get3A_45 = arith.constant 0 : index
    %get3A_46 = vector.load %arg4[%get3A_44, %get3A_45] : memref<128x128xf32, #tpu.memory_space<vmem>>, vector<128x128xf32>
    %dot_general3A = arith.constant dense<0.000000e+00> : vector<2560x128xf32>
    %dot_general3A_47 = tpu.matmul %max3A_43, %get3A_46, %dot_general3A {dimension_numbers = #tpu.dot_dimension_numbers<[1], [0], [0], [1], [0, 0, 1, 1], [], []>, transpose_lhs_hint = false} : vector<2560x128xf32>, vector<128x128xf32>, vector<2560x128xf32> -> vector<2560x128xf32>
    %mul3A_48 = vector.broadcast %get3A_1 : vector<2560x1xf32> to vector<2560x128xf32>
    %mul3A_49 = arith.mulf %dot_general3A_47, %mul3A_48 : vector<2560x128xf32>
    %slice3A = vector.extract_strided_slice %mul3A_49 {offsets = [0, 0], sizes = [2560, 64], strides = [1, 1]} : vector<2560x128xf32> to vector<2560x64xf32>
    %swap3A = arith.constant 0 : index
    %swap3A_50 = arith.constant 0 : index
    %swap3A_51 = arith.constant 0 : index
    %swap3A_52 = vector.load %arg8[%swap3A, %swap3A_50, %swap3A_51] : memref<2x2560x64xf32, #tpu.memory_space<vmem>>, vector<1x2560x64xf32>
    %swap3A_53 = vector.shape_cast %swap3A_52 : vector<1x2560x64xf32> to vector<2560x64xf32>
    %swap3A_54 = vector.shape_cast %slice3A : vector<2560x64xf32> to vector<1x2560x64xf32>
    tpu.vector_store %arg8[%swap3A, %swap3A_50, %swap3A_51], %swap3A_54 {strides = array<i32>} : memref<2x2560x64xf32, #tpu.memory_space<vmem>>, vector<1x2560x64xf32>,
    %slice3A_55 = vector.extract_strided_slice %mul3A_49 {offsets = [0, 64], sizes = [2560, 64], strides = [1, 1]} : vector<2560x128xf32> to vector<2560x64xf32>
    %swap3A_56 = arith.constant 1 : index
    %swap3A_57 = arith.constant 0 : index
    %swap3A_58 = arith.constant 0 : index
    %swap3A_59 = vector.load %arg8[%swap3A_56, %swap3A_57, %swap3A_58] : memref<2x2560x64xf32, #tpu.memory_space<vmem>>, vector<1x2560x64xf32>
    %swap3A_60 = vector.shape_cast %swap3A_59 : vector<1x2560x64xf32> to vector<2560x64xf32>
    %swap3A_61 = vector.shape_cast %slice3A_55 : vector<2560x64xf32> to vector<1x2560x64xf32>
    tpu.vector_store %arg8[%swap3A_56, %swap3A_57, %swap3A_58], %swap3A_61 {strides = array<i32>} : memref<2x2560x64xf32, #tpu.memory_space<vmem>>, vector<1x2560x64xf32>,
    return
  }
  func.func @transform_0(%arg0: i32) -> (i32, i32, i32) {
    %c0_i32 = arith.constant 0 : i32
    %c0_i32_0 = arith.constant 0 : i32
    %c0_i32_1 = arith.constant 0 : i32
    return %c0_i32, %arg0, %c0_i32_0 : i32, i32, i32
  }
  func.func @transform_1(%arg0: i32) -> (i32, i32, i32) {
    %c0_i32 = arith.constant 0 : i32
    %c0_i32_0 = arith.constant 0 : i32
    %c0_i32_1 = arith.constant 0 : i32
    return %c0_i32, %arg0, %c0_i32_0 : i32, i32, i32
  }
  func.func @transform_2(%arg0: i32) -> (i32, i32) {
    %c0_i32 = arith.constant 0 : i32
    %c0_i32_0 = arith.constant 0 : i32
    return %arg0, %c0_i32 : i32, i32
  }
  func.func @transform_3(%arg0: i32) -> (i32, i32) {
    %c0_i32 = arith.constant 0 : i32
    %c0_i32_0 = arith.constant 0 : i32
    %c0_i32_1 = arith.constant 0 : i32
    return %c0_i32, %c0_i32_0 : i32, i32
  }
  func.func @transform_4(%arg0: i32) -> (i32, i32) {
    %c0_i32 = arith.constant 0 : i32
    %c0_i32_0 = arith.constant 0 : i32
    %c0_i32_1 = arith.constant 0 : i32
    return %c0_i32, %c0_i32_0 : i32, i32
  }
  func.func @transform_5(%arg0: i32) -> (i32, i32) {
    %c0_i32 = arith.constant 0 : i32
    %c0_i32_0 = arith.constant 0 : i32
    %c0_i32_1 = arith.constant 0 : i32
    return %c0_i32, %c0_i32_0 : i32, i32
  }
  func.func @transform_6(%arg0: i32) -> (i32, i32) {
    %c0_i32 = arith.constant 0 : i32
    %c0_i32_0 = arith.constant 0 : i32
    %c0_i32_1 = arith.constant 0 : i32
    return %c0_i32, %c0_i32_0 : i32, i32
  }
  func.func @transform_7(%arg0: i32) -> (i32, i32, i32) {
    %c0_i32 = arith.constant 0 : i32
    %c0_i32_0 = arith.constant 0 : i32
    %c0_i32_1 = arith.constant 0 : i32
    return %c0_i32, %arg0, %c0_i32_0 : i32, i32, i32
  }
}

module attributes {stable_mosaic.version = 14 : i64} {
  func.func @body(%arg0: i32, %arg1: memref<2x2560x64xf32, #tpu.memory_space<vmem>>, %arg2: memref<2x2560x64xf32, #tpu.memory_space<vmem>>, %arg3: memref<2560x1xf32, #tpu.memory_space<vmem>>, %arg4: memref<1x128xf32, #tpu.memory_space<vmem>>, %arg5: memref<2560x128xf32, #tpu.memory_space<vmem>>) attributes {dimension_semantics = [#tpu.dimension_semantics<arbitrary>], iteration_bounds = array<i64: 4>, scalar_prefetch = 0 : i64, scratch_operands = 0 : i64, tpu.core_type = #tpu.core_type<tc>, window_params = [{transform_indices = @transform_0, window_bounds = array<i64: 2, 2560, 64>}, {transform_indices = @transform_1, window_bounds = array<i64: 2, 2560, 64>}, {transform_indices = @transform_2, window_bounds = array<i64: 2560, 1>}, {pipeline_mode = #tpu.pipeline_mode<synchronous>, transform_indices = @transform_3, window_bounds = array<i64: 1, 128>}, {transform_indices = @transform_4, window_bounds = array<i64: 2560, 128>}]} {
    %get3A = arith.constant 0 : index
    %get3A_0 = arith.constant 0 : index
    %get3A_1 = arith.constant 0 : index
    %get3A_2 = vector.load %arg1[%get3A, %get3A_0, %get3A_1] : memref<2x2560x64xf32, #tpu.memory_space<vmem>>, vector<1x2560x64xf32>
    %get3A_3 = vector.shape_cast %get3A_2 : vector<1x2560x64xf32> to vector<2560x64xf32>
    %get3A_4 = arith.constant 0 : index
    %get3A_5 = arith.constant 0 : index
    %get3A_6 = arith.constant 0 : index
    %get3A_7 = vector.load %arg2[%get3A_4, %get3A_5, %get3A_6] : memref<2x2560x64xf32, #tpu.memory_space<vmem>>, vector<1x2560x64xf32>
    %get3A_8 = vector.shape_cast %get3A_7 : vector<1x2560x64xf32> to vector<2560x64xf32>
    %add3A = arith.addf %get3A_3, %get3A_8 : vector<2560x64xf32>
    %get3A_9 = arith.constant 1 : index
    %get3A_10 = arith.constant 0 : index
    %get3A_11 = arith.constant 0 : index
    %get3A_12 = vector.load %arg1[%get3A_9, %get3A_10, %get3A_11] : memref<2x2560x64xf32, #tpu.memory_space<vmem>>, vector<1x2560x64xf32>
    %get3A_13 = vector.shape_cast %get3A_12 : vector<1x2560x64xf32> to vector<2560x64xf32>
    %get3A_14 = arith.constant 1 : index
    %get3A_15 = arith.constant 0 : index
    %get3A_16 = arith.constant 0 : index
    %get3A_17 = vector.load %arg2[%get3A_14, %get3A_15, %get3A_16] : memref<2x2560x64xf32, #tpu.memory_space<vmem>>, vector<1x2560x64xf32>
    %get3A_18 = vector.shape_cast %get3A_17 : vector<1x2560x64xf32> to vector<2560x64xf32>
    %add3A_19 = arith.addf %get3A_13, %get3A_18 : vector<2560x64xf32>
    %concatenate3A = tpu.concatenate %add3A, %add3A_19 in 1 : vector<2560x64xf32>, vector<2560x64xf32> -> vector<2560x128xf32>
    %get3A_20 = arith.constant 0 : index
    %get3A_21 = arith.constant 0 : index
    %get3A_22 = vector.load %arg3[%get3A_20, %get3A_21] : memref<2560x1xf32, #tpu.memory_space<vmem>>, vector<2560x1xf32>
    %mul3A = vector.broadcast %get3A_22 : vector<2560x1xf32> to vector<2560x128xf32>
    %mul3A_23 = arith.mulf %concatenate3A, %mul3A : vector<2560x128xf32>
    %get3A_24 = arith.constant 0 : index
    %get3A_25 = arith.constant 0 : index
    %get3A_26 = vector.load %arg4[%get3A_24, %get3A_25] : memref<1x128xf32, #tpu.memory_space<vmem>>, vector<1x128xf32>
    %add3A_27 = vector.broadcast %get3A_26 : vector<1x128xf32> to vector<2560x128xf32>
    %add3A_28 = arith.addf %mul3A_23, %add3A_27 : vector<2560x128xf32>
    %reduce_max3A = arith.constant dense<0xFF800000> : vector<2560xf32>
    %reduce_max3A_29 = vector.multi_reduction <maximumf>, %add3A_28, %reduce_max3A [1] : vector<2560x128xf32> to vector<2560xf32>
    %broadcast_in_dim3A = vector.shape_cast %reduce_max3A_29 : vector<2560xf32> to vector<2560x1xf32>
    %sub3A = vector.broadcast %broadcast_in_dim3A : vector<2560x1xf32> to vector<2560x128xf32>
    %sub3A_30 = arith.subf %add3A_28, %sub3A : vector<2560x128xf32>
    %exp3A = math.exp %sub3A_30 : vector<2560x128xf32>
    %reduce_sum3A = arith.constant dense<0.000000e+00> : vector<2560xf32>
    %reduce_sum3A_31 = vector.multi_reduction <add>, %exp3A, %reduce_sum3A [1] : vector<2560x128xf32> to vector<2560xf32>
    %broadcast_in_dim3A_32 = vector.shape_cast %reduce_sum3A_31 : vector<2560xf32> to vector<2560x1xf32>
    %log3A = math.log %broadcast_in_dim3A_32 : vector<2560x1xf32>
    %sub3A_33 = vector.broadcast %log3A : vector<2560x1xf32> to vector<2560x128xf32>
    %sub3A_34 = arith.subf %sub3A_30, %sub3A_33 : vector<2560x128xf32>
    %swap3A = arith.constant 0 : index
    %swap3A_35 = arith.constant 0 : index
    %swap3A_36 = vector.load %arg5[%swap3A, %swap3A_35] : memref<2560x128xf32, #tpu.memory_space<vmem>>, vector<2560x128xf32>
    tpu.vector_store %arg5[%swap3A, %swap3A_35], %sub3A_34 {strides = array<i32>} : memref<2560x128xf32, #tpu.memory_space<vmem>>, vector<2560x128xf32>,
    return
  }
  func.func @transform_0(%arg0: i32) -> (i32, i32, i32) {
    %c0_i32 = arith.constant 0 : i32
    %c0_i32_0 = arith.constant 0 : i32
    %c0_i32_1 = arith.constant 0 : i32
    return %c0_i32, %arg0, %c0_i32_0 : i32, i32, i32
  }
  func.func @transform_1(%arg0: i32) -> (i32, i32, i32) {
    %c0_i32 = arith.constant 0 : i32
    %c0_i32_0 = arith.constant 0 : i32
    %c0_i32_1 = arith.constant 0 : i32
    return %c0_i32, %arg0, %c0_i32_0 : i32, i32, i32
  }
  func.func @transform_2(%arg0: i32) -> (i32, i32) {
    %c0_i32 = arith.constant 0 : i32
    %c0_i32_0 = arith.constant 0 : i32
    return %arg0, %c0_i32 : i32, i32
  }
  func.func @transform_3(%arg0: i32) -> (i32, i32) {
    %c0_i32 = arith.constant 0 : i32
    %c0_i32_0 = arith.constant 0 : i32
    %c0_i32_1 = arith.constant 0 : i32
    return %c0_i32, %c0_i32_0 : i32, i32
  }
  func.func @transform_4(%arg0: i32) -> (i32, i32) {
    %c0_i32 = arith.constant 0 : i32
    %c0_i32_0 = arith.constant 0 : i32
    return %arg0, %c0_i32 : i32, i32
  }
}

</mosaic_0001>

<sc_bundles>
// kernel: kernel.10.cloned.1.call-start
scs
__scs_entry_jumppad:
0x0: {  	(pc) =	sbr.rel $0x88, $3  }
0x1: {  	(tag) =	ssettag $0x0;
	lr =	simm.s32 $0x1  }
0x2: {  	[smem:$0x3F95] =	sst lr;
	_ =	strace $0xD0000000  }
0x3: {  	_ = 	snop  }
0x4: {  	_ = 	snop  }
0x5: {  	_ = 	snop  }
0x6: {  	_ = 	snop  }
0x7: {  	_ = 	snop  }
__scs_overlays_trampoline_lowered:
0x8: {  	[smem:$0x3FA4] =	sst s0  }
0x9: {  	[smem:$0x3FA5] =	sst s1  }
0xa: {  	[smem:$0x3FA6] =	sst s2  }
0xb: {  	[smem:$0x3FA7] =	sst s3  }
0xc: {  	[smem:$0x3FA8] =	sst s4  }
0xd: {  	[smem:$0x3FA9] =	sst s5  }
0xe: {  	[smem:$0x3FAA] =	sst s6  }
0xf: {  	[smem:$0x3FAB] =	sst s7  }
0x10: {  	[smem:$0x3FAC] =	sst s8  }
0x11: {  	[smem:$0x3FAD] =	sst s9;
	s0 =	simm.s32 @!p0 $0x0  }
0x12: {  	s1 =	sld [smem:$0x3F93];
	s0 =	simm.s32 @p0 $0x1  }
0x13: {  	[smem:$0x3FAE] =	sst s0;
	s0 =	simm.s32 @!p1 $0x0  }
0x14: {  	s2 =	sld [smem:$0x3F92];
	s0 =	simm.s32 @p1 $0x1  }
0x15: {  	[smem:$0x3FAF] =	sst s0;
	s0 =	simm.s32 @!p2 $0x0  }
0x16: {  	s3 =	sld [smem:$0x3FDB];
	s0 =	simm.s32 @p2 $0x1  }
0x17: {  	s4 =	simm.s32 $0x1BF5;
	[smem:$0x3FB1] =	sst s0  }
0x18: {  	s0 =	sld [smem:$0x3F94];
	_ =	swait.ge [sflag:s4], $0x0  }
0x19: {  	s7 =	sld [smem:$0x3F95]  }
0x1a: {  	s8 =	sadd.s32 $0xFFFFE003, lr  }
0x1b: {  	s9 =	sadd.s32 $0xFFFFFEF7, lr;
	s5 =	simm.s32 $0xFFFFFFFF;
	p2 =	slt.u32 s8, $0xFFFFF086  }
0x1c: {  	p1 =	slt.u32 s9, $0xF7A;
	s5 =	simm.s32 @!p2 $0x0  }
0x1d: {  	s5 =	simm.s32 @p1 $0x1;
	p0 =	seq.s32 s7, s2  }
0x1e: {  	s7 =	smul.u32 @!p0 $0xF7A, s2;
	p2 =	seq.s32 @!p0 s5, $0x0  }
0x1f: {  	s9 =	smul.u32 $0xF7A, s1;
	s8 =	simm.s32 @!p0 $0x1BF5;
	p2 =	por !p2, p0  }
0x20: {  	[sflag:s8] =	ssyncset.s32 @!p0 $0xFFFFF086;
	s6 =	sadd.s32 @!p0 s3, s7;
	s7 =	simm.s32 @!p0 $0x108  }
0x21: {  	s3 =	sadd.s32 s3, s9;
	s6 =	sadd.s32 @!p0 $0x88, s6;
	s7 =	simm.s32 @p2 $0x1082  }
0x22: {  	[simem:s7], [sflag:s8] =	dma.local @!p0 [hbm:s6], $0xF7A  }
0x23: {  	s9 =	sor.u32 $0xD0000000, s2;
	s6 =	simm.s32 $0x108;
	_ =	swait.ge @!p0 [sflag:s8], $0x0  }
0x24: {  	s3 =	sadd.s32 $0x88, s3;
	s6 =	simm.s32 @!p1 $0x1082;
	[sflag:s4] =	ssyncset.s32 $0xFFFFF086  }
0x25: {  	[simem:s6], [sflag:s4] =	dma.local [hbm:s3], $0xF7A  }
0x26: {  	[smem:$0x3F95] =	sst s1;
	(tag) =	ssettag s2;
	_ =	strace s9  }
0x27: {  	s1 =	sld [smem:$0x3FA5]  }
0x28: {  	s2 =	sld [smem:$0x3FA6]  }
0x29: {  	s4 =	sld [smem:$0x3FA8]  }
0x2a: {  	p0 =	seq.s32 s5, $0x0;
	s5 =	sld [smem:$0x3FA9]  }
0x2b: {  	s6 =	sld [smem:$0x3FAA]  }
0x2c: {  	s7 =	sld [smem:$0x3FAB]  }
0x2d: {  	s3 =	simm.s32 $0x108;
	s8 =	sld [smem:$0x3FAC]  }
0x2e: {  	s3 =	simm.s32 @!p0 $0x1082;
	s9 =	sld [smem:$0x3FAD]  }
0x2f: {  	lr =	sadd.s32 s0, s3;
	s0 =	sld [smem:$0x3FA4]  }
0x30: {  	s3 =	sld [smem:$0x3FA7]  }
0x31: {  	[smem:$0x3FB0] =	sst s10  }
0x32: {  	s10 =	sld [smem:$0x3FAE];
	_ =	sdelay $0x3  }
0x33: {  	p0 =	seq.s32 s10, $0x1;
	s10 =	sld [smem:$0x3FB0];
	_ =	sdelay $0x3  }
0x34: {  	[smem:$0x3FB0] =	sst s10  }
0x35: {  	s10 =	sld [smem:$0x3FAF];
	_ =	sdelay $0x3  }
0x36: {  	p1 =	seq.s32 s10, $0x1;
	s10 =	sld [smem:$0x3FB0];
	_ =	sdelay $0x3  }
0x37: {  	[smem:$0x3FB0] =	sst s10  }
0x38: {  	s10 =	sld [smem:$0x3FB1]  }
0x39: {  	_ = 	snop;
	(pc) =	sbr.ind lr, $3  }
0x3a: {  	_ = 	snop  }
0x3b: {  	_ = 	snop  }
0x3c: {  	p2 =	seq.s32 s10, $0x1;
	s10 =	sld [smem:$0x3FB0]  }
0x3d: {  	_ =	shalt  }
0x3e: {  	_ =	shalt  }
0x3f: {  	_ =	shalt  }
0x40: {  	_ =	shalt  }
0x41: {  	_ =	shalt  }
0x42: {  	_ =	shalt  }
0x43: {  	_ =	shalt  }
0x44: {  	_ =	shalt  }
0x45: {  	_ =	shalt  }
0x46: {  	_ =	shalt  }
0x47: {  	_ =	shalt  }
0x48: {  	_ =	shalt  }
0x49: {  	_ =	shalt  }
0x4a: {  	_ =	shalt  }
0x4b: {  	_ =	shalt  }
0x4c: {  	_ =	shalt  }
0x4d: {  	_ =	shalt  }
0x4e: {  	_ =	shalt  }
0x4f: {  	_ =	shalt  }
0x50: {  	_ =	shalt  }
0x51: {  	_ =	shalt  }
0x52: {  	_ =	shalt  }
0x53: {  	_ =	shalt  }
0x54: {  	_ =	shalt  }
0x55: {  	_ =	shalt  }
0x56: {  	_ =	shalt  }
0x57: {  	_ =	shalt  }
0x58: {  	_ =	shalt  }
0x59: {  	_ =	shalt  }
0x5a: {  	_ =	shalt  }
0x5b: {  	_ =	shalt  }
0x5c: {  	_ =	shalt  }
0x5d: {  	_ =	shalt  }
0x5e: {  	_ =	shalt  }
0x5f: {  	_ =	shalt  }
0x60: {  	_ =	shalt  }
0x61: {  	_ =	shalt  }
0x62: {  	_ =	shalt  }
0x63: {  	_ =	shalt  }
0x64: {  	_ =	shalt  }
0x65: {  	_ =	shalt  }
0x66: {  	_ =	shalt  }
0x67: {  	_ =	shalt  }
0x68: {  	_ =	shalt  }
0x69: {  	_ =	shalt  }
0x6a: {  	_ =	shalt  }
0x6b: {  	_ =	shalt  }
0x6c: {  	_ =	shalt  }
0x6d: {  	_ =	shalt  }
0x6e: {  	_ =	shalt  }
0x6f: {  	_ =	shalt  }
0x70: {  	_ =	shalt  }
0x71: {  	_ =	shalt  }
0x72: {  	_ =	shalt  }
0x73: {  	_ =	shalt  }
0x74: {  	_ =	shalt  }
0x75: {  	_ =	shalt  }
0x76: {  	_ =	shalt  }
0x77: {  	_ =	shalt  }
0x78: {  	_ =	shalt  }
0x79: {  	_ =	shalt  }
0x7a: {  	_ =	shalt  }
0x7b: {  	_ =	shalt  }
0x7c: {  	_ =	shalt  }
0x7d: {  	_ =	shalt  }
0x7e: {  	_ =	shalt  }
0x7f: {  	_ =	shalt  }
0x80: {  	_ =	shalt  }
0x81: {  	_ =	shalt  }
0x82: {  	_ =	shalt  }
0x83: {  	_ =	shalt  }
0x84: {  	_ =	shalt  }
0x85: {  	_ =	shalt  }
0x86: {  	_ =	shalt  }
0x87: {  	_ =	shalt  }
.Lfunc_end0:
.L_simem_size_0:
called_computation_lowered:
.L_overlay_start_0:
0x88: {  	s2 =	sld [smem:$0x3FD9]  }
0x89: {  	s3 =	sld [smem:$0x3FFE];
	_ =	sdelay $0x1  }
0x8a: {  	s1 =	srdreg.scid  }
0x8b: {  	s0 =	sand.u32 $0x1, s1  }
0x8c: {  	s17 =	sshll.u32 s0, $0xA;
	s2 =	sadd.s32 s3, s2  }
0x8d: {  	s2 =	sadd.s32 s2, s17  }
0x8e: {  	[smem:$0x3FBC] =	sst s2  }
0x8f: {  	_ = 	snop  }
0x90: {  	s2 =	sld [smem:$0x3FD0];
	(tm) =	ssettm $0x1  }
0x91: {  	s18 =	sld [smem:$0x3FFB];
	_ =	sdelay $0x3  }
0x92: {  	_ =	strace s18  }
0x93: {  	s3 =	sld [smem:$0x3FFC];
	_ =	sdelay $0x3  }
0x94: {  	_ =	strace s3  }
0x95: {  	s3 =	sld [smem:$0x3FFD];
	_ =	sdelay $0x3  }
0x96: {  	_ =	strace s3  }
0x97: {  	_ =	strace $0x8FFFFFFF  }
0x98: {  	s19 =	sld [smem:$0x3FDB];
	_ =	sdelay $0x1  }
0x99: {  	s4 =	simm.s32 $_scs_section_size  }
0x9a: {  	s5 =	simm.s32 $_size__tile_overlayer_lowered;
	s6 =	simm.s32 $_tile_overlayer_lowered  }
0x9b: {  	s22 =	simm.s32 $0x1BFF;
	s21 =	sshll.u32 s6, $0x1;
	s3 =	sadd.s32 s4, s19  }
0x9c: {  	s7 =	simm.s32 $0x0;
	s20 =	sshll.u32 s5, $0x1;
	s5 =	sadd.s32 s21, s3  }
0x9d: {  	[timem:s7], [sflag:s22] =	dma.local [hbm:s5], s20  }
0x9e: {  	_ =	swait.ge [sflag:s22], s20  }
0x9f: {  	s4 =	ssub.s32 $0x0, s20;
	[sflag:s22] =	ssyncset.done $0x0  }
0xa0: {  	[sflag:s22] =	ssyncadd.s32 s4;
	_ =	sdelay $0x1  }
0xa1: {  	s23 =	simm.s32 $0x1B8B  }
0xa2: {  	_ =	swait.ge [sflag:s23], $0x1  }
0xa3: {  	[sflag:s23] =	ssyncset.done $0x0  }
0xa4: {  	s25 =	simm.s32 $0x1B8E;
	s24 =	sld [smem:$0x3FFE];
	[sflag:s23] =	ssyncadd.s32 $0xFFFFFFFF  }
0xa5: {  	s26 =	simm.s32 $execute0_lowered;
	[smem:$0x3FD2] =	sst s25  }
0xa6: {  	s5 =	sshll.u32 s26, $0x1;
	_ =	strace $0x80000046;
	[dreg:$0x1] =	wrdreg $0xFFFFFFFF  }
0xa7: {  	s28 =	simm.s32 $_size_execute0_lowered;
	s3 =	sadd.s32 s3, s5;
	[dreg:$0x0] =	wrdreg $0x0  }
0xa8: {  	s5 =	sshll.u32 s28, $0x1;
	[dreg:$0x2] =	wrdreg s3  }
0xa9: {  	[dreg:$0x3] =	wrdreg s5  }
0xaa: {  	[dreg:$0x4] =	wrdreg $0xC0  }
0xab: {  	_ =	task [dreg:s7], $0x5FFFF  }
0xac: {  	[dreg:$0x1] =	wrdreg $0xFFFFFFFF  }
0xad: {  	[dreg:$0x0] =	wrdreg $0x60  }
0xae: {  	[dreg:$0x2] =	wrdreg s2  }
0xaf: {  	[dreg:$0x3] =	wrdreg s24  }
0xb0: {  	[dreg:$0x4] =	wrdreg $0x0  }
0xb1: {  	[dreg:$0x5] =	wrdreg $0x9  }
0xb2: {  	_ =	task.clear_ibuf [dreg:s7], $0x6FFFF;
	_ =	strace $0x90000046  }
0xb3: {  	s29 =	simm.s32 $0x9;
	_ =	strace $0x80000048  }
0xb4: {  	_ =	swait.ge [sflag:s29], $0x1  }
0xb5: {  	[sflag:s29] =	ssyncadd.s32 $0xFFFFFFFF  }
0xb6: {  	_ =	strace $0x90000048  }
0xb7: {  	_ =	sfence  }
0xb8: {  	s30 =	sld [smem:$0x0];
	_ =	sdelay $0x2  }
0xb9: {  	s31 =	sshll.u32 s1, $0xD;
	s1 =	sshrl.u32 s1, $0x2  }
0xba: {  	s3 =	sand.u32 $0x4000, s31;
	s1 =	sadd.s32 s1, s30  }
0xbb: {  	s0 =	sor.u32 s3, s0;
	s1 =	sshll.u32 s1, $0x11  }
0xbc: {  	s0 =	sor.u32 s1, s0  }
0xbd: {  	s0 =	sadd.s32 $0x8F2B, s0  }
0xbe: {  	[sflag:s0] =	ssyncadd.remote.s32 $0x1  }
0xbf: {  	_ =	sfence.sel $0xFFFF  }
0xc0: {  	[dreg:$0x0] =	wrdreg $0xFFFFFFFF;
	(pc) =	sbr.abs _section_cstart, $3  }
0xc1: {  	[dreg:$0x1] =	wrdreg $0xFFFFFFFF  }
0xc2: {  	_ =	task.clear_ibuf [dreg:s7], $0x2FFFF;
	_ =	strace $0x9FFFFFFF  }
0xc3: {  	(tm) =	ssettm $0x7FFFFFFF  }
tec
execute0_lowered:
.L_overlay_start_1:
0x0: {  	(tag) =	ssettag $0x1  }
0x1: {  	s5 =	rddreg [dreg:$0x0]  }
0x2: {  	s1 =	srdreg.scid;
	s4 =	rddreg [dreg:$0x1]  }
0x3: {  	s0 =	stileid.u32;
	s2 =	rddreg [dreg:$0x2]  }
0x4: {  	s3 =	simm.s32 $0x0;
	s11 =	simm.s32 $0x80;
	s7 =	smul.u32 $0x280, s0  }
0x5: {  	s12 =	simm.s32 $0x2A80;
	s6 =	sand.u32 $0x1, s1;
	s10 =	smul.u32 $0x2800, s0  }
0x6: {  	s13 =	simm.s32 $0x0;
	s1 =	rddreg [dreg:$0x3];
	s8 =	smul.u32 $0x2800, s6  }
0x7: {  	[smem:$0x7FF] =	sst s3;
	s9 =	smul.u32 $0x28000, s6;
	s6 =	ssub.s32 $0x2, s6  }
0x8: {  	_ =	strace $0x80000047;
	s29 =	sshrl.u32 s6, $0x1;
	s8 =	sadd.s32 s7, s8  }
0x9: {  	s9 =	sadd.s32 s10, s9;
	s30 =	ssub.s32 s6, s29;
	s10 =	simm.s32 $0x280  }
0xa: {  	s8 =	sshrl.u32 s8, $0x3;
	s31 =	sshrl.u32 s9, $0x3;
	s9 =	simm.s32 $0x1  }
0xb: {  	s8 =	sadd.s32 s8, s4;
	s4 =	sadd.s32 s7, s2;
	s5 =	sadd.s32 s5, s31  }
0xc: {  	v0 =	vimm.f32 $0.0e+00;
	v1 =	vimm.f32 $1.000000000e+00;
	s7 =	smax.u32 s30, $0x1;
	s6 =	sadd.s32 $0x3600, s8;
	s8 =	simm.s32 $0x2B00  }
.LBB2_1:
0xd: {  	[tilespmem:$0x2B00] =	vst v0  }
0xe: {  	[tilespmem:$0x2B10] =	vst v0  }
0xf: {  	[tilespmem:$0x2B20] =	vst v0  }
0x10: {  	[tilespmem:$0x2B30] =	vst v0  }
0x11: {  	[tilespmem:$0x2B40] =	vst v0  }
0x12: {  	[tilespmem:$0x2B50] =	vst v0  }
0x13: {  	[tilespmem:$0x2B60] =	vst v0  }
0x14: {  	[tilespmem:$0x2B70] =	vst v0  }
0x15: {  	[tilespmem:$0x2B80] =	vst v0  }
0x16: {  	[tilespmem:$0x2B90] =	vst v0  }
0x17: {  	[tilespmem:$0x2BA0] =	vst v0  }
0x18: {  	[tilespmem:$0x2BB0] =	vst v0  }
0x19: {  	[tilespmem:$0x2BC0] =	vst v0  }
0x1a: {  	[tilespmem:$0x2BD0] =	vst v0  }
0x1b: {  	[tilespmem:$0x2BE0] =	vst v0  }
0x1c: {  	[tilespmem:$0x2BF0] =	vst v0  }
0x1d: {  	[tilespmem:$0x2C00] =	vst v0  }
0x1e: {  	[tilespmem:$0x2C10] =	vst v0  }
0x1f: {  	[tilespmem:$0x2C20] =	vst v0  }
0x20: {  	[tilespmem:$0x2C30] =	vst v0  }
0x21: {  	[tilespmem:$0x2C40] =	vst v0  }
0x22: {  	[tilespmem:$0x2C50] =	vst v0  }
0x23: {  	[tilespmem:$0x2C60] =	vst v0  }
0x24: {  	[tilespmem:$0x2C70] =	vst v0  }
0x25: {  	[tilespmem:$0x2C80] =	vst v0  }
0x26: {  	[tilespmem:$0x2C90] =	vst v0  }
0x27: {  	[tilespmem:$0x2CA0] =	vst v0  }
0x28: {  	[tilespmem:$0x2CB0] =	vst v0  }
0x29: {  	[tilespmem:$0x2CC0] =	vst v0  }
0x2a: {  	[tilespmem:$0x2CD0] =	vst v0  }
0x2b: {  	[tilespmem:$0x2CE0] =	vst v0  }
0x2c: {  	[tilespmem:$0x2CF0] =	vst v0  }
0x2d: {  	[tilespmem:$0x2D00] =	vst v0  }
0x2e: {  	[tilespmem:$0x2D10] =	vst v0  }
0x2f: {  	[tilespmem:$0x2D20] =	vst v0  }
0x30: {  	[tilespmem:$0x2D30] =	vst v0  }
0x31: {  	[tilespmem:$0x2D40] =	vst v0  }
0x32: {  	[tilespmem:$0x2D50] =	vst v0  }
0x33: {  	[tilespmem:$0x2D60] =	vst v0  }
0x34: {  	[tilespmem:$0x2D70] =	vst v0  }
0x35: {  	[spmem:s4] =	stream.linear.scatter [tilespmem:s8], [sflag:$0x1], $0x280, $0x38;
	[tilespmem:$0x2D80] =	vst v63  }
0x36: {  	_ =	swait.ge [sflag:s9], $0x280  }
0x37: {  	[sflag:s9] =	ssyncset.done $0x0  }
0x38: {  	[sflag:s9] =	ssyncadd.s32 $0xFFFFFD80  }
0x39: {  	[tilespmem:s10], [sflag:$0x1] =	stream.linear.gather [hbm4b:s5+s3], $0x2780, $0x38;
	[tilespmem:$0x2D80] =	vst v63  }
0x3a: {  	_ =	swait.ge [sflag:s9], $0x2780  }
0x3b: {  	[sflag:s9] =	ssyncset.done $0x0  }
0x3c: {  	[sflag:s9] =	ssyncadd.s32 $0xFFFFD880  }
0x3d: {  	[tilespmem:$0x2A80] =	vst v1  }
0x3e: {  	[tilespmem:$0x2A90] =	vst v1  }
0x3f: {  	[tilespmem:$0x2AA0] =	vst v1  }
0x40: {  	[tilespmem:$0x2AB0] =	vst v1  }
0x41: {  	[tilespmem:$0x2AC0] =	vst v1  }
0x42: {  	[tilespmem:$0x2AD0] =	vst v1  }
0x43: {  	[tilespmem:$0x2AE0] =	vst v1  }
0x44: {  	[tilespmem:$0x2AF0] =	vst v1  }
0x45: {  	s14 =	simm.s32 $0x280;
	[bflag:$0x0] =	sbarrier.arrive $0xFFFF  }
0x46: {  	[spmem:s2] =	stream.indirect.scatter.add.f32 [tilespmem:s12], [sflag:$0x1], $0x1, s14, s11, $0xb8;
	[tilespmem:$0x2D80] =	vst v63  }
0x47: {  	s14 =	simm.s32 $0x200;
	_ =	swait.ge [sflag:s9], $0x80  }
.LBB2_2:
0x48: {  	s15 =	sshra.s32 s14, $0x2;
	[sflag:s9] =	ssyncset.done $0x0;
	p0 =	sne.s32 s14, $0x9C00  }
.Ltmp0:
0x49: {  	s15 =	sadd.s32 $0x280, s15;
	[sflag:s9] =	ssyncadd.s32 $0xFFFFFF80;
	(pc) =	sbr.rel @p0 .LBB2_2-.Ltmp0, $3  }
0x4a: {  	[spmem:s2] =	stream.indirect.scatter.add.f32 [tilespmem:s12], [sflag:$0x1], $0x1, s15, s11, $0xb8;
	[tilespmem:$0x2D80] =	vst v63  }
0x4b: {  	s14 =	sadd.s32 $0x200, s14;
	_ =	sdelay $0x1  }
0x4c: {  	_ =	swait.ge [sflag:s9], $0x80  }
0x4d: {  	[sflag:s9] =	ssyncset.done $0x0  }
0x4e: {  	[sflag:s9] =	ssyncadd.s32 $0xFFFFFF80  }
0x4f: {  	[bflag:$0x0] =	sbarrier.arrive $0xFFFF  }
0x50: {  	[tilespmem:s8], [sflag:$0x1] =	stream.linear.gather [spmem:s4], $0x280, $0x38;
	[tilespmem:$0x2D80] =	vst v63  }
0x51: {  	s13 =	sadd.s32 $0x1, s13;
	_ =	swait.ge [sflag:s9], $0x280  }
0x52: {  	p0 =	sne.s32 s13, s7;
	[sflag:s9] =	ssyncset.done $0x0  }
.Ltmp1:
0x53: {  	[sflag:s9] =	ssyncadd.s32 $0xFFFFFD80;
	(pc) =	sbr.rel @p0 .LBB2_1-.Ltmp1, $4  }
0x54: {  	[hbm4b:s6+s3] =	stream.linear.scatter [tilespmem:s8], [sflag:$0x1], $0x280, $0x38;
	[tilespmem:$0x2D80] =	vst v63  }
0x55: {  	_ =	swait.ge [sflag:s9], $0x280  }
0x56: {  	[sflag:s9] =	ssyncset.done $0x0  }
0x57: {  	[sflag:s9] =	ssyncadd.s32 $0xFFFFFD80  }
0x58: {  	_ =	sfence.sel $0x180000  }
0x59: {  	[bflag:$0x0] =	sbarrier.arrive $0xFFFF  }
0x5a: {  	p0 =	sne.s32 s0, $0x0;
	_ =	strace $0x90000047  }
0x5b: {  	s0 =	sadd.s32 @!p0 $0x100000, s1;
	[bflag:$0x2] =	sbarrier.arrive $0xFFFF  }
0x5c: {  	[sflag:s0] =	ssyncadd.tile.s32 @!p0 $0x1;
	_ =	shalt  }
.Lfunc_end2:
_tile_overlayer_lowered:
.L_overlay_start_2:
0x5d: {  	(tag) =	ssettag $0x2  }
0x5e: {  	s0 =	rddreg [dreg:$0x0];
	s2 =	stileid.u32  }
0x5f: {  	s1 =	rddreg [dreg:$0x1];
	p0 =	sne.s32 s2, $0x0  }
0x60: {  	s3 =	rddreg [dreg:$0x2];
	[bflag:$0x3] =	sbarrier.arrive $0xFFFF;
	s2 =	simm.s32 @!p0 $0x1C01  }
0x61: {  	[timem:s3], [sflag:s2] =	dma.local @!p0 [hbm:s0], s1  }
0x62: {  	s0 =	simm.s32 @!p0 $0x1  }
0x63: {  	_ =	swait.ge @!p0 [sflag:s0], s1  }
0x64: {  	s1 =	ssub.s32 @!p0 $0x0, s1;
	[sflag:s0] =	ssyncset.done @!p0 $0x0  }
0x65: {  	[sflag:s0] =	ssyncadd.s32 @!p0 s1  }
0x66: {  	[bflag:$0x3] =	sbarrier.arrive $0xFFFF  }
0x67: {  	_ =	shalt  }

// kernel: kernel.13.cloned.1.call-start
scs
__scs_entry_jumppad:
0x0: {  	(pc) =	sbr.rel $0x88, $3  }
0x1: {  	(tag) =	ssettag $0x0;
	lr =	simm.s32 $0x1  }
0x2: {  	[smem:$0x3F95] =	sst lr;
	_ =	strace $0xD0000000  }
0x3: {  	_ = 	snop  }
0x4: {  	_ = 	snop  }
0x5: {  	_ = 	snop  }
0x6: {  	_ = 	snop  }
0x7: {  	_ = 	snop  }
__scs_overlays_trampoline_lowered:
0x8: {  	[smem:$0x3FA4] =	sst s0  }
0x9: {  	[smem:$0x3FA5] =	sst s1  }
0xa: {  	[smem:$0x3FA6] =	sst s2  }
0xb: {  	[smem:$0x3FA7] =	sst s3  }
0xc: {  	[smem:$0x3FA8] =	sst s4  }
0xd: {  	[smem:$0x3FA9] =	sst s5  }
0xe: {  	[smem:$0x3FAA] =	sst s6  }
0xf: {  	[smem:$0x3FAB] =	sst s7  }
0x10: {  	[smem:$0x3FAC] =	sst s8  }
0x11: {  	[smem:$0x3FAD] =	sst s9;
	s0 =	simm.s32 @!p0 $0x0  }
0x12: {  	s1 =	sld [smem:$0x3F93];
	s0 =	simm.s32 @p0 $0x1  }
0x13: {  	[smem:$0x3FAE] =	sst s0;
	s0 =	simm.s32 @!p1 $0x0  }
0x14: {  	s2 =	sld [smem:$0x3F92];
	s0 =	simm.s32 @p1 $0x1  }
0x15: {  	[smem:$0x3FAF] =	sst s0;
	s0 =	simm.s32 @!p2 $0x0  }
0x16: {  	s3 =	sld [smem:$0x3FDB];
	s0 =	simm.s32 @p2 $0x1  }
0x17: {  	s4 =	simm.s32 $0x1BF5;
	[smem:$0x3FB1] =	sst s0  }
0x18: {  	s0 =	sld [smem:$0x3F94];
	_ =	swait.ge [sflag:s4], $0x0  }
0x19: {  	s7 =	sld [smem:$0x3F95]  }
0x1a: {  	s8 =	sadd.s32 $0xFFFFE003, lr  }
0x1b: {  	s9 =	sadd.s32 $0xFFFFFEF7, lr;
	s5 =	simm.s32 $0xFFFFFFFF;
	p2 =	slt.u32 s8, $0xFFFFF086  }
0x1c: {  	p1 =	slt.u32 s9, $0xF7A;
	s5 =	simm.s32 @!p2 $0x0  }
0x1d: {  	s5 =	simm.s32 @p1 $0x1;
	p0 =	seq.s32 s7, s2  }
0x1e: {  	s7 =	smul.u32 @!p0 $0xF7A, s2;
	p2 =	seq.s32 @!p0 s5, $0x0  }
0x1f: {  	s9 =	smul.u32 $0xF7A, s1;
	s8 =	simm.s32 @!p0 $0x1BF5;
	p2 =	por !p2, p0  }
0x20: {  	[sflag:s8] =	ssyncset.s32 @!p0 $0xFFFFF086;
	s6 =	sadd.s32 @!p0 s3, s7;
	s7 =	simm.s32 @!p0 $0x108  }
0x21: {  	s3 =	sadd.s32 s3, s9;
	s6 =	sadd.s32 @!p0 $0x88, s6;
	s7 =	simm.s32 @p2 $0x1082  }
0x22: {  	[simem:s7], [sflag:s8] =	dma.local @!p0 [hbm:s6], $0xF7A  }
0x23: {  	s9 =	sor.u32 $0xD0000000, s2;
	s6 =	simm.s32 $0x108;
	_ =	swait.ge @!p0 [sflag:s8], $0x0  }
0x24: {  	s3 =	sadd.s32 $0x88, s3;
	s6 =	simm.s32 @!p1 $0x1082;
	[sflag:s4] =	ssyncset.s32 $0xFFFFF086  }
0x25: {  	[simem:s6], [sflag:s4] =	dma.local [hbm:s3], $0xF7A  }
0x26: {  	[smem:$0x3F95] =	sst s1;
	(tag) =	ssettag s2;
	_ =	strace s9  }
0x27: {  	s1 =	sld [smem:$0x3FA5]  }
0x28: {  	s2 =	sld [smem:$0x3FA6]  }
0x29: {  	s4 =	sld [smem:$0x3FA8]  }
0x2a: {  	p0 =	seq.s32 s5, $0x0;
	s5 =	sld [smem:$0x3FA9]  }
0x2b: {  	s6 =	sld [smem:$0x3FAA]  }
0x2c: {  	s7 =	sld [smem:$0x3FAB]  }
0x2d: {  	s3 =	simm.s32 $0x108;
	s8 =	sld [smem:$0x3FAC]  }
0x2e: {  	s3 =	simm.s32 @!p0 $0x1082;
	s9 =	sld [smem:$0x3FAD]  }
0x2f: {  	lr =	sadd.s32 s0, s3;
	s0 =	sld [smem:$0x3FA4]  }
0x30: {  	s3 =	sld [smem:$0x3FA7]  }
0x31: {  	[smem:$0x3FB0] =	sst s10  }
0x32: {  	s10 =	sld [smem:$0x3FAE];
	_ =	sdelay $0x3  }
0x33: {  	p0 =	seq.s32 s10, $0x1;
	s10 =	sld [smem:$0x3FB0];
	_ =	sdelay $0x3  }
0x34: {  	[smem:$0x3FB0] =	sst s10  }
0x35: {  	s10 =	sld [smem:$0x3FAF];
	_ =	sdelay $0x3  }
0x36: {  	p1 =	seq.s32 s10, $0x1;
	s10 =	sld [smem:$0x3FB0];
	_ =	sdelay $0x3  }
0x37: {  	[smem:$0x3FB0] =	sst s10  }
0x38: {  	s10 =	sld [smem:$0x3FB1]  }
0x39: {  	_ = 	snop;
	(pc) =	sbr.ind lr, $3  }
0x3a: {  	_ = 	snop  }
0x3b: {  	_ = 	snop  }
0x3c: {  	p2 =	seq.s32 s10, $0x1;
	s10 =	sld [smem:$0x3FB0]  }
0x3d: {  	_ =	shalt  }
0x3e: {  	_ =	shalt  }
0x3f: {  	_ =	shalt  }
0x40: {  	_ =	shalt  }
0x41: {  	_ =	shalt  }
0x42: {  	_ =	shalt  }
0x43: {  	_ =	shalt  }
0x44: {  	_ =	shalt  }
0x45: {  	_ =	shalt  }
0x46: {  	_ =	shalt  }
0x47: {  	_ =	shalt  }
0x48: {  	_ =	shalt  }
0x49: {  	_ =	shalt  }
0x4a: {  	_ =	shalt  }
0x4b: {  	_ =	shalt  }
0x4c: {  	_ =	shalt  }
0x4d: {  	_ =	shalt  }
0x4e: {  	_ =	shalt  }
0x4f: {  	_ =	shalt  }
0x50: {  	_ =	shalt  }
0x51: {  	_ =	shalt  }
0x52: {  	_ =	shalt  }
0x53: {  	_ =	shalt  }
0x54: {  	_ =	shalt  }
0x55: {  	_ =	shalt  }
0x56: {  	_ =	shalt  }
0x57: {  	_ =	shalt  }
0x58: {  	_ =	shalt  }
0x59: {  	_ =	shalt  }
0x5a: {  	_ =	shalt  }
0x5b: {  	_ =	shalt  }
0x5c: {  	_ =	shalt  }
0x5d: {  	_ =	shalt  }
0x5e: {  	_ =	shalt  }
0x5f: {  	_ =	shalt  }
0x60: {  	_ =	shalt  }
0x61: {  	_ =	shalt  }
0x62: {  	_ =	shalt  }
0x63: {  	_ =	shalt  }
0x64: {  	_ =	shalt  }
0x65: {  	_ =	shalt  }
0x66: {  	_ =	shalt  }
0x67: {  	_ =	shalt  }
0x68: {  	_ =	shalt  }
0x69: {  	_ =	shalt  }
0x6a: {  	_ =	shalt  }
0x6b: {  	_ =	shalt  }
0x6c: {  	_ =	shalt  }
0x6d: {  	_ =	shalt  }
0x6e: {  	_ =	shalt  }
0x6f: {  	_ =	shalt  }
0x70: {  	_ =	shalt  }
0x71: {  	_ =	shalt  }
0x72: {  	_ =	shalt  }
0x73: {  	_ =	shalt  }
0x74: {  	_ =	shalt  }
0x75: {  	_ =	shalt  }
0x76: {  	_ =	shalt  }
0x77: {  	_ =	shalt  }
0x78: {  	_ =	shalt  }
0x79: {  	_ =	shalt  }
0x7a: {  	_ =	shalt  }
0x7b: {  	_ =	shalt  }
0x7c: {  	_ =	shalt  }
0x7d: {  	_ =	shalt  }
0x7e: {  	_ =	shalt  }
0x7f: {  	_ =	shalt  }
0x80: {  	_ =	shalt  }
0x81: {  	_ =	shalt  }
0x82: {  	_ =	shalt  }
0x83: {  	_ =	shalt  }
0x84: {  	_ =	shalt  }
0x85: {  	_ =	shalt  }
0x86: {  	_ =	shalt  }
0x87: {  	_ =	shalt  }
.Lfunc_end0:
.L_simem_size_0:
called_computation.1_lowered:
.L_overlay_start_0:
0x88: {  	s2 =	sld [smem:$0x3FD9]  }
0x89: {  	s3 =	sld [smem:$0x3FFE];
	_ =	sdelay $0x1  }
0x8a: {  	s1 =	srdreg.scid  }
0x8b: {  	s0 =	sand.u32 $0x1, s1  }
0x8c: {  	s17 =	sshll.u32 s0, $0xA;
	s2 =	sadd.s32 s3, s2  }
0x8d: {  	s2 =	sadd.s32 s2, s17  }
0x8e: {  	[smem:$0x3FBC] =	sst s2  }
0x8f: {  	_ = 	snop  }
0x90: {  	s2 =	sld [smem:$0x3FD0];
	(tm) =	ssettm $0x1  }
0x91: {  	s18 =	sld [smem:$0x3FFB];
	_ =	sdelay $0x3  }
0x92: {  	_ =	strace s18  }
0x93: {  	s3 =	sld [smem:$0x3FFC];
	_ =	sdelay $0x3  }
0x94: {  	_ =	strace s3  }
0x95: {  	s3 =	sld [smem:$0x3FFD];
	_ =	sdelay $0x3  }
0x96: {  	_ =	strace s3  }
0x97: {  	_ =	strace $0x8FFFFFFF  }
0x98: {  	s19 =	sld [smem:$0x3FDB];
	_ =	sdelay $0x1  }
0x99: {  	s4 =	simm.s32 $_scs_section_size  }
0x9a: {  	s5 =	simm.s32 $_size__tile_overlayer_lowered;
	s6 =	simm.s32 $_tile_overlayer_lowered  }
0x9b: {  	s22 =	simm.s32 $0x1BFF;
	s21 =	sshll.u32 s6, $0x1;
	s3 =	sadd.s32 s4, s19  }
0x9c: {  	s7 =	simm.s32 $0x0;
	s20 =	sshll.u32 s5, $0x1;
	s5 =	sadd.s32 s21, s3  }
0x9d: {  	[timem:s7], [sflag:s22] =	dma.local [hbm:s5], s20  }
0x9e: {  	_ =	swait.ge [sflag:s22], s20  }
0x9f: {  	s4 =	ssub.s32 $0x0, s20;
	[sflag:s22] =	ssyncset.done $0x0  }
0xa0: {  	[sflag:s22] =	ssyncadd.s32 s4;
	_ =	sdelay $0x1  }
0xa1: {  	s23 =	simm.s32 $0x1B8B  }
0xa2: {  	_ =	swait.ge [sflag:s23], $0x1  }
0xa3: {  	[sflag:s23] =	ssyncset.done $0x0  }
0xa4: {  	s25 =	simm.s32 $0x1B8E;
	s24 =	sld [smem:$0x3FFE];
	[sflag:s23] =	ssyncadd.s32 $0xFFFFFFFF  }
0xa5: {  	s26 =	simm.s32 $execute0_lowered;
	[smem:$0x3FD2] =	sst s25  }
0xa6: {  	s5 =	sshll.u32 s26, $0x1;
	_ =	strace $0x80000049;
	[dreg:$0x1] =	wrdreg $0xFFFFFFFF  }
0xa7: {  	s28 =	simm.s32 $_size_execute0_lowered;
	s3 =	sadd.s32 s3, s5;
	[dreg:$0x0] =	wrdreg $0x0  }
0xa8: {  	s5 =	sshll.u32 s28, $0x1;
	[dreg:$0x2] =	wrdreg s3  }
0xa9: {  	[dreg:$0x3] =	wrdreg s5  }
0xaa: {  	[dreg:$0x4] =	wrdreg $0xC0  }
0xab: {  	_ =	task [dreg:s7], $0x5FFFF  }
0xac: {  	[dreg:$0x1] =	wrdreg $0xFFFFFFFF  }
0xad: {  	[dreg:$0x0] =	wrdreg $0x60  }
0xae: {  	[dreg:$0x2] =	wrdreg s24  }
0xaf: {  	[dreg:$0x3] =	wrdreg s2  }
0xb0: {  	[dreg:$0x4] =	wrdreg $0x0  }
0xb1: {  	[dreg:$0x5] =	wrdreg $0xA0000  }
0xb2: {  	[dreg:$0x6] =	wrdreg $0x9  }
0xb3: {  	_ =	task.clear_ibuf [dreg:s7], $0x7FFFF;
	_ =	strace $0x90000049  }
0xb4: {  	s29 =	simm.s32 $0x9;
	_ =	strace $0x8000004B  }
0xb5: {  	_ =	swait.ge [sflag:s29], $0x1  }
0xb6: {  	[sflag:s29] =	ssyncadd.s32 $0xFFFFFFFF  }
0xb7: {  	_ =	strace $0x9000004B  }
0xb8: {  	_ =	sfence  }
0xb9: {  	s30 =	sld [smem:$0x0];
	_ =	sdelay $0x2  }
0xba: {  	s31 =	sshll.u32 s1, $0xD;
	s1 =	sshrl.u32 s1, $0x2  }
0xbb: {  	s3 =	sand.u32 $0x4000, s31;
	s1 =	sadd.s32 s1, s30  }
0xbc: {  	s0 =	sor.u32 s3, s0;
	s1 =	sshll.u32 s1, $0x11  }
0xbd: {  	s0 =	sor.u32 s1, s0  }
0xbe: {  	s0 =	sadd.s32 $0x8F2B, s0  }
0xbf: {  	[sflag:s0] =	ssyncadd.remote.s32 $0x1  }
0xc0: {  	_ =	sfence.sel $0xFFFF  }
0xc1: {  	[dreg:$0x0] =	wrdreg $0xFFFFFFFF;
	(pc) =	sbr.abs _section_cstart, $3  }
0xc2: {  	[dreg:$0x1] =	wrdreg $0xFFFFFFFF  }
0xc3: {  	_ =	task.clear_ibuf [dreg:s7], $0x2FFFF;
	_ =	strace $0x9FFFFFFF  }
0xc4: {  	(tm) =	ssettm $0x7FFFFFFF  }
0xc5: {  	_ =	shalt  }
tec
execute0_lowered:
.L_overlay_start_1:
0x0: {  	(tag) =	ssettag $0x1  }
0x1: {  	s0 =	rddreg [dreg:$0x0]  }
0x2: {  	s1 =	rddreg [dreg:$0x1]  }
0x3: {  	s12 =	rddreg [dreg:$0x2]  }
0x4: {  	s3 =	rddreg [dreg:$0x3]  }
0x5: {  	s2 =	srdreg.scid;
	s14 =	stileid.u32;
	s4 =	simm.s32 $0x0  }
0x6: {  	s29 =	simm.s32 $0x2;
	s28 =	simm.s32 $0x14600;
	s30 =	simm.s32 $0x14C80  }
0x7: {  	s31 =	simm.s32 $0x14680;
	s2 =	sand.u32 $0x1, s2;
	s5 =	smul.u32 $0xA000, s14  }
0x8: {  	[smem:$0x7FF] =	sst s4;
	s7 =	sadd.s32 $0x90000, s0;
	s13 =	smul.u32 $0x5000, s14  }
0x9: {  	s9 =	sadd.s32 $0x4000, s0;
	s11 =	sadd.s32 $0xE000, s0;
	s20 =	smul.u32 $0xA00, s14  }
0xa: {  	s16 =	sshll.u32 s14, $0x6;
	s14 =	simm.s32 $0x5;
	s6 =	smul.u32 $0xA0000, s2  }
0xb: {  	_ =	strace $0x8000004A;
	s2 =	ssub.s32 $0x2, s2;
	s17 =	sor.u32 $0x1C05, s16  }
0xc: {  	s16 =	simm.s32 $0x14000;
	s10 =	sshrl.u32 s2, $0x1;
	s15 =	sadd.s32 s5, s12  }
0xd: {  	[dreg:$0x8] =	wrdreg s17;
	s18 =	sadd.s32 s5, s3;
	s19 =	sshrl.u32 s13, $0x3  }
0xe: {  	s24 =	sadd.s32 s20, s11;
	s25 =	sadd.s32 s20, s9;
	s17 =	simm.s32 $0x14800  }
0xf: {  	s12 =	simm.s32 $0x14E80;
	s13 =	simm.s32 $0x14F00;
	s20 =	simm.s32 $0x0  }
0x10: {  	s8 =	sadd.s32 s5, s6;
	s2 =	ssub.s32 s2, s10;
	s5 =	sshrl.u32 s5, $0x3  }
0x11: {  	s21 =	sshrl.u32 s6, $0x3;
	s22 =	sadd.s32 $0x900, s19;
	[dreg:$0x5] =	wrdreg s24  }
0x12: {  	[dreg:$0x6] =	wrdreg s25;
	s19 =	simm.s32 $0x15000;
	s25 =	simm.s32 $0x1B000  }
0x13: {  	s24 =	simm.s32 $0x14C00;
	s10 =	simm.s32 $0x14780;
	s8 =	sshrl.u32 s8, $0x3  }
0x14: {  	s1 =	sadd.s32 s1, s5;
	s23 =	sadd.s32 s9, s22;
	s5 =	sadd.s32 s11, s22  }
0x15: {  	s26 =	smax.u32 s2, $0x1;
	s2 =	sshrl.u32 s18, $0x3;
	[dreg:$0x9] =	wrdreg s1  }
0x16: {  	s18 =	simm.s32 $0x80;
	s22 =	simm.s32 $0x14580;
	[dreg:$0xa] =	wrdreg s23  }
0x17: {  	s9 =	simm.s32 $0x14D80;
	s11 =	simm.s32 $0x14E00;
	[dreg:$0xb] =	wrdreg s5  }
0x18: {  	s0 =	sadd.s32 s8, s0;
	s8 =	sadd.s32 s7, s8;
	[dreg:$0xd] =	wrdreg s26  }
0x19: {  	s1 =	sshrl.u32 s15, $0x3;
	s23 =	simm.s32 $0x19000;
	s26 =	simm.s32 $0x1  }
0x1a: {  	s5 =	simm.s32 $0x14700;
	s15 =	simm.s32 $0x14F80;
	[dreg:$0xf] =	wrdreg s2  }
0x1b: {  	[dreg:$0x7] =	wrdreg s8;
	s8 =	sadd.s32 s7, s21;
	s0 =	sadd.s32 $0xB8000, s0  }
0x1c: {  	[dreg:$0xe] =	wrdreg s1;
	s21 =	simm.s32 $0x17000;
	s7 =	simm.s32 $0x4  }
0x1d: {  	s1 =	simm.s32 $0x14D00;
	[dreg:$0xc] =	wrdreg s0;
	s0 =	simm.s32 $0x3  }
.LBB2_1:
0x1e: {  	[dreg:$0x10] =	wrdreg s20  }
0x1f: {  	s2 =	rddreg [dreg:$0x7]  }
0x20: {  	s6 =	rddreg [dreg:$0xe]  }
0x21: {  	s20 =	rddreg [dreg:$0x8]  }
0x22: {  	[spmem:s6], [sflag:s20] =	dma.local [hbm:s2], $0x1400  }
0x23: {  	_ =	swait.ge [sflag:s14], $0x1400  }
0x24: {  	[sflag:s14] =	ssyncset.done $0x0;
	s2 =	rddreg [dreg:$0x9]  }
0x25: {  	s6 =	rddreg [dreg:$0xf];
	[sflag:s14] =	ssyncadd.s32 $0xFFFFEC00  }
0x26: {  	[spmem:s6], [sflag:s20] =	dma.local [hbm:s2], $0x1400  }
0x27: {  	_ =	swait.ge [sflag:s14], $0x1400  }
0x28: {  	[sflag:s14] =	ssyncset.done $0x0  }
0x29: {  	[sflag:s14] =	ssyncadd.s32 $0xFFFFEC00  }
0x2a: {  	[bflag:$0x0] =	sbarrier.arrive $0xFFFF  }
0x2b: {  	s20 =	rddreg [dreg:$0x6]  }
0x2c: {  	s6 =	sadd.s32 $0x0, s20  }
0x2d: {  	[tilespmem:s16], [sflag:$0x5] =	stream.linear.gather [hbm4b:s6+s4], $0x800, $0x38;
	[tilespmem:$0x1D000] =	vst v63  }
0x2e: {  	_ =	swait.ge [sflag:s14], $0x800  }
0x2f: {  	s2 =	rddreg [dreg:$0x5];
	[sflag:s14] =	ssyncset.done $0x0  }
0x30: {  	[sflag:s14] =	ssyncadd.s32 $0xFFFFF800;
	s6 =	sadd.s32 $0x0, s2  }
0x31: {  	[tilespmem:s17], [sflag:$0x5] =	stream.linear.gather [hbm4b:s6+s4], $0x800, $0x38;
	[tilespmem:$0x1D000] =	vst v63  }
0x32: {  	_ =	swait.ge [sflag:s14], $0x800  }
0x33: {  	[sflag:s14] =	ssyncset.done $0x0  }
0x34: {  	[sflag:s14] =	ssyncadd.s32 $0xFFFFF800  }
0x35: {  	[tilespmem:s19], [sflag:$0x1] =	stream.indirect.gather [hbm4b:s8+s18], $0x40, s16, s18, $0xb8;
	[tilespmem:$0x1D000] =	vst v63  }
0x36: {  	s20 =	simm.s32 $0x14080  }
0x37: {  	[tilespmem:s21], [sflag:$0x2] =	stream.indirect.gather [hbm4b:s8+s18], $0x40, s20, s18, $0xb8;
	[tilespmem:$0x1D000] =	vst v63  }
0x38: {  	s6 =	simm.s32 $0x14100  }
0x39: {  	[tilespmem:s23], [sflag:$0x3] =	stream.indirect.gather [hbm4b:s8+s18], $0x40, s6, s18, $0xb8;
	[tilespmem:$0x1D000] =	vst v63  }
0x3a: {  	s20 =	simm.s32 $0x14180  }
0x3b: {  	[tilespmem:s25], [sflag:$0x4] =	stream.indirect.gather [hbm4b:s8+s18], $0x40, s20, s18, $0xb8;
	[tilespmem:$0x1D000] =	vst v63  }
0x3c: {  	_ =	swait.ge [sflag:s26], $0x2000  }
0x3d: {  	[sflag:s26] =	ssyncset.done $0x0  }
0x3e: {  	[sflag:s26] =	ssyncadd.s32 $0xFFFFE000  }
0x3f: {  	[spmem:s3] =	stream.indirect.scatter.add.f32 [tilespmem:s19], [sflag:$0x5], $0x40, s17, s18, $0xb8;
	[tilespmem:$0x1D000] =	vst v63  }
0x40: {  	_ =	swait.ge [sflag:s14], $0x2000  }
0x41: {  	[sflag:s14] =	ssyncset.done $0x0  }
0x42: {  	s6 =	simm.s32 $0x14200;
	[sflag:s14] =	ssyncadd.s32 $0xFFFFE000  }
0x43: {  	[tilespmem:s19], [sflag:$0x1] =	stream.indirect.gather [hbm4b:s8+s18], $0x40, s6, s18, $0xb8;
	[tilespmem:$0x1D000] =	vst v63  }
0x44: {  	_ =	swait.ge [sflag:s29], $0x2000  }
0x45: {  	[sflag:s29] =	ssyncset.done $0x0  }
0x46: {  	s20 =	simm.s32 $0x14880;
	[sflag:s29] =	ssyncadd.s32 $0xFFFFE000  }
0x47: {  	[spmem:s3] =	stream.indirect.scatter.add.f32 [tilespmem:s21], [sflag:$0x5], $0x40, s20, s18, $0xb8;
	[tilespmem:$0x1D000] =	vst v63  }
0x48: {  	_ =	swait.ge [sflag:s14], $0x2000  }
0x49: {  	[sflag:s14] =	ssyncset.done $0x0  }
0x4a: {  	s6 =	simm.s32 $0x14280;
	[sflag:s14] =	ssyncadd.s32 $0xFFFFE000  }
0x4b: {  	[tilespmem:s21], [sflag:$0x2] =	stream.indirect.gather [hbm4b:s8+s18], $0x40, s6, s18, $0xb8;
	[tilespmem:$0x1D000] =	vst v63  }
0x4c: {  	_ =	swait.ge [sflag:s0], $0x2000  }
0x4d: {  	[sflag:s0] =	ssyncset.done $0x0  }
0x4e: {  	s20 =	simm.s32 $0x14900;
	[sflag:s0] =	ssyncadd.s32 $0xFFFFE000  }
0x4f: {  	[spmem:s3] =	stream.indirect.scatter.add.f32 [tilespmem:s23], [sflag:$0x5], $0x40, s20, s18, $0xb8;
	[tilespmem:$0x1D000] =	vst v63  }
0x50: {  	_ =	swait.ge [sflag:s14], $0x2000  }
0x51: {  	[sflag:s14] =	ssyncset.done $0x0  }
0x52: {  	s6 =	simm.s32 $0x14300;
	[sflag:s14] =	ssyncadd.s32 $0xFFFFE000  }
0x53: {  	[tilespmem:s23], [sflag:$0x3] =	stream.indirect.gather [hbm4b:s8+s18], $0x40, s6, s18, $0xb8;
	[tilespmem:$0x1D000] =	vst v63  }
0x54: {  	_ =	swait.ge [sflag:s7], $0x2000  }
0x55: {  	[sflag:s7] =	ssyncset.done $0x0  }
0x56: {  	s20 =	simm.s32 $0x14980;
	[sflag:s7] =	ssyncadd.s32 $0xFFFFE000  }
0x57: {  	[spmem:s3] =	stream.indirect.scatter.add.f32 [tilespmem:s25], [sflag:$0x5], $0x40, s20, s18, $0xb8;
	[tilespmem:$0x1D000] =	vst v63  }
0x58: {  	_ =	swait.ge [sflag:s14], $0x2000  }
0x59: {  	[sflag:s14] =	ssyncset.done $0x0  }
0x5a: {  	s6 =	simm.s32 $0x14380;
	[sflag:s14] =	ssyncadd.s32 $0xFFFFE000  }
0x5b: {  	[tilespmem:s25], [sflag:$0x4] =	stream.indirect.gather [hbm4b:s8+s18], $0x40, s6, s18, $0xb8;
	[tilespmem:$0x1D000] =	vst v63  }
0x5c: {  	_ =	swait.ge [sflag:s26], $0x2000  }
0x5d: {  	[sflag:s26] =	ssyncset.done $0x0  }
0x5e: {  	s20 =	simm.s32 $0x14A00;
	[sflag:s26] =	ssyncadd.s32 $0xFFFFE000  }
0x5f: {  	[spmem:s3] =	stream.indirect.scatter.add.f32 [tilespmem:s19], [sflag:$0x5], $0x40, s20, s18, $0xb8;
	[tilespmem:$0x1D000] =	vst v63  }
0x60: {  	_ =	swait.ge [sflag:s14], $0x2000  }
0x61: {  	[sflag:s14] =	ssyncset.done $0x0  }
0x62: {  	s6 =	simm.s32 $0x14400;
	[sflag:s14] =	ssyncadd.s32 $0xFFFFE000  }
0x63: {  	[tilespmem:s19], [sflag:$0x1] =	stream.indirect.gather [hbm4b:s8+s18], $0x40, s6, s18, $0xb8;
	[tilespmem:$0x1D000] =	vst v63  }
0x64: {  	_ =	swait.ge [sflag:s29], $0x2000  }
0x65: {  	[sflag:s29] =	ssyncset.done $0x0  }
0x66: {  	s20 =	simm.s32 $0x14A80;
	[sflag:s29] =	ssyncadd.s32 $0xFFFFE000  }
0x67: {  	[spmem:s3] =	stream.indirect.scatter.add.f32 [tilespmem:s21], [sflag:$0x5], $0x40, s20, s18, $0xb8;
	[tilespmem:$0x1D000] =	vst v63  }
0x68: {  	_ =	swait.ge [sflag:s14], $0x2000  }
0x69: {  	[sflag:s14] =	ssyncset.done $0x0  }
0x6a: {  	s6 =	simm.s32 $0x14480;
	[sflag:s14] =	ssyncadd.s32 $0xFFFFE000  }
0x6b: {  	[tilespmem:s21], [sflag:$0x2] =	stream.indirect.gather [hbm4b:s8+s18], $0x40, s6, s18, $0xb8;
	[tilespmem:$0x1D000] =	vst v63  }
0x6c: {  	_ =	swait.ge [sflag:s0], $0x2000  }
0x6d: {  	[sflag:s0] =	ssyncset.done $0x0  }
0x6e: {  	s20 =	simm.s32 $0x14B00;
	[sflag:s0] =	ssyncadd.s32 $0xFFFFE000  }
0x6f: {  	[spmem:s3] =	stream.indirect.scatter.add.f32 [tilespmem:s23], [sflag:$0x5], $0x40, s20, s18, $0xb8;
	[tilespmem:$0x1D000] =	vst v63  }
0x70: {  	_ =	swait.ge [sflag:s14], $0x2000  }
0x71: {  	[sflag:s14] =	ssyncset.done $0x0  }
0x72: {  	s6 =	simm.s32 $0x14500;
	[sflag:s14] =	ssyncadd.s32 $0xFFFFE000  }
0x73: {  	[tilespmem:s23], [sflag:$0x3] =	stream.indirect.gather [hbm4b:s8+s18], $0x40, s6, s18, $0xb8;
	[tilespmem:$0x1D000] =	vst v63  }
0x74: {  	_ =	swait.ge [sflag:s7], $0x2000  }
0x75: {  	[sflag:s7] =	ssyncset.done $0x0  }
0x76: {  	s20 =	simm.s32 $0x14B80;
	[sflag:s7] =	ssyncadd.s32 $0xFFFFE000  }
0x77: {  	[spmem:s3] =	stream.indirect.scatter.add.f32 [tilespmem:s25], [sflag:$0x5], $0x40, s20, s18, $0xb8;
	[tilespmem:$0x1D000] =	vst v63  }
0x78: {  	_ =	swait.ge [sflag:s14], $0x2000  }
0x79: {  	[sflag:s14] =	ssyncset.done $0x0  }
0x7a: {  	[sflag:s14] =	ssyncadd.s32 $0xFFFFE000  }
0x7b: {  	[tilespmem:s25], [sflag:$0x4] =	stream.indirect.gather [hbm4b:s8+s18], $0x40, s22, s18, $0xb8;
	[tilespmem:$0x1D000] =	vst v63  }
0x7c: {  	_ =	swait.ge [sflag:s26], $0x2000  }
0x7d: {  	[sflag:s26] =	ssyncset.done $0x0  }
0x7e: {  	[sflag:s26] =	ssyncadd.s32 $0xFFFFE000  }
0x7f: {  	[spmem:s3] =	stream.indirect.scatter.add.f32 [tilespmem:s19], [sflag:$0x5], $0x40, s24, s18, $0xb8;
	[tilespmem:$0x1D000] =	vst v63  }
0x80: {  	_ =	swait.ge [sflag:s14], $0x2000  }
0x81: {  	[sflag:s14] =	ssyncset.done $0x0  }
0x82: {  	[sflag:s14] =	ssyncadd.s32 $0xFFFFE000  }
0x83: {  	[tilespmem:s19], [sflag:$0x1] =	stream.indirect.gather [hbm4b:s8+s18], $0x40, s28, s18, $0xb8;
	[tilespmem:$0x1D000] =	vst v63  }
0x84: {  	_ =	swait.ge [sflag:s29], $0x2000  }
0x85: {  	[sflag:s29] =	ssyncset.done $0x0  }
0x86: {  	[sflag:s29] =	ssyncadd.s32 $0xFFFFE000  }
0x87: {  	[spmem:s3] =	stream.indirect.scatter.add.f32 [tilespmem:s21], [sflag:$0x5], $0x40, s30, s18, $0xb8;
	[tilespmem:$0x1D000] =	vst v63  }
0x88: {  	_ =	swait.ge [sflag:s14], $0x2000  }
0x89: {  	[sflag:s14] =	ssyncset.done $0x0  }
0x8a: {  	[sflag:s14] =	ssyncadd.s32 $0xFFFFE000  }
0x8b: {  	[tilespmem:s21], [sflag:$0x2] =	stream.indirect.gather [hbm4b:s8+s18], $0x40, s31, s18, $0xb8;
	[tilespmem:$0x1D000] =	vst v63  }
0x8c: {  	_ =	swait.ge [sflag:s0], $0x2000  }
0x8d: {  	[sflag:s0] =	ssyncset.done $0x0  }
0x8e: {  	[sflag:s0] =	ssyncadd.s32 $0xFFFFE000  }
0x8f: {  	[spmem:s3] =	stream.indirect.scatter.add.f32 [tilespmem:s23], [sflag:$0x5], $0x40, s1, s18, $0xb8;
	[tilespmem:$0x1D000] =	vst v63  }
0x90: {  	_ =	swait.ge [sflag:s14], $0x2000  }
0x91: {  	[sflag:s14] =	ssyncset.done $0x0  }
0x92: {  	[sflag:s14] =	ssyncadd.s32 $0xFFFFE000  }
0x93: {  	[tilespmem:s23], [sflag:$0x3] =	stream.indirect.gather [hbm4b:s8+s18], $0x40, s5, s18, $0xb8;
	[tilespmem:$0x1D000] =	vst v63  }
0x94: {  	_ =	swait.ge [sflag:s7], $0x2000  }
0x95: {  	[sflag:s7] =	ssyncset.done $0x0  }
0x96: {  	[sflag:s7] =	ssyncadd.s32 $0xFFFFE000  }
0x97: {  	[spmem:s3] =	stream.indirect.scatter.add.f32 [tilespmem:s25], [sflag:$0x5], $0x40, s9, s18, $0xb8;
	[tilespmem:$0x1D000] =	vst v63  }
0x98: {  	_ =	swait.ge [sflag:s14], $0x2000  }
0x99: {  	[sflag:s14] =	ssyncset.done $0x0  }
0x9a: {  	[sflag:s14] =	ssyncadd.s32 $0xFFFFE000  }
0x9b: {  	[tilespmem:s25], [sflag:$0x4] =	stream.indirect.gather [hbm4b:s8+s18], $0x40, s10, s18, $0xb8;
	[tilespmem:$0x1D000] =	vst v63  }
0x9c: {  	_ =	swait.ge [sflag:s26], $0x2000  }
0x9d: {  	[sflag:s26] =	ssyncset.done $0x0  }
0x9e: {  	[sflag:s26] =	ssyncadd.s32 $0xFFFFE000  }
0x9f: {  	[spmem:s3] =	stream.indirect.scatter.add.f32 [tilespmem:s19], [sflag:$0x5], $0x40, s11, s18, $0xb8;
	[tilespmem:$0x1D000] =	vst v63  }
0xa0: {  	_ =	swait.ge [sflag:s14], $0x2000  }
0xa1: {  	[sflag:s14] =	ssyncset.done $0x0  }
0xa2: {  	[sflag:s14] =	ssyncadd.s32 $0xFFFFE000  }
0xa3: {  	_ =	swait.ge [sflag:s29], $0x2000  }
0xa4: {  	[sflag:s29] =	ssyncset.done $0x0  }
0xa5: {  	[sflag:s29] =	ssyncadd.s32 $0xFFFFE000  }
0xa6: {  	[spmem:s3] =	stream.indirect.scatter.add.f32 [tilespmem:s21], [sflag:$0x5], $0x40, s12, s18, $0xb8;
	[tilespmem:$0x1D000] =	vst v63  }
0xa7: {  	_ =	swait.ge [sflag:s14], $0x2000  }
0xa8: {  	[sflag:s14] =	ssyncset.done $0x0  }
0xa9: {  	[sflag:s14] =	ssyncadd.s32 $0xFFFFE000  }
0xaa: {  	_ =	swait.ge [sflag:s0], $0x2000  }
0xab: {  	[sflag:s0] =	ssyncset.done $0x0  }
0xac: {  	[sflag:s0] =	ssyncadd.s32 $0xFFFFE000  }
0xad: {  	[spmem:s3] =	stream.indirect.scatter.add.f32 [tilespmem:s23], [sflag:$0x5], $0x40, s13, s18, $0xb8;
	[tilespmem:$0x1D000] =	vst v63  }
0xae: {  	_ =	swait.ge [sflag:s14], $0x2000  }
0xaf: {  	[sflag:s14] =	ssyncset.done $0x0  }
0xb0: {  	[sflag:s14] =	ssyncadd.s32 $0xFFFFE000  }
0xb1: {  	_ =	swait.ge [sflag:s7], $0x2000  }
0xb2: {  	[sflag:s7] =	ssyncset.done $0x0  }
0xb3: {  	[sflag:s7] =	ssyncadd.s32 $0xFFFFE000  }
0xb4: {  	[spmem:s3] =	stream.indirect.scatter.add.f32 [tilespmem:s25], [sflag:$0x5], $0x40, s15, s18, $0xb8;
	[tilespmem:$0x1D000] =	vst v63  }
0xb5: {  	s6 =	simm.s32 $0x100;
	_ =	swait.ge [sflag:s14], $0x2000  }
.LBB2_2:
0xb6: {  	s2 =	rddreg [dreg:$0x6];
	s20 =	smov.u32 s6;
	[sflag:s14] =	ssyncset.done $0x0  }
0xb7: {  	s2 =	sadd.s32 s20, s2;
	[sflag:s14] =	ssyncadd.s32 $0xFFFFE000  }
0xb8: {  	[tilespmem:s16], [sflag:$0x5] =	stream.linear.gather [hbm4b:s2+s4], $0x800, $0x38;
	[tilespmem:$0x1D000] =	vst v63  }
0xb9: {  	_ =	swait.ge [sflag:s14], $0x800  }
0xba: {  	s2 =	rddreg [dreg:$0x5];
	[sflag:s14] =	ssyncset.done $0x0  }
0xbb: {  	[sflag:s14] =	ssyncadd.s32 $0xFFFFF800;
	s2 =	sadd.s32 s20, s2  }
0xbc: {  	[tilespmem:s17], [sflag:$0x5] =	stream.linear.gather [hbm4b:s2+s4], $0x800, $0x38;
	[tilespmem:$0x1D000] =	vst v63  }
0xbd: {  	_ =	swait.ge [sflag:s14], $0x800  }
0xbe: {  	[sflag:s14] =	ssyncset.done $0x0  }
0xbf: {  	[sflag:s14] =	ssyncadd.s32 $0xFFFFF800  }
0xc0: {  	[tilespmem:s19], [sflag:$0x1] =	stream.indirect.gather [hbm4b:s8+s18], $0x40, s16, s18, $0xb8;
	[tilespmem:$0x1D000] =	vst v63  }
0xc1: {  	s20 =	simm.s32 $0x14080  }
0xc2: {  	[tilespmem:s21], [sflag:$0x2] =	stream.indirect.gather [hbm4b:s8+s18], $0x40, s20, s18, $0xb8;
	[tilespmem:$0x1D000] =	vst v63  }
0xc3: {  	s20 =	simm.s32 $0x14100  }
0xc4: {  	[tilespmem:s23], [sflag:$0x3] =	stream.indirect.gather [hbm4b:s8+s18], $0x40, s20, s18, $0xb8;
	[tilespmem:$0x1D000] =	vst v63  }
0xc5: {  	s20 =	simm.s32 $0x14180  }
0xc6: {  	[tilespmem:s25], [sflag:$0x4] =	stream.indirect.gather [hbm4b:s8+s18], $0x40, s20, s18, $0xb8;
	[tilespmem:$0x1D000] =	vst v63  }
0xc7: {  	_ =	swait.ge [sflag:s26], $0x2000  }
0xc8: {  	[sflag:s26] =	ssyncset.done $0x0  }
0xc9: {  	[sflag:s26] =	ssyncadd.s32 $0xFFFFE000  }
0xca: {  	[spmem:s3] =	stream.indirect.scatter.add.f32 [tilespmem:s19], [sflag:$0x5], $0x40, s17, s18, $0xb8;
	[tilespmem:$0x1D000] =	vst v63  }
0xcb: {  	_ =	swait.ge [sflag:s14], $0x2000  }
0xcc: {  	[sflag:s14] =	ssyncset.done $0x0  }
0xcd: {  	s20 =	simm.s32 $0x14200;
	[sflag:s14] =	ssyncadd.s32 $0xFFFFE000  }
0xce: {  	[tilespmem:s19], [sflag:$0x1] =	stream.indirect.gather [hbm4b:s8+s18], $0x40, s20, s18, $0xb8;
	[tilespmem:$0x1D000] =	vst v63  }
0xcf: {  	_ =	swait.ge [sflag:s29], $0x2000  }
0xd0: {  	[sflag:s29] =	ssyncset.done $0x0  }
0xd1: {  	s20 =	simm.s32 $0x14880;
	[sflag:s29] =	ssyncadd.s32 $0xFFFFE000  }
0xd2: {  	[spmem:s3] =	stream.indirect.scatter.add.f32 [tilespmem:s21], [sflag:$0x5], $0x40, s20, s18, $0xb8;
	[tilespmem:$0x1D000] =	vst v63  }
0xd3: {  	_ =	swait.ge [sflag:s14], $0x2000  }
0xd4: {  	[sflag:s14] =	ssyncset.done $0x0  }
0xd5: {  	s20 =	simm.s32 $0x14280;
	[sflag:s14] =	ssyncadd.s32 $0xFFFFE000  }
0xd6: {  	[tilespmem:s21], [sflag:$0x2] =	stream.indirect.gather [hbm4b:s8+s18], $0x40, s20, s18, $0xb8;
	[tilespmem:$0x1D000] =	vst v63  }
0xd7: {  	_ =	swait.ge [sflag:s0], $0x2000  }
0xd8: {  	[sflag:s0] =	ssyncset.done $0x0  }
0xd9: {  	s20 =	simm.s32 $0x14900;
	[sflag:s0] =	ssyncadd.s32 $0xFFFFE000  }
0xda: {  	[spmem:s3] =	stream.indirect.scatter.add.f32 [tilespmem:s23], [sflag:$0x5], $0x40, s20, s18, $0xb8;
	[tilespmem:$0x1D000] =	vst v63  }
0xdb: {  	_ =	swait.ge [sflag:s14], $0x2000  }
0xdc: {  	[sflag:s14] =	ssyncset.done $0x0  }
0xdd: {  	s20 =	simm.s32 $0x14300;
	[sflag:s14] =	ssyncadd.s32 $0xFFFFE000  }
0xde: {  	[tilespmem:s23], [sflag:$0x3] =	stream.indirect.gather [hbm4b:s8+s18], $0x40, s20, s18, $0xb8;
	[tilespmem:$0x1D000] =	vst v63  }
0xdf: {  	_ =	swait.ge [sflag:s7], $0x2000  }
0xe0: {  	[sflag:s7] =	ssyncset.done $0x0  }
0xe1: {  	s20 =	simm.s32 $0x14980;
	[sflag:s7] =	ssyncadd.s32 $0xFFFFE000  }
0xe2: {  	[spmem:s3] =	stream.indirect.scatter.add.f32 [tilespmem:s25], [sflag:$0x5], $0x40, s20, s18, $0xb8;
	[tilespmem:$0x1D000] =	vst v63  }
0xe3: {  	_ =	swait.ge [sflag:s14], $0x2000  }
0xe4: {  	[sflag:s14] =	ssyncset.done $0x0  }
0xe5: {  	s20 =	simm.s32 $0x14380;
	[sflag:s14] =	ssyncadd.s32 $0xFFFFE000  }
0xe6: {  	[tilespmem:s25], [sflag:$0x4] =	stream.indirect.gather [hbm4b:s8+s18], $0x40, s20, s18, $0xb8;
	[tilespmem:$0x1D000] =	vst v63  }
0xe7: {  	_ =	swait.ge [sflag:s26], $0x2000  }
0xe8: {  	[sflag:s26] =	ssyncset.done $0x0  }
0xe9: {  	s20 =	simm.s32 $0x14A00;
	[sflag:s26] =	ssyncadd.s32 $0xFFFFE000  }
0xea: {  	[spmem:s3] =	stream.indirect.scatter.add.f32 [tilespmem:s19], [sflag:$0x5], $0x40, s20, s18, $0xb8;
	[tilespmem:$0x1D000] =	vst v63  }
0xeb: {  	_ =	swait.ge [sflag:s14], $0x2000  }
0xec: {  	[sflag:s14] =	ssyncset.done $0x0  }
0xed: {  	s20 =	simm.s32 $0x14400;
	[sflag:s14] =	ssyncadd.s32 $0xFFFFE000  }
0xee: {  	[tilespmem:s19], [sflag:$0x1] =	stream.indirect.gather [hbm4b:s8+s18], $0x40, s20, s18, $0xb8;
	[tilespmem:$0x1D000] =	vst v63  }
0xef: {  	_ =	swait.ge [sflag:s29], $0x2000  }
0xf0: {  	[sflag:s29] =	ssyncset.done $0x0  }
0xf1: {  	s20 =	simm.s32 $0x14A80;
	[sflag:s29] =	ssyncadd.s32 $0xFFFFE000  }
0xf2: {  	[spmem:s3] =	stream.indirect.scatter.add.f32 [tilespmem:s21], [sflag:$0x5], $0x40, s20, s18, $0xb8;
	[tilespmem:$0x1D000] =	vst v63  }
0xf3: {  	_ =	swait.ge [sflag:s14], $0x2000  }
0xf4: {  	[sflag:s14] =	ssyncset.done $0x0  }
0xf5: {  	s20 =	simm.s32 $0x14480;
	[sflag:s14] =	ssyncadd.s32 $0xFFFFE000  }
0xf6: {  	[tilespmem:s21], [sflag:$0x2] =	stream.indirect.gather [hbm4b:s8+s18], $0x40, s20, s18, $0xb8;
	[tilespmem:$0x1D000] =	vst v63  }
0xf7: {  	_ =	swait.ge [sflag:s0], $0x2000  }
0xf8: {  	[sflag:s0] =	ssyncset.done $0x0  }
0xf9: {  	s20 =	simm.s32 $0x14B00;
	[sflag:s0] =	ssyncadd.s32 $0xFFFFE000  }
0xfa: {  	[spmem:s3] =	stream.indirect.scatter.add.f32 [tilespmem:s23], [sflag:$0x5], $0x40, s20, s18, $0xb8;
	[tilespmem:$0x1D000] =	vst v63  }
0xfb: {  	_ =	swait.ge [sflag:s14], $0x2000  }
0xfc: {  	[sflag:s14] =	ssyncset.done $0x0  }
0xfd: {  	s20 =	simm.s32 $0x14500;
	[sflag:s14] =	ssyncadd.s32 $0xFFFFE000  }
0xfe: {  	[tilespmem:s23], [sflag:$0x3] =	stream.indirect.gather [hbm4b:s8+s18], $0x40, s20, s18, $0xb8;
	[tilespmem:$0x1D000] =	vst v63  }
0xff: {  	_ =	swait.ge [sflag:s7], $0x2000  }
0x100: {  	[sflag:s7] =	ssyncset.done $0x0  }
0x101: {  	s20 =	simm.s32 $0x14B80;
	[sflag:s7] =	ssyncadd.s32 $0xFFFFE000  }
0x102: {  	[spmem:s3] =	stream.indirect.scatter.add.f32 [tilespmem:s25], [sflag:$0x5], $0x40, s20, s18, $0xb8;
	[tilespmem:$0x1D000] =	vst v63  }
0x103: {  	_ =	swait.ge [sflag:s14], $0x2000  }
0x104: {  	[sflag:s14] =	ssyncset.done $0x0  }
0x105: {  	[sflag:s14] =	ssyncadd.s32 $0xFFFFE000  }
0x106: {  	[tilespmem:s25], [sflag:$0x4] =	stream.indirect.gather [hbm4b:s8+s18], $0x40, s22, s18, $0xb8;
	[tilespmem:$0x1D000] =	vst v63  }
0x107: {  	_ =	swait.ge [sflag:s26], $0x2000  }
0x108: {  	[sflag:s26] =	ssyncset.done $0x0  }
0x109: {  	[sflag:s26] =	ssyncadd.s32 $0xFFFFE000  }
0x10a: {  	[spmem:s3] =	stream.indirect.scatter.add.f32 [tilespmem:s19], [sflag:$0x5], $0x40, s24, s18, $0xb8;
	[tilespmem:$0x1D000] =	vst v63  }
0x10b: {  	_ =	swait.ge [sflag:s14], $0x2000  }
0x10c: {  	[sflag:s14] =	ssyncset.done $0x0  }
0x10d: {  	[sflag:s14] =	ssyncadd.s32 $0xFFFFE000  }
0x10e: {  	[tilespmem:s19], [sflag:$0x1] =	stream.indirect.gather [hbm4b:s8+s18], $0x40, s28, s18, $0xb8;
	[tilespmem:$0x1D000] =	vst v63  }
0x10f: {  	_ =	swait.ge [sflag:s29], $0x2000  }
0x110: {  	[sflag:s29] =	ssyncset.done $0x0  }
0x111: {  	[sflag:s29] =	ssyncadd.s32 $0xFFFFE000  }
0x112: {  	[spmem:s3] =	stream.indirect.scatter.add.f32 [tilespmem:s21], [sflag:$0x5], $0x40, s30, s18, $0xb8;
	[tilespmem:$0x1D000] =	vst v63  }
0x113: {  	_ =	swait.ge [sflag:s14], $0x2000  }
0x114: {  	[sflag:s14] =	ssyncset.done $0x0  }
0x115: {  	[sflag:s14] =	ssyncadd.s32 $0xFFFFE000  }
0x116: {  	[tilespmem:s21], [sflag:$0x2] =	stream.indirect.gather [hbm4b:s8+s18], $0x40, s31, s18, $0xb8;
	[tilespmem:$0x1D000] =	vst v63  }
0x117: {  	_ =	swait.ge [sflag:s0], $0x2000  }
0x118: {  	[sflag:s0] =	ssyncset.done $0x0  }
0x119: {  	[sflag:s0] =	ssyncadd.s32 $0xFFFFE000  }
0x11a: {  	[spmem:s3] =	stream.indirect.scatter.add.f32 [tilespmem:s23], [sflag:$0x5], $0x40, s1, s18, $0xb8;
	[tilespmem:$0x1D000] =	vst v63  }
0x11b: {  	_ =	swait.ge [sflag:s14], $0x2000  }
0x11c: {  	[sflag:s14] =	ssyncset.done $0x0  }
0x11d: {  	[sflag:s14] =	ssyncadd.s32 $0xFFFFE000  }
0x11e: {  	[tilespmem:s23], [sflag:$0x3] =	stream.indirect.gather [hbm4b:s8+s18], $0x40, s5, s18, $0xb8;
	[tilespmem:$0x1D000] =	vst v63  }
0x11f: {  	_ =	swait.ge [sflag:s7], $0x2000  }
0x120: {  	[sflag:s7] =	ssyncset.done $0x0  }
0x121: {  	[sflag:s7] =	ssyncadd.s32 $0xFFFFE000  }
0x122: {  	[spmem:s3] =	stream.indirect.scatter.add.f32 [tilespmem:s25], [sflag:$0x5], $0x40, s9, s18, $0xb8;
	[tilespmem:$0x1D000] =	vst v63  }
0x123: {  	_ =	swait.ge [sflag:s14], $0x2000  }
0x124: {  	[sflag:s14] =	ssyncset.done $0x0  }
0x125: {  	[sflag:s14] =	ssyncadd.s32 $0xFFFFE000  }
0x126: {  	[tilespmem:s25], [sflag:$0x4] =	stream.indirect.gather [hbm4b:s8+s18], $0x40, s10, s18, $0xb8;
	[tilespmem:$0x1D000] =	vst v63  }
0x127: {  	_ =	swait.ge [sflag:s26], $0x2000  }
0x128: {  	[sflag:s26] =	ssyncset.done $0x0  }
0x129: {  	[sflag:s26] =	ssyncadd.s32 $0xFFFFE000  }
0x12a: {  	[spmem:s3] =	stream.indirect.scatter.add.f32 [tilespmem:s19], [sflag:$0x5], $0x40, s11, s18, $0xb8;
	[tilespmem:$0x1D000] =	vst v63  }
0x12b: {  	_ =	swait.ge [sflag:s14], $0x2000  }
0x12c: {  	[sflag:s14] =	ssyncset.done $0x0  }
0x12d: {  	[sflag:s14] =	ssyncadd.s32 $0xFFFFE000  }
0x12e: {  	_ =	swait.ge [sflag:s29], $0x2000  }
0x12f: {  	[sflag:s29] =	ssyncset.done $0x0  }
0x130: {  	[sflag:s29] =	ssyncadd.s32 $0xFFFFE000  }
0x131: {  	[spmem:s3] =	stream.indirect.scatter.add.f32 [tilespmem:s21], [sflag:$0x5], $0x40, s12, s18, $0xb8;
	[tilespmem:$0x1D000] =	vst v63  }
0x132: {  	_ =	swait.ge [sflag:s14], $0x2000  }
0x133: {  	[sflag:s14] =	ssyncset.done $0x0  }
0x134: {  	[sflag:s14] =	ssyncadd.s32 $0xFFFFE000  }
0x135: {  	_ =	swait.ge [sflag:s0], $0x2000  }
0x136: {  	[sflag:s0] =	ssyncset.done $0x0  }
0x137: {  	[sflag:s0] =	ssyncadd.s32 $0xFFFFE000  }
0x138: {  	[spmem:s3] =	stream.indirect.scatter.add.f32 [tilespmem:s23], [sflag:$0x5], $0x40, s13, s18, $0xb8;
	[tilespmem:$0x1D000] =	vst v63  }
0x139: {  	_ =	swait.ge [sflag:s14], $0x2000  }
0x13a: {  	[sflag:s14] =	ssyncset.done $0x0  }
0x13b: {  	p0 =	sne.s32 s6, $0x800;
	[sflag:s14] =	ssyncadd.s32 $0xFFFFE000  }
.Ltmp0:
0x13c: {  	_ =	swait.ge [sflag:s7], $0x2000;
	(pc) =	sbr.rel @p0 .LBB2_2-.Ltmp0, $4  }
0x13d: {  	[sflag:s7] =	ssyncset.done $0x0  }
0x13e: {  	[sflag:s7] =	ssyncadd.s32 $0xFFFFE000  }
0x13f: {  	[spmem:s3] =	stream.indirect.scatter.add.f32 [tilespmem:s25], [sflag:$0x5], $0x40, s15, s18, $0xb8;
	[tilespmem:$0x1D000] =	vst v63  }
0x140: {  	s6 =	sadd.s32 $0x100, s6;
	_ =	swait.ge [sflag:s14], $0x2000  }
0x141: {  	[sflag:s14] =	ssyncset.done $0x0  }
0x142: {  	s2 =	rddreg [dreg:$0xa];
	[sflag:s14] =	ssyncadd.s32 $0xFFFFE000  }
0x143: {  	[tilespmem:s16], [sflag:$0x5] =	stream.linear.gather [hbm4b:s2+s4], $0x800, $0x38;
	[tilespmem:$0x1D000] =	vst v63  }
0x144: {  	_ =	swait.ge [sflag:s14], $0x800  }
0x145: {  	[sflag:s14] =	ssyncset.done $0x0  }
0x146: {  	s6 =	rddreg [dreg:$0xb];
	[sflag:s14] =	ssyncadd.s32 $0xFFFFF800  }
0x147: {  	[tilespmem:s17], [sflag:$0x5] =	stream.linear.gather [hbm4b:s6+s4], $0x800, $0x38;
	[tilespmem:$0x1D000] =	vst v63  }
0x148: {  	_ =	swait.ge [sflag:s14], $0x800  }
0x149: {  	[sflag:s14] =	ssyncset.done $0x0  }
0x14a: {  	[sflag:s14] =	ssyncadd.s32 $0xFFFFF800  }
0x14b: {  	s2 =	rddreg [dreg:$0x2]  }
0x14c: {  	[tilespmem:s19], [sflag:$0x1] =	stream.indirect.gather [spmem:s2], $0x40, s16, s18, $0xb8;
	[tilespmem:$0x1D000] =	vst v63  }
0x14d: {  	s6 =	simm.s32 $0x14080  }
0x14e: {  	[tilespmem:s21], [sflag:$0x2] =	stream.indirect.gather [spmem:s2], $0x40, s6, s18, $0xb8;
	[tilespmem:$0x1D000] =	vst v63  }
0x14f: {  	s20 =	simm.s32 $0x14100  }
0x150: {  	[tilespmem:s23], [sflag:$0x3] =	stream.indirect.gather [spmem:s2], $0x40, s20, s18, $0xb8;
	[tilespmem:$0x1D000] =	vst v63  }
0x151: {  	s20 =	simm.s32 $0x14180  }
0x152: {  	[tilespmem:s25], [sflag:$0x4] =	stream.indirect.gather [spmem:s2], $0x40, s20, s18, $0xb8;
	[tilespmem:$0x1D000] =	vst v63  }
0x153: {  	_ =	swait.ge [sflag:s26], $0x2000  }
0x154: {  	[sflag:s26] =	ssyncset.done $0x0  }
0x155: {  	[sflag:s26] =	ssyncadd.s32 $0xFFFFE000  }
0x156: {  	[spmem:s3] =	stream.indirect.scatter.add.f32 [tilespmem:s19], [sflag:$0x5], $0x40, s17, s18, $0xb8;
	[tilespmem:$0x1D000] =	vst v63  }
0x157: {  	_ =	swait.ge [sflag:s14], $0x2000  }
0x158: {  	[sflag:s14] =	ssyncset.done $0x0  }
0x159: {  	s20 =	simm.s32 $0x14200;
	[sflag:s14] =	ssyncadd.s32 $0xFFFFE000  }
0x15a: {  	[tilespmem:s19], [sflag:$0x1] =	stream.indirect.gather [spmem:s2], $0x40, s20, s18, $0xb8;
	[tilespmem:$0x1D000] =	vst v63  }
0x15b: {  	_ =	swait.ge [sflag:s29], $0x2000  }
0x15c: {  	[sflag:s29] =	ssyncset.done $0x0  }
0x15d: {  	s20 =	simm.s32 $0x14880;
	[sflag:s29] =	ssyncadd.s32 $0xFFFFE000  }
0x15e: {  	[spmem:s3] =	stream.indirect.scatter.add.f32 [tilespmem:s21], [sflag:$0x5], $0x40, s20, s18, $0xb8;
	[tilespmem:$0x1D000] =	vst v63  }
0x15f: {  	_ =	swait.ge [sflag:s14], $0x2000  }
0x160: {  	[sflag:s14] =	ssyncset.done $0x0  }
0x161: {  	s20 =	simm.s32 $0x14280;
	[sflag:s14] =	ssyncadd.s32 $0xFFFFE000  }
0x162: {  	[tilespmem:s21], [sflag:$0x2] =	stream.indirect.gather [spmem:s2], $0x40, s20, s18, $0xb8;
	[tilespmem:$0x1D000] =	vst v63  }
0x163: {  	_ =	swait.ge [sflag:s0], $0x2000  }
0x164: {  	[sflag:s0] =	ssyncset.done $0x0  }
0x165: {  	s20 =	simm.s32 $0x14900;
	[sflag:s0] =	ssyncadd.s32 $0xFFFFE000  }
0x166: {  	[spmem:s3] =	stream.indirect.scatter.add.f32 [tilespmem:s23], [sflag:$0x5], $0x40, s20, s18, $0xb8;
	[tilespmem:$0x1D000] =	vst v63  }
0x167: {  	_ =	swait.ge [sflag:s14], $0x2000  }
0x168: {  	[sflag:s14] =	ssyncset.done $0x0  }
0x169: {  	s20 =	simm.s32 $0x14300;
	[sflag:s14] =	ssyncadd.s32 $0xFFFFE000  }
0x16a: {  	[tilespmem:s23], [sflag:$0x3] =	stream.indirect.gather [spmem:s2], $0x40, s20, s18, $0xb8;
	[tilespmem:$0x1D000] =	vst v63  }
0x16b: {  	_ =	swait.ge [sflag:s7], $0x2000  }
0x16c: {  	[sflag:s7] =	ssyncset.done $0x0  }
0x16d: {  	s20 =	simm.s32 $0x14980;
	[sflag:s7] =	ssyncadd.s32 $0xFFFFE000  }
0x16e: {  	[spmem:s3] =	stream.indirect.scatter.add.f32 [tilespmem:s25], [sflag:$0x5], $0x40, s20, s18, $0xb8;
	[tilespmem:$0x1D000] =	vst v63  }
0x16f: {  	_ =	swait.ge [sflag:s14], $0x2000  }
0x170: {  	[sflag:s14] =	ssyncset.done $0x0  }
0x171: {  	s20 =	simm.s32 $0x14380;
	[sflag:s14] =	ssyncadd.s32 $0xFFFFE000  }
0x172: {  	[tilespmem:s25], [sflag:$0x4] =	stream.indirect.gather [spmem:s2], $0x40, s20, s18, $0xb8;
	[tilespmem:$0x1D000] =	vst v63  }
0x173: {  	_ =	swait.ge [sflag:s26], $0x2000  }
0x174: {  	[sflag:s26] =	ssyncset.done $0x0  }
0x175: {  	s20 =	simm.s32 $0x14A00;
	[sflag:s26] =	ssyncadd.s32 $0xFFFFE000  }
0x176: {  	[spmem:s3] =	stream.indirect.scatter.add.f32 [tilespmem:s19], [sflag:$0x5], $0x40, s20, s18, $0xb8;
	[tilespmem:$0x1D000] =	vst v63  }
0x177: {  	_ =	swait.ge [sflag:s14], $0x2000  }
0x178: {  	[sflag:s14] =	ssyncset.done $0x0  }
0x179: {  	s20 =	simm.s32 $0x14400;
	[sflag:s14] =	ssyncadd.s32 $0xFFFFE000  }
0x17a: {  	[tilespmem:s19], [sflag:$0x1] =	stream.indirect.gather [spmem:s2], $0x40, s20, s18, $0xb8;
	[tilespmem:$0x1D000] =	vst v63  }
0x17b: {  	_ =	swait.ge [sflag:s29], $0x2000  }
0x17c: {  	[sflag:s29] =	ssyncset.done $0x0  }
0x17d: {  	s20 =	simm.s32 $0x14A80;
	[sflag:s29] =	ssyncadd.s32 $0xFFFFE000  }
0x17e: {  	[spmem:s3] =	stream.indirect.scatter.add.f32 [tilespmem:s21], [sflag:$0x5], $0x40, s20, s18, $0xb8;
	[tilespmem:$0x1D000] =	vst v63  }
0x17f: {  	_ =	swait.ge [sflag:s14], $0x2000  }
0x180: {  	[sflag:s14] =	ssyncset.done $0x0  }
0x181: {  	s20 =	simm.s32 $0x14480;
	[sflag:s14] =	ssyncadd.s32 $0xFFFFE000  }
0x182: {  	[tilespmem:s21], [sflag:$0x2] =	stream.indirect.gather [spmem:s2], $0x40, s20, s18, $0xb8;
	[tilespmem:$0x1D000] =	vst v63  }
0x183: {  	_ =	swait.ge [sflag:s0], $0x2000  }
0x184: {  	[sflag:s0] =	ssyncset.done $0x0  }
0x185: {  	s20 =	simm.s32 $0x14B00;
	[sflag:s0] =	ssyncadd.s32 $0xFFFFE000  }
0x186: {  	[spmem:s3] =	stream.indirect.scatter.add.f32 [tilespmem:s23], [sflag:$0x5], $0x40, s20, s18, $0xb8;
	[tilespmem:$0x1D000] =	vst v63  }
0x187: {  	_ =	swait.ge [sflag:s14], $0x2000  }
0x188: {  	[sflag:s14] =	ssyncset.done $0x0  }
0x189: {  	s20 =	simm.s32 $0x14500;
	[sflag:s14] =	ssyncadd.s32 $0xFFFFE000  }
0x18a: {  	[tilespmem:s23], [sflag:$0x3] =	stream.indirect.gather [spmem:s2], $0x40, s20, s18, $0xb8;
	[tilespmem:$0x1D000] =	vst v63  }
0x18b: {  	_ =	swait.ge [sflag:s7], $0x2000  }
0x18c: {  	[sflag:s7] =	ssyncset.done $0x0  }
0x18d: {  	s20 =	simm.s32 $0x14B80;
	[sflag:s7] =	ssyncadd.s32 $0xFFFFE000  }
0x18e: {  	[spmem:s3] =	stream.indirect.scatter.add.f32 [tilespmem:s25], [sflag:$0x5], $0x40, s20, s18, $0xb8;
	[tilespmem:$0x1D000] =	vst v63  }
0x18f: {  	_ =	swait.ge [sflag:s14], $0x2000  }
0x190: {  	[sflag:s14] =	ssyncset.done $0x0  }
0x191: {  	[sflag:s14] =	ssyncadd.s32 $0xFFFFE000  }
0x192: {  	[tilespmem:s25], [sflag:$0x4] =	stream.indirect.gather [spmem:s2], $0x40, s22, s18, $0xb8;
	[tilespmem:$0x1D000] =	vst v63  }
0x193: {  	_ =	swait.ge [sflag:s26], $0x2000  }
0x194: {  	[sflag:s26] =	ssyncset.done $0x0  }
0x195: {  	[sflag:s26] =	ssyncadd.s32 $0xFFFFE000  }
0x196: {  	[spmem:s3] =	stream.indirect.scatter.add.f32 [tilespmem:s19], [sflag:$0x5], $0x40, s24, s18, $0xb8;
	[tilespmem:$0x1D000] =	vst v63  }
0x197: {  	_ =	swait.ge [sflag:s14], $0x2000  }
0x198: {  	[sflag:s14] =	ssyncset.done $0x0  }
0x199: {  	[sflag:s14] =	ssyncadd.s32 $0xFFFFE000  }
0x19a: {  	[tilespmem:s19], [sflag:$0x1] =	stream.indirect.gather [spmem:s2], $0x40, s28, s18, $0xb8;
	[tilespmem:$0x1D000] =	vst v63  }
0x19b: {  	_ =	swait.ge [sflag:s29], $0x2000  }
0x19c: {  	[sflag:s29] =	ssyncset.done $0x0  }
0x19d: {  	[sflag:s29] =	ssyncadd.s32 $0xFFFFE000  }
0x19e: {  	[spmem:s3] =	stream.indirect.scatter.add.f32 [tilespmem:s21], [sflag:$0x5], $0x40, s30, s18, $0xb8;
	[tilespmem:$0x1D000] =	vst v63  }
0x19f: {  	_ =	swait.ge [sflag:s14], $0x2000  }
0x1a0: {  	[sflag:s14] =	ssyncset.done $0x0  }
0x1a1: {  	[sflag:s14] =	ssyncadd.s32 $0xFFFFE000  }
0x1a2: {  	[tilespmem:s21], [sflag:$0x2] =	stream.indirect.gather [spmem:s2], $0x40, s31, s18, $0xb8;
	[tilespmem:$0x1D000] =	vst v63  }
0x1a3: {  	_ =	swait.ge [sflag:s0], $0x2000  }
0x1a4: {  	[sflag:s0] =	ssyncset.done $0x0  }
0x1a5: {  	[sflag:s0] =	ssyncadd.s32 $0xFFFFE000  }
0x1a6: {  	[spmem:s3] =	stream.indirect.scatter.add.f32 [tilespmem:s23], [sflag:$0x5], $0x40, s1, s18, $0xb8;
	[tilespmem:$0x1D000] =	vst v63  }
0x1a7: {  	_ =	swait.ge [sflag:s14], $0x2000  }
0x1a8: {  	[sflag:s14] =	ssyncset.done $0x0  }
0x1a9: {  	[sflag:s14] =	ssyncadd.s32 $0xFFFFE000  }
0x1aa: {  	[tilespmem:s23], [sflag:$0x3] =	stream.indirect.gather [spmem:s2], $0x40, s5, s18, $0xb8;
	[tilespmem:$0x1D000] =	vst v63  }
0x1ab: {  	_ =	swait.ge [sflag:s7], $0x2000  }
0x1ac: {  	[sflag:s7] =	ssyncset.done $0x0  }
0x1ad: {  	[sflag:s7] =	ssyncadd.s32 $0xFFFFE000  }
0x1ae: {  	[spmem:s3] =	stream.indirect.scatter.add.f32 [tilespmem:s25], [sflag:$0x5], $0x40, s9, s18, $0xb8;
	[tilespmem:$0x1D000] =	vst v63  }
0x1af: {  	_ =	swait.ge [sflag:s14], $0x2000  }
0x1b0: {  	[sflag:s14] =	ssyncset.done $0x0  }
0x1b1: {  	[sflag:s14] =	ssyncadd.s32 $0xFFFFE000  }
0x1b2: {  	[tilespmem:s25], [sflag:$0x4] =	stream.indirect.gather [spmem:s2], $0x40, s10, s18, $0xb8;
	[tilespmem:$0x1D000] =	vst v63  }
0x1b3: {  	_ =	swait.ge [sflag:s26], $0x2000  }
0x1b4: {  	[sflag:s26] =	ssyncset.done $0x0  }
0x1b5: {  	[sflag:s26] =	ssyncadd.s32 $0xFFFFE000  }
0x1b6: {  	[spmem:s3] =	stream.indirect.scatter.add.f32 [tilespmem:s19], [sflag:$0x5], $0x40, s11, s18, $0xb8;
	[tilespmem:$0x1D000] =	vst v63  }
0x1b7: {  	_ =	swait.ge [sflag:s14], $0x2000  }
0x1b8: {  	[sflag:s14] =	ssyncset.done $0x0  }
0x1b9: {  	[sflag:s14] =	ssyncadd.s32 $0xFFFFE000  }
0x1ba: {  	_ =	swait.ge [sflag:s29], $0x2000  }
0x1bb: {  	[sflag:s29] =	ssyncset.done $0x0  }
0x1bc: {  	[sflag:s29] =	ssyncadd.s32 $0xFFFFE000  }
0x1bd: {  	[spmem:s3] =	stream.indirect.scatter.add.f32 [tilespmem:s21], [sflag:$0x5], $0x40, s12, s18, $0xb8;
	[tilespmem:$0x1D000] =	vst v63  }
0x1be: {  	_ =	swait.ge [sflag:s14], $0x2000  }
0x1bf: {  	[sflag:s14] =	ssyncset.done $0x0  }
0x1c0: {  	[sflag:s14] =	ssyncadd.s32 $0xFFFFE000  }
0x1c1: {  	_ =	swait.ge [sflag:s0], $0x2000  }
0x1c2: {  	[sflag:s0] =	ssyncset.done $0x0  }
0x1c3: {  	[sflag:s0] =	ssyncadd.s32 $0xFFFFE000  }
0x1c4: {  	[spmem:s3] =	stream.indirect.scatter.add.f32 [tilespmem:s23], [sflag:$0x5], $0x40, s13, s18, $0xb8;
	[tilespmem:$0x1D000] =	vst v63  }
0x1c5: {  	_ =	swait.ge [sflag:s14], $0x2000  }
0x1c6: {  	[sflag:s14] =	ssyncset.done $0x0  }
0x1c7: {  	[sflag:s14] =	ssyncadd.s32 $0xFFFFE000  }
0x1c8: {  	_ =	swait.ge [sflag:s7], $0x2000  }
0x1c9: {  	[sflag:s7] =	ssyncset.done $0x0  }
0x1ca: {  	[sflag:s7] =	ssyncadd.s32 $0xFFFFE000  }
0x1cb: {  	[spmem:s3] =	stream.indirect.scatter.add.f32 [tilespmem:s25], [sflag:$0x5], $0x40, s15, s18, $0xb8;
	[tilespmem:$0x1D000] =	vst v63  }
0x1cc: {  	_ =	swait.ge [sflag:s14], $0x2000  }
0x1cd: {  	[sflag:s14] =	ssyncset.done $0x0  }
0x1ce: {  	[sflag:s14] =	ssyncadd.s32 $0xFFFFE000  }
0x1cf: {  	[bflag:$0x0] =	sbarrier.arrive $0xFFFF  }
0x1d0: {  	s20 =	rddreg [dreg:$0x8]  }
0x1d1: {  	s2 =	rddreg [dreg:$0xc]  }
0x1d2: {  	s6 =	rddreg [dreg:$0xf]  }
0x1d3: {  	[hbm:s2], [sflag:s20] =	dma.local [spmem:s6], $0x1400  }
0x1d4: {  	_ =	swait.ge [sflag:s14], $0x1400  }
0x1d5: {  	s2 =	rddreg [dreg:$0x10]  }
0x1d6: {  	s6 =	rddreg [dreg:$0xd];
	s20 =	sadd.s32 $0x1, s2  }
0x1d7: {  	p0 =	sne.s32 s20, s6  }
.Ltmp1:
0x1d8: {  	_ = 	snop;
	(pc) =	sbr.rel @p0 .LBB2_1-.Ltmp1, $3  }
0x1d9: {  	_ =	sdelay $0x1  }
0x1da: {  	[sflag:s14] =	ssyncset.done $0x0  }
0x1db: {  	[sflag:s14] =	ssyncadd.s32 $0xFFFFEC00  }
0x1dc: {  	_ =	sfence.sel $0x180000  }
0x1dd: {  	[bflag:$0x0] =	sbarrier.arrive $0xFFFF  }
0x1de: {  	_ =	strace $0x9000004A  }
0x1df: {  	s0 =	stileid.u32;
	[bflag:$0x2] =	sbarrier.arrive $0xFFFF  }
0x1e0: {  	p0 =	sne.s32 s0, $0x0;
	s0 =	rddreg [dreg:$0x4]  }
0x1e1: {  	s0 =	sadd.s32 @!p0 $0x100000, s0  }
0x1e2: {  	[sflag:s0] =	ssyncadd.tile.s32 @!p0 $0x1;
	_ =	shalt  }
.Lfunc_end2:
_tile_overlayer_lowered:
.L_overlay_start_2:
0x1e3: {  	(tag) =	ssettag $0x2  }
0x1e4: {  	s0 =	rddreg [dreg:$0x0];
	s2 =	stileid.u32  }
0x1e5: {  	s1 =	rddreg [dreg:$0x1];
	p0 =	sne.s32 s2, $0x0  }
0x1e6: {  	s3 =	rddreg [dreg:$0x2];
	[bflag:$0x3] =	sbarrier.arrive $0xFFFF;
	s2 =	simm.s32 @!p0 $0x1C05  }
0x1e7: {  	[timem:s3], [sflag:s2] =	dma.local @!p0 [hbm:s0], s1  }
0x1e8: {  	s0 =	simm.s32 @!p0 $0x5  }
0x1e9: {  	_ =	swait.ge @!p0 [sflag:s0], s1  }
0x1ea: {  	s1 =	ssub.s32 @!p0 $0x0, s1;
	[sflag:s0] =	ssyncset.done @!p0 $0x0  }
0x1eb: {  	[sflag:s0] =	ssyncadd.s32 @!p0 s1  }
0x1ec: {  	[bflag:$0x3] =	sbarrier.arrive $0xFFFF  }
0x1ed: {  	_ =	shalt  }

// kernel: kernel.16.cloned.1.call-start
scs
__scs_entry_jumppad:
0x0: {  	(pc) =	sbr.rel $0x88, $3  }
0x1: {  	(tag) =	ssettag $0x0;
	lr =	simm.s32 $0x1  }
0x2: {  	[smem:$0x3F95] =	sst lr;
	_ =	strace $0xD0000000  }
0x3: {  	_ = 	snop  }
0x4: {  	_ = 	snop  }
0x5: {  	_ = 	snop  }
0x6: {  	_ = 	snop  }
0x7: {  	_ = 	snop  }
__scs_overlays_trampoline_lowered:
0x8: {  	[smem:$0x3FA4] =	sst s0  }
0x9: {  	[smem:$0x3FA5] =	sst s1  }
0xa: {  	[smem:$0x3FA6] =	sst s2  }
0xb: {  	[smem:$0x3FA7] =	sst s3  }
0xc: {  	[smem:$0x3FA8] =	sst s4  }
0xd: {  	[smem:$0x3FA9] =	sst s5  }
0xe: {  	[smem:$0x3FAA] =	sst s6  }
0xf: {  	[smem:$0x3FAB] =	sst s7  }
0x10: {  	[smem:$0x3FAC] =	sst s8  }
0x11: {  	[smem:$0x3FAD] =	sst s9;
	s0 =	simm.s32 @!p0 $0x0  }
0x12: {  	s1 =	sld [smem:$0x3F93];
	s0 =	simm.s32 @p0 $0x1  }
0x13: {  	[smem:$0x3FAE] =	sst s0;
	s0 =	simm.s32 @!p1 $0x0  }
0x14: {  	s2 =	sld [smem:$0x3F92];
	s0 =	simm.s32 @p1 $0x1  }
0x15: {  	[smem:$0x3FAF] =	sst s0;
	s0 =	simm.s32 @!p2 $0x0  }
0x16: {  	s3 =	sld [smem:$0x3FDB];
	s0 =	simm.s32 @p2 $0x1  }
0x17: {  	s4 =	simm.s32 $0x1BF5;
	[smem:$0x3FB1] =	sst s0  }
0x18: {  	s0 =	sld [smem:$0x3F94];
	_ =	swait.ge [sflag:s4], $0x0  }
0x19: {  	s7 =	sld [smem:$0x3F95]  }
0x1a: {  	s8 =	sadd.s32 $0xFFFFE003, lr  }
0x1b: {  	s9 =	sadd.s32 $0xFFFFFEF7, lr;
	s5 =	simm.s32 $0xFFFFFFFF;
	p2 =	slt.u32 s8, $0xFFFFF086  }
0x1c: {  	p1 =	slt.u32 s9, $0xF7A;
	s5 =	simm.s32 @!p2 $0x0  }
0x1d: {  	s5 =	simm.s32 @p1 $0x1;
	p0 =	seq.s32 s7, s2  }
0x1e: {  	s7 =	smul.u32 @!p0 $0xF7A, s2;
	p2 =	seq.s32 @!p0 s5, $0x0  }
0x1f: {  	s9 =	smul.u32 $0xF7A, s1;
	s8 =	simm.s32 @!p0 $0x1BF5;
	p2 =	por !p2, p0  }
0x20: {  	[sflag:s8] =	ssyncset.s32 @!p0 $0xFFFFF086;
	s6 =	sadd.s32 @!p0 s3, s7;
	s7 =	simm.s32 @!p0 $0x108  }
0x21: {  	s3 =	sadd.s32 s3, s9;
	s6 =	sadd.s32 @!p0 $0x88, s6;
	s7 =	simm.s32 @p2 $0x1082  }
0x22: {  	[simem:s7], [sflag:s8] =	dma.local @!p0 [hbm:s6], $0xF7A  }
0x23: {  	s9 =	sor.u32 $0xD0000000, s2;
	s6 =	simm.s32 $0x108;
	_ =	swait.ge @!p0 [sflag:s8], $0x0  }
0x24: {  	s3 =	sadd.s32 $0x88, s3;
	s6 =	simm.s32 @!p1 $0x1082;
	[sflag:s4] =	ssyncset.s32 $0xFFFFF086  }
0x25: {  	[simem:s6], [sflag:s4] =	dma.local [hbm:s3], $0xF7A  }
0x26: {  	[smem:$0x3F95] =	sst s1;
	(tag) =	ssettag s2;
	_ =	strace s9  }
0x27: {  	s1 =	sld [smem:$0x3FA5]  }
0x28: {  	s2 =	sld [smem:$0x3FA6]  }
0x29: {  	s4 =	sld [smem:$0x3FA8]  }
0x2a: {  	p0 =	seq.s32 s5, $0x0;
	s5 =	sld [smem:$0x3FA9]  }
0x2b: {  	s6 =	sld [smem:$0x3FAA]  }
0x2c: {  	s7 =	sld [smem:$0x3FAB]  }
0x2d: {  	s3 =	simm.s32 $0x108;
	s8 =	sld [smem:$0x3FAC]  }
0x2e: {  	s3 =	simm.s32 @!p0 $0x1082;
	s9 =	sld [smem:$0x3FAD]  }
0x2f: {  	lr =	sadd.s32 s0, s3;
	s0 =	sld [smem:$0x3FA4]  }
0x30: {  	s3 =	sld [smem:$0x3FA7]  }
0x31: {  	[smem:$0x3FB0] =	sst s10  }
0x32: {  	s10 =	sld [smem:$0x3FAE];
	_ =	sdelay $0x3  }
0x33: {  	p0 =	seq.s32 s10, $0x1;
	s10 =	sld [smem:$0x3FB0];
	_ =	sdelay $0x3  }
0x34: {  	[smem:$0x3FB0] =	sst s10  }
0x35: {  	s10 =	sld [smem:$0x3FAF];
	_ =	sdelay $0x3  }
0x36: {  	p1 =	seq.s32 s10, $0x1;
	s10 =	sld [smem:$0x3FB0];
	_ =	sdelay $0x3  }
0x37: {  	[smem:$0x3FB0] =	sst s10  }
0x38: {  	s10 =	sld [smem:$0x3FB1]  }
0x39: {  	_ = 	snop;
	(pc) =	sbr.ind lr, $3  }
0x3a: {  	_ = 	snop  }
0x3b: {  	_ = 	snop  }
0x3c: {  	p2 =	seq.s32 s10, $0x1;
	s10 =	sld [smem:$0x3FB0]  }
0x3d: {  	_ =	shalt  }
0x3e: {  	_ =	shalt  }
0x3f: {  	_ =	shalt  }
0x40: {  	_ =	shalt  }
0x41: {  	_ =	shalt  }
0x42: {  	_ =	shalt  }
0x43: {  	_ =	shalt  }
0x44: {  	_ =	shalt  }
0x45: {  	_ =	shalt  }
0x46: {  	_ =	shalt  }
0x47: {  	_ =	shalt  }
0x48: {  	_ =	shalt  }
0x49: {  	_ =	shalt  }
0x4a: {  	_ =	shalt  }
0x4b: {  	_ =	shalt  }
0x4c: {  	_ =	shalt  }
0x4d: {  	_ =	shalt  }
0x4e: {  	_ =	shalt  }
0x4f: {  	_ =	shalt  }
0x50: {  	_ =	shalt  }
0x51: {  	_ =	shalt  }
0x52: {  	_ =	shalt  }
0x53: {  	_ =	shalt  }
0x54: {  	_ =	shalt  }
0x55: {  	_ =	shalt  }
0x56: {  	_ =	shalt  }
0x57: {  	_ =	shalt  }
0x58: {  	_ =	shalt  }
0x59: {  	_ =	shalt  }
0x5a: {  	_ =	shalt  }
0x5b: {  	_ =	shalt  }
0x5c: {  	_ =	shalt  }
0x5d: {  	_ =	shalt  }
0x5e: {  	_ =	shalt  }
0x5f: {  	_ =	shalt  }
0x60: {  	_ =	shalt  }
0x61: {  	_ =	shalt  }
0x62: {  	_ =	shalt  }
0x63: {  	_ =	shalt  }
0x64: {  	_ =	shalt  }
0x65: {  	_ =	shalt  }
0x66: {  	_ =	shalt  }
0x67: {  	_ =	shalt  }
0x68: {  	_ =	shalt  }
0x69: {  	_ =	shalt  }
0x6a: {  	_ =	shalt  }
0x6b: {  	_ =	shalt  }
0x6c: {  	_ =	shalt  }
0x6d: {  	_ =	shalt  }
0x6e: {  	_ =	shalt  }
0x6f: {  	_ =	shalt  }
0x70: {  	_ =	shalt  }
0x71: {  	_ =	shalt  }
0x72: {  	_ =	shalt  }
0x73: {  	_ =	shalt  }
0x74: {  	_ =	shalt  }
0x75: {  	_ =	shalt  }
0x76: {  	_ =	shalt  }
0x77: {  	_ =	shalt  }
0x78: {  	_ =	shalt  }
0x79: {  	_ =	shalt  }
0x7a: {  	_ =	shalt  }
0x7b: {  	_ =	shalt  }
0x7c: {  	_ =	shalt  }
0x7d: {  	_ =	shalt  }
0x7e: {  	_ =	shalt  }
0x7f: {  	_ =	shalt  }
0x80: {  	_ =	shalt  }
0x81: {  	_ =	shalt  }
0x82: {  	_ =	shalt  }
0x83: {  	_ =	shalt  }
0x84: {  	_ =	shalt  }
0x85: {  	_ =	shalt  }
0x86: {  	_ =	shalt  }
0x87: {  	_ =	shalt  }
.Lfunc_end0:
.L_simem_size_0:
called_computation.2_lowered:
.L_overlay_start_0:
0x88: {  	s2 =	sld [smem:$0x3FD9]  }
0x89: {  	s3 =	sld [smem:$0x3FFE];
	_ =	sdelay $0x1  }
0x8a: {  	s1 =	srdreg.scid  }
0x8b: {  	s0 =	sand.u32 $0x1, s1  }
0x8c: {  	s17 =	sshll.u32 s0, $0xA;
	s2 =	sadd.s32 s3, s2  }
0x8d: {  	s2 =	sadd.s32 s2, s17  }
0x8e: {  	[smem:$0x3FBC] =	sst s2  }
0x8f: {  	_ = 	snop  }
0x90: {  	s2 =	sld [smem:$0x3FD0];
	(tm) =	ssettm $0x1  }
0x91: {  	s18 =	sld [smem:$0x3FFB];
	_ =	sdelay $0x3  }
0x92: {  	_ =	strace s18  }
0x93: {  	s3 =	sld [smem:$0x3FFC];
	_ =	sdelay $0x3  }
0x94: {  	_ =	strace s3  }
0x95: {  	s3 =	sld [smem:$0x3FFD];
	_ =	sdelay $0x3  }
0x96: {  	_ =	strace s3  }
0x97: {  	_ =	strace $0x8FFFFFFF  }
0x98: {  	s19 =	sld [smem:$0x3FDB];
	_ =	sdelay $0x1  }
0x99: {  	s4 =	simm.s32 $_scs_section_size  }
0x9a: {  	s5 =	simm.s32 $_size__tile_overlayer_lowered;
	s6 =	simm.s32 $_tile_overlayer_lowered  }
0x9b: {  	s22 =	simm.s32 $0x1BFF;
	s21 =	sshll.u32 s6, $0x1;
	s3 =	sadd.s32 s4, s19  }
0x9c: {  	s7 =	simm.s32 $0x0;
	s20 =	sshll.u32 s5, $0x1;
	s5 =	sadd.s32 s21, s3  }
0x9d: {  	[timem:s7], [sflag:s22] =	dma.local [hbm:s5], s20  }
0x9e: {  	_ =	swait.ge [sflag:s22], s20  }
0x9f: {  	s4 =	ssub.s32 $0x0, s20;
	[sflag:s22] =	ssyncset.done $0x0  }
0xa0: {  	[sflag:s22] =	ssyncadd.s32 s4;
	_ =	sdelay $0x1  }
0xa1: {  	s23 =	simm.s32 $0x1B8B  }
0xa2: {  	_ =	swait.ge [sflag:s23], $0x1  }
0xa3: {  	[sflag:s23] =	ssyncset.done $0x0  }
0xa4: {  	s25 =	simm.s32 $0x1B8E;
	s24 =	sld [smem:$0x3FFE];
	[sflag:s23] =	ssyncadd.s32 $0xFFFFFFFF  }
0xa5: {  	s26 =	simm.s32 $execute0_lowered;
	[smem:$0x3FD2] =	sst s25  }
0xa6: {  	s5 =	sshll.u32 s26, $0x1;
	_ =	strace $0x8000004C;
	[dreg:$0x1] =	wrdreg $0xFFFFFFFF  }
0xa7: {  	s28 =	simm.s32 $_size_execute0_lowered;
	s3 =	sadd.s32 s3, s5;
	[dreg:$0x0] =	wrdreg $0x0  }
0xa8: {  	s5 =	sshll.u32 s28, $0x1;
	[dreg:$0x2] =	wrdreg s3  }
0xa9: {  	[dreg:$0x3] =	wrdreg s5  }
0xaa: {  	[dreg:$0x4] =	wrdreg $0xC0  }
0xab: {  	_ =	task [dreg:s7], $0x5FFFF  }
0xac: {  	[dreg:$0x1] =	wrdreg $0xFFFFFFFF  }
0xad: {  	[dreg:$0x0] =	wrdreg $0x60  }
0xae: {  	[dreg:$0x2] =	wrdreg s24  }
0xaf: {  	[dreg:$0x3] =	wrdreg s2  }
0xb0: {  	[dreg:$0x4] =	wrdreg $0x0  }
0xb1: {  	[dreg:$0x5] =	wrdreg $0xA0000  }
0xb2: {  	[dreg:$0x6] =	wrdreg $0x9  }
0xb3: {  	_ =	task.clear_ibuf [dreg:s7], $0x7FFFF;
	_ =	strace $0x9000004C  }
0xb4: {  	s29 =	simm.s32 $0x9;
	_ =	strace $0x8000004E  }
0xb5: {  	_ =	swait.ge [sflag:s29], $0x1  }
0xb6: {  	[sflag:s29] =	ssyncadd.s32 $0xFFFFFFFF  }
0xb7: {  	_ =	strace $0x9000004E  }
0xb8: {  	_ =	sfence  }
0xb9: {  	s30 =	sld [smem:$0x0];
	_ =	sdelay $0x2  }
0xba: {  	s31 =	sshll.u32 s1, $0xD;
	s1 =	sshrl.u32 s1, $0x2  }
0xbb: {  	s3 =	sand.u32 $0x4000, s31;
	s1 =	sadd.s32 s1, s30  }
0xbc: {  	s0 =	sor.u32 s3, s0;
	s1 =	sshll.u32 s1, $0x11  }
0xbd: {  	s0 =	sor.u32 s1, s0  }
0xbe: {  	s0 =	sadd.s32 $0x8F2B, s0  }
0xbf: {  	[sflag:s0] =	ssyncadd.remote.s32 $0x1  }
0xc0: {  	_ =	sfence.sel $0xFFFF  }
0xc1: {  	[dreg:$0x0] =	wrdreg $0xFFFFFFFF;
	(pc) =	sbr.abs _section_cstart, $3  }
0xc2: {  	[dreg:$0x1] =	wrdreg $0xFFFFFFFF  }
0xc3: {  	_ =	task.clear_ibuf [dreg:s7], $0x2FFFF;
	_ =	strace $0x9FFFFFFF  }
0xc4: {  	(tm) =	ssettm $0x7FFFFFFF  }
0xc5: {  	_ =	shalt  }
tec
execute0_lowered:
.L_overlay_start_1:
0x0: {  	(tag) =	ssettag $0x1  }
0x1: {  	s0 =	rddreg [dreg:$0x0]  }
0x2: {  	s1 =	rddreg [dreg:$0x1]  }
0x3: {  	s12 =	rddreg [dreg:$0x2]  }
0x4: {  	s3 =	rddreg [dreg:$0x3]  }
0x5: {  	s2 =	srdreg.scid;
	s14 =	stileid.u32;
	s4 =	simm.s32 $0x0  }
0x6: {  	s29 =	simm.s32 $0x2;
	s28 =	simm.s32 $0x14600;
	s30 =	simm.s32 $0x14C80  }
0x7: {  	s31 =	simm.s32 $0x14680;
	s2 =	sand.u32 $0x1, s2;
	s5 =	smul.u32 $0xA000, s14  }
0x8: {  	[smem:$0x7FF] =	sst s4;
	s7 =	sadd.s32 $0x90000, s0;
	s13 =	smul.u32 $0x5000, s14  }
0x9: {  	s9 =	sadd.s32 $0x4000, s0;
	s11 =	sadd.s32 $0xE000, s0;
	s20 =	smul.u32 $0xA00, s14  }
0xa: {  	s16 =	sshll.u32 s14, $0x6;
	s14 =	simm.s32 $0x5;
	s6 =	smul.u32 $0xA0000, s2  }
0xb: {  	_ =	strace $0x8000004D;
	s2 =	ssub.s32 $0x2, s2;
	s17 =	sor.u32 $0x1C05, s16  }
0xc: {  	s16 =	simm.s32 $0x14000;
	s10 =	sshrl.u32 s2, $0x1;
	s15 =	sadd.s32 s5, s12  }
0xd: {  	[dreg:$0x8] =	wrdreg s17;
	s18 =	sadd.s32 s5, s3;
	s19 =	sshrl.u32 s13, $0x3  }
0xe: {  	s24 =	sadd.s32 s20, s11;
	s25 =	sadd.s32 s20, s9;
	s17 =	simm.s32 $0x14800  }
0xf: {  	s12 =	simm.s32 $0x14E80;
	s13 =	simm.s32 $0x14F00;
	s20 =	simm.s32 $0x0  }
0x10: {  	s8 =	sadd.s32 s5, s6;
	s2 =	ssub.s32 s2, s10;
	s5 =	sshrl.u32 s5, $0x3  }
0x11: {  	s21 =	sshrl.u32 s6, $0x3;
	s22 =	sadd.s32 $0x900, s19;
	[dreg:$0x5] =	wrdreg s24  }
0x12: {  	[dreg:$0x6] =	wrdreg s25;
	s19 =	simm.s32 $0x15000;
	s25 =	simm.s32 $0x1B000  }
0x13: {  	s24 =	simm.s32 $0x14C00;
	s10 =	simm.s32 $0x14780;
	s8 =	sshrl.u32 s8, $0x3  }
0x14: {  	s1 =	sadd.s32 s1, s5;
	s23 =	sadd.s32 s9, s22;
	s5 =	sadd.s32 s11, s22  }
0x15: {  	s26 =	smax.u32 s2, $0x1;
	s2 =	sshrl.u32 s18, $0x3;
	[dreg:$0x9] =	wrdreg s1  }
0x16: {  	s18 =	simm.s32 $0x80;
	s22 =	simm.s32 $0x14580;
	[dreg:$0xa] =	wrdreg s23  }
0x17: {  	s9 =	simm.s32 $0x14D80;
	s11 =	simm.s32 $0x14E00;
	[dreg:$0xb] =	wrdreg s5  }
0x18: {  	s0 =	sadd.s32 s8, s0;
	s8 =	sadd.s32 s7, s8;
	[dreg:$0xd] =	wrdreg s26  }
0x19: {  	s1 =	sshrl.u32 s15, $0x3;
	s23 =	simm.s32 $0x19000;
	s26 =	simm.s32 $0x1  }
0x1a: {  	s5 =	simm.s32 $0x14700;
	s15 =	simm.s32 $0x14F80;
	[dreg:$0xf] =	wrdreg s2  }
0x1b: {  	[dreg:$0x7] =	wrdreg s8;
	s8 =	sadd.s32 s7, s21;
	s0 =	sadd.s32 $0xB8000, s0  }
0x1c: {  	[dreg:$0xe] =	wrdreg s1;
	s21 =	simm.s32 $0x17000;
	s7 =	simm.s32 $0x4  }
0x1d: {  	s1 =	simm.s32 $0x14D00;
	[dreg:$0xc] =	wrdreg s0;
	s0 =	simm.s32 $0x3  }
.LBB2_1:
0x1e: {  	[dreg:$0x10] =	wrdreg s20  }
0x1f: {  	s2 =	rddreg [dreg:$0x7]  }
0x20: {  	s6 =	rddreg [dreg:$0xe]  }
0x21: {  	s20 =	rddreg [dreg:$0x8]  }
0x22: {  	[spmem:s6], [sflag:s20] =	dma.local [hbm:s2], $0x1400  }
0x23: {  	_ =	swait.ge [sflag:s14], $0x1400  }
0x24: {  	[sflag:s14] =	ssyncset.done $0x0;
	s2 =	rddreg [dreg:$0x9]  }
0x25: {  	s6 =	rddreg [dreg:$0xf];
	[sflag:s14] =	ssyncadd.s32 $0xFFFFEC00  }
0x26: {  	[spmem:s6], [sflag:s20] =	dma.local [hbm:s2], $0x1400  }
0x27: {  	_ =	swait.ge [sflag:s14], $0x1400  }
0x28: {  	[sflag:s14] =	ssyncset.done $0x0  }
0x29: {  	[sflag:s14] =	ssyncadd.s32 $0xFFFFEC00  }
0x2a: {  	[bflag:$0x0] =	sbarrier.arrive $0xFFFF  }
0x2b: {  	s20 =	rddreg [dreg:$0x6]  }
0x2c: {  	s6 =	sadd.s32 $0x0, s20  }
0x2d: {  	[tilespmem:s16], [sflag:$0x5] =	stream.linear.gather [hbm4b:s6+s4], $0x800, $0x38;
	[tilespmem:$0x1D000] =	vst v63  }
0x2e: {  	_ =	swait.ge [sflag:s14], $0x800  }
0x2f: {  	s2 =	rddreg [dreg:$0x5];
	[sflag:s14] =	ssyncset.done $0x0  }
0x30: {  	[sflag:s14] =	ssyncadd.s32 $0xFFFFF800;
	s6 =	sadd.s32 $0x0, s2  }
0x31: {  	[tilespmem:s17], [sflag:$0x5] =	stream.linear.gather [hbm4b:s6+s4], $0x800, $0x38;
	[tilespmem:$0x1D000] =	vst v63  }
0x32: {  	_ =	swait.ge [sflag:s14], $0x800  }
0x33: {  	[sflag:s14] =	ssyncset.done $0x0  }
0x34: {  	[sflag:s14] =	ssyncadd.s32 $0xFFFFF800  }
0x35: {  	[tilespmem:s19], [sflag:$0x1] =	stream.indirect.gather [hbm4b:s8+s18], $0x40, s16, s18, $0xb8;
	[tilespmem:$0x1D000] =	vst v63  }
0x36: {  	s20 =	simm.s32 $0x14080  }
0x37: {  	[tilespmem:s21], [sflag:$0x2] =	stream.indirect.gather [hbm4b:s8+s18], $0x40, s20, s18, $0xb8;
	[tilespmem:$0x1D000] =	vst v63  }
0x38: {  	s6 =	simm.s32 $0x14100  }
0x39: {  	[tilespmem:s23], [sflag:$0x3] =	stream.indirect.gather [hbm4b:s8+s18], $0x40, s6, s18, $0xb8;
	[tilespmem:$0x1D000] =	vst v63  }
0x3a: {  	s20 =	simm.s32 $0x14180  }
0x3b: {  	[tilespmem:s25], [sflag:$0x4] =	stream.indirect.gather [hbm4b:s8+s18], $0x40, s20, s18, $0xb8;
	[tilespmem:$0x1D000] =	vst v63  }
0x3c: {  	_ =	swait.ge [sflag:s26], $0x2000  }
0x3d: {  	[sflag:s26] =	ssyncset.done $0x0  }
0x3e: {  	[sflag:s26] =	ssyncadd.s32 $0xFFFFE000  }
0x3f: {  	[spmem:s3] =	stream.indirect.scatter.add.f32 [tilespmem:s19], [sflag:$0x5], $0x40, s17, s18, $0xb8;
	[tilespmem:$0x1D000] =	vst v63  }
0x40: {  	_ =	swait.ge [sflag:s14], $0x2000  }
0x41: {  	[sflag:s14] =	ssyncset.done $0x0  }
0x42: {  	s6 =	simm.s32 $0x14200;
	[sflag:s14] =	ssyncadd.s32 $0xFFFFE000  }
0x43: {  	[tilespmem:s19], [sflag:$0x1] =	stream.indirect.gather [hbm4b:s8+s18], $0x40, s6, s18, $0xb8;
	[tilespmem:$0x1D000] =	vst v63  }
0x44: {  	_ =	swait.ge [sflag:s29], $0x2000  }
0x45: {  	[sflag:s29] =	ssyncset.done $0x0  }
0x46: {  	s20 =	simm.s32 $0x14880;
	[sflag:s29] =	ssyncadd.s32 $0xFFFFE000  }
0x47: {  	[spmem:s3] =	stream.indirect.scatter.add.f32 [tilespmem:s21], [sflag:$0x5], $0x40, s20, s18, $0xb8;
	[tilespmem:$0x1D000] =	vst v63  }
0x48: {  	_ =	swait.ge [sflag:s14], $0x2000  }
0x49: {  	[sflag:s14] =	ssyncset.done $0x0  }
0x4a: {  	s6 =	simm.s32 $0x14280;
	[sflag:s14] =	ssyncadd.s32 $0xFFFFE000  }
0x4b: {  	[tilespmem:s21], [sflag:$0x2] =	stream.indirect.gather [hbm4b:s8+s18], $0x40, s6, s18, $0xb8;
	[tilespmem:$0x1D000] =	vst v63  }
0x4c: {  	_ =	swait.ge [sflag:s0], $0x2000  }
0x4d: {  	[sflag:s0] =	ssyncset.done $0x0  }
0x4e: {  	s20 =	simm.s32 $0x14900;
	[sflag:s0] =	ssyncadd.s32 $0xFFFFE000  }
0x4f: {  	[spmem:s3] =	stream.indirect.scatter.add.f32 [tilespmem:s23], [sflag:$0x5], $0x40, s20, s18, $0xb8;
	[tilespmem:$0x1D000] =	vst v63  }
0x50: {  	_ =	swait.ge [sflag:s14], $0x2000  }
0x51: {  	[sflag:s14] =	ssyncset.done $0x0  }
0x52: {  	s6 =	simm.s32 $0x14300;
	[sflag:s14] =	ssyncadd.s32 $0xFFFFE000  }
0x53: {  	[tilespmem:s23], [sflag:$0x3] =	stream.indirect.gather [hbm4b:s8+s18], $0x40, s6, s18, $0xb8;
	[tilespmem:$0x1D000] =	vst v63  }
0x54: {  	_ =	swait.ge [sflag:s7], $0x2000  }
0x55: {  	[sflag:s7] =	ssyncset.done $0x0  }
0x56: {  	s20 =	simm.s32 $0x14980;
	[sflag:s7] =	ssyncadd.s32 $0xFFFFE000  }
0x57: {  	[spmem:s3] =	stream.indirect.scatter.add.f32 [tilespmem:s25], [sflag:$0x5], $0x40, s20, s18, $0xb8;
	[tilespmem:$0x1D000] =	vst v63  }
0x58: {  	_ =	swait.ge [sflag:s14], $0x2000  }
0x59: {  	[sflag:s14] =	ssyncset.done $0x0  }
0x5a: {  	s6 =	simm.s32 $0x14380;
	[sflag:s14] =	ssyncadd.s32 $0xFFFFE000  }
0x5b: {  	[tilespmem:s25], [sflag:$0x4] =	stream.indirect.gather [hbm4b:s8+s18], $0x40, s6, s18, $0xb8;
	[tilespmem:$0x1D000] =	vst v63  }
0x5c: {  	_ =	swait.ge [sflag:s26], $0x2000  }
0x5d: {  	[sflag:s26] =	ssyncset.done $0x0  }
0x5e: {  	s20 =	simm.s32 $0x14A00;
	[sflag:s26] =	ssyncadd.s32 $0xFFFFE000  }
0x5f: {  	[spmem:s3] =	stream.indirect.scatter.add.f32 [tilespmem:s19], [sflag:$0x5], $0x40, s20, s18, $0xb8;
	[tilespmem:$0x1D000] =	vst v63  }
0x60: {  	_ =	swait.ge [sflag:s14], $0x2000  }
0x61: {  	[sflag:s14] =	ssyncset.done $0x0  }
0x62: {  	s6 =	simm.s32 $0x14400;
	[sflag:s14] =	ssyncadd.s32 $0xFFFFE000  }
0x63: {  	[tilespmem:s19], [sflag:$0x1] =	stream.indirect.gather [hbm4b:s8+s18], $0x40, s6, s18, $0xb8;
	[tilespmem:$0x1D000] =	vst v63  }
0x64: {  	_ =	swait.ge [sflag:s29], $0x2000  }
0x65: {  	[sflag:s29] =	ssyncset.done $0x0  }
0x66: {  	s20 =	simm.s32 $0x14A80;
	[sflag:s29] =	ssyncadd.s32 $0xFFFFE000  }
0x67: {  	[spmem:s3] =	stream.indirect.scatter.add.f32 [tilespmem:s21], [sflag:$0x5], $0x40, s20, s18, $0xb8;
	[tilespmem:$0x1D000] =	vst v63  }
0x68: {  	_ =	swait.ge [sflag:s14], $0x2000  }
0x69: {  	[sflag:s14] =	ssyncset.done $0x0  }
0x6a: {  	s6 =	simm.s32 $0x14480;
	[sflag:s14] =	ssyncadd.s32 $0xFFFFE000  }
0x6b: {  	[tilespmem:s21], [sflag:$0x2] =	stream.indirect.gather [hbm4b:s8+s18], $0x40, s6, s18, $0xb8;
	[tilespmem:$0x1D000] =	vst v63  }
0x6c: {  	_ =	swait.ge [sflag:s0], $0x2000  }
0x6d: {  	[sflag:s0] =	ssyncset.done $0x0  }
0x6e: {  	s20 =	simm.s32 $0x14B00;
	[sflag:s0] =	ssyncadd.s32 $0xFFFFE000  }
0x6f: {  	[spmem:s3] =	stream.indirect.scatter.add.f32 [tilespmem:s23], [sflag:$0x5], $0x40, s20, s18, $0xb8;
	[tilespmem:$0x1D000] =	vst v63  }
0x70: {  	_ =	swait.ge [sflag:s14], $0x2000  }
0x71: {  	[sflag:s14] =	ssyncset.done $0x0  }
0x72: {  	s6 =	simm.s32 $0x14500;
	[sflag:s14] =	ssyncadd.s32 $0xFFFFE000  }
0x73: {  	[tilespmem:s23], [sflag:$0x3] =	stream.indirect.gather [hbm4b:s8+s18], $0x40, s6, s18, $0xb8;
	[tilespmem:$0x1D000] =	vst v63  }
0x74: {  	_ =	swait.ge [sflag:s7], $0x2000  }
0x75: {  	[sflag:s7] =	ssyncset.done $0x0  }
0x76: {  	s20 =	simm.s32 $0x14B80;
	[sflag:s7] =	ssyncadd.s32 $0xFFFFE000  }
0x77: {  	[spmem:s3] =	stream.indirect.scatter.add.f32 [tilespmem:s25], [sflag:$0x5], $0x40, s20, s18, $0xb8;
	[tilespmem:$0x1D000] =	vst v63  }
0x78: {  	_ =	swait.ge [sflag:s14], $0x2000  }
0x79: {  	[sflag:s14] =	ssyncset.done $0x0  }
0x7a: {  	[sflag:s14] =	ssyncadd.s32 $0xFFFFE000  }
0x7b: {  	[tilespmem:s25], [sflag:$0x4] =	stream.indirect.gather [hbm4b:s8+s18], $0x40, s22, s18, $0xb8;
	[tilespmem:$0x1D000] =	vst v63  }
0x7c: {  	_ =	swait.ge [sflag:s26], $0x2000  }
0x7d: {  	[sflag:s26] =	ssyncset.done $0x0  }
0x7e: {  	[sflag:s26] =	ssyncadd.s32 $0xFFFFE000  }
0x7f: {  	[spmem:s3] =	stream.indirect.scatter.add.f32 [tilespmem:s19], [sflag:$0x5], $0x40, s24, s18, $0xb8;
	[tilespmem:$0x1D000] =	vst v63  }
0x80: {  	_ =	swait.ge [sflag:s14], $0x2000  }
0x81: {  	[sflag:s14] =	ssyncset.done $0x0  }
0x82: {  	[sflag:s14] =	ssyncadd.s32 $0xFFFFE000  }
0x83: {  	[tilespmem:s19], [sflag:$0x1] =	stream.indirect.gather [hbm4b:s8+s18], $0x40, s28, s18, $0xb8;
	[tilespmem:$0x1D000] =	vst v63  }
0x84: {  	_ =	swait.ge [sflag:s29], $0x2000  }
0x85: {  	[sflag:s29] =	ssyncset.done $0x0  }
0x86: {  	[sflag:s29] =	ssyncadd.s32 $0xFFFFE000  }
0x87: {  	[spmem:s3] =	stream.indirect.scatter.add.f32 [tilespmem:s21], [sflag:$0x5], $0x40, s30, s18, $0xb8;
	[tilespmem:$0x1D000] =	vst v63  }
0x88: {  	_ =	swait.ge [sflag:s14], $0x2000  }
0x89: {  	[sflag:s14] =	ssyncset.done $0x0  }
0x8a: {  	[sflag:s14] =	ssyncadd.s32 $0xFFFFE000  }
0x8b: {  	[tilespmem:s21], [sflag:$0x2] =	stream.indirect.gather [hbm4b:s8+s18], $0x40, s31, s18, $0xb8;
	[tilespmem:$0x1D000] =	vst v63  }
0x8c: {  	_ =	swait.ge [sflag:s0], $0x2000  }
0x8d: {  	[sflag:s0] =	ssyncset.done $0x0  }
0x8e: {  	[sflag:s0] =	ssyncadd.s32 $0xFFFFE000  }
0x8f: {  	[spmem:s3] =	stream.indirect.scatter.add.f32 [tilespmem:s23], [sflag:$0x5], $0x40, s1, s18, $0xb8;
	[tilespmem:$0x1D000] =	vst v63  }
0x90: {  	_ =	swait.ge [sflag:s14], $0x2000  }
0x91: {  	[sflag:s14] =	ssyncset.done $0x0  }
0x92: {  	[sflag:s14] =	ssyncadd.s32 $0xFFFFE000  }
0x93: {  	[tilespmem:s23], [sflag:$0x3] =	stream.indirect.gather [hbm4b:s8+s18], $0x40, s5, s18, $0xb8;
	[tilespmem:$0x1D000] =	vst v63  }
0x94: {  	_ =	swait.ge [sflag:s7], $0x2000  }
0x95: {  	[sflag:s7] =	ssyncset.done $0x0  }
0x96: {  	[sflag:s7] =	ssyncadd.s32 $0xFFFFE000  }
0x97: {  	[spmem:s3] =	stream.indirect.scatter.add.f32 [tilespmem:s25], [sflag:$0x5], $0x40, s9, s18, $0xb8;
	[tilespmem:$0x1D000] =	vst v63  }
0x98: {  	_ =	swait.ge [sflag:s14], $0x2000  }
0x99: {  	[sflag:s14] =	ssyncset.done $0x0  }
0x9a: {  	[sflag:s14] =	ssyncadd.s32 $0xFFFFE000  }
0x9b: {  	[tilespmem:s25], [sflag:$0x4] =	stream.indirect.gather [hbm4b:s8+s18], $0x40, s10, s18, $0xb8;
	[tilespmem:$0x1D000] =	vst v63  }
0x9c: {  	_ =	swait.ge [sflag:s26], $0x2000  }
0x9d: {  	[sflag:s26] =	ssyncset.done $0x0  }
0x9e: {  	[sflag:s26] =	ssyncadd.s32 $0xFFFFE000  }
0x9f: {  	[spmem:s3] =	stream.indirect.scatter.add.f32 [tilespmem:s19], [sflag:$0x5], $0x40, s11, s18, $0xb8;
	[tilespmem:$0x1D000] =	vst v63  }
0xa0: {  	_ =	swait.ge [sflag:s14], $0x2000  }
0xa1: {  	[sflag:s14] =	ssyncset.done $0x0  }
0xa2: {  	[sflag:s14] =	ssyncadd.s32 $0xFFFFE000  }
0xa3: {  	_ =	swait.ge [sflag:s29], $0x2000  }
0xa4: {  	[sflag:s29] =	ssyncset.done $0x0  }
0xa5: {  	[sflag:s29] =	ssyncadd.s32 $0xFFFFE000  }
0xa6: {  	[spmem:s3] =	stream.indirect.scatter.add.f32 [tilespmem:s21], [sflag:$0x5], $0x40, s12, s18, $0xb8;
	[tilespmem:$0x1D000] =	vst v63  }
0xa7: {  	_ =	swait.ge [sflag:s14], $0x2000  }
0xa8: {  	[sflag:s14] =	ssyncset.done $0x0  }
0xa9: {  	[sflag:s14] =	ssyncadd.s32 $0xFFFFE000  }
0xaa: {  	_ =	swait.ge [sflag:s0], $0x2000  }
0xab: {  	[sflag:s0] =	ssyncset.done $0x0  }
0xac: {  	[sflag:s0] =	ssyncadd.s32 $0xFFFFE000  }
0xad: {  	[spmem:s3] =	stream.indirect.scatter.add.f32 [tilespmem:s23], [sflag:$0x5], $0x40, s13, s18, $0xb8;
	[tilespmem:$0x1D000] =	vst v63  }
0xae: {  	_ =	swait.ge [sflag:s14], $0x2000  }
0xaf: {  	[sflag:s14] =	ssyncset.done $0x0  }
0xb0: {  	[sflag:s14] =	ssyncadd.s32 $0xFFFFE000  }
0xb1: {  	_ =	swait.ge [sflag:s7], $0x2000  }
0xb2: {  	[sflag:s7] =	ssyncset.done $0x0  }
0xb3: {  	[sflag:s7] =	ssyncadd.s32 $0xFFFFE000  }
0xb4: {  	[spmem:s3] =	stream.indirect.scatter.add.f32 [tilespmem:s25], [sflag:$0x5], $0x40, s15, s18, $0xb8;
	[tilespmem:$0x1D000] =	vst v63  }
0xb5: {  	s6 =	simm.s32 $0x100;
	_ =	swait.ge [sflag:s14], $0x2000  }
.LBB2_2:
0xb6: {  	s2 =	rddreg [dreg:$0x6];
	s20 =	smov.u32 s6;
	[sflag:s14] =	ssyncset.done $0x0  }
0xb7: {  	s2 =	sadd.s32 s20, s2;
	[sflag:s14] =	ssyncadd.s32 $0xFFFFE000  }
0xb8: {  	[tilespmem:s16], [sflag:$0x5] =	stream.linear.gather [hbm4b:s2+s4], $0x800, $0x38;
	[tilespmem:$0x1D000] =	vst v63  }
0xb9: {  	_ =	swait.ge [sflag:s14], $0x800  }
0xba: {  	s2 =	rddreg [dreg:$0x5];
	[sflag:s14] =	ssyncset.done $0x0  }
0xbb: {  	[sflag:s14] =	ssyncadd.s32 $0xFFFFF800;
	s2 =	sadd.s32 s20, s2  }
0xbc: {  	[tilespmem:s17], [sflag:$0x5] =	stream.linear.gather [hbm4b:s2+s4], $0x800, $0x38;
	[tilespmem:$0x1D000] =	vst v63  }
0xbd: {  	_ =	swait.ge [sflag:s14], $0x800  }
0xbe: {  	[sflag:s14] =	ssyncset.done $0x0  }
0xbf: {  	[sflag:s14] =	ssyncadd.s32 $0xFFFFF800  }
0xc0: {  	[tilespmem:s19], [sflag:$0x1] =	stream.indirect.gather [hbm4b:s8+s18], $0x40, s16, s18, $0xb8;
	[tilespmem:$0x1D000] =	vst v63  }
0xc1: {  	s20 =	simm.s32 $0x14080  }
0xc2: {  	[tilespmem:s21], [sflag:$0x2] =	stream.indirect.gather [hbm4b:s8+s18], $0x40, s20, s18, $0xb8;
	[tilespmem:$0x1D000] =	vst v63  }
0xc3: {  	s20 =	simm.s32 $0x14100  }
0xc4: {  	[tilespmem:s23], [sflag:$0x3] =	stream.indirect.gather [hbm4b:s8+s18], $0x40, s20, s18, $0xb8;
	[tilespmem:$0x1D000] =	vst v63  }
0xc5: {  	s20 =	simm.s32 $0x14180  }
0xc6: {  	[tilespmem:s25], [sflag:$0x4] =	stream.indirect.gather [hbm4b:s8+s18], $0x40, s20, s18, $0xb8;
	[tilespmem:$0x1D000] =	vst v63  }
0xc7: {  	_ =	swait.ge [sflag:s26], $0x2000  }
0xc8: {  	[sflag:s26] =	ssyncset.done $0x0  }
0xc9: {  	[sflag:s26] =	ssyncadd.s32 $0xFFFFE000  }
0xca: {  	[spmem:s3] =	stream.indirect.scatter.add.f32 [tilespmem:s19], [sflag:$0x5], $0x40, s17, s18, $0xb8;
	[tilespmem:$0x1D000] =	vst v63  }
0xcb: {  	_ =	swait.ge [sflag:s14], $0x2000  }
0xcc: {  	[sflag:s14] =	ssyncset.done $0x0  }
0xcd: {  	s20 =	simm.s32 $0x14200;
	[sflag:s14] =	ssyncadd.s32 $0xFFFFE000  }
0xce: {  	[tilespmem:s19], [sflag:$0x1] =	stream.indirect.gather [hbm4b:s8+s18], $0x40, s20, s18, $0xb8;
	[tilespmem:$0x1D000] =	vst v63  }
0xcf: {  	_ =	swait.ge [sflag:s29], $0x2000  }
0xd0: {  	[sflag:s29] =	ssyncset.done $0x0  }
0xd1: {  	s20 =	simm.s32 $0x14880;
	[sflag:s29] =	ssyncadd.s32 $0xFFFFE000  }
0xd2: {  	[spmem:s3] =	stream.indirect.scatter.add.f32 [tilespmem:s21], [sflag:$0x5], $0x40, s20, s18, $0xb8;
	[tilespmem:$0x1D000] =	vst v63  }
0xd3: {  	_ =	swait.ge [sflag:s14], $0x2000  }
0xd4: {  	[sflag:s14] =	ssyncset.done $0x0  }
0xd5: {  	s20 =	simm.s32 $0x14280;
	[sflag:s14] =	ssyncadd.s32 $0xFFFFE000  }
0xd6: {  	[tilespmem:s21], [sflag:$0x2] =	stream.indirect.gather [hbm4b:s8+s18], $0x40, s20, s18, $0xb8;
	[tilespmem:$0x1D000] =	vst v63  }
0xd7: {  	_ =	swait.ge [sflag:s0], $0x2000  }
0xd8: {  	[sflag:s0] =	ssyncset.done $0x0  }
0xd9: {  	s20 =	simm.s32 $0x14900;
	[sflag:s0] =	ssyncadd.s32 $0xFFFFE000  }
0xda: {  	[spmem:s3] =	stream.indirect.scatter.add.f32 [tilespmem:s23], [sflag:$0x5], $0x40, s20, s18, $0xb8;
	[tilespmem:$0x1D000] =	vst v63  }
0xdb: {  	_ =	swait.ge [sflag:s14], $0x2000  }
0xdc: {  	[sflag:s14] =	ssyncset.done $0x0  }
0xdd: {  	s20 =	simm.s32 $0x14300;
	[sflag:s14] =	ssyncadd.s32 $0xFFFFE000  }
0xde: {  	[tilespmem:s23], [sflag:$0x3] =	stream.indirect.gather [hbm4b:s8+s18], $0x40, s20, s18, $0xb8;
	[tilespmem:$0x1D000] =	vst v63  }
0xdf: {  	_ =	swait.ge [sflag:s7], $0x2000  }
0xe0: {  	[sflag:s7] =	ssyncset.done $0x0  }
0xe1: {  	s20 =	simm.s32 $0x14980;
	[sflag:s7] =	ssyncadd.s32 $0xFFFFE000  }
0xe2: {  	[spmem:s3] =	stream.indirect.scatter.add.f32 [tilespmem:s25], [sflag:$0x5], $0x40, s20, s18, $0xb8;
	[tilespmem:$0x1D000] =	vst v63  }
0xe3: {  	_ =	swait.ge [sflag:s14], $0x2000  }
0xe4: {  	[sflag:s14] =	ssyncset.done $0x0  }
0xe5: {  	s20 =	simm.s32 $0x14380;
	[sflag:s14] =	ssyncadd.s32 $0xFFFFE000  }
0xe6: {  	[tilespmem:s25], [sflag:$0x4] =	stream.indirect.gather [hbm4b:s8+s18], $0x40, s20, s18, $0xb8;
	[tilespmem:$0x1D000] =	vst v63  }
0xe7: {  	_ =	swait.ge [sflag:s26], $0x2000  }
0xe8: {  	[sflag:s26] =	ssyncset.done $0x0  }
0xe9: {  	s20 =	simm.s32 $0x14A00;
	[sflag:s26] =	ssyncadd.s32 $0xFFFFE000  }
0xea: {  	[spmem:s3] =	stream.indirect.scatter.add.f32 [tilespmem:s19], [sflag:$0x5], $0x40, s20, s18, $0xb8;
	[tilespmem:$0x1D000] =	vst v63  }
0xeb: {  	_ =	swait.ge [sflag:s14], $0x2000  }
0xec: {  	[sflag:s14] =	ssyncset.done $0x0  }
0xed: {  	s20 =	simm.s32 $0x14400;
	[sflag:s14] =	ssyncadd.s32 $0xFFFFE000  }
0xee: {  	[tilespmem:s19], [sflag:$0x1] =	stream.indirect.gather [hbm4b:s8+s18], $0x40, s20, s18, $0xb8;
	[tilespmem:$0x1D000] =	vst v63  }
0xef: {  	_ =	swait.ge [sflag:s29], $0x2000  }
0xf0: {  	[sflag:s29] =	ssyncset.done $0x0  }
0xf1: {  	s20 =	simm.s32 $0x14A80;
	[sflag:s29] =	ssyncadd.s32 $0xFFFFE000  }
0xf2: {  	[spmem:s3] =	stream.indirect.scatter.add.f32 [tilespmem:s21], [sflag:$0x5], $0x40, s20, s18, $0xb8;
	[tilespmem:$0x1D000] =	vst v63  }
0xf3: {  	_ =	swait.ge [sflag:s14], $0x2000  }
0xf4: {  	[sflag:s14] =	ssyncset.done $0x0  }
0xf5: {  	s20 =	simm.s32 $0x14480;
	[sflag:s14] =	ssyncadd.s32 $0xFFFFE000  }
0xf6: {  	[tilespmem:s21], [sflag:$0x2] =	stream.indirect.gather [hbm4b:s8+s18], $0x40, s20, s18, $0xb8;
	[tilespmem:$0x1D000] =	vst v63  }
0xf7: {  	_ =	swait.ge [sflag:s0], $0x2000  }
0xf8: {  	[sflag:s0] =	ssyncset.done $0x0  }
0xf9: {  	s20 =	simm.s32 $0x14B00;
	[sflag:s0] =	ssyncadd.s32 $0xFFFFE000  }
0xfa: {  	[spmem:s3] =	stream.indirect.scatter.add.f32 [tilespmem:s23], [sflag:$0x5], $0x40, s20, s18, $0xb8;
	[tilespmem:$0x1D000] =	vst v63  }
0xfb: {  	_ =	swait.ge [sflag:s14], $0x2000  }
0xfc: {  	[sflag:s14] =	ssyncset.done $0x0  }
0xfd: {  	s20 =	simm.s32 $0x14500;
	[sflag:s14] =	ssyncadd.s32 $0xFFFFE000  }
0xfe: {  	[tilespmem:s23], [sflag:$0x3] =	stream.indirect.gather [hbm4b:s8+s18], $0x40, s20, s18, $0xb8;
	[tilespmem:$0x1D000] =	vst v63  }
0xff: {  	_ =	swait.ge [sflag:s7], $0x2000  }
0x100: {  	[sflag:s7] =	ssyncset.done $0x0  }
0x101: {  	s20 =	simm.s32 $0x14B80;
	[sflag:s7] =	ssyncadd.s32 $0xFFFFE000  }
0x102: {  	[spmem:s3] =	stream.indirect.scatter.add.f32 [tilespmem:s25], [sflag:$0x5], $0x40, s20, s18, $0xb8;
	[tilespmem:$0x1D000] =	vst v63  }
0x103: {  	_ =	swait.ge [sflag:s14], $0x2000  }
0x104: {  	[sflag:s14] =	ssyncset.done $0x0  }
0x105: {  	[sflag:s14] =	ssyncadd.s32 $0xFFFFE000  }
0x106: {  	[tilespmem:s25], [sflag:$0x4] =	stream.indirect.gather [hbm4b:s8+s18], $0x40, s22, s18, $0xb8;
	[tilespmem:$0x1D000] =	vst v63  }
0x107: {  	_ =	swait.ge [sflag:s26], $0x2000  }
0x108: {  	[sflag:s26] =	ssyncset.done $0x0  }
0x109: {  	[sflag:s26] =	ssyncadd.s32 $0xFFFFE000  }
0x10a: {  	[spmem:s3] =	stream.indirect.scatter.add.f32 [tilespmem:s19], [sflag:$0x5], $0x40, s24, s18, $0xb8;
	[tilespmem:$0x1D000] =	vst v63  }
0x10b: {  	_ =	swait.ge [sflag:s14], $0x2000  }
0x10c: {  	[sflag:s14] =	ssyncset.done $0x0  }
0x10d: {  	[sflag:s14] =	ssyncadd.s32 $0xFFFFE000  }
0x10e: {  	[tilespmem:s19], [sflag:$0x1] =	stream.indirect.gather [hbm4b:s8+s18], $0x40, s28, s18, $0xb8;
	[tilespmem:$0x1D000] =	vst v63  }
0x10f: {  	_ =	swait.ge [sflag:s29], $0x2000  }
0x110: {  	[sflag:s29] =	ssyncset.done $0x0  }
0x111: {  	[sflag:s29] =	ssyncadd.s32 $0xFFFFE000  }
0x112: {  	[spmem:s3] =	stream.indirect.scatter.add.f32 [tilespmem:s21], [sflag:$0x5], $0x40, s30, s18, $0xb8;
	[tilespmem:$0x1D000] =	vst v63  }
0x113: {  	_ =	swait.ge [sflag:s14], $0x2000  }
0x114: {  	[sflag:s14] =	ssyncset.done $0x0  }
0x115: {  	[sflag:s14] =	ssyncadd.s32 $0xFFFFE000  }
0x116: {  	[tilespmem:s21], [sflag:$0x2] =	stream.indirect.gather [hbm4b:s8+s18], $0x40, s31, s18, $0xb8;
	[tilespmem:$0x1D000] =	vst v63  }
0x117: {  	_ =	swait.ge [sflag:s0], $0x2000  }
0x118: {  	[sflag:s0] =	ssyncset.done $0x0  }
0x119: {  	[sflag:s0] =	ssyncadd.s32 $0xFFFFE000  }
0x11a: {  	[spmem:s3] =	stream.indirect.scatter.add.f32 [tilespmem:s23], [sflag:$0x5], $0x40, s1, s18, $0xb8;
	[tilespmem:$0x1D000] =	vst v63  }
0x11b: {  	_ =	swait.ge [sflag:s14], $0x2000  }
0x11c: {  	[sflag:s14] =	ssyncset.done $0x0  }
0x11d: {  	[sflag:s14] =	ssyncadd.s32 $0xFFFFE000  }
0x11e: {  	[tilespmem:s23], [sflag:$0x3] =	stream.indirect.gather [hbm4b:s8+s18], $0x40, s5, s18, $0xb8;
	[tilespmem:$0x1D000] =	vst v63  }
0x11f: {  	_ =	swait.ge [sflag:s7], $0x2000  }
0x120: {  	[sflag:s7] =	ssyncset.done $0x0  }
0x121: {  	[sflag:s7] =	ssyncadd.s32 $0xFFFFE000  }
0x122: {  	[spmem:s3] =	stream.indirect.scatter.add.f32 [tilespmem:s25], [sflag:$0x5], $0x40, s9, s18, $0xb8;
	[tilespmem:$0x1D000] =	vst v63  }
0x123: {  	_ =	swait.ge [sflag:s14], $0x2000  }
0x124: {  	[sflag:s14] =	ssyncset.done $0x0  }
0x125: {  	[sflag:s14] =	ssyncadd.s32 $0xFFFFE000  }
0x126: {  	[tilespmem:s25], [sflag:$0x4] =	stream.indirect.gather [hbm4b:s8+s18], $0x40, s10, s18, $0xb8;
	[tilespmem:$0x1D000] =	vst v63  }
0x127: {  	_ =	swait.ge [sflag:s26], $0x2000  }
0x128: {  	[sflag:s26] =	ssyncset.done $0x0  }
0x129: {  	[sflag:s26] =	ssyncadd.s32 $0xFFFFE000  }
0x12a: {  	[spmem:s3] =	stream.indirect.scatter.add.f32 [tilespmem:s19], [sflag:$0x5], $0x40, s11, s18, $0xb8;
	[tilespmem:$0x1D000] =	vst v63  }
0x12b: {  	_ =	swait.ge [sflag:s14], $0x2000  }
0x12c: {  	[sflag:s14] =	ssyncset.done $0x0  }
0x12d: {  	[sflag:s14] =	ssyncadd.s32 $0xFFFFE000  }
0x12e: {  	_ =	swait.ge [sflag:s29], $0x2000  }
0x12f: {  	[sflag:s29] =	ssyncset.done $0x0  }
0x130: {  	[sflag:s29] =	ssyncadd.s32 $0xFFFFE000  }
0x131: {  	[spmem:s3] =	stream.indirect.scatter.add.f32 [tilespmem:s21], [sflag:$0x5], $0x40, s12, s18, $0xb8;
	[tilespmem:$0x1D000] =	vst v63  }
0x132: {  	_ =	swait.ge [sflag:s14], $0x2000  }
0x133: {  	[sflag:s14] =	ssyncset.done $0x0  }
0x134: {  	[sflag:s14] =	ssyncadd.s32 $0xFFFFE000  }
0x135: {  	_ =	swait.ge [sflag:s0], $0x2000  }
0x136: {  	[sflag:s0] =	ssyncset.done $0x0  }
0x137: {  	[sflag:s0] =	ssyncadd.s32 $0xFFFFE000  }
0x138: {  	[spmem:s3] =	stream.indirect.scatter.add.f32 [tilespmem:s23], [sflag:$0x5], $0x40, s13, s18, $0xb8;
	[tilespmem:$0x1D000] =	vst v63  }
0x139: {  	_ =	swait.ge [sflag:s14], $0x2000  }
0x13a: {  	[sflag:s14] =	ssyncset.done $0x0  }
0x13b: {  	p0 =	sne.s32 s6, $0x800;
	[sflag:s14] =	ssyncadd.s32 $0xFFFFE000  }
.Ltmp0:
0x13c: {  	_ =	swait.ge [sflag:s7], $0x2000;
	(pc) =	sbr.rel @p0 .LBB2_2-.Ltmp0, $4  }
0x13d: {  	[sflag:s7] =	ssyncset.done $0x0  }
0x13e: {  	[sflag:s7] =	ssyncadd.s32 $0xFFFFE000  }
0x13f: {  	[spmem:s3] =	stream.indirect.scatter.add.f32 [tilespmem:s25], [sflag:$0x5], $0x40, s15, s18, $0xb8;
	[tilespmem:$0x1D000] =	vst v63  }
0x140: {  	s6 =	sadd.s32 $0x100, s6;
	_ =	swait.ge [sflag:s14], $0x2000  }
0x141: {  	[sflag:s14] =	ssyncset.done $0x0  }
0x142: {  	s2 =	rddreg [dreg:$0xa];
	[sflag:s14] =	ssyncadd.s32 $0xFFFFE000  }
0x143: {  	[tilespmem:s16], [sflag:$0x5] =	stream.linear.gather [hbm4b:s2+s4], $0x800, $0x38;
	[tilespmem:$0x1D000] =	vst v63  }
0x144: {  	_ =	swait.ge [sflag:s14], $0x800  }
0x145: {  	[sflag:s14] =	ssyncset.done $0x0  }
0x146: {  	s6 =	rddreg [dreg:$0xb];
	[sflag:s14] =	ssyncadd.s32 $0xFFFFF800  }
0x147: {  	[tilespmem:s17], [sflag:$0x5] =	stream.linear.gather [hbm4b:s6+s4], $0x800, $0x38;
	[tilespmem:$0x1D000] =	vst v63  }
0x148: {  	_ =	swait.ge [sflag:s14], $0x800  }
0x149: {  	[sflag:s14] =	ssyncset.done $0x0  }
0x14a: {  	[sflag:s14] =	ssyncadd.s32 $0xFFFFF800  }
0x14b: {  	s2 =	rddreg [dreg:$0x2]  }
0x14c: {  	[tilespmem:s19], [sflag:$0x1] =	stream.indirect.gather [spmem:s2], $0x40, s16, s18, $0xb8;
	[tilespmem:$0x1D000] =	vst v63  }
0x14d: {  	s6 =	simm.s32 $0x14080  }
0x14e: {  	[tilespmem:s21], [sflag:$0x2] =	stream.indirect.gather [spmem:s2], $0x40, s6, s18, $0xb8;
	[tilespmem:$0x1D000] =	vst v63  }
0x14f: {  	s20 =	simm.s32 $0x14100  }
0x150: {  	[tilespmem:s23], [sflag:$0x3] =	stream.indirect.gather [spmem:s2], $0x40, s20, s18, $0xb8;
	[tilespmem:$0x1D000] =	vst v63  }
0x151: {  	s20 =	simm.s32 $0x14180  }
0x152: {  	[tilespmem:s25], [sflag:$0x4] =	stream.indirect.gather [spmem:s2], $0x40, s20, s18, $0xb8;
	[tilespmem:$0x1D000] =	vst v63  }
0x153: {  	_ =	swait.ge [sflag:s26], $0x2000  }
0x154: {  	[sflag:s26] =	ssyncset.done $0x0  }
0x155: {  	[sflag:s26] =	ssyncadd.s32 $0xFFFFE000  }
0x156: {  	[spmem:s3] =	stream.indirect.scatter.add.f32 [tilespmem:s19], [sflag:$0x5], $0x40, s17, s18, $0xb8;
	[tilespmem:$0x1D000] =	vst v63  }
0x157: {  	_ =	swait.ge [sflag:s14], $0x2000  }
0x158: {  	[sflag:s14] =	ssyncset.done $0x0  }
0x159: {  	s20 =	simm.s32 $0x14200;
	[sflag:s14] =	ssyncadd.s32 $0xFFFFE000  }
0x15a: {  	[tilespmem:s19], [sflag:$0x1] =	stream.indirect.gather [spmem:s2], $0x40, s20, s18, $0xb8;
	[tilespmem:$0x1D000] =	vst v63  }
0x15b: {  	_ =	swait.ge [sflag:s29], $0x2000  }
0x15c: {  	[sflag:s29] =	ssyncset.done $0x0  }
0x15d: {  	s20 =	simm.s32 $0x14880;
	[sflag:s29] =	ssyncadd.s32 $0xFFFFE000  }
0x15e: {  	[spmem:s3] =	stream.indirect.scatter.add.f32 [tilespmem:s21], [sflag:$0x5], $0x40, s20, s18, $0xb8;
	[tilespmem:$0x1D000] =	vst v63  }
0x15f: {  	_ =	swait.ge [sflag:s14], $0x2000  }
0x160: {  	[sflag:s14] =	ssyncset.done $0x0  }
0x161: {  	s20 =	simm.s32 $0x14280;
	[sflag:s14] =	ssyncadd.s32 $0xFFFFE000  }
0x162: {  	[tilespmem:s21], [sflag:$0x2] =	stream.indirect.gather [spmem:s2], $0x40, s20, s18, $0xb8;
	[tilespmem:$0x1D000] =	vst v63  }
0x163: {  	_ =	swait.ge [sflag:s0], $0x2000  }
0x164: {  	[sflag:s0] =	ssyncset.done $0x0  }
0x165: {  	s20 =	simm.s32 $0x14900;
	[sflag:s0] =	ssyncadd.s32 $0xFFFFE000  }
0x166: {  	[spmem:s3] =	stream.indirect.scatter.add.f32 [tilespmem:s23], [sflag:$0x5], $0x40, s20, s18, $0xb8;
	[tilespmem:$0x1D000] =	vst v63  }
0x167: {  	_ =	swait.ge [sflag:s14], $0x2000  }
0x168: {  	[sflag:s14] =	ssyncset.done $0x0  }
0x169: {  	s20 =	simm.s32 $0x14300;
	[sflag:s14] =	ssyncadd.s32 $0xFFFFE000  }
0x16a: {  	[tilespmem:s23], [sflag:$0x3] =	stream.indirect.gather [spmem:s2], $0x40, s20, s18, $0xb8;
	[tilespmem:$0x1D000] =	vst v63  }
0x16b: {  	_ =	swait.ge [sflag:s7], $0x2000  }
0x16c: {  	[sflag:s7] =	ssyncset.done $0x0  }
0x16d: {  	s20 =	simm.s32 $0x14980;
	[sflag:s7] =	ssyncadd.s32 $0xFFFFE000  }
0x16e: {  	[spmem:s3] =	stream.indirect.scatter.add.f32 [tilespmem:s25], [sflag:$0x5], $0x40, s20, s18, $0xb8;
	[tilespmem:$0x1D000] =	vst v63  }
0x16f: {  	_ =	swait.ge [sflag:s14], $0x2000  }
0x170: {  	[sflag:s14] =	ssyncset.done $0x0  }
0x171: {  	s20 =	simm.s32 $0x14380;
	[sflag:s14] =	ssyncadd.s32 $0xFFFFE000  }
0x172: {  	[tilespmem:s25], [sflag:$0x4] =	stream.indirect.gather [spmem:s2], $0x40, s20, s18, $0xb8;
	[tilespmem:$0x1D000] =	vst v63  }
0x173: {  	_ =	swait.ge [sflag:s26], $0x2000  }
0x174: {  	[sflag:s26] =	ssyncset.done $0x0  }
0x175: {  	s20 =	simm.s32 $0x14A00;
	[sflag:s26] =	ssyncadd.s32 $0xFFFFE000  }
0x176: {  	[spmem:s3] =	stream.indirect.scatter.add.f32 [tilespmem:s19], [sflag:$0x5], $0x40, s20, s18, $0xb8;
	[tilespmem:$0x1D000] =	vst v63  }
0x177: {  	_ =	swait.ge [sflag:s14], $0x2000  }
0x178: {  	[sflag:s14] =	ssyncset.done $0x0  }
0x179: {  	s20 =	simm.s32 $0x14400;
	[sflag:s14] =	ssyncadd.s32 $0xFFFFE000  }
0x17a: {  	[tilespmem:s19], [sflag:$0x1] =	stream.indirect.gather [spmem:s2], $0x40, s20, s18, $0xb8;
	[tilespmem:$0x1D000] =	vst v63  }
0x17b: {  	_ =	swait.ge [sflag:s29], $0x2000  }
0x17c: {  	[sflag:s29] =	ssyncset.done $0x0  }
0x17d: {  	s20 =	simm.s32 $0x14A80;
	[sflag:s29] =	ssyncadd.s32 $0xFFFFE000  }
0x17e: {  	[spmem:s3] =	stream.indirect.scatter.add.f32 [tilespmem:s21], [sflag:$0x5], $0x40, s20, s18, $0xb8;
	[tilespmem:$0x1D000] =	vst v63  }
0x17f: {  	_ =	swait.ge [sflag:s14], $0x2000  }
0x180: {  	[sflag:s14] =	ssyncset.done $0x0  }
0x181: {  	s20 =	simm.s32 $0x14480;
	[sflag:s14] =	ssyncadd.s32 $0xFFFFE000  }
0x182: {  	[tilespmem:s21], [sflag:$0x2] =	stream.indirect.gather [spmem:s2], $0x40, s20, s18, $0xb8;
	[tilespmem:$0x1D000] =	vst v63  }
0x183: {  	_ =	swait.ge [sflag:s0], $0x2000  }
0x184: {  	[sflag:s0] =	ssyncset.done $0x0  }
0x185: {  	s20 =	simm.s32 $0x14B00;
	[sflag:s0] =	ssyncadd.s32 $0xFFFFE000  }
0x186: {  	[spmem:s3] =	stream.indirect.scatter.add.f32 [tilespmem:s23], [sflag:$0x5], $0x40, s20, s18, $0xb8;
	[tilespmem:$0x1D000] =	vst v63  }
0x187: {  	_ =	swait.ge [sflag:s14], $0x2000  }
0x188: {  	[sflag:s14] =	ssyncset.done $0x0  }
0x189: {  	s20 =	simm.s32 $0x14500;
	[sflag:s14] =	ssyncadd.s32 $0xFFFFE000  }
0x18a: {  	[tilespmem:s23], [sflag:$0x3] =	stream.indirect.gather [spmem:s2], $0x40, s20, s18, $0xb8;
	[tilespmem:$0x1D000] =	vst v63  }
0x18b: {  	_ =	swait.ge [sflag:s7], $0x2000  }
0x18c: {  	[sflag:s7] =	ssyncset.done $0x0  }
0x18d: {  	s20 =	simm.s32 $0x14B80;
	[sflag:s7] =	ssyncadd.s32 $0xFFFFE000  }
0x18e: {  	[spmem:s3] =	stream.indirect.scatter.add.f32 [tilespmem:s25], [sflag:$0x5], $0x40, s20, s18, $0xb8;
	[tilespmem:$0x1D000] =	vst v63  }
0x18f: {  	_ =	swait.ge [sflag:s14], $0x2000  }
0x190: {  	[sflag:s14] =	ssyncset.done $0x0  }
0x191: {  	[sflag:s14] =	ssyncadd.s32 $0xFFFFE000  }
0x192: {  	[tilespmem:s25], [sflag:$0x4] =	stream.indirect.gather [spmem:s2], $0x40, s22, s18, $0xb8;
	[tilespmem:$0x1D000] =	vst v63  }
0x193: {  	_ =	swait.ge [sflag:s26], $0x2000  }
0x194: {  	[sflag:s26] =	ssyncset.done $0x0  }
0x195: {  	[sflag:s26] =	ssyncadd.s32 $0xFFFFE000  }
0x196: {  	[spmem:s3] =	stream.indirect.scatter.add.f32 [tilespmem:s19], [sflag:$0x5], $0x40, s24, s18, $0xb8;
	[tilespmem:$0x1D000] =	vst v63  }
0x197: {  	_ =	swait.ge [sflag:s14], $0x2000  }
0x198: {  	[sflag:s14] =	ssyncset.done $0x0  }
0x199: {  	[sflag:s14] =	ssyncadd.s32 $0xFFFFE000  }
0x19a: {  	[tilespmem:s19], [sflag:$0x1] =	stream.indirect.gather [spmem:s2], $0x40, s28, s18, $0xb8;
	[tilespmem:$0x1D000] =	vst v63  }
0x19b: {  	_ =	swait.ge [sflag:s29], $0x2000  }
0x19c: {  	[sflag:s29] =	ssyncset.done $0x0  }
0x19d: {  	[sflag:s29] =	ssyncadd.s32 $0xFFFFE000  }
0x19e: {  	[spmem:s3] =	stream.indirect.scatter.add.f32 [tilespmem:s21], [sflag:$0x5], $0x40, s30, s18, $0xb8;
	[tilespmem:$0x1D000] =	vst v63  }
0x19f: {  	_ =	swait.ge [sflag:s14], $0x2000  }
0x1a0: {  	[sflag:s14] =	ssyncset.done $0x0  }
0x1a1: {  	[sflag:s14] =	ssyncadd.s32 $0xFFFFE000  }
0x1a2: {  	[tilespmem:s21], [sflag:$0x2] =	stream.indirect.gather [spmem:s2], $0x40, s31, s18, $0xb8;
	[tilespmem:$0x1D000] =	vst v63  }
0x1a3: {  	_ =	swait.ge [sflag:s0], $0x2000  }
0x1a4: {  	[sflag:s0] =	ssyncset.done $0x0  }
0x1a5: {  	[sflag:s0] =	ssyncadd.s32 $0xFFFFE000  }
0x1a6: {  	[spmem:s3] =	stream.indirect.scatter.add.f32 [tilespmem:s23], [sflag:$0x5], $0x40, s1, s18, $0xb8;
	[tilespmem:$0x1D000] =	vst v63  }
0x1a7: {  	_ =	swait.ge [sflag:s14], $0x2000  }
0x1a8: {  	[sflag:s14] =	ssyncset.done $0x0  }
0x1a9: {  	[sflag:s14] =	ssyncadd.s32 $0xFFFFE000  }
0x1aa: {  	[tilespmem:s23], [sflag:$0x3] =	stream.indirect.gather [spmem:s2], $0x40, s5, s18, $0xb8;
	[tilespmem:$0x1D000] =	vst v63  }
0x1ab: {  	_ =	swait.ge [sflag:s7], $0x2000  }
0x1ac: {  	[sflag:s7] =	ssyncset.done $0x0  }
0x1ad: {  	[sflag:s7] =	ssyncadd.s32 $0xFFFFE000  }
0x1ae: {  	[spmem:s3] =	stream.indirect.scatter.add.f32 [tilespmem:s25], [sflag:$0x5], $0x40, s9, s18, $0xb8;
	[tilespmem:$0x1D000] =	vst v63  }
0x1af: {  	_ =	swait.ge [sflag:s14], $0x2000  }
0x1b0: {  	[sflag:s14] =	ssyncset.done $0x0  }
0x1b1: {  	[sflag:s14] =	ssyncadd.s32 $0xFFFFE000  }
0x1b2: {  	[tilespmem:s25], [sflag:$0x4] =	stream.indirect.gather [spmem:s2], $0x40, s10, s18, $0xb8;
	[tilespmem:$0x1D000] =	vst v63  }
0x1b3: {  	_ =	swait.ge [sflag:s26], $0x2000  }
0x1b4: {  	[sflag:s26] =	ssyncset.done $0x0  }
0x1b5: {  	[sflag:s26] =	ssyncadd.s32 $0xFFFFE000  }
0x1b6: {  	[spmem:s3] =	stream.indirect.scatter.add.f32 [tilespmem:s19], [sflag:$0x5], $0x40, s11, s18, $0xb8;
	[tilespmem:$0x1D000] =	vst v63  }
0x1b7: {  	_ =	swait.ge [sflag:s14], $0x2000  }
0x1b8: {  	[sflag:s14] =	ssyncset.done $0x0  }
0x1b9: {  	[sflag:s14] =	ssyncadd.s32 $0xFFFFE000  }
0x1ba: {  	_ =	swait.ge [sflag:s29], $0x2000  }
0x1bb: {  	[sflag:s29] =	ssyncset.done $0x0  }
0x1bc: {  	[sflag:s29] =	ssyncadd.s32 $0xFFFFE000  }
0x1bd: {  	[spmem:s3] =	stream.indirect.scatter.add.f32 [tilespmem:s21], [sflag:$0x5], $0x40, s12, s18, $0xb8;
	[tilespmem:$0x1D000] =	vst v63  }
0x1be: {  	_ =	swait.ge [sflag:s14], $0x2000  }
0x1bf: {  	[sflag:s14] =	ssyncset.done $0x0  }
0x1c0: {  	[sflag:s14] =	ssyncadd.s32 $0xFFFFE000  }
0x1c1: {  	_ =	swait.ge [sflag:s0], $0x2000  }
0x1c2: {  	[sflag:s0] =	ssyncset.done $0x0  }
0x1c3: {  	[sflag:s0] =	ssyncadd.s32 $0xFFFFE000  }
0x1c4: {  	[spmem:s3] =	stream.indirect.scatter.add.f32 [tilespmem:s23], [sflag:$0x5], $0x40, s13, s18, $0xb8;
	[tilespmem:$0x1D000] =	vst v63  }
0x1c5: {  	_ =	swait.ge [sflag:s14], $0x2000  }
0x1c6: {  	[sflag:s14] =	ssyncset.done $0x0  }
0x1c7: {  	[sflag:s14] =	ssyncadd.s32 $0xFFFFE000  }
0x1c8: {  	_ =	swait.ge [sflag:s7], $0x2000  }
0x1c9: {  	[sflag:s7] =	ssyncset.done $0x0  }
0x1ca: {  	[sflag:s7] =	ssyncadd.s32 $0xFFFFE000  }
0x1cb: {  	[spmem:s3] =	stream.indirect.scatter.add.f32 [tilespmem:s25], [sflag:$0x5], $0x40, s15, s18, $0xb8;
	[tilespmem:$0x1D000] =	vst v63  }
0x1cc: {  	_ =	swait.ge [sflag:s14], $0x2000  }
0x1cd: {  	[sflag:s14] =	ssyncset.done $0x0  }
0x1ce: {  	[sflag:s14] =	ssyncadd.s32 $0xFFFFE000  }
0x1cf: {  	[bflag:$0x0] =	sbarrier.arrive $0xFFFF  }
0x1d0: {  	s20 =	rddreg [dreg:$0x8]  }
0x1d1: {  	s2 =	rddreg [dreg:$0xc]  }
0x1d2: {  	s6 =	rddreg [dreg:$0xf]  }
0x1d3: {  	[hbm:s2], [sflag:s20] =	dma.local [spmem:s6], $0x1400  }
0x1d4: {  	_ =	swait.ge [sflag:s14], $0x1400  }
0x1d5: {  	s2 =	rddreg [dreg:$0x10]  }
0x1d6: {  	s6 =	rddreg [dreg:$0xd];
	s20 =	sadd.s32 $0x1, s2  }
0x1d7: {  	p0 =	sne.s32 s20, s6  }
.Ltmp1:
0x1d8: {  	_ = 	snop;
	(pc) =	sbr.rel @p0 .LBB2_1-.Ltmp1, $3  }
0x1d9: {  	_ =	sdelay $0x1  }
0x1da: {  	[sflag:s14] =	ssyncset.done $0x0  }
0x1db: {  	[sflag:s14] =	ssyncadd.s32 $0xFFFFEC00  }
0x1dc: {  	_ =	sfence.sel $0x180000  }
0x1dd: {  	[bflag:$0x0] =	sbarrier.arrive $0xFFFF  }
0x1de: {  	_ =	strace $0x9000004D  }
0x1df: {  	s0 =	stileid.u32;
	[bflag:$0x2] =	sbarrier.arrive $0xFFFF  }
0x1e0: {  	p0 =	sne.s32 s0, $0x0;
	s0 =	rddreg [dreg:$0x4]  }
0x1e1: {  	s0 =	sadd.s32 @!p0 $0x100000, s0  }
0x1e2: {  	[sflag:s0] =	ssyncadd.tile.s32 @!p0 $0x1;
	_ =	shalt  }
.Lfunc_end2:
_tile_overlayer_lowered:
.L_overlay_start_2:
0x1e3: {  	(tag) =	ssettag $0x2  }
0x1e4: {  	s0 =	rddreg [dreg:$0x0];
	s2 =	stileid.u32  }
0x1e5: {  	s1 =	rddreg [dreg:$0x1];
	p0 =	sne.s32 s2, $0x0  }
0x1e6: {  	s3 =	rddreg [dreg:$0x2];
	[bflag:$0x3] =	sbarrier.arrive $0xFFFF;
	s2 =	simm.s32 @!p0 $0x1C05  }
0x1e7: {  	[timem:s3], [sflag:s2] =	dma.local @!p0 [hbm:s0], s1  }
0x1e8: {  	s0 =	simm.s32 @!p0 $0x5  }
0x1e9: {  	_ =	swait.ge @!p0 [sflag:s0], s1  }
0x1ea: {  	s1 =	ssub.s32 @!p0 $0x0, s1;
	[sflag:s0] =	ssyncset.done @!p0 $0x0  }
0x1eb: {  	[sflag:s0] =	ssyncadd.s32 @!p0 s1  }
0x1ec: {  	[bflag:$0x3] =	sbarrier.arrive $0xFFFF  }
0x1ed: {  	_ =	shalt  }

// kernel: kernel.19.cloned.1.call-start
scs
__scs_entry_jumppad:
0x0: {  	(pc) =	sbr.rel $0x88, $3  }
0x1: {  	(tag) =	ssettag $0x0;
	lr =	simm.s32 $0x1  }
0x2: {  	[smem:$0x3F95] =	sst lr;
	_ =	strace $0xD0000000  }
0x3: {  	_ = 	snop  }
0x4: {  	_ = 	snop  }
0x5: {  	_ = 	snop  }
0x6: {  	_ = 	snop  }
0x7: {  	_ = 	snop  }
__scs_overlays_trampoline_lowered:
0x8: {  	[smem:$0x3FA4] =	sst s0  }
0x9: {  	[smem:$0x3FA5] =	sst s1  }
0xa: {  	[smem:$0x3FA6] =	sst s2  }
0xb: {  	[smem:$0x3FA7] =	sst s3  }
0xc: {  	[smem:$0x3FA8] =	sst s4  }
0xd: {  	[smem:$0x3FA9] =	sst s5  }
0xe: {  	[smem:$0x3FAA] =	sst s6  }
0xf: {  	[smem:$0x3FAB] =	sst s7  }
0x10: {  	[smem:$0x3FAC] =	sst s8  }
0x11: {  	[smem:$0x3FAD] =	sst s9;
	s0 =	simm.s32 @!p0 $0x0  }
0x12: {  	s1 =	sld [smem:$0x3F93];
	s0 =	simm.s32 @p0 $0x1  }
0x13: {  	[smem:$0x3FAE] =	sst s0;
	s0 =	simm.s32 @!p1 $0x0  }
0x14: {  	s2 =	sld [smem:$0x3F92];
	s0 =	simm.s32 @p1 $0x1  }
0x15: {  	[smem:$0x3FAF] =	sst s0;
	s0 =	simm.s32 @!p2 $0x0  }
0x16: {  	s3 =	sld [smem:$0x3FDB];
	s0 =	simm.s32 @p2 $0x1  }
0x17: {  	s4 =	simm.s32 $0x1BF5;
	[smem:$0x3FB1] =	sst s0  }
0x18: {  	s0 =	sld [smem:$0x3F94];
	_ =	swait.ge [sflag:s4], $0x0  }
0x19: {  	s7 =	sld [smem:$0x3F95]  }
0x1a: {  	s8 =	sadd.s32 $0xFFFFE003, lr  }
0x1b: {  	s9 =	sadd.s32 $0xFFFFFEF7, lr;
	s5 =	simm.s32 $0xFFFFFFFF;
	p2 =	slt.u32 s8, $0xFFFFF086  }
0x1c: {  	p1 =	slt.u32 s9, $0xF7A;
	s5 =	simm.s32 @!p2 $0x0  }
0x1d: {  	s5 =	simm.s32 @p1 $0x1;
	p0 =	seq.s32 s7, s2  }
0x1e: {  	s7 =	smul.u32 @!p0 $0xF7A, s2;
	p2 =	seq.s32 @!p0 s5, $0x0  }
0x1f: {  	s9 =	smul.u32 $0xF7A, s1;
	s8 =	simm.s32 @!p0 $0x1BF5;
	p2 =	por !p2, p0  }
0x20: {  	[sflag:s8] =	ssyncset.s32 @!p0 $0xFFFFF086;
	s6 =	sadd.s32 @!p0 s3, s7;
	s7 =	simm.s32 @!p0 $0x108  }
0x21: {  	s3 =	sadd.s32 s3, s9;
	s6 =	sadd.s32 @!p0 $0x88, s6;
	s7 =	simm.s32 @p2 $0x1082  }
0x22: {  	[simem:s7], [sflag:s8] =	dma.local @!p0 [hbm:s6], $0xF7A  }
0x23: {  	s9 =	sor.u32 $0xD0000000, s2;
	s6 =	simm.s32 $0x108;
	_ =	swait.ge @!p0 [sflag:s8], $0x0  }
0x24: {  	s3 =	sadd.s32 $0x88, s3;
	s6 =	simm.s32 @!p1 $0x1082;
	[sflag:s4] =	ssyncset.s32 $0xFFFFF086  }
0x25: {  	[simem:s6], [sflag:s4] =	dma.local [hbm:s3], $0xF7A  }
0x26: {  	[smem:$0x3F95] =	sst s1;
	(tag) =	ssettag s2;
	_ =	strace s9  }
0x27: {  	s1 =	sld [smem:$0x3FA5]  }
0x28: {  	s2 =	sld [smem:$0x3FA6]  }
0x29: {  	s4 =	sld [smem:$0x3FA8]  }
0x2a: {  	p0 =	seq.s32 s5, $0x0;
	s5 =	sld [smem:$0x3FA9]  }
0x2b: {  	s6 =	sld [smem:$0x3FAA]  }
0x2c: {  	s7 =	sld [smem:$0x3FAB]  }
0x2d: {  	s3 =	simm.s32 $0x108;
	s8 =	sld [smem:$0x3FAC]  }
0x2e: {  	s3 =	simm.s32 @!p0 $0x1082;
	s9 =	sld [smem:$0x3FAD]  }
0x2f: {  	lr =	sadd.s32 s0, s3;
	s0 =	sld [smem:$0x3FA4]  }
0x30: {  	s3 =	sld [smem:$0x3FA7]  }
0x31: {  	[smem:$0x3FB0] =	sst s10  }
0x32: {  	s10 =	sld [smem:$0x3FAE];
	_ =	sdelay $0x3  }
0x33: {  	p0 =	seq.s32 s10, $0x1;
	s10 =	sld [smem:$0x3FB0];
	_ =	sdelay $0x3  }
0x34: {  	[smem:$0x3FB0] =	sst s10  }
0x35: {  	s10 =	sld [smem:$0x3FAF];
	_ =	sdelay $0x3  }
0x36: {  	p1 =	seq.s32 s10, $0x1;
	s10 =	sld [smem:$0x3FB0];
	_ =	sdelay $0x3  }
0x37: {  	[smem:$0x3FB0] =	sst s10  }
0x38: {  	s10 =	sld [smem:$0x3FB1]  }
0x39: {  	_ = 	snop;
	(pc) =	sbr.ind lr, $3  }
0x3a: {  	_ = 	snop  }
0x3b: {  	_ = 	snop  }
0x3c: {  	p2 =	seq.s32 s10, $0x1;
	s10 =	sld [smem:$0x3FB0]  }
0x3d: {  	_ =	shalt  }
0x3e: {  	_ =	shalt  }
0x3f: {  	_ =	shalt  }
0x40: {  	_ =	shalt  }
0x41: {  	_ =	shalt  }
0x42: {  	_ =	shalt  }
0x43: {  	_ =	shalt  }
0x44: {  	_ =	shalt  }
0x45: {  	_ =	shalt  }
0x46: {  	_ =	shalt  }
0x47: {  	_ =	shalt  }
0x48: {  	_ =	shalt  }
0x49: {  	_ =	shalt  }
0x4a: {  	_ =	shalt  }
0x4b: {  	_ =	shalt  }
0x4c: {  	_ =	shalt  }
0x4d: {  	_ =	shalt  }
0x4e: {  	_ =	shalt  }
0x4f: {  	_ =	shalt  }
0x50: {  	_ =	shalt  }
0x51: {  	_ =	shalt  }
0x52: {  	_ =	shalt  }
0x53: {  	_ =	shalt  }
0x54: {  	_ =	shalt  }
0x55: {  	_ =	shalt  }
0x56: {  	_ =	shalt  }
0x57: {  	_ =	shalt  }
0x58: {  	_ =	shalt  }
0x59: {  	_ =	shalt  }
0x5a: {  	_ =	shalt  }
0x5b: {  	_ =	shalt  }
0x5c: {  	_ =	shalt  }
0x5d: {  	_ =	shalt  }
0x5e: {  	_ =	shalt  }
0x5f: {  	_ =	shalt  }
0x60: {  	_ =	shalt  }
0x61: {  	_ =	shalt  }
0x62: {  	_ =	shalt  }
0x63: {  	_ =	shalt  }
0x64: {  	_ =	shalt  }
0x65: {  	_ =	shalt  }
0x66: {  	_ =	shalt  }
0x67: {  	_ =	shalt  }
0x68: {  	_ =	shalt  }
0x69: {  	_ =	shalt  }
0x6a: {  	_ =	shalt  }
0x6b: {  	_ =	shalt  }
0x6c: {  	_ =	shalt  }
0x6d: {  	_ =	shalt  }
0x6e: {  	_ =	shalt  }
0x6f: {  	_ =	shalt  }
0x70: {  	_ =	shalt  }
0x71: {  	_ =	shalt  }
0x72: {  	_ =	shalt  }
0x73: {  	_ =	shalt  }
0x74: {  	_ =	shalt  }
0x75: {  	_ =	shalt  }
0x76: {  	_ =	shalt  }
0x77: {  	_ =	shalt  }
0x78: {  	_ =	shalt  }
0x79: {  	_ =	shalt  }
0x7a: {  	_ =	shalt  }
0x7b: {  	_ =	shalt  }
0x7c: {  	_ =	shalt  }
0x7d: {  	_ =	shalt  }
0x7e: {  	_ =	shalt  }
0x7f: {  	_ =	shalt  }
0x80: {  	_ =	shalt  }
0x81: {  	_ =	shalt  }
0x82: {  	_ =	shalt  }
0x83: {  	_ =	shalt  }
0x84: {  	_ =	shalt  }
0x85: {  	_ =	shalt  }
0x86: {  	_ =	shalt  }
0x87: {  	_ =	shalt  }
.Lfunc_end0:
.L_simem_size_0:
called_computation.3_lowered:
.L_overlay_start_0:
0x88: {  	s2 =	sld [smem:$0x3FD9]  }
0x89: {  	s3 =	sld [smem:$0x3FFE];
	_ =	sdelay $0x1  }
0x8a: {  	s1 =	srdreg.scid  }
0x8b: {  	s0 =	sand.u32 $0x1, s1  }
0x8c: {  	s17 =	sshll.u32 s0, $0xA;
	s2 =	sadd.s32 s3, s2  }
0x8d: {  	s2 =	sadd.s32 s2, s17  }
0x8e: {  	[smem:$0x3FBC] =	sst s2  }
0x8f: {  	_ = 	snop  }
0x90: {  	s2 =	sld [smem:$0x3FD0];
	(tm) =	ssettm $0x1  }
0x91: {  	s18 =	sld [smem:$0x3FFB];
	_ =	sdelay $0x3  }
0x92: {  	_ =	strace s18  }
0x93: {  	s3 =	sld [smem:$0x3FFC];
	_ =	sdelay $0x3  }
0x94: {  	_ =	strace s3  }
0x95: {  	s3 =	sld [smem:$0x3FFD];
	_ =	sdelay $0x3  }
0x96: {  	_ =	strace s3  }
0x97: {  	_ =	strace $0x8FFFFFFF  }
0x98: {  	s19 =	sld [smem:$0x3FDB];
	_ =	sdelay $0x1  }
0x99: {  	s4 =	simm.s32 $_scs_section_size  }
0x9a: {  	s5 =	simm.s32 $_size__tile_overlayer_lowered;
	s6 =	simm.s32 $_tile_overlayer_lowered  }
0x9b: {  	s22 =	simm.s32 $0x1BFF;
	s21 =	sshll.u32 s6, $0x1;
	s3 =	sadd.s32 s4, s19  }
0x9c: {  	s7 =	simm.s32 $0x0;
	s20 =	sshll.u32 s5, $0x1;
	s5 =	sadd.s32 s21, s3  }
0x9d: {  	[timem:s7], [sflag:s22] =	dma.local [hbm:s5], s20  }
0x9e: {  	_ =	swait.ge [sflag:s22], s20  }
0x9f: {  	s4 =	ssub.s32 $0x0, s20;
	[sflag:s22] =	ssyncset.done $0x0  }
0xa0: {  	[sflag:s22] =	ssyncadd.s32 s4;
	_ =	sdelay $0x1  }
0xa1: {  	s23 =	simm.s32 $0x1B8B  }
0xa2: {  	_ =	swait.ge [sflag:s23], $0x1  }
0xa3: {  	[sflag:s23] =	ssyncset.done $0x0  }
0xa4: {  	s25 =	simm.s32 $0x1B8E;
	s24 =	sld [smem:$0x3FFE];
	[sflag:s23] =	ssyncadd.s32 $0xFFFFFFFF  }
0xa5: {  	s26 =	simm.s32 $execute0_lowered;
	[smem:$0x3FD2] =	sst s25  }
0xa6: {  	s5 =	sshll.u32 s26, $0x1;
	_ =	strace $0x8000004F;
	[dreg:$0x1] =	wrdreg $0xFFFFFFFF  }
0xa7: {  	s28 =	simm.s32 $_size_execute0_lowered;
	s3 =	sadd.s32 s3, s5;
	[dreg:$0x0] =	wrdreg $0x0  }
0xa8: {  	s5 =	sshll.u32 s28, $0x1;
	[dreg:$0x2] =	wrdreg s3  }
0xa9: {  	[dreg:$0x3] =	wrdreg s5  }
0xaa: {  	[dreg:$0x4] =	wrdreg $0xC0  }
0xab: {  	_ =	task [dreg:s7], $0x5FFFF  }
0xac: {  	[dreg:$0x1] =	wrdreg $0xFFFFFFFF  }
0xad: {  	[dreg:$0x0] =	wrdreg $0x60  }
0xae: {  	[dreg:$0x2] =	wrdreg s24  }
0xaf: {  	[dreg:$0x3] =	wrdreg s2  }
0xb0: {  	[dreg:$0x4] =	wrdreg $0x0  }
0xb1: {  	[dreg:$0x5] =	wrdreg $0xA0000  }
0xb2: {  	[dreg:$0x6] =	wrdreg $0x9  }
0xb3: {  	_ =	task.clear_ibuf [dreg:s7], $0x7FFFF;
	_ =	strace $0x9000004F  }
0xb4: {  	s29 =	simm.s32 $0x9;
	_ =	strace $0x80000051  }
0xb5: {  	_ =	swait.ge [sflag:s29], $0x1  }
0xb6: {  	[sflag:s29] =	ssyncadd.s32 $0xFFFFFFFF  }
0xb7: {  	_ =	strace $0x90000051  }
0xb8: {  	_ =	sfence  }
0xb9: {  	s30 =	sld [smem:$0x0];
	_ =	sdelay $0x2  }
0xba: {  	s31 =	sshll.u32 s1, $0xD;
	s1 =	sshrl.u32 s1, $0x2  }
0xbb: {  	s3 =	sand.u32 $0x4000, s31;
	s1 =	sadd.s32 s1, s30  }
0xbc: {  	s0 =	sor.u32 s3, s0;
	s1 =	sshll.u32 s1, $0x11  }
0xbd: {  	s0 =	sor.u32 s1, s0  }
0xbe: {  	s0 =	sadd.s32 $0x8F2B, s0  }
0xbf: {  	[sflag:s0] =	ssyncadd.remote.s32 $0x1  }
0xc0: {  	_ =	sfence.sel $0xFFFF  }
0xc1: {  	[dreg:$0x0] =	wrdreg $0xFFFFFFFF;
	(pc) =	sbr.abs _section_cstart, $3  }
0xc2: {  	[dreg:$0x1] =	wrdreg $0xFFFFFFFF  }
0xc3: {  	_ =	task.clear_ibuf [dreg:s7], $0x2FFFF;
	_ =	strace $0x9FFFFFFF  }
0xc4: {  	(tm) =	ssettm $0x7FFFFFFF  }
0xc5: {  	_ =	shalt  }
tec
execute0_lowered:
.L_overlay_start_1:
0x0: {  	(tag) =	ssettag $0x1  }
0x1: {  	s0 =	rddreg [dreg:$0x0]  }
0x2: {  	s1 =	rddreg [dreg:$0x1]  }
0x3: {  	s12 =	rddreg [dreg:$0x2]  }
0x4: {  	s3 =	rddreg [dreg:$0x3]  }
0x5: {  	s2 =	srdreg.scid;
	s14 =	stileid.u32;
	s4 =	simm.s32 $0x0  }
0x6: {  	s29 =	simm.s32 $0x2;
	s28 =	simm.s32 $0x14600;
	s30 =	simm.s32 $0x14C80  }
0x7: {  	s31 =	simm.s32 $0x14680;
	s2 =	sand.u32 $0x1, s2;
	s5 =	smul.u32 $0xA000, s14  }
0x8: {  	[smem:$0x7FF] =	sst s4;
	s7 =	sadd.s32 $0x68000, s0;
	s13 =	smul.u32 $0x5000, s14  }
0x9: {  	s9 =	sadd.s32 $0x4000, s0;
	s11 =	sadd.s32 $0xE000, s0;
	s20 =	smul.u32 $0xA00, s14  }
0xa: {  	s16 =	sshll.u32 s14, $0x6;
	s14 =	simm.s32 $0x5;
	s6 =	smul.u32 $0xA0000, s2  }
0xb: {  	_ =	strace $0x80000050;
	s2 =	ssub.s32 $0x2, s2;
	s17 =	sor.u32 $0x1C05, s16  }
0xc: {  	s16 =	simm.s32 $0x14000;
	s10 =	sshrl.u32 s2, $0x1;
	s15 =	sadd.s32 s5, s12  }
0xd: {  	[dreg:$0x8] =	wrdreg s17;
	s18 =	sadd.s32 s5, s3;
	s19 =	sshrl.u32 s13, $0x3  }
0xe: {  	s24 =	sadd.s32 s20, s11;
	s25 =	sadd.s32 s20, s9;
	s17 =	simm.s32 $0x14800  }
0xf: {  	s12 =	simm.s32 $0x14E80;
	s13 =	simm.s32 $0x14F00;
	s20 =	simm.s32 $0x0  }
0x10: {  	s8 =	sadd.s32 s5, s6;
	s2 =	ssub.s32 s2, s10;
	s5 =	sshrl.u32 s5, $0x3  }
0x11: {  	s21 =	sshrl.u32 s6, $0x3;
	s22 =	sadd.s32 $0x900, s19;
	[dreg:$0x5] =	wrdreg s24  }
0x12: {  	[dreg:$0x6] =	wrdreg s25;
	s19 =	simm.s32 $0x15000;
	s25 =	simm.s32 $0x1B000  }
0x13: {  	s24 =	simm.s32 $0x14C00;
	s10 =	simm.s32 $0x14780;
	s8 =	sshrl.u32 s8, $0x3  }
0x14: {  	s1 =	sadd.s32 s1, s5;
	s23 =	sadd.s32 s9, s22;
	s5 =	sadd.s32 s11, s22  }
0x15: {  	s26 =	smax.u32 s2, $0x1;
	s2 =	sshrl.u32 s18, $0x3;
	[dreg:$0x9] =	wrdreg s1  }
0x16: {  	s18 =	simm.s32 $0x80;
	s22 =	simm.s32 $0x14580;
	[dreg:$0xa] =	wrdreg s23  }
0x17: {  	s9 =	simm.s32 $0x14D80;
	s11 =	simm.s32 $0x14E00;
	[dreg:$0xb] =	wrdreg s5  }
0x18: {  	s0 =	sadd.s32 s8, s0;
	s8 =	sadd.s32 s7, s8;
	[dreg:$0xd] =	wrdreg s26  }
0x19: {  	s1 =	sshrl.u32 s15, $0x3;
	s23 =	simm.s32 $0x19000;
	s26 =	simm.s32 $0x1  }
0x1a: {  	s5 =	simm.s32 $0x14700;
	s15 =	simm.s32 $0x14F80;
	[dreg:$0xf] =	wrdreg s2  }
0x1b: {  	[dreg:$0x7] =	wrdreg s8;
	s8 =	sadd.s32 s7, s21;
	s0 =	sadd.s32 $0x90000, s0  }
0x1c: {  	[dreg:$0xe] =	wrdreg s1;
	s21 =	simm.s32 $0x17000;
	s7 =	simm.s32 $0x4  }
0x1d: {  	s1 =	simm.s32 $0x14D00;
	[dreg:$0xc] =	wrdreg s0;
	s0 =	simm.s32 $0x3  }
.LBB2_1:
0x1e: {  	[dreg:$0x10] =	wrdreg s20  }
0x1f: {  	s2 =	rddreg [dreg:$0x7]  }
0x20: {  	s6 =	rddreg [dreg:$0xe]  }
0x21: {  	s20 =	rddreg [dreg:$0x8]  }
0x22: {  	[spmem:s6], [sflag:s20] =	dma.local [hbm:s2], $0x1400  }
0x23: {  	_ =	swait.ge [sflag:s14], $0x1400  }
0x24: {  	[sflag:s14] =	ssyncset.done $0x0;
	s2 =	rddreg [dreg:$0x9]  }
0x25: {  	s6 =	rddreg [dreg:$0xf];
	[sflag:s14] =	ssyncadd.s32 $0xFFFFEC00  }
0x26: {  	[spmem:s6], [sflag:s20] =	dma.local [hbm:s2], $0x1400  }
0x27: {  	_ =	swait.ge [sflag:s14], $0x1400  }
0x28: {  	[sflag:s14] =	ssyncset.done $0x0  }
0x29: {  	[sflag:s14] =	ssyncadd.s32 $0xFFFFEC00  }
0x2a: {  	[bflag:$0x0] =	sbarrier.arrive $0xFFFF  }
0x2b: {  	s20 =	rddreg [dreg:$0x6]  }
0x2c: {  	s6 =	sadd.s32 $0x0, s20  }
0x2d: {  	[tilespmem:s16], [sflag:$0x5] =	stream.linear.gather [hbm4b:s6+s4], $0x800, $0x38;
	[tilespmem:$0x1D000] =	vst v63  }
0x2e: {  	_ =	swait.ge [sflag:s14], $0x800  }
0x2f: {  	s2 =	rddreg [dreg:$0x5];
	[sflag:s14] =	ssyncset.done $0x0  }
0x30: {  	[sflag:s14] =	ssyncadd.s32 $0xFFFFF800;
	s6 =	sadd.s32 $0x0, s2  }
0x31: {  	[tilespmem:s17], [sflag:$0x5] =	stream.linear.gather [hbm4b:s6+s4], $0x800, $0x38;
	[tilespmem:$0x1D000] =	vst v63  }
0x32: {  	_ =	swait.ge [sflag:s14], $0x800  }
0x33: {  	[sflag:s14] =	ssyncset.done $0x0  }
0x34: {  	[sflag:s14] =	ssyncadd.s32 $0xFFFFF800  }
0x35: {  	[tilespmem:s19], [sflag:$0x1] =	stream.indirect.gather [hbm4b:s8+s18], $0x40, s16, s18, $0xb8;
	[tilespmem:$0x1D000] =	vst v63  }
0x36: {  	s20 =	simm.s32 $0x14080  }
0x37: {  	[tilespmem:s21], [sflag:$0x2] =	stream.indirect.gather [hbm4b:s8+s18], $0x40, s20, s18, $0xb8;
	[tilespmem:$0x1D000] =	vst v63  }
0x38: {  	s6 =	simm.s32 $0x14100  }
0x39: {  	[tilespmem:s23], [sflag:$0x3] =	stream.indirect.gather [hbm4b:s8+s18], $0x40, s6, s18, $0xb8;
	[tilespmem:$0x1D000] =	vst v63  }
0x3a: {  	s20 =	simm.s32 $0x14180  }
0x3b: {  	[tilespmem:s25], [sflag:$0x4] =	stream.indirect.gather [hbm4b:s8+s18], $0x40, s20, s18, $0xb8;
	[tilespmem:$0x1D000] =	vst v63  }
0x3c: {  	_ =	swait.ge [sflag:s26], $0x2000  }
0x3d: {  	[sflag:s26] =	ssyncset.done $0x0  }
0x3e: {  	[sflag:s26] =	ssyncadd.s32 $0xFFFFE000  }
0x3f: {  	[spmem:s3] =	stream.indirect.scatter.add.f32 [tilespmem:s19], [sflag:$0x5], $0x40, s17, s18, $0xb8;
	[tilespmem:$0x1D000] =	vst v63  }
0x40: {  	_ =	swait.ge [sflag:s14], $0x2000  }
0x41: {  	[sflag:s14] =	ssyncset.done $0x0  }
0x42: {  	s6 =	simm.s32 $0x14200;
	[sflag:s14] =	ssyncadd.s32 $0xFFFFE000  }
0x43: {  	[tilespmem:s19], [sflag:$0x1] =	stream.indirect.gather [hbm4b:s8+s18], $0x40, s6, s18, $0xb8;
	[tilespmem:$0x1D000] =	vst v63  }
0x44: {  	_ =	swait.ge [sflag:s29], $0x2000  }
0x45: {  	[sflag:s29] =	ssyncset.done $0x0  }
0x46: {  	s20 =	simm.s32 $0x14880;
	[sflag:s29] =	ssyncadd.s32 $0xFFFFE000  }
0x47: {  	[spmem:s3] =	stream.indirect.scatter.add.f32 [tilespmem:s21], [sflag:$0x5], $0x40, s20, s18, $0xb8;
	[tilespmem:$0x1D000] =	vst v63  }
0x48: {  	_ =	swait.ge [sflag:s14], $0x2000  }
0x49: {  	[sflag:s14] =	ssyncset.done $0x0  }
0x4a: {  	s6 =	simm.s32 $0x14280;
	[sflag:s14] =	ssyncadd.s32 $0xFFFFE000  }
0x4b: {  	[tilespmem:s21], [sflag:$0x2] =	stream.indirect.gather [hbm4b:s8+s18], $0x40, s6, s18, $0xb8;
	[tilespmem:$0x1D000] =	vst v63  }
0x4c: {  	_ =	swait.ge [sflag:s0], $0x2000  }
0x4d: {  	[sflag:s0] =	ssyncset.done $0x0  }
0x4e: {  	s20 =	simm.s32 $0x14900;
	[sflag:s0] =	ssyncadd.s32 $0xFFFFE000  }
0x4f: {  	[spmem:s3] =	stream.indirect.scatter.add.f32 [tilespmem:s23], [sflag:$0x5], $0x40, s20, s18, $0xb8;
	[tilespmem:$0x1D000] =	vst v63  }
0x50: {  	_ =	swait.ge [sflag:s14], $0x2000  }
0x51: {  	[sflag:s14] =	ssyncset.done $0x0  }
0x52: {  	s6 =	simm.s32 $0x14300;
	[sflag:s14] =	ssyncadd.s32 $0xFFFFE000  }
0x53: {  	[tilespmem:s23], [sflag:$0x3] =	stream.indirect.gather [hbm4b:s8+s18], $0x40, s6, s18, $0xb8;
	[tilespmem:$0x1D000] =	vst v63  }
0x54: {  	_ =	swait.ge [sflag:s7], $0x2000  }
0x55: {  	[sflag:s7] =	ssyncset.done $0x0  }
0x56: {  	s20 =	simm.s32 $0x14980;
	[sflag:s7] =	ssyncadd.s32 $0xFFFFE000  }
0x57: {  	[spmem:s3] =	stream.indirect.scatter.add.f32 [tilespmem:s25], [sflag:$0x5], $0x40, s20, s18, $0xb8;
	[tilespmem:$0x1D000] =	vst v63  }
0x58: {  	_ =	swait.ge [sflag:s14], $0x2000  }
0x59: {  	[sflag:s14] =	ssyncset.done $0x0  }
0x5a: {  	s6 =	simm.s32 $0x14380;
	[sflag:s14] =	ssyncadd.s32 $0xFFFFE000  }
0x5b: {  	[tilespmem:s25], [sflag:$0x4] =	stream.indirect.gather [hbm4b:s8+s18], $0x40, s6, s18, $0xb8;
	[tilespmem:$0x1D000] =	vst v63  }
0x5c: {  	_ =	swait.ge [sflag:s26], $0x2000  }
0x5d: {  	[sflag:s26] =	ssyncset.done $0x0  }
0x5e: {  	s20 =	simm.s32 $0x14A00;
	[sflag:s26] =	ssyncadd.s32 $0xFFFFE000  }
0x5f: {  	[spmem:s3] =	stream.indirect.scatter.add.f32 [tilespmem:s19], [sflag:$0x5], $0x40, s20, s18, $0xb8;
	[tilespmem:$0x1D000] =	vst v63  }
0x60: {  	_ =	swait.ge [sflag:s14], $0x2000  }
0x61: {  	[sflag:s14] =	ssyncset.done $0x0  }
0x62: {  	s6 =	simm.s32 $0x14400;
	[sflag:s14] =	ssyncadd.s32 $0xFFFFE000  }
0x63: {  	[tilespmem:s19], [sflag:$0x1] =	stream.indirect.gather [hbm4b:s8+s18], $0x40, s6, s18, $0xb8;
	[tilespmem:$0x1D000] =	vst v63  }
0x64: {  	_ =	swait.ge [sflag:s29], $0x2000  }
0x65: {  	[sflag:s29] =	ssyncset.done $0x0  }
0x66: {  	s20 =	simm.s32 $0x14A80;
	[sflag:s29] =	ssyncadd.s32 $0xFFFFE000  }
0x67: {  	[spmem:s3] =	stream.indirect.scatter.add.f32 [tilespmem:s21], [sflag:$0x5], $0x40, s20, s18, $0xb8;
	[tilespmem:$0x1D000] =	vst v63  }
0x68: {  	_ =	swait.ge [sflag:s14], $0x2000  }
0x69: {  	[sflag:s14] =	ssyncset.done $0x0  }
0x6a: {  	s6 =	simm.s32 $0x14480;
	[sflag:s14] =	ssyncadd.s32 $0xFFFFE000  }
0x6b: {  	[tilespmem:s21], [sflag:$0x2] =	stream.indirect.gather [hbm4b:s8+s18], $0x40, s6, s18, $0xb8;
	[tilespmem:$0x1D000] =	vst v63  }
0x6c: {  	_ =	swait.ge [sflag:s0], $0x2000  }
0x6d: {  	[sflag:s0] =	ssyncset.done $0x0  }
0x6e: {  	s20 =	simm.s32 $0x14B00;
	[sflag:s0] =	ssyncadd.s32 $0xFFFFE000  }
0x6f: {  	[spmem:s3] =	stream.indirect.scatter.add.f32 [tilespmem:s23], [sflag:$0x5], $0x40, s20, s18, $0xb8;
	[tilespmem:$0x1D000] =	vst v63  }
0x70: {  	_ =	swait.ge [sflag:s14], $0x2000  }
0x71: {  	[sflag:s14] =	ssyncset.done $0x0  }
0x72: {  	s6 =	simm.s32 $0x14500;
	[sflag:s14] =	ssyncadd.s32 $0xFFFFE000  }
0x73: {  	[tilespmem:s23], [sflag:$0x3] =	stream.indirect.gather [hbm4b:s8+s18], $0x40, s6, s18, $0xb8;
	[tilespmem:$0x1D000] =	vst v63  }
0x74: {  	_ =	swait.ge [sflag:s7], $0x2000  }
0x75: {  	[sflag:s7] =	ssyncset.done $0x0  }
0x76: {  	s20 =	simm.s32 $0x14B80;
	[sflag:s7] =	ssyncadd.s32 $0xFFFFE000  }
0x77: {  	[spmem:s3] =	stream.indirect.scatter.add.f32 [tilespmem:s25], [sflag:$0x5], $0x40, s20, s18, $0xb8;
	[tilespmem:$0x1D000] =	vst v63  }
0x78: {  	_ =	swait.ge [sflag:s14], $0x2000  }
0x79: {  	[sflag:s14] =	ssyncset.done $0x0  }
0x7a: {  	[sflag:s14] =	ssyncadd.s32 $0xFFFFE000  }
0x7b: {  	[tilespmem:s25], [sflag:$0x4] =	stream.indirect.gather [hbm4b:s8+s18], $0x40, s22, s18, $0xb8;
	[tilespmem:$0x1D000] =	vst v63  }
0x7c: {  	_ =	swait.ge [sflag:s26], $0x2000  }
0x7d: {  	[sflag:s26] =	ssyncset.done $0x0  }
0x7e: {  	[sflag:s26] =	ssyncadd.s32 $0xFFFFE000  }
0x7f: {  	[spmem:s3] =	stream.indirect.scatter.add.f32 [tilespmem:s19], [sflag:$0x5], $0x40, s24, s18, $0xb8;
	[tilespmem:$0x1D000] =	vst v63  }
0x80: {  	_ =	swait.ge [sflag:s14], $0x2000  }
0x81: {  	[sflag:s14] =	ssyncset.done $0x0  }
0x82: {  	[sflag:s14] =	ssyncadd.s32 $0xFFFFE000  }
0x83: {  	[tilespmem:s19], [sflag:$0x1] =	stream.indirect.gather [hbm4b:s8+s18], $0x40, s28, s18, $0xb8;
	[tilespmem:$0x1D000] =	vst v63  }
0x84: {  	_ =	swait.ge [sflag:s29], $0x2000  }
0x85: {  	[sflag:s29] =	ssyncset.done $0x0  }
0x86: {  	[sflag:s29] =	ssyncadd.s32 $0xFFFFE000  }
0x87: {  	[spmem:s3] =	stream.indirect.scatter.add.f32 [tilespmem:s21], [sflag:$0x5], $0x40, s30, s18, $0xb8;
	[tilespmem:$0x1D000] =	vst v63  }
0x88: {  	_ =	swait.ge [sflag:s14], $0x2000  }
0x89: {  	[sflag:s14] =	ssyncset.done $0x0  }
0x8a: {  	[sflag:s14] =	ssyncadd.s32 $0xFFFFE000  }
0x8b: {  	[tilespmem:s21], [sflag:$0x2] =	stream.indirect.gather [hbm4b:s8+s18], $0x40, s31, s18, $0xb8;
	[tilespmem:$0x1D000] =	vst v63  }
0x8c: {  	_ =	swait.ge [sflag:s0], $0x2000  }
0x8d: {  	[sflag:s0] =	ssyncset.done $0x0  }
0x8e: {  	[sflag:s0] =	ssyncadd.s32 $0xFFFFE000  }
0x8f: {  	[spmem:s3] =	stream.indirect.scatter.add.f32 [tilespmem:s23], [sflag:$0x5], $0x40, s1, s18, $0xb8;
	[tilespmem:$0x1D000] =	vst v63  }
0x90: {  	_ =	swait.ge [sflag:s14], $0x2000  }
0x91: {  	[sflag:s14] =	ssyncset.done $0x0  }
0x92: {  	[sflag:s14] =	ssyncadd.s32 $0xFFFFE000  }
0x93: {  	[tilespmem:s23], [sflag:$0x3] =	stream.indirect.gather [hbm4b:s8+s18], $0x40, s5, s18, $0xb8;
	[tilespmem:$0x1D000] =	vst v63  }
0x94: {  	_ =	swait.ge [sflag:s7], $0x2000  }
0x95: {  	[sflag:s7] =	ssyncset.done $0x0  }
0x96: {  	[sflag:s7] =	ssyncadd.s32 $0xFFFFE000  }
0x97: {  	[spmem:s3] =	stream.indirect.scatter.add.f32 [tilespmem:s25], [sflag:$0x5], $0x40, s9, s18, $0xb8;
	[tilespmem:$0x1D000] =	vst v63  }
0x98: {  	_ =	swait.ge [sflag:s14], $0x2000  }
0x99: {  	[sflag:s14] =	ssyncset.done $0x0  }
0x9a: {  	[sflag:s14] =	ssyncadd.s32 $0xFFFFE000  }
0x9b: {  	[tilespmem:s25], [sflag:$0x4] =	stream.indirect.gather [hbm4b:s8+s18], $0x40, s10, s18, $0xb8;
	[tilespmem:$0x1D000] =	vst v63  }
0x9c: {  	_ =	swait.ge [sflag:s26], $0x2000  }
0x9d: {  	[sflag:s26] =	ssyncset.done $0x0  }
0x9e: {  	[sflag:s26] =	ssyncadd.s32 $0xFFFFE000  }
0x9f: {  	[spmem:s3] =	stream.indirect.scatter.add.f32 [tilespmem:s19], [sflag:$0x5], $0x40, s11, s18, $0xb8;
	[tilespmem:$0x1D000] =	vst v63  }
0xa0: {  	_ =	swait.ge [sflag:s14], $0x2000  }
0xa1: {  	[sflag:s14] =	ssyncset.done $0x0  }
0xa2: {  	[sflag:s14] =	ssyncadd.s32 $0xFFFFE000  }
0xa3: {  	_ =	swait.ge [sflag:s29], $0x2000  }
0xa4: {  	[sflag:s29] =	ssyncset.done $0x0  }
0xa5: {  	[sflag:s29] =	ssyncadd.s32 $0xFFFFE000  }
0xa6: {  	[spmem:s3] =	stream.indirect.scatter.add.f32 [tilespmem:s21], [sflag:$0x5], $0x40, s12, s18, $0xb8;
	[tilespmem:$0x1D000] =	vst v63  }
0xa7: {  	_ =	swait.ge [sflag:s14], $0x2000  }
0xa8: {  	[sflag:s14] =	ssyncset.done $0x0  }
0xa9: {  	[sflag:s14] =	ssyncadd.s32 $0xFFFFE000  }
0xaa: {  	_ =	swait.ge [sflag:s0], $0x2000  }
0xab: {  	[sflag:s0] =	ssyncset.done $0x0  }
0xac: {  	[sflag:s0] =	ssyncadd.s32 $0xFFFFE000  }
0xad: {  	[spmem:s3] =	stream.indirect.scatter.add.f32 [tilespmem:s23], [sflag:$0x5], $0x40, s13, s18, $0xb8;
	[tilespmem:$0x1D000] =	vst v63  }
0xae: {  	_ =	swait.ge [sflag:s14], $0x2000  }
0xaf: {  	[sflag:s14] =	ssyncset.done $0x0  }
0xb0: {  	[sflag:s14] =	ssyncadd.s32 $0xFFFFE000  }
0xb1: {  	_ =	swait.ge [sflag:s7], $0x2000  }
0xb2: {  	[sflag:s7] =	ssyncset.done $0x0  }
0xb3: {  	[sflag:s7] =	ssyncadd.s32 $0xFFFFE000  }
0xb4: {  	[spmem:s3] =	stream.indirect.scatter.add.f32 [tilespmem:s25], [sflag:$0x5], $0x40, s15, s18, $0xb8;
	[tilespmem:$0x1D000] =	vst v63  }
0xb5: {  	s6 =	simm.s32 $0x100;
	_ =	swait.ge [sflag:s14], $0x2000  }
.LBB2_2:
0xb6: {  	s2 =	rddreg [dreg:$0x6];
	s20 =	smov.u32 s6;
	[sflag:s14] =	ssyncset.done $0x0  }
0xb7: {  	s2 =	sadd.s32 s20, s2;
	[sflag:s14] =	ssyncadd.s32 $0xFFFFE000  }
0xb8: {  	[tilespmem:s16], [sflag:$0x5] =	stream.linear.gather [hbm4b:s2+s4], $0x800, $0x38;
	[tilespmem:$0x1D000] =	vst v63  }
0xb9: {  	_ =	swait.ge [sflag:s14], $0x800  }
0xba: {  	s2 =	rddreg [dreg:$0x5];
	[sflag:s14] =	ssyncset.done $0x0  }
0xbb: {  	[sflag:s14] =	ssyncadd.s32 $0xFFFFF800;
	s2 =	sadd.s32 s20, s2  }
0xbc: {  	[tilespmem:s17], [sflag:$0x5] =	stream.linear.gather [hbm4b:s2+s4], $0x800, $0x38;
	[tilespmem:$0x1D000] =	vst v63  }
0xbd: {  	_ =	swait.ge [sflag:s14], $0x800  }
0xbe: {  	[sflag:s14] =	ssyncset.done $0x0  }
0xbf: {  	[sflag:s14] =	ssyncadd.s32 $0xFFFFF800  }
0xc0: {  	[tilespmem:s19], [sflag:$0x1] =	stream.indirect.gather [hbm4b:s8+s18], $0x40, s16, s18, $0xb8;
	[tilespmem:$0x1D000] =	vst v63  }
0xc1: {  	s20 =	simm.s32 $0x14080  }
0xc2: {  	[tilespmem:s21], [sflag:$0x2] =	stream.indirect.gather [hbm4b:s8+s18], $0x40, s20, s18, $0xb8;
	[tilespmem:$0x1D000] =	vst v63  }
0xc3: {  	s20 =	simm.s32 $0x14100  }
0xc4: {  	[tilespmem:s23], [sflag:$0x3] =	stream.indirect.gather [hbm4b:s8+s18], $0x40, s20, s18, $0xb8;
	[tilespmem:$0x1D000] =	vst v63  }
0xc5: {  	s20 =	simm.s32 $0x14180  }
0xc6: {  	[tilespmem:s25], [sflag:$0x4] =	stream.indirect.gather [hbm4b:s8+s18], $0x40, s20, s18, $0xb8;
	[tilespmem:$0x1D000] =	vst v63  }
0xc7: {  	_ =	swait.ge [sflag:s26], $0x2000  }
0xc8: {  	[sflag:s26] =	ssyncset.done $0x0  }
0xc9: {  	[sflag:s26] =	ssyncadd.s32 $0xFFFFE000  }
0xca: {  	[spmem:s3] =	stream.indirect.scatter.add.f32 [tilespmem:s19], [sflag:$0x5], $0x40, s17, s18, $0xb8;
	[tilespmem:$0x1D000] =	vst v63  }
0xcb: {  	_ =	swait.ge [sflag:s14], $0x2000  }
0xcc: {  	[sflag:s14] =	ssyncset.done $0x0  }
0xcd: {  	s20 =	simm.s32 $0x14200;
	[sflag:s14] =	ssyncadd.s32 $0xFFFFE000  }
0xce: {  	[tilespmem:s19], [sflag:$0x1] =	stream.indirect.gather [hbm4b:s8+s18], $0x40, s20, s18, $0xb8;
	[tilespmem:$0x1D000] =	vst v63  }
0xcf: {  	_ =	swait.ge [sflag:s29], $0x2000  }
0xd0: {  	[sflag:s29] =	ssyncset.done $0x0  }
0xd1: {  	s20 =	simm.s32 $0x14880;
	[sflag:s29] =	ssyncadd.s32 $0xFFFFE000  }
0xd2: {  	[spmem:s3] =	stream.indirect.scatter.add.f32 [tilespmem:s21], [sflag:$0x5], $0x40, s20, s18, $0xb8;
	[tilespmem:$0x1D000] =	vst v63  }
0xd3: {  	_ =	swait.ge [sflag:s14], $0x2000  }
0xd4: {  	[sflag:s14] =	ssyncset.done $0x0  }
0xd5: {  	s20 =	simm.s32 $0x14280;
	[sflag:s14] =	ssyncadd.s32 $0xFFFFE000  }
0xd6: {  	[tilespmem:s21], [sflag:$0x2] =	stream.indirect.gather [hbm4b:s8+s18], $0x40, s20, s18, $0xb8;
	[tilespmem:$0x1D000] =	vst v63  }
0xd7: {  	_ =	swait.ge [sflag:s0], $0x2000  }
0xd8: {  	[sflag:s0] =	ssyncset.done $0x0  }
0xd9: {  	s20 =	simm.s32 $0x14900;
	[sflag:s0] =	ssyncadd.s32 $0xFFFFE000  }
0xda: {  	[spmem:s3] =	stream.indirect.scatter.add.f32 [tilespmem:s23], [sflag:$0x5], $0x40, s20, s18, $0xb8;
	[tilespmem:$0x1D000] =	vst v63  }
0xdb: {  	_ =	swait.ge [sflag:s14], $0x2000  }
0xdc: {  	[sflag:s14] =	ssyncset.done $0x0  }
0xdd: {  	s20 =	simm.s32 $0x14300;
	[sflag:s14] =	ssyncadd.s32 $0xFFFFE000  }
0xde: {  	[tilespmem:s23], [sflag:$0x3] =	stream.indirect.gather [hbm4b:s8+s18], $0x40, s20, s18, $0xb8;
	[tilespmem:$0x1D000] =	vst v63  }
0xdf: {  	_ =	swait.ge [sflag:s7], $0x2000  }
0xe0: {  	[sflag:s7] =	ssyncset.done $0x0  }
0xe1: {  	s20 =	simm.s32 $0x14980;
	[sflag:s7] =	ssyncadd.s32 $0xFFFFE000  }
0xe2: {  	[spmem:s3] =	stream.indirect.scatter.add.f32 [tilespmem:s25], [sflag:$0x5], $0x40, s20, s18, $0xb8;
	[tilespmem:$0x1D000] =	vst v63  }
0xe3: {  	_ =	swait.ge [sflag:s14], $0x2000  }
0xe4: {  	[sflag:s14] =	ssyncset.done $0x0  }
0xe5: {  	s20 =	simm.s32 $0x14380;
	[sflag:s14] =	ssyncadd.s32 $0xFFFFE000  }
0xe6: {  	[tilespmem:s25], [sflag:$0x4] =	stream.indirect.gather [hbm4b:s8+s18], $0x40, s20, s18, $0xb8;
	[tilespmem:$0x1D000] =	vst v63  }
0xe7: {  	_ =	swait.ge [sflag:s26], $0x2000  }
0xe8: {  	[sflag:s26] =	ssyncset.done $0x0  }
0xe9: {  	s20 =	simm.s32 $0x14A00;
	[sflag:s26] =	ssyncadd.s32 $0xFFFFE000  }
0xea: {  	[spmem:s3] =	stream.indirect.scatter.add.f32 [tilespmem:s19], [sflag:$0x5], $0x40, s20, s18, $0xb8;
	[tilespmem:$0x1D000] =	vst v63  }
0xeb: {  	_ =	swait.ge [sflag:s14], $0x2000  }
0xec: {  	[sflag:s14] =	ssyncset.done $0x0  }
0xed: {  	s20 =	simm.s32 $0x14400;
	[sflag:s14] =	ssyncadd.s32 $0xFFFFE000  }
0xee: {  	[tilespmem:s19], [sflag:$0x1] =	stream.indirect.gather [hbm4b:s8+s18], $0x40, s20, s18, $0xb8;
	[tilespmem:$0x1D000] =	vst v63  }
0xef: {  	_ =	swait.ge [sflag:s29], $0x2000  }
0xf0: {  	[sflag:s29] =	ssyncset.done $0x0  }
0xf1: {  	s20 =	simm.s32 $0x14A80;
	[sflag:s29] =	ssyncadd.s32 $0xFFFFE000  }
0xf2: {  	[spmem:s3] =	stream.indirect.scatter.add.f32 [tilespmem:s21], [sflag:$0x5], $0x40, s20, s18, $0xb8;
	[tilespmem:$0x1D000] =	vst v63  }
0xf3: {  	_ =	swait.ge [sflag:s14], $0x2000  }
0xf4: {  	[sflag:s14] =	ssyncset.done $0x0  }
0xf5: {  	s20 =	simm.s32 $0x14480;
	[sflag:s14] =	ssyncadd.s32 $0xFFFFE000  }
0xf6: {  	[tilespmem:s21], [sflag:$0x2] =	stream.indirect.gather [hbm4b:s8+s18], $0x40, s20, s18, $0xb8;
	[tilespmem:$0x1D000] =	vst v63  }
0xf7: {  	_ =	swait.ge [sflag:s0], $0x2000  }
0xf8: {  	[sflag:s0] =	ssyncset.done $0x0  }
0xf9: {  	s20 =	simm.s32 $0x14B00;
	[sflag:s0] =	ssyncadd.s32 $0xFFFFE000  }
0xfa: {  	[spmem:s3] =	stream.indirect.scatter.add.f32 [tilespmem:s23], [sflag:$0x5], $0x40, s20, s18, $0xb8;
	[tilespmem:$0x1D000] =	vst v63  }
0xfb: {  	_ =	swait.ge [sflag:s14], $0x2000  }
0xfc: {  	[sflag:s14] =	ssyncset.done $0x0  }
0xfd: {  	s20 =	simm.s32 $0x14500;
	[sflag:s14] =	ssyncadd.s32 $0xFFFFE000  }
0xfe: {  	[tilespmem:s23], [sflag:$0x3] =	stream.indirect.gather [hbm4b:s8+s18], $0x40, s20, s18, $0xb8;
	[tilespmem:$0x1D000] =	vst v63  }
0xff: {  	_ =	swait.ge [sflag:s7], $0x2000  }
0x100: {  	[sflag:s7] =	ssyncset.done $0x0  }
0x101: {  	s20 =	simm.s32 $0x14B80;
	[sflag:s7] =	ssyncadd.s32 $0xFFFFE000  }
0x102: {  	[spmem:s3] =	stream.indirect.scatter.add.f32 [tilespmem:s25], [sflag:$0x5], $0x40, s20, s18, $0xb8;
	[tilespmem:$0x1D000] =	vst v63  }
0x103: {  	_ =	swait.ge [sflag:s14], $0x2000  }
0x104: {  	[sflag:s14] =	ssyncset.done $0x0  }
0x105: {  	[sflag:s14] =	ssyncadd.s32 $0xFFFFE000  }
0x106: {  	[tilespmem:s25], [sflag:$0x4] =	stream.indirect.gather [hbm4b:s8+s18], $0x40, s22, s18, $0xb8;
	[tilespmem:$0x1D000] =	vst v63  }
0x107: {  	_ =	swait.ge [sflag:s26], $0x2000  }
0x108: {  	[sflag:s26] =	ssyncset.done $0x0  }
0x109: {  	[sflag:s26] =	ssyncadd.s32 $0xFFFFE000  }
0x10a: {  	[spmem:s3] =	stream.indirect.scatter.add.f32 [tilespmem:s19], [sflag:$0x5], $0x40, s24, s18, $0xb8;
	[tilespmem:$0x1D000] =	vst v63  }
0x10b: {  	_ =	swait.ge [sflag:s14], $0x2000  }
0x10c: {  	[sflag:s14] =	ssyncset.done $0x0  }
0x10d: {  	[sflag:s14] =	ssyncadd.s32 $0xFFFFE000  }
0x10e: {  	[tilespmem:s19], [sflag:$0x1] =	stream.indirect.gather [hbm4b:s8+s18], $0x40, s28, s18, $0xb8;
	[tilespmem:$0x1D000] =	vst v63  }
0x10f: {  	_ =	swait.ge [sflag:s29], $0x2000  }
0x110: {  	[sflag:s29] =	ssyncset.done $0x0  }
0x111: {  	[sflag:s29] =	ssyncadd.s32 $0xFFFFE000  }
0x112: {  	[spmem:s3] =	stream.indirect.scatter.add.f32 [tilespmem:s21], [sflag:$0x5], $0x40, s30, s18, $0xb8;
	[tilespmem:$0x1D000] =	vst v63  }
0x113: {  	_ =	swait.ge [sflag:s14], $0x2000  }
0x114: {  	[sflag:s14] =	ssyncset.done $0x0  }
0x115: {  	[sflag:s14] =	ssyncadd.s32 $0xFFFFE000  }
0x116: {  	[tilespmem:s21], [sflag:$0x2] =	stream.indirect.gather [hbm4b:s8+s18], $0x40, s31, s18, $0xb8;
	[tilespmem:$0x1D000] =	vst v63  }
0x117: {  	_ =	swait.ge [sflag:s0], $0x2000  }
0x118: {  	[sflag:s0] =	ssyncset.done $0x0  }
0x119: {  	[sflag:s0] =	ssyncadd.s32 $0xFFFFE000  }
0x11a: {  	[spmem:s3] =	stream.indirect.scatter.add.f32 [tilespmem:s23], [sflag:$0x5], $0x40, s1, s18, $0xb8;
	[tilespmem:$0x1D000] =	vst v63  }
0x11b: {  	_ =	swait.ge [sflag:s14], $0x2000  }
0x11c: {  	[sflag:s14] =	ssyncset.done $0x0  }
0x11d: {  	[sflag:s14] =	ssyncadd.s32 $0xFFFFE000  }
0x11e: {  	[tilespmem:s23], [sflag:$0x3] =	stream.indirect.gather [hbm4b:s8+s18], $0x40, s5, s18, $0xb8;
	[tilespmem:$0x1D000] =	vst v63  }
0x11f: {  	_ =	swait.ge [sflag:s7], $0x2000  }
0x120: {  	[sflag:s7] =	ssyncset.done $0x0  }
0x121: {  	[sflag:s7] =	ssyncadd.s32 $0xFFFFE000  }
0x122: {  	[spmem:s3] =	stream.indirect.scatter.add.f32 [tilespmem:s25], [sflag:$0x5], $0x40, s9, s18, $0xb8;
	[tilespmem:$0x1D000] =	vst v63  }
0x123: {  	_ =	swait.ge [sflag:s14], $0x2000  }
0x124: {  	[sflag:s14] =	ssyncset.done $0x0  }
0x125: {  	[sflag:s14] =	ssyncadd.s32 $0xFFFFE000  }
0x126: {  	[tilespmem:s25], [sflag:$0x4] =	stream.indirect.gather [hbm4b:s8+s18], $0x40, s10, s18, $0xb8;
	[tilespmem:$0x1D000] =	vst v63  }
0x127: {  	_ =	swait.ge [sflag:s26], $0x2000  }
0x128: {  	[sflag:s26] =	ssyncset.done $0x0  }
0x129: {  	[sflag:s26] =	ssyncadd.s32 $0xFFFFE000  }
0x12a: {  	[spmem:s3] =	stream.indirect.scatter.add.f32 [tilespmem:s19], [sflag:$0x5], $0x40, s11, s18, $0xb8;
	[tilespmem:$0x1D000] =	vst v63  }
0x12b: {  	_ =	swait.ge [sflag:s14], $0x2000  }
0x12c: {  	[sflag:s14] =	ssyncset.done $0x0  }
0x12d: {  	[sflag:s14] =	ssyncadd.s32 $0xFFFFE000  }
0x12e: {  	_ =	swait.ge [sflag:s29], $0x2000  }
0x12f: {  	[sflag:s29] =	ssyncset.done $0x0  }
0x130: {  	[sflag:s29] =	ssyncadd.s32 $0xFFFFE000  }
0x131: {  	[spmem:s3] =	stream.indirect.scatter.add.f32 [tilespmem:s21], [sflag:$0x5], $0x40, s12, s18, $0xb8;
	[tilespmem:$0x1D000] =	vst v63  }
0x132: {  	_ =	swait.ge [sflag:s14], $0x2000  }
0x133: {  	[sflag:s14] =	ssyncset.done $0x0  }
0x134: {  	[sflag:s14] =	ssyncadd.s32 $0xFFFFE000  }
0x135: {  	_ =	swait.ge [sflag:s0], $0x2000  }
0x136: {  	[sflag:s0] =	ssyncset.done $0x0  }
0x137: {  	[sflag:s0] =	ssyncadd.s32 $0xFFFFE000  }
0x138: {  	[spmem:s3] =	stream.indirect.scatter.add.f32 [tilespmem:s23], [sflag:$0x5], $0x40, s13, s18, $0xb8;
	[tilespmem:$0x1D000] =	vst v63  }
0x139: {  	_ =	swait.ge [sflag:s14], $0x2000  }
0x13a: {  	[sflag:s14] =	ssyncset.done $0x0  }
0x13b: {  	p0 =	sne.s32 s6, $0x800;
	[sflag:s14] =	ssyncadd.s32 $0xFFFFE000  }
.Ltmp0:
0x13c: {  	_ =	swait.ge [sflag:s7], $0x2000;
	(pc) =	sbr.rel @p0 .LBB2_2-.Ltmp0, $4  }
0x13d: {  	[sflag:s7] =	ssyncset.done $0x0  }
0x13e: {  	[sflag:s7] =	ssyncadd.s32 $0xFFFFE000  }
0x13f: {  	[spmem:s3] =	stream.indirect.scatter.add.f32 [tilespmem:s25], [sflag:$0x5], $0x40, s15, s18, $0xb8;
	[tilespmem:$0x1D000] =	vst v63  }
0x140: {  	s6 =	sadd.s32 $0x100, s6;
	_ =	swait.ge [sflag:s14], $0x2000  }
0x141: {  	[sflag:s14] =	ssyncset.done $0x0  }
0x142: {  	s2 =	rddreg [dreg:$0xa];
	[sflag:s14] =	ssyncadd.s32 $0xFFFFE000  }
0x143: {  	[tilespmem:s16], [sflag:$0x5] =	stream.linear.gather [hbm4b:s2+s4], $0x800, $0x38;
	[tilespmem:$0x1D000] =	vst v63  }
0x144: {  	_ =	swait.ge [sflag:s14], $0x800  }
0x145: {  	[sflag:s14] =	ssyncset.done $0x0  }
0x146: {  	s6 =	rddreg [dreg:$0xb];
	[sflag:s14] =	ssyncadd.s32 $0xFFFFF800  }
0x147: {  	[tilespmem:s17], [sflag:$0x5] =	stream.linear.gather [hbm4b:s6+s4], $0x800, $0x38;
	[tilespmem:$0x1D000] =	vst v63  }
0x148: {  	_ =	swait.ge [sflag:s14], $0x800  }
0x149: {  	[sflag:s14] =	ssyncset.done $0x0  }
0x14a: {  	[sflag:s14] =	ssyncadd.s32 $0xFFFFF800  }
0x14b: {  	s2 =	rddreg [dreg:$0x2]  }
0x14c: {  	[tilespmem:s19], [sflag:$0x1] =	stream.indirect.gather [spmem:s2], $0x40, s16, s18, $0xb8;
	[tilespmem:$0x1D000] =	vst v63  }
0x14d: {  	s6 =	simm.s32 $0x14080  }
0x14e: {  	[tilespmem:s21], [sflag:$0x2] =	stream.indirect.gather [spmem:s2], $0x40, s6, s18, $0xb8;
	[tilespmem:$0x1D000] =	vst v63  }
0x14f: {  	s20 =	simm.s32 $0x14100  }
0x150: {  	[tilespmem:s23], [sflag:$0x3] =	stream.indirect.gather [spmem:s2], $0x40, s20, s18, $0xb8;
	[tilespmem:$0x1D000] =	vst v63  }
0x151: {  	s20 =	simm.s32 $0x14180  }
0x152: {  	[tilespmem:s25], [sflag:$0x4] =	stream.indirect.gather [spmem:s2], $0x40, s20, s18, $0xb8;
	[tilespmem:$0x1D000] =	vst v63  }
0x153: {  	_ =	swait.ge [sflag:s26], $0x2000  }
0x154: {  	[sflag:s26] =	ssyncset.done $0x0  }
0x155: {  	[sflag:s26] =	ssyncadd.s32 $0xFFFFE000  }
0x156: {  	[spmem:s3] =	stream.indirect.scatter.add.f32 [tilespmem:s19], [sflag:$0x5], $0x40, s17, s18, $0xb8;
	[tilespmem:$0x1D000] =	vst v63  }
0x157: {  	_ =	swait.ge [sflag:s14], $0x2000  }
0x158: {  	[sflag:s14] =	ssyncset.done $0x0  }
0x159: {  	s20 =	simm.s32 $0x14200;
	[sflag:s14] =	ssyncadd.s32 $0xFFFFE000  }
0x15a: {  	[tilespmem:s19], [sflag:$0x1] =	stream.indirect.gather [spmem:s2], $0x40, s20, s18, $0xb8;
	[tilespmem:$0x1D000] =	vst v63  }
0x15b: {  	_ =	swait.ge [sflag:s29], $0x2000  }
0x15c: {  	[sflag:s29] =	ssyncset.done $0x0  }
0x15d: {  	s20 =	simm.s32 $0x14880;
	[sflag:s29] =	ssyncadd.s32 $0xFFFFE000  }
0x15e: {  	[spmem:s3] =	stream.indirect.scatter.add.f32 [tilespmem:s21], [sflag:$0x5], $0x40, s20, s18, $0xb8;
	[tilespmem:$0x1D000] =	vst v63  }
0x15f: {  	_ =	swait.ge [sflag:s14], $0x2000  }
0x160: {  	[sflag:s14] =	ssyncset.done $0x0  }
0x161: {  	s20 =	simm.s32 $0x14280;
	[sflag:s14] =	ssyncadd.s32 $0xFFFFE000  }
0x162: {  	[tilespmem:s21], [sflag:$0x2] =	stream.indirect.gather [spmem:s2], $0x40, s20, s18, $0xb8;
	[tilespmem:$0x1D000] =	vst v63  }
0x163: {  	_ =	swait.ge [sflag:s0], $0x2000  }
0x164: {  	[sflag:s0] =	ssyncset.done $0x0  }
0x165: {  	s20 =	simm.s32 $0x14900;
	[sflag:s0] =	ssyncadd.s32 $0xFFFFE000  }
0x166: {  	[spmem:s3] =	stream.indirect.scatter.add.f32 [tilespmem:s23], [sflag:$0x5], $0x40, s20, s18, $0xb8;
	[tilespmem:$0x1D000] =	vst v63  }
0x167: {  	_ =	swait.ge [sflag:s14], $0x2000  }
0x168: {  	[sflag:s14] =	ssyncset.done $0x0  }
0x169: {  	s20 =	simm.s32 $0x14300;
	[sflag:s14] =	ssyncadd.s32 $0xFFFFE000  }
0x16a: {  	[tilespmem:s23], [sflag:$0x3] =	stream.indirect.gather [spmem:s2], $0x40, s20, s18, $0xb8;
	[tilespmem:$0x1D000] =	vst v63  }
0x16b: {  	_ =	swait.ge [sflag:s7], $0x2000  }
0x16c: {  	[sflag:s7] =	ssyncset.done $0x0  }
0x16d: {  	s20 =	simm.s32 $0x14980;
	[sflag:s7] =	ssyncadd.s32 $0xFFFFE000  }
0x16e: {  	[spmem:s3] =	stream.indirect.scatter.add.f32 [tilespmem:s25], [sflag:$0x5], $0x40, s20, s18, $0xb8;
	[tilespmem:$0x1D000] =	vst v63  }
0x16f: {  	_ =	swait.ge [sflag:s14], $0x2000  }
0x170: {  	[sflag:s14] =	ssyncset.done $0x0  }
0x171: {  	s20 =	simm.s32 $0x14380;
	[sflag:s14] =	ssyncadd.s32 $0xFFFFE000  }
0x172: {  	[tilespmem:s25], [sflag:$0x4] =	stream.indirect.gather [spmem:s2], $0x40, s20, s18, $0xb8;
	[tilespmem:$0x1D000] =	vst v63  }
0x173: {  	_ =	swait.ge [sflag:s26], $0x2000  }
0x174: {  	[sflag:s26] =	ssyncset.done $0x0  }
0x175: {  	s20 =	simm.s32 $0x14A00;
	[sflag:s26] =	ssyncadd.s32 $0xFFFFE000  }
0x176: {  	[spmem:s3] =	stream.indirect.scatter.add.f32 [tilespmem:s19], [sflag:$0x5], $0x40, s20, s18, $0xb8;
	[tilespmem:$0x1D000] =	vst v63  }
0x177: {  	_ =	swait.ge [sflag:s14], $0x2000  }
0x178: {  	[sflag:s14] =	ssyncset.done $0x0  }
0x179: {  	s20 =	simm.s32 $0x14400;
	[sflag:s14] =	ssyncadd.s32 $0xFFFFE000  }
0x17a: {  	[tilespmem:s19], [sflag:$0x1] =	stream.indirect.gather [spmem:s2], $0x40, s20, s18, $0xb8;
	[tilespmem:$0x1D000] =	vst v63  }
0x17b: {  	_ =	swait.ge [sflag:s29], $0x2000  }
0x17c: {  	[sflag:s29] =	ssyncset.done $0x0  }
0x17d: {  	s20 =	simm.s32 $0x14A80;
	[sflag:s29] =	ssyncadd.s32 $0xFFFFE000  }
0x17e: {  	[spmem:s3] =	stream.indirect.scatter.add.f32 [tilespmem:s21], [sflag:$0x5], $0x40, s20, s18, $0xb8;
	[tilespmem:$0x1D000] =	vst v63  }
0x17f: {  	_ =	swait.ge [sflag:s14], $0x2000  }
0x180: {  	[sflag:s14] =	ssyncset.done $0x0  }
0x181: {  	s20 =	simm.s32 $0x14480;
	[sflag:s14] =	ssyncadd.s32 $0xFFFFE000  }
0x182: {  	[tilespmem:s21], [sflag:$0x2] =	stream.indirect.gather [spmem:s2], $0x40, s20, s18, $0xb8;
	[tilespmem:$0x1D000] =	vst v63  }
0x183: {  	_ =	swait.ge [sflag:s0], $0x2000  }
0x184: {  	[sflag:s0] =	ssyncset.done $0x0  }
0x185: {  	s20 =	simm.s32 $0x14B00;
	[sflag:s0] =	ssyncadd.s32 $0xFFFFE000  }
0x186: {  	[spmem:s3] =	stream.indirect.scatter.add.f32 [tilespmem:s23], [sflag:$0x5], $0x40, s20, s18, $0xb8;
	[tilespmem:$0x1D000] =	vst v63  }
0x187: {  	_ =	swait.ge [sflag:s14], $0x2000  }
0x188: {  	[sflag:s14] =	ssyncset.done $0x0  }
0x189: {  	s20 =	simm.s32 $0x14500;
	[sflag:s14] =	ssyncadd.s32 $0xFFFFE000  }
0x18a: {  	[tilespmem:s23], [sflag:$0x3] =	stream.indirect.gather [spmem:s2], $0x40, s20, s18, $0xb8;
	[tilespmem:$0x1D000] =	vst v63  }
0x18b: {  	_ =	swait.ge [sflag:s7], $0x2000  }
0x18c: {  	[sflag:s7] =	ssyncset.done $0x0  }
0x18d: {  	s20 =	simm.s32 $0x14B80;
	[sflag:s7] =	ssyncadd.s32 $0xFFFFE000  }
0x18e: {  	[spmem:s3] =	stream.indirect.scatter.add.f32 [tilespmem:s25], [sflag:$0x5], $0x40, s20, s18, $0xb8;
	[tilespmem:$0x1D000] =	vst v63  }
0x18f: {  	_ =	swait.ge [sflag:s14], $0x2000  }
0x190: {  	[sflag:s14] =	ssyncset.done $0x0  }
0x191: {  	[sflag:s14] =	ssyncadd.s32 $0xFFFFE000  }
0x192: {  	[tilespmem:s25], [sflag:$0x4] =	stream.indirect.gather [spmem:s2], $0x40, s22, s18, $0xb8;
	[tilespmem:$0x1D000] =	vst v63  }
0x193: {  	_ =	swait.ge [sflag:s26], $0x2000  }
0x194: {  	[sflag:s26] =	ssyncset.done $0x0  }
0x195: {  	[sflag:s26] =	ssyncadd.s32 $0xFFFFE000  }
0x196: {  	[spmem:s3] =	stream.indirect.scatter.add.f32 [tilespmem:s19], [sflag:$0x5], $0x40, s24, s18, $0xb8;
	[tilespmem:$0x1D000] =	vst v63  }
0x197: {  	_ =	swait.ge [sflag:s14], $0x2000  }
0x198: {  	[sflag:s14] =	ssyncset.done $0x0  }
0x199: {  	[sflag:s14] =	ssyncadd.s32 $0xFFFFE000  }
0x19a: {  	[tilespmem:s19], [sflag:$0x1] =	stream.indirect.gather [spmem:s2], $0x40, s28, s18, $0xb8;
	[tilespmem:$0x1D000] =	vst v63  }
0x19b: {  	_ =	swait.ge [sflag:s29], $0x2000  }
0x19c: {  	[sflag:s29] =	ssyncset.done $0x0  }
0x19d: {  	[sflag:s29] =	ssyncadd.s32 $0xFFFFE000  }
0x19e: {  	[spmem:s3] =	stream.indirect.scatter.add.f32 [tilespmem:s21], [sflag:$0x5], $0x40, s30, s18, $0xb8;
	[tilespmem:$0x1D000] =	vst v63  }
0x19f: {  	_ =	swait.ge [sflag:s14], $0x2000  }
0x1a0: {  	[sflag:s14] =	ssyncset.done $0x0  }
0x1a1: {  	[sflag:s14] =	ssyncadd.s32 $0xFFFFE000  }
0x1a2: {  	[tilespmem:s21], [sflag:$0x2] =	stream.indirect.gather [spmem:s2], $0x40, s31, s18, $0xb8;
	[tilespmem:$0x1D000] =	vst v63  }
0x1a3: {  	_ =	swait.ge [sflag:s0], $0x2000  }
0x1a4: {  	[sflag:s0] =	ssyncset.done $0x0  }
0x1a5: {  	[sflag:s0] =	ssyncadd.s32 $0xFFFFE000  }
0x1a6: {  	[spmem:s3] =	stream.indirect.scatter.add.f32 [tilespmem:s23], [sflag:$0x5], $0x40, s1, s18, $0xb8;
	[tilespmem:$0x1D000] =	vst v63  }
0x1a7: {  	_ =	swait.ge [sflag:s14], $0x2000  }
0x1a8: {  	[sflag:s14] =	ssyncset.done $0x0  }
0x1a9: {  	[sflag:s14] =	ssyncadd.s32 $0xFFFFE000  }
0x1aa: {  	[tilespmem:s23], [sflag:$0x3] =	stream.indirect.gather [spmem:s2], $0x40, s5, s18, $0xb8;
	[tilespmem:$0x1D000] =	vst v63  }
0x1ab: {  	_ =	swait.ge [sflag:s7], $0x2000  }
0x1ac: {  	[sflag:s7] =	ssyncset.done $0x0  }
0x1ad: {  	[sflag:s7] =	ssyncadd.s32 $0xFFFFE000  }
0x1ae: {  	[spmem:s3] =	stream.indirect.scatter.add.f32 [tilespmem:s25], [sflag:$0x5], $0x40, s9, s18, $0xb8;
	[tilespmem:$0x1D000] =	vst v63  }
0x1af: {  	_ =	swait.ge [sflag:s14], $0x2000  }
0x1b0: {  	[sflag:s14] =	ssyncset.done $0x0  }
0x1b1: {  	[sflag:s14] =	ssyncadd.s32 $0xFFFFE000  }
0x1b2: {  	[tilespmem:s25], [sflag:$0x4] =	stream.indirect.gather [spmem:s2], $0x40, s10, s18, $0xb8;
	[tilespmem:$0x1D000] =	vst v63  }
0x1b3: {  	_ =	swait.ge [sflag:s26], $0x2000  }
0x1b4: {  	[sflag:s26] =	ssyncset.done $0x0  }
0x1b5: {  	[sflag:s26] =	ssyncadd.s32 $0xFFFFE000  }
0x1b6: {  	[spmem:s3] =	stream.indirect.scatter.add.f32 [tilespmem:s19], [sflag:$0x5], $0x40, s11, s18, $0xb8;
	[tilespmem:$0x1D000] =	vst v63  }
0x1b7: {  	_ =	swait.ge [sflag:s14], $0x2000  }
0x1b8: {  	[sflag:s14] =	ssyncset.done $0x0  }
0x1b9: {  	[sflag:s14] =	ssyncadd.s32 $0xFFFFE000  }
0x1ba: {  	_ =	swait.ge [sflag:s29], $0x2000  }
0x1bb: {  	[sflag:s29] =	ssyncset.done $0x0  }
0x1bc: {  	[sflag:s29] =	ssyncadd.s32 $0xFFFFE000  }
0x1bd: {  	[spmem:s3] =	stream.indirect.scatter.add.f32 [tilespmem:s21], [sflag:$0x5], $0x40, s12, s18, $0xb8;
	[tilespmem:$0x1D000] =	vst v63  }
0x1be: {  	_ =	swait.ge [sflag:s14], $0x2000  }
0x1bf: {  	[sflag:s14] =	ssyncset.done $0x0  }
0x1c0: {  	[sflag:s14] =	ssyncadd.s32 $0xFFFFE000  }
0x1c1: {  	_ =	swait.ge [sflag:s0], $0x2000  }
0x1c2: {  	[sflag:s0] =	ssyncset.done $0x0  }
0x1c3: {  	[sflag:s0] =	ssyncadd.s32 $0xFFFFE000  }
0x1c4: {  	[spmem:s3] =	stream.indirect.scatter.add.f32 [tilespmem:s23], [sflag:$0x5], $0x40, s13, s18, $0xb8;
	[tilespmem:$0x1D000] =	vst v63  }
0x1c5: {  	_ =	swait.ge [sflag:s14], $0x2000  }
0x1c6: {  	[sflag:s14] =	ssyncset.done $0x0  }
0x1c7: {  	[sflag:s14] =	ssyncadd.s32 $0xFFFFE000  }
0x1c8: {  	_ =	swait.ge [sflag:s7], $0x2000  }
0x1c9: {  	[sflag:s7] =	ssyncset.done $0x0  }
0x1ca: {  	[sflag:s7] =	ssyncadd.s32 $0xFFFFE000  }
0x1cb: {  	[spmem:s3] =	stream.indirect.scatter.add.f32 [tilespmem:s25], [sflag:$0x5], $0x40, s15, s18, $0xb8;
	[tilespmem:$0x1D000] =	vst v63  }
0x1cc: {  	_ =	swait.ge [sflag:s14], $0x2000  }
0x1cd: {  	[sflag:s14] =	ssyncset.done $0x0  }
0x1ce: {  	[sflag:s14] =	ssyncadd.s32 $0xFFFFE000  }
0x1cf: {  	[bflag:$0x0] =	sbarrier.arrive $0xFFFF  }
0x1d0: {  	s20 =	rddreg [dreg:$0x8]  }
0x1d1: {  	s2 =	rddreg [dreg:$0xc]  }
0x1d2: {  	s6 =	rddreg [dreg:$0xf]  }
0x1d3: {  	[hbm:s2], [sflag:s20] =	dma.local [spmem:s6], $0x1400  }
0x1d4: {  	_ =	swait.ge [sflag:s14], $0x1400  }
0x1d5: {  	s2 =	rddreg [dreg:$0x10]  }
0x1d6: {  	s6 =	rddreg [dreg:$0xd];
	s20 =	sadd.s32 $0x1, s2  }
0x1d7: {  	p0 =	sne.s32 s20, s6  }
.Ltmp1:
0x1d8: {  	_ = 	snop;
	(pc) =	sbr.rel @p0 .LBB2_1-.Ltmp1, $3  }
0x1d9: {  	_ =	sdelay $0x1  }
0x1da: {  	[sflag:s14] =	ssyncset.done $0x0  }
0x1db: {  	[sflag:s14] =	ssyncadd.s32 $0xFFFFEC00  }
0x1dc: {  	_ =	sfence.sel $0x180000  }
0x1dd: {  	[bflag:$0x0] =	sbarrier.arrive $0xFFFF  }
0x1de: {  	_ =	strace $0x90000050  }
0x1df: {  	s0 =	stileid.u32;
	[bflag:$0x2] =	sbarrier.arrive $0xFFFF  }
0x1e0: {  	p0 =	sne.s32 s0, $0x0;
	s0 =	rddreg [dreg:$0x4]  }
0x1e1: {  	s0 =	sadd.s32 @!p0 $0x100000, s0  }
0x1e2: {  	[sflag:s0] =	ssyncadd.tile.s32 @!p0 $0x1;
	_ =	shalt  }
.Lfunc_end2:
_tile_overlayer_lowered:
.L_overlay_start_2:
0x1e3: {  	(tag) =	ssettag $0x2  }
0x1e4: {  	s0 =	rddreg [dreg:$0x0];
	s2 =	stileid.u32  }
0x1e5: {  	s1 =	rddreg [dreg:$0x1];
	p0 =	sne.s32 s2, $0x0  }
0x1e6: {  	s3 =	rddreg [dreg:$0x2];
	[bflag:$0x3] =	sbarrier.arrive $0xFFFF;
	s2 =	simm.s32 @!p0 $0x1C05  }
0x1e7: {  	[timem:s3], [sflag:s2] =	dma.local @!p0 [hbm:s0], s1  }
0x1e8: {  	s0 =	simm.s32 @!p0 $0x5  }
0x1e9: {  	_ =	swait.ge @!p0 [sflag:s0], s1  }
0x1ea: {  	s1 =	ssub.s32 @!p0 $0x0, s1;
	[sflag:s0] =	ssyncset.done @!p0 $0x0  }
0x1eb: {  	[sflag:s0] =	ssyncadd.s32 @!p0 s1  }
0x1ec: {  	[bflag:$0x3] =	sbarrier.arrive $0xFFFF  }
0x1ed: {  	_ =	shalt  }

</sc_bundles>
